<compile_context>
chip_gen: v7x
topology: tpu7x:2x2x1
jax: 0.10.2.dev20260603
libtpu: 0.0.44.dev20260713+nightly
codegen_flags: <defaults>
</compile_context>

<pallas_src>
import jax
import jax.numpy as jnp
from jax import lax
from jax.experimental import pallas as pl
from jax.experimental.pallas import tpu as pltpu, tpu_sc as plsc

_HI = jax.lax.Precision.HIGHEST


def _graph_kernel(x_ref, pos_ref, srcl_ref, dstl_ref,
                  fw1_ref, fb1_ref, fw2_ref, fb2_ref,
                  ew1t_ref, ewlast_ref, eb1_ref, ew2t_ref, eb2_ref,
                  fe_ref, am_ref):
    npg = x_ref.shape[1]
    epg = srcl_ref.shape[2]
    nf = fw2_ref.shape[1]
    xg = x_ref[0]
    posg = pos_ref[0]
    srow = srcl_ref[0]
    drow = dstl_ref[0]

    bf = lambda a: a.astype(jnp.bfloat16).astype(jnp.float32)

    h0 = jnp.maximum(jnp.dot(bf(xg), bf(fw1_ref[...]), precision=_HI,
                             preferred_element_type=jnp.float32) + fb1_ref[0], 0.0)
    fv = jax.nn.sigmoid(jnp.dot(bf(h0), bf(fw2_ref[...]), precision=_HI,
                                preferred_element_type=jnp.float32) + fb2_ref[0])

    rows = jax.lax.broadcasted_iota(jnp.int32, (npg, epg), 0)
    ohs = (rows == srow).astype(jnp.float32)
    ohd = (rows == drow).astype(jnp.float32)

    dn = (((0,), (0,)), ((), ()))
    xsum = jax.lax.dot_general(xg, ohs + ohd, dn, precision=_HI,
                               preferred_element_type=jnp.float32)
    ps = jax.lax.dot_general(posg, ohs, dn, precision=_HI,
                             preferred_element_type=jnp.float32)
    pd = jax.lax.dot_general(posg, ohd, dn, precision=_HI,
                             preferred_element_type=jnp.float32)
    d2 = jnp.sum((ps - pd) ** 2, axis=0, keepdims=True)
    dist = jnp.sqrt(d2)

    h1 = jnp.maximum(jnp.dot(bf(ew1t_ref[...]), bf(xsum), precision=_HI,
                             preferred_element_type=jnp.float32)
                     + bf(ewlast_ref[...]) * bf(dist) + eb1_ref[...], 0.0)
    fe = jax.nn.sigmoid(jnp.dot(bf(ew2t_ref[...]), bf(h1), precision=_HI,
                                preferred_element_type=jnp.float32) + eb2_ref[...])

    fe_ref[0] = fe
    am_ref[0, 0] = jnp.mean(fv, axis=0)


def _sc_body(fe_hbm, src_hbm, dst_hbm, out_hbm, fe_v, src_v, dst_v, gd_v, out_v):
    b = fe_hbm.shape[0]
    nf = 8
    epg = fe_hbm.shape[1] // nf
    npg = gd_v.shape[0] // 16
    nw = 32
    wid = lax.axis_index("s") * 2 + lax.axis_index("c")
    iota = lax.iota(jnp.int32, 16)
    lane_lt8 = iota < nf
    coloff = jnp.bitwise_and(iota, nf - 1) * epg
    init_gd = jnp.where(lane_lt8, jnp.inf, -jnp.inf)

    def splat(v):
        return jnp.full((16,), v, jnp.int32)

    def do_graph(g):
        pltpu.sync_copy(fe_hbm.at[g], fe_v)
        pltpu.sync_copy(src_hbm.at[g], src_v)
        pltpu.sync_copy(dst_hbm.at[g], dst_v)

        def init_row(i, carry):
            plsc.store_scatter(gd_v, [splat(i * 16) + iota], init_gd)
            return carry
        lax.fori_loop(0, npg, init_row, 0)

        def edge_body(k, carry):
            e16 = k * 16 + iota
            s16 = plsc.load_gather(src_v, [e16])
            d16 = plsc.load_gather(dst_v, [e16])
            for j in range(16):
                fe16 = plsc.load_gather(fe_v, [splat(k * 16 + j) + coloff])
                for node in (s16[j], d16[j]):
                    rows = splat(node * 16) + iota
                    cur = plsc.load_gather(gd_v, [rows])
                    new = jnp.where(lane_lt8, jnp.minimum(cur, fe16),
                                    jnp.maximum(cur, fe16))
                    plsc.store_scatter(gd_v, [rows], new)
            return carry
        lax.fori_loop(0, epg // 16, edge_body, 0)

        def fix_row(i, acc):
            rows = splat(i * 16) + iota
            v = plsc.load_gather(gd_v, [rows])
            v = jnp.where(jnp.abs(v) < jnp.inf, v, 1.0)
            plsc.store_scatter(gd_v, [rows], v)
            return acc + v
        sums = lax.fori_loop(0, npg, fix_row, jnp.zeros((16,), jnp.float32))
        mean16 = sums / jnp.float32(npg)

        def cyc_body(k, accs):
            e16 = k * 16 + iota
            s16 = plsc.load_gather(src_v, [e16])
            d16 = plsc.load_gather(dst_v, [e16])
            out = []
            for f in range(nf):
                fef = plsc.load_gather(fe_v, [e16 + f * epg])
                gs = plsc.load_gather(gd_v, [s16 * 16 + f])
                gdd = plsc.load_gather(gd_v, [d16 * 16 + f])
                c = jnp.where((fef > gs) & (fef > gdd), 1.0, 0.0)
                out.append(jnp.maximum(accs[f], c))
            return tuple(out)
        accs = lax.fori_loop(0, epg // 16, cyc_body,
                             tuple(jnp.zeros((16,), jnp.float32) for _ in range(nf)))
        indv = jnp.zeros((16,), jnp.float32)
        for f in range(nf):
            indv = jnp.where(iota == f, jnp.max(accs[f], axis=0), indv)

        plsc.store_scatter(out_v, [jnp.bitwise_xor(iota, nf)], mean16)
        plsc.store_scatter(out_v, [iota + 16], indv)
        plsc.store_scatter(out_v, [iota + 32], jnp.zeros((16,), jnp.float32))
        plsc.store_scatter(out_v, [iota + 48], jnp.zeros((16,), jnp.float32))
        pltpu.sync_copy(out_v, out_hbm.at[g])

    for k in range((b + nw - 1) // nw):
        g = wid + k * nw
        if (k + 1) * nw <= b:
            do_graph(g)
        else:
            @pl.when(g < b)
            def _():
                do_graph(g)


def _final_kernel(mean_ref, ind_ref, dsw_ref, dsb_ref, d1w_ref, d1b_ref,
                  ow1_ref, ob1_ref, ow2_ref, ob2_ref, bng_ref, bnb_ref,
                  out_ref):
    bf = lambda a: a.astype(jnp.bfloat16).astype(jnp.float32)
    mean32 = mean_ref[...]
    frac = jnp.mean(ind_ref[...], axis=1, keepdims=True)
    colsum = jnp.sum(bf(d1w_ref[...]), axis=0, keepdims=True)
    x0g = (jnp.dot(bf(mean32), bf(dsw_ref[...]), precision=_HI,
                   preferred_element_type=jnp.float32) + dsb_ref[0]
           + frac * colsum + d1b_ref[0])
    mu = jnp.mean(x0g, axis=0, keepdims=True)
    var = jnp.mean((x0g - mu) ** 2, axis=0, keepdims=True)
    xb = (x0g - mu) / jnp.sqrt(var + 1e-5) * bng_ref[0] + bnb_ref[0]
    h = jnp.maximum(jnp.dot(bf(xb), bf(ow1_ref[...]), precision=_HI,
                            preferred_element_type=jnp.float32) + ob1_ref[0], 0.0)
    out_ref[...] = jnp.dot(bf(h), bf(ow2_ref[...]), precision=_HI,
                           preferred_element_type=jnp.float32) + ob2_ref[0]


def kernel(x, edge_index, vertex_slices, edge_slices, batch, pos,
           fil_W1, fil_b1, fil_W2, fil_b2,
           efil_W1, efil_b1, efil_W2, efil_b2,
           ds0_W, ds0_b, ds1_W, ds1_b,
           out_W1, out_b1, out_W2, out_b2, bn_g, bn_b):
    n, d = x.shape
    e = edge_index.shape[1]
    b = vertex_slices.shape[0] - 1
    npg = n // b
    epg = e // b
    h = fil_W1.shape[1]
    nf = fil_W2.shape[1]
    out_dim = ds0_W.shape[1]

    x3 = x.reshape(b, npg, d)
    pos3 = jnp.pad(pos, ((0, 0), (0, 1))).reshape(b, npg, 4)
    offs = (jnp.arange(b, dtype=jnp.int32) * npg)[:, None]
    srcl = (edge_index[0].reshape(b, epg) - offs).reshape(b, 1, epg)
    dstl = (edge_index[1].reshape(b, epg) - offs).reshape(b, 1, epg)

    r2 = lambda a: a.reshape(1, -1)
    full = lambda shape: pl.BlockSpec(shape, lambda g: (0,) * len(shape))

    fe, am = pl.pallas_call(
        _graph_kernel,
        grid=(b,),
        compiler_params=pltpu.CompilerParams(fuse_transposed_lhs_in_matmul=True),
        in_specs=[
            pl.BlockSpec((1, npg, d), lambda g: (g, 0, 0)),
            pl.BlockSpec((1, npg, 4), lambda g: (g, 0, 0)),
            pl.BlockSpec((1, 1, epg), lambda g: (g, 0, 0)),
            pl.BlockSpec((1, 1, epg), lambda g: (g, 0, 0)),
            full((d, h)), full((1, h)), full((h, nf)), full((1, nf)),
            full((h, d)), full((h, 1)), full((h, 1)),
            full((nf, h)), full((nf, 1)),
        ],
        out_specs=[
            pl.BlockSpec((1, nf, epg), lambda g: (g, 0, 0)),
            pl.BlockSpec((1, 1, nf), lambda g: (g, 0, 0)),
        ],
        out_shape=[
            jax.ShapeDtypeStruct((b, nf, epg), jnp.float32),
            jax.ShapeDtypeStruct((b, 1, nf), jnp.float32),
        ],
    )(x3, pos3, srcl, dstl,
      fil_W1, r2(fil_b1), fil_W2, r2(fil_b2),
      efil_W1[:d].T, efil_W1[d].reshape(h, 1), efil_b1.reshape(h, 1),
      efil_W2.T, efil_b2.reshape(nf, 1))

    sc_out = pl.kernel(
        _sc_body,
        out_type=jax.ShapeDtypeStruct((b, 64), jnp.float32),
        mesh=plsc.VectorSubcoreMesh(core_axis_name="c", subcore_axis_name="s"),
        compiler_params=pltpu.CompilerParams(needs_layout_passes=False),
        scratch_types=[
            pltpu.VMEM((epg * nf,), jnp.float32),
            pltpu.VMEM((epg,), jnp.int32),
            pltpu.VMEM((epg,), jnp.int32),
            pltpu.VMEM((npg * 16,), jnp.float32),
            pltpu.VMEM((64,), jnp.float32),
        ],
    )(fe.reshape(b, epg * nf), srcl.reshape(b, epg), dstl.reshape(b, epg))

    dm = sc_out[:, 0:nf]
    gm = sc_out[:, nf:2 * nf]
    ind = sc_out[:, 2 * nf:3 * nf]
    zeros = jnp.zeros((b, nf), jnp.float32)
    mean32 = jnp.stack([zeros, dm, gm, am.reshape(b, nf)],
                       axis=-1).reshape(b, 4 * nf)

    out = pl.pallas_call(
        _final_kernel,
        in_specs=[
            pl.BlockSpec((b, 4 * nf), lambda: (0, 0)),
            pl.BlockSpec((b, nf), lambda: (0, 0)),
            pl.BlockSpec((4 * nf, out_dim), lambda: (0, 0)),
            pl.BlockSpec((1, out_dim), lambda: (0, 0)),
            pl.BlockSpec((4, out_dim), lambda: (0, 0)),
            pl.BlockSpec((1, out_dim), lambda: (0, 0)),
            pl.BlockSpec((out_dim, out_dim), lambda: (0, 0)),
            pl.BlockSpec((1, out_dim), lambda: (0, 0)),
            pl.BlockSpec((out_dim, out_dim), lambda: (0, 0)),
            pl.BlockSpec((1, out_dim), lambda: (0, 0)),
            pl.BlockSpec((1, out_dim), lambda: (0, 0)),
            pl.BlockSpec((1, out_dim), lambda: (0, 0)),
        ],
        out_specs=pl.BlockSpec((b, out_dim), lambda: (0, 0)),
        out_shape=jax.ShapeDtypeStruct((b, out_dim), jnp.float32),
    )(mean32, ind,
      ds0_W, r2(ds0_b), ds1_W, r2(ds1_b),
      out_W1, r2(out_b1), out_W2, r2(out_b2), r2(bn_g), r2(bn_b))
    return out

# --- scband reference (transcript-rebuilt; emitter-appended) ---
"""Pipeline reference for scband-rephine-layer-equiv-18107582120178 (READ-ONLY COPY).

The authoritative reference and input builder live on the scoring server;
editing this copy changes nothing except your own understanding.
"""

import jax, jax.numpy as jnp
import numpy as np

N = 10000   # total nodes
B = 100     # graphs in batch
NPG = 100   # nodes per graph
EPG = 1600  # edges per graph
E = 160000  # total edges
D = 128     # n_features
H = 16      # filtration_hidden
NF = 8      # n_filtrations
OUT = 64    # out_dim


def _glorot(k, shape):
    fan_in, fan_out = shape[0], shape[1]
    lim = jnp.sqrt(6.0 / (fan_in + fan_out))
    return jax.random.uniform(k, shape, jnp.float32, -lim, lim)


def setup_inputs(seed: int = 0) -> dict:
    key = jax.random.key(seed)
    ks = jax.random.split(key, 24)
    x = jax.random.normal(ks[0], (N, D), jnp.float32)
    pos = jax.random.normal(ks[1], (N, 3), jnp.float32)
    offsets = jnp.repeat(jnp.arange(B) * NPG, EPG)
    src = jax.random.randint(ks[2], (E,), 0, NPG) + offsets
    dst = jax.random.randint(ks[3], (E,), 0, NPG) + offsets
    edge_index = jnp.stack([src, dst]).astype(jnp.int32)
    vertex_slices = (jnp.arange(B + 1) * NPG).astype(jnp.int32)
    edge_slices = (jnp.arange(B + 1) * EPG).astype(jnp.int32)
    batch = jnp.repeat(jnp.arange(B), NPG).astype(jnp.int32)
    params = dict(
        fil_W1=_glorot(ks[4], (D, H)), fil_b1=jnp.zeros((H,), jnp.float32),
        fil_W2=_glorot(ks[5], (H, NF)), fil_b2=jnp.zeros((NF,), jnp.float32),
        efil_W1=_glorot(ks[6], (D + 1, H)), efil_b1=jnp.zeros((H,), jnp.float32),
        efil_W2=_glorot(ks[7], (H, NF)), efil_b2=jnp.zeros((NF,), jnp.float32),
        ds0_W=_glorot(ks[8], (NF * 4, OUT)), ds0_b=jnp.zeros((OUT,), jnp.float32),
        ds1_W=_glorot(ks[9], (4, OUT)), ds1_b=jnp.zeros((OUT,), jnp.float32),
        out_W1=_glorot(ks[10], (OUT, OUT)), out_b1=jnp.zeros((OUT,), jnp.float32),
        out_W2=_glorot(ks[11], (OUT, OUT)), out_b2=jnp.zeros((OUT,), jnp.float32),
        bn_g=jnp.ones((OUT,), jnp.float32), bn_b=jnp.zeros((OUT,), jnp.float32),
    )
    inp = dict(x=x, edge_index=edge_index, vertex_slices=vertex_slices,
               edge_slices=edge_slices, batch=batch, pos=pos)
    inp.update(params)
    return inp


def reference(x, edge_index, vertex_slices, edge_slices, batch, pos,
              fil_W1, fil_b1, fil_W2, fil_b2,
              efil_W1, efil_b1, efil_W2, efil_b2,
              ds0_W, ds0_b, ds1_W, ds1_b,
              out_W1, out_b1, out_W2, out_b2, bn_g, bn_b):
    src, dst = edge_index[0], edge_index[1]
    # vertex filtrations: sigmoid(MLP(x))
    fv = jax.nn.sigmoid(jnp.maximum(x @ fil_W1 + fil_b1, 0.0) @ fil_W2 + fil_b2)  # [N, NF]
    # edge filtrations from gathered node feats + euclidean distance
    d2 = (pos[src] - pos[dst]) ** 2
    dist = jnp.sqrt(jnp.sum(d2, axis=1))
    feat = jnp.concatenate([x[src] + x[dst], dist[:, None]], axis=1)
    fe = jax.nn.sigmoid(jnp.maximum(feat @ efil_W1 + efil_b1, 0.0) @ efil_W2 + efil_b2)  # [E, NF]
    # RePHINE-style dim-0 diagram per vertex: (0, death, gamma, alpha)
    gamma = jnp.full((N, NF), jnp.inf).at[src].min(fe).at[dst].min(fe)
    death = jnp.full((N, NF), -jnp.inf).at[src].max(fe).at[dst].max(fe)
    gamma = jnp.where(jnp.isfinite(gamma), gamma, 1.0)  # NaN->1.0 analog
    death = jnp.where(jnp.isfinite(death), death, 1.0)
    alpha = fv
    p0 = jnp.transpose(jnp.stack([death, gamma, alpha], axis=-1), (1, 0, 2))  # [NF,N,3], cols reindexed [0,2,1]
    pers0 = jnp.concatenate([jnp.zeros((NF, N, 1), jnp.float32), p0], axis=-1)  # [NF,N,4]
    # dim-1 diagram per edge (cycle edges), then binarized as in torch code
    cyc = (fe > gamma[src]) & (fe > gamma[dst])  # [E, NF]
    p1 = jnp.stack([fe, fe, jnp.ones_like(fe)], axis=-1) * cyc[..., None].astype(fe.dtype)
    p1 = jnp.transpose(p1, (1, 0, 2))  # [NF,E,3]
    p1 = jnp.concatenate([jnp.zeros((NF, E, 1), jnp.float32), p1], axis=-1)  # [NF,E,4]
    m = p1[:, :, 1:] != 0
    first3 = jnp.where(m, 1.0, p1[:, :, :3])
    pers1 = jnp.concatenate([first3, p1[:, :, 3:]], axis=-1)
    # DeepSet dim0: per-graph mean pooling + linear
    x0 = jnp.transpose(pers0, (1, 0, 2)).reshape(N, NF * 4)
    sums = jax.ops.segment_sum(x0, batch, num_segments=B)
    cnt = jax.ops.segment_sum(jnp.ones((N,), jnp.float32), batch, num_segments=B)
    x0g = (sums / cnt[:, None]) @ ds0_W + ds0_b  # [B, OUT]
    # DeepSet dim1 per filtration with nonzero mask
    e_batch = jnp.searchsorted(edge_slices, jnp.arange(E, dtype=edge_slices.dtype), side='right') - 1
    x1_list = []
    for i in range(NF):
        pr = pers1[i]
        mask = jnp.any(pr != 0, axis=-1).astype(pr.dtype)
        s = jax.ops.segment_sum(pr * mask[:, None], e_batch, num_segments=B)
        c = jax.ops.segment_sum(mask, e_batch, num_segments=B)
        mean = s / jnp.clip(c, 1.0)[:, None]
        x1_list.append(mean @ ds1_W + ds1_b)
    x1 = jnp.mean(jnp.stack(x1_list), axis=0)
    x0g = x0g + x1
    # BatchNorm1d (training-mode batch stats)
    mu = jnp.mean(x0g, axis=0)
    var = jnp.var(x0g, axis=0)
    xb = (x0g - mu) / jnp.sqrt(var + 1e-5) * bn_g + bn_b
    # out MLP
    out = jnp.maximum(xb @ out_W1 + out_b1, 0.0) @ out_W2 + out_b2
    return out


if False:  # reference __main__ guard neutralized (emitter)
    o = reference(**setup_inputs())
    print(o.shape)

if __name__ == "__main__":
    import jax
    _d = setup_inputs()
    print(jax.jit(kernel)(*tuple(_d.values())))

</pallas_src>

<mosaic_0001>
#map = affine_map<(d0, d1) -> (0, 0)>
module attributes {stable_mosaic.version = 14 : i64} {
  func.func @_sc_body(%arg0: i32, %arg1: i32, %arg2: memref<100x12800xf32, #tpu.memory_space<hbm>>, %arg3: memref<100x1600xi32, #tpu.memory_space<hbm>>, %arg4: memref<100x1600xi32, #tpu.memory_space<hbm>>, %arg5: memref<100x64xf32, #tpu.memory_space<hbm>>, %arg6: memref<12800xf32, #tpu.memory_space<vmem>>, %arg7: memref<1600xi32, #tpu.memory_space<vmem>>, %arg8: memref<1600xi32, #tpu.memory_space<vmem>>, %arg9: memref<1600xf32, #tpu.memory_space<vmem>>, %arg10: memref<64xf32, #tpu.memory_space<vmem>>) attributes {dimension_semantics = [#tpu.dimension_semantics<core_parallel>, #tpu.dimension_semantics<subcore_parallel>], iteration_bounds = array<i64: 2, 16>, scalar_prefetch = 0 : i64, scratch_operands = 5 : i64, tpu.core_type = #tpu.core_type<sc_vector_subcore>, window_params = [{transform_indices = #map}, {transform_indices = #map}, {transform_indices = #map}, {transform_indices = #map}]} {
    %mul3A = arith.constant 2 : i32
    %mul3A_0 = arith.muli %arg1, %mul3A : i32
    %add3A = arith.addi %mul3A_0, %arg0 : i32
    %iota3A = tpu.iota {dimensions = array<i32: 0>} : vector<16xi32>
    %lt3A = arith.constant 8 : i32
    %lt3A_1 = vector.broadcast %lt3A : i32 to vector<16xi32>
    %lt3A_2 = arith.cmpi slt, %iota3A, %lt3A_1 : vector<16xi32>
    %and3A = arith.constant 7 : i32
    %and3A_3 = vector.broadcast %and3A : i32 to vector<16xi32>
    %and3A_4 = arith.andi %iota3A, %and3A_3 : vector<16xi32>
    %mul3A_5 = arith.constant 1600 : i32
    %mul3A_6 = vector.broadcast %mul3A_5 : i32 to vector<16xi32>
    %mul3A_7 = arith.muli %and3A_4, %mul3A_6 : vector<16xi32>
    %jit3A = arith.constant 0x7F800000 : f32
    %jit3A_8 = arith.constant 0xFF800000 : f32
    %broadcast_in_dim3A = vector.broadcast %jit3A : f32 to vector<16xf32>
    %broadcast_in_dim3A_9 = vector.broadcast %jit3A_8 : f32 to vector<16xf32>
    %select_n3A = arith.select %lt3A_2, %broadcast_in_dim3A, %broadcast_in_dim3A_9 : vector<16xi1>, vector<16xf32>
    %add3A_10 = arith.constant 0 : i32
    %add3A_11 = arith.addi %add3A, %add3A_10 : i32
    "tpu.region"() ({
      %run_scoped3A = tpu.sem_alloc : memref<!tpu.dma_semaphore, #tpu.memory_space<semaphore_mem>>
      %dma_start3A = arith.constant 0 : i32
      %dma_start3A_421 = tpu.memref_slice %arg2[%add3A_11, %dma_start3A] : memref<100x12800xf32, #tpu.memory_space<hbm>> -> memref<1x12800xf32, #tpu.memory_space<hbm>>
      %dma_start3A_422 = tpu.memref_squeeze %dma_start3A_421 : memref<1x12800xf32, #tpu.memory_space<hbm>> -> memref<12800xf32, #tpu.memory_space<hbm>>
      %dma_start3A_423 = arith.constant 0 : i32
      %dma_start3A_424 = tpu.memref_slice %arg2[%add3A_11, %dma_start3A_423] : memref<100x12800xf32, #tpu.memory_space<hbm>> -> memref<1x12800xf32, #tpu.memory_space<hbm>>
      %dma_start3A_425 = tpu.memref_squeeze %dma_start3A_424 : memref<1x12800xf32, #tpu.memory_space<hbm>> -> memref<12800xf32, #tpu.memory_space<hbm>>
      tpu.enqueue_dma source(%dma_start3A_425 : memref<12800xf32, #tpu.memory_space<hbm>>) target(%arg6 : memref<12800xf32, #tpu.memory_space<vmem>>) target_semaphore(%run_scoped3A : memref<!tpu.dma_semaphore, #tpu.memory_space<semaphore_mem>>)
      %dma_wait3A = arith.constant 0 : i32
      %dma_wait3A_426 = tpu.memref_slice %arg2[%add3A_11, %dma_wait3A] : memref<100x12800xf32, #tpu.memory_space<hbm>> -> memref<1x12800xf32, #tpu.memory_space<hbm>>
      %dma_wait3A_427 = tpu.memref_squeeze %dma_wait3A_426 : memref<1x12800xf32, #tpu.memory_space<hbm>> -> memref<12800xf32, #tpu.memory_space<hbm>>
      %dma_wait3A_428 = arith.constant 0 : i32
      %dma_wait3A_429 = tpu.memref_slice %arg2[%add3A_11, %dma_wait3A_428] : memref<100x12800xf32, #tpu.memory_space<hbm>> -> memref<1x12800xf32, #tpu.memory_space<hbm>>
      %dma_wait3A_430 = tpu.memref_squeeze %dma_wait3A_429 : memref<1x12800xf32, #tpu.memory_space<hbm>> -> memref<12800xf32, #tpu.memory_space<hbm>>
      tpu.wait_dma2 semaphore(%run_scoped3A : memref<!tpu.dma_semaphore, #tpu.memory_space<semaphore_mem>>) src(%dma_wait3A_430 : memref<12800xf32, #tpu.memory_space<hbm>>) dst(%arg6 : memref<12800xf32, #tpu.memory_space<vmem>>)
      tpu.yield
    }) : () -> ()
    "tpu.region"() ({
      %run_scoped3A = tpu.sem_alloc : memref<!tpu.dma_semaphore, #tpu.memory_space<semaphore_mem>>
      %dma_start3A = arith.constant 0 : i32
      %dma_start3A_421 = tpu.memref_slice %arg3[%add3A_11, %dma_start3A] : memref<100x1600xi32, #tpu.memory_space<hbm>> -> memref<1x1600xi32, #tpu.memory_space<hbm>>
      %dma_start3A_422 = tpu.memref_squeeze %dma_start3A_421 : memref<1x1600xi32, #tpu.memory_space<hbm>> -> memref<1600xi32, #tpu.memory_space<hbm>>
      %dma_start3A_423 = arith.constant 0 : i32
      %dma_start3A_424 = tpu.memref_slice %arg3[%add3A_11, %dma_start3A_423] : memref<100x1600xi32, #tpu.memory_space<hbm>> -> memref<1x1600xi32, #tpu.memory_space<hbm>>
      %dma_start3A_425 = tpu.memref_squeeze %dma_start3A_424 : memref<1x1600xi32, #tpu.memory_space<hbm>> -> memref<1600xi32, #tpu.memory_space<hbm>>
      tpu.enqueue_dma source(%dma_start3A_425 : memref<1600xi32, #tpu.memory_space<hbm>>) target(%arg7 : memref<1600xi32, #tpu.memory_space<vmem>>) target_semaphore(%run_scoped3A : memref<!tpu.dma_semaphore, #tpu.memory_space<semaphore_mem>>)
      %dma_wait3A = arith.constant 0 : i32
      %dma_wait3A_426 = tpu.memref_slice %arg3[%add3A_11, %dma_wait3A] : memref<100x1600xi32, #tpu.memory_space<hbm>> -> memref<1x1600xi32, #tpu.memory_space<hbm>>
      %dma_wait3A_427 = tpu.memref_squeeze %dma_wait3A_426 : memref<1x1600xi32, #tpu.memory_space<hbm>> -> memref<1600xi32, #tpu.memory_space<hbm>>
      %dma_wait3A_428 = arith.constant 0 : i32
      %dma_wait3A_429 = tpu.memref_slice %arg3[%add3A_11, %dma_wait3A_428] : memref<100x1600xi32, #tpu.memory_space<hbm>> -> memref<1x1600xi32, #tpu.memory_space<hbm>>
      %dma_wait3A_430 = tpu.memref_squeeze %dma_wait3A_429 : memref<1x1600xi32, #tpu.memory_space<hbm>> -> memref<1600xi32, #tpu.memory_space<hbm>>
      tpu.wait_dma2 semaphore(%run_scoped3A : memref<!tpu.dma_semaphore, #tpu.memory_space<semaphore_mem>>) src(%dma_wait3A_430 : memref<1600xi32, #tpu.memory_space<hbm>>) dst(%arg7 : memref<1600xi32, #tpu.memory_space<vmem>>)
      tpu.yield
    }) : () -> ()
    "tpu.region"() ({
      %run_scoped3A = tpu.sem_alloc : memref<!tpu.dma_semaphore, #tpu.memory_space<semaphore_mem>>
      %dma_start3A = arith.constant 0 : i32
      %dma_start3A_421 = tpu.memref_slice %arg4[%add3A_11, %dma_start3A] : memref<100x1600xi32, #tpu.memory_space<hbm>> -> memref<1x1600xi32, #tpu.memory_space<hbm>>
      %dma_start3A_422 = tpu.memref_squeeze %dma_start3A_421 : memref<1x1600xi32, #tpu.memory_space<hbm>> -> memref<1600xi32, #tpu.memory_space<hbm>>
      %dma_start3A_423 = arith.constant 0 : i32
      %dma_start3A_424 = tpu.memref_slice %arg4[%add3A_11, %dma_start3A_423] : memref<100x1600xi32, #tpu.memory_space<hbm>> -> memref<1x1600xi32, #tpu.memory_space<hbm>>
      %dma_start3A_425 = tpu.memref_squeeze %dma_start3A_424 : memref<1x1600xi32, #tpu.memory_space<hbm>> -> memref<1600xi32, #tpu.memory_space<hbm>>
      tpu.enqueue_dma source(%dma_start3A_425 : memref<1600xi32, #tpu.memory_space<hbm>>) target(%arg8 : memref<1600xi32, #tpu.memory_space<vmem>>) target_semaphore(%run_scoped3A : memref<!tpu.dma_semaphore, #tpu.memory_space<semaphore_mem>>)
      %dma_wait3A = arith.constant 0 : i32
      %dma_wait3A_426 = tpu.memref_slice %arg4[%add3A_11, %dma_wait3A] : memref<100x1600xi32, #tpu.memory_space<hbm>> -> memref<1x1600xi32, #tpu.memory_space<hbm>>
      %dma_wait3A_427 = tpu.memref_squeeze %dma_wait3A_426 : memref<1x1600xi32, #tpu.memory_space<hbm>> -> memref<1600xi32, #tpu.memory_space<hbm>>
      %dma_wait3A_428 = arith.constant 0 : i32
      %dma_wait3A_429 = tpu.memref_slice %arg4[%add3A_11, %dma_wait3A_428] : memref<100x1600xi32, #tpu.memory_space<hbm>> -> memref<1x1600xi32, #tpu.memory_space<hbm>>
      %dma_wait3A_430 = tpu.memref_squeeze %dma_wait3A_429 : memref<1x1600xi32, #tpu.memory_space<hbm>> -> memref<1600xi32, #tpu.memory_space<hbm>>
      tpu.wait_dma2 semaphore(%run_scoped3A : memref<!tpu.dma_semaphore, #tpu.memory_space<semaphore_mem>>) src(%dma_wait3A_430 : memref<1600xi32, #tpu.memory_space<hbm>>) dst(%arg8 : memref<1600xi32, #tpu.memory_space<vmem>>)
      tpu.yield
    }) : () -> ()
    %scan3A = arith.constant 0 : i32
    %scan3A_12 = arith.constant 0 : i32
    %scan3A_13 = arith.constant 100 : i32
    %scan3A_14 = arith.addi %scan3A_12, %scan3A_13 : i32
    %scan3A_15 = arith.constant 1 : i32
    scf.for %scan3A_421 = %scan3A_12 to %scan3A_14 step %scan3A_15  : i32 {
      %mul3A_422 = arith.constant 16 : i32
      %mul3A_423 = arith.muli %scan3A_421, %mul3A_422 : i32
      %broadcast_in_dim3A_424 = vector.broadcast %mul3A_423 : i32 to vector<16xi32>
      %add3A_425 = arith.addi %broadcast_in_dim3A_424, %iota3A : vector<16xi32>
      tpu.vector_store_idx %arg9[%add3A_425], %select_n3A : memref<1600xf32, #tpu.memory_space<vmem>>[vector<16xi32>], vector<16xf32>,
    }
    %scan3A_16 = arith.constant 100 : i32
    %scan3A_17 = arith.constant 0 : i32
    %scan3A_18 = arith.constant 0 : i32
    %scan3A_19 = arith.constant 100 : i32
    %scan3A_20 = arith.addi %scan3A_18, %scan3A_19 : i32
    %scan3A_21 = arith.constant 1 : i32
    scf.for %scan3A_421 = %scan3A_18 to %scan3A_20 step %scan3A_21  : i32 {
      %mul3A_422 = arith.constant 16 : i32
      %mul3A_423 = arith.muli %scan3A_421, %mul3A_422 : i32
      %add3A_424 = vector.broadcast %mul3A_423 : i32 to vector<16xi32>
      %add3A_425 = arith.addi %add3A_424, %iota3A : vector<16xi32>
      %gather3A = tpu.vector_load_idx %arg7[%add3A_425] : memref<1600xi32, #tpu.memory_space<vmem>>[vector<16xi32>], vector<16xi32>,
      %gather3A_426 = tpu.vector_load_idx %arg8[%add3A_425] : memref<1600xi32, #tpu.memory_space<vmem>>[vector<16xi32>], vector<16xi32>,
      %mul3A_427 = arith.constant 16 : i32
      %mul3A_428 = arith.muli %scan3A_421, %mul3A_427 : i32
      %add3A_429 = arith.constant 0 : i32
      %add3A_430 = arith.addi %mul3A_428, %add3A_429 : i32
      %broadcast_in_dim3A_431 = vector.broadcast %add3A_430 : i32 to vector<16xi32>
      %add3A_432 = arith.addi %broadcast_in_dim3A_431, %mul3A_7 : vector<16xi32>
      %gather3A_433 = tpu.vector_load_idx %arg6[%add3A_432] : memref<12800xf32, #tpu.memory_space<vmem>>[vector<16xi32>], vector<16xf32>,
      %slice3A = vector.extract_strided_slice %gather3A {offsets = [0], sizes = [1], strides = [1]} : vector<16xi32> to vector<1xi32>
      %squeeze3A = vector.extract %slice3A[0] : i32 from vector<1xi32>
      %slice3A_434 = vector.extract_strided_slice %gather3A_426 {offsets = [0], sizes = [1], strides = [1]} : vector<16xi32> to vector<1xi32>
      %squeeze3A_435 = vector.extract %slice3A_434[0] : i32 from vector<1xi32>
      %mul3A_436 = arith.constant 16 : i32
      %mul3A_437 = arith.muli %squeeze3A, %mul3A_436 : i32
      %broadcast_in_dim3A_438 = vector.broadcast %mul3A_437 : i32 to vector<16xi32>
      %add3A_439 = arith.addi %broadcast_in_dim3A_438, %iota3A : vector<16xi32>
      %gather3A_440 = tpu.vector_load_idx %arg9[%add3A_439] : memref<1600xf32, #tpu.memory_space<vmem>>[vector<16xi32>], vector<16xf32>,
      %min3A = arith.minimumf %gather3A_440, %gather3A_433 : vector<16xf32>
      %max3A = arith.maximumf %gather3A_440, %gather3A_433 : vector<16xf32>
      %select_n3A_441 = arith.select %lt3A_2, %min3A, %max3A : vector<16xi1>, vector<16xf32>
      tpu.vector_store_idx %arg9[%add3A_439], %select_n3A_441 : memref<1600xf32, #tpu.memory_space<vmem>>[vector<16xi32>], vector<16xf32>,
      %mul3A_442 = arith.constant 16 : i32
      %mul3A_443 = arith.muli %squeeze3A_435, %mul3A_442 : i32
      %broadcast_in_dim3A_444 = vector.broadcast %mul3A_443 : i32 to vector<16xi32>
      %add3A_445 = arith.addi %broadcast_in_dim3A_444, %iota3A : vector<16xi32>
      %gather3A_446 = tpu.vector_load_idx %arg9[%add3A_445] : memref<1600xf32, #tpu.memory_space<vmem>>[vector<16xi32>], vector<16xf32>,
      %min3A_447 = arith.minimumf %gather3A_446, %gather3A_433 : vector<16xf32>
      %max3A_448 = arith.maximumf %gather3A_446, %gather3A_433 : vector<16xf32>
      %select_n3A_449 = arith.select %lt3A_2, %min3A_447, %max3A_448 : vector<16xi1>, vector<16xf32>
      tpu.vector_store_idx %arg9[%add3A_445], %select_n3A_449 : memref<1600xf32, #tpu.memory_space<vmem>>[vector<16xi32>], vector<16xf32>,
      %mul3A_450 = arith.constant 16 : i32
      %mul3A_451 = arith.muli %scan3A_421, %mul3A_450 : i32
      %add3A_452 = arith.constant 1 : i32
      %add3A_453 = arith.addi %mul3A_451, %add3A_452 : i32
      %broadcast_in_dim3A_454 = vector.broadcast %add3A_453 : i32 to vector<16xi32>
      %add3A_455 = arith.addi %broadcast_in_dim3A_454, %mul3A_7 : vector<16xi32>
      %gather3A_456 = tpu.vector_load_idx %arg6[%add3A_455] : memref<12800xf32, #tpu.memory_space<vmem>>[vector<16xi32>], vector<16xf32>,
      %slice3A_457 = vector.extract_strided_slice %gather3A {offsets = [1], sizes = [1], strides = [1]} : vector<16xi32> to vector<1xi32>
      %squeeze3A_458 = vector.extract %slice3A_457[0] : i32 from vector<1xi32>
      %slice3A_459 = vector.extract_strided_slice %gather3A_426 {offsets = [1], sizes = [1], strides = [1]} : vector<16xi32> to vector<1xi32>
      %squeeze3A_460 = vector.extract %slice3A_459[0] : i32 from vector<1xi32>
      %mul3A_461 = arith.constant 16 : i32
      %mul3A_462 = arith.muli %squeeze3A_458, %mul3A_461 : i32
      %broadcast_in_dim3A_463 = vector.broadcast %mul3A_462 : i32 to vector<16xi32>
      %add3A_464 = arith.addi %broadcast_in_dim3A_463, %iota3A : vector<16xi32>
      %gather3A_465 = tpu.vector_load_idx %arg9[%add3A_464] : memref<1600xf32, #tpu.memory_space<vmem>>[vector<16xi32>], vector<16xf32>,
      %min3A_466 = arith.minimumf %gather3A_465, %gather3A_456 : vector<16xf32>
      %max3A_467 = arith.maximumf %gather3A_465, %gather3A_456 : vector<16xf32>
      %select_n3A_468 = arith.select %lt3A_2, %min3A_466, %max3A_467 : vector<16xi1>, vector<16xf32>
      tpu.vector_store_idx %arg9[%add3A_464], %select_n3A_468 : memref<1600xf32, #tpu.memory_space<vmem>>[vector<16xi32>], vector<16xf32>,
      %mul3A_469 = arith.constant 16 : i32
      %mul3A_470 = arith.muli %squeeze3A_460, %mul3A_469 : i32
      %broadcast_in_dim3A_471 = vector.broadcast %mul3A_470 : i32 to vector<16xi32>
      %add3A_472 = arith.addi %broadcast_in_dim3A_471, %iota3A : vector<16xi32>
      %gather3A_473 = tpu.vector_load_idx %arg9[%add3A_472] : memref<1600xf32, #tpu.memory_space<vmem>>[vector<16xi32>], vector<16xf32>,
      %min3A_474 = arith.minimumf %gather3A_473, %gather3A_456 : vector<16xf32>
      %max3A_475 = arith.maximumf %gather3A_473, %gather3A_456 : vector<16xf32>
      %select_n3A_476 = arith.select %lt3A_2, %min3A_474, %max3A_475 : vector<16xi1>, vector<16xf32>
      tpu.vector_store_idx %arg9[%add3A_472], %select_n3A_476 : memref<1600xf32, #tpu.memory_space<vmem>>[vector<16xi32>], vector<16xf32>,
      %mul3A_477 = arith.constant 16 : i32
      %mul3A_478 = arith.muli %scan3A_421, %mul3A_477 : i32
      %add3A_479 = arith.constant 2 : i32
      %add3A_480 = arith.addi %mul3A_478, %add3A_479 : i32
      %broadcast_in_dim3A_481 = vector.broadcast %add3A_480 : i32 to vector<16xi32>
      %add3A_482 = arith.addi %broadcast_in_dim3A_481, %mul3A_7 : vector<16xi32>
      %gather3A_483 = tpu.vector_load_idx %arg6[%add3A_482] : memref<12800xf32, #tpu.memory_space<vmem>>[vector<16xi32>], vector<16xf32>,
      %slice3A_484 = vector.extract_strided_slice %gather3A {offsets = [2], sizes = [1], strides = [1]} : vector<16xi32> to vector<1xi32>
      %squeeze3A_485 = vector.extract %slice3A_484[0] : i32 from vector<1xi32>
      %slice3A_486 = vector.extract_strided_slice %gather3A_426 {offsets = [2], sizes = [1], strides = [1]} : vector<16xi32> to vector<1xi32>
      %squeeze3A_487 = vector.extract %slice3A_486[0] : i32 from vector<1xi32>
      %mul3A_488 = arith.constant 16 : i32
      %mul3A_489 = arith.muli %squeeze3A_485, %mul3A_488 : i32
      %broadcast_in_dim3A_490 = vector.broadcast %mul3A_489 : i32 to vector<16xi32>
      %add3A_491 = arith.addi %broadcast_in_dim3A_490, %iota3A : vector<16xi32>
      %gather3A_492 = tpu.vector_load_idx %arg9[%add3A_491] : memref<1600xf32, #tpu.memory_space<vmem>>[vector<16xi32>], vector<16xf32>,
      %min3A_493 = arith.minimumf %gather3A_492, %gather3A_483 : vector<16xf32>
      %max3A_494 = arith.maximumf %gather3A_492, %gather3A_483 : vector<16xf32>
      %select_n3A_495 = arith.select %lt3A_2, %min3A_493, %max3A_494 : vector<16xi1>, vector<16xf32>
      tpu.vector_store_idx %arg9[%add3A_491], %select_n3A_495 : memref<1600xf32, #tpu.memory_space<vmem>>[vector<16xi32>], vector<16xf32>,
      %mul3A_496 = arith.constant 16 : i32
      %mul3A_497 = arith.muli %squeeze3A_487, %mul3A_496 : i32
      %broadcast_in_dim3A_498 = vector.broadcast %mul3A_497 : i32 to vector<16xi32>
      %add3A_499 = arith.addi %broadcast_in_dim3A_498, %iota3A : vector<16xi32>
      %gather3A_500 = tpu.vector_load_idx %arg9[%add3A_499] : memref<1600xf32, #tpu.memory_space<vmem>>[vector<16xi32>], vector<16xf32>,
      %min3A_501 = arith.minimumf %gather3A_500, %gather3A_483 : vector<16xf32>
      %max3A_502 = arith.maximumf %gather3A_500, %gather3A_483 : vector<16xf32>
      %select_n3A_503 = arith.select %lt3A_2, %min3A_501, %max3A_502 : vector<16xi1>, vector<16xf32>
      tpu.vector_store_idx %arg9[%add3A_499], %select_n3A_503 : memref<1600xf32, #tpu.memory_space<vmem>>[vector<16xi32>], vector<16xf32>,
      %mul3A_504 = arith.constant 16 : i32
      %mul3A_505 = arith.muli %scan3A_421, %mul3A_504 : i32
      %add3A_506 = arith.constant 3 : i32
      %add3A_507 = arith.addi %mul3A_505, %add3A_506 : i32
      %broadcast_in_dim3A_508 = vector.broadcast %add3A_507 : i32 to vector<16xi32>
      %add3A_509 = arith.addi %broadcast_in_dim3A_508, %mul3A_7 : vector<16xi32>
      %gather3A_510 = tpu.vector_load_idx %arg6[%add3A_509] : memref<12800xf32, #tpu.memory_space<vmem>>[vector<16xi32>], vector<16xf32>,
      %slice3A_511 = vector.extract_strided_slice %gather3A {offsets = [3], sizes = [1], strides = [1]} : vector<16xi32> to vector<1xi32>
      %squeeze3A_512 = vector.extract %slice3A_511[0] : i32 from vector<1xi32>
      %slice3A_513 = vector.extract_strided_slice %gather3A_426 {offsets = [3], sizes = [1], strides = [1]} : vector<16xi32> to vector<1xi32>
      %squeeze3A_514 = vector.extract %slice3A_513[0] : i32 from vector<1xi32>
      %mul3A_515 = arith.constant 16 : i32
      %mul3A_516 = arith.muli %squeeze3A_512, %mul3A_515 : i32
      %broadcast_in_dim3A_517 = vector.broadcast %mul3A_516 : i32 to vector<16xi32>
      %add3A_518 = arith.addi %broadcast_in_dim3A_517, %iota3A : vector<16xi32>
      %gather3A_519 = tpu.vector_load_idx %arg9[%add3A_518] : memref<1600xf32, #tpu.memory_space<vmem>>[vector<16xi32>], vector<16xf32>,
      %min3A_520 = arith.minimumf %gather3A_519, %gather3A_510 : vector<16xf32>
      %max3A_521 = arith.maximumf %gather3A_519, %gather3A_510 : vector<16xf32>
      %select_n3A_522 = arith.select %lt3A_2, %min3A_520, %max3A_521 : vector<16xi1>, vector<16xf32>
      tpu.vector_store_idx %arg9[%add3A_518], %select_n3A_522 : memref<1600xf32, #tpu.memory_space<vmem>>[vector<16xi32>], vector<16xf32>,
      %mul3A_523 = arith.constant 16 : i32
      %mul3A_524 = arith.muli %squeeze3A_514, %mul3A_523 : i32
      %broadcast_in_dim3A_525 = vector.broadcast %mul3A_524 : i32 to vector<16xi32>
      %add3A_526 = arith.addi %broadcast_in_dim3A_525, %iota3A : vector<16xi32>
      %gather3A_527 = tpu.vector_load_idx %arg9[%add3A_526] : memref<1600xf32, #tpu.memory_space<vmem>>[vector<16xi32>], vector<16xf32>,
      %min3A_528 = arith.minimumf %gather3A_527, %gather3A_510 : vector<16xf32>
      %max3A_529 = arith.maximumf %gather3A_527, %gather3A_510 : vector<16xf32>
      %select_n3A_530 = arith.select %lt3A_2, %min3A_528, %max3A_529 : vector<16xi1>, vector<16xf32>
      tpu.vector_store_idx %arg9[%add3A_526], %select_n3A_530 : memref<1600xf32, #tpu.memory_space<vmem>>[vector<16xi32>], vector<16xf32>,
      %mul3A_531 = arith.constant 16 : i32
      %mul3A_532 = arith.muli %scan3A_421, %mul3A_531 : i32
      %add3A_533 = arith.constant 4 : i32
      %add3A_534 = arith.addi %mul3A_532, %add3A_533 : i32
      %broadcast_in_dim3A_535 = vector.broadcast %add3A_534 : i32 to vector<16xi32>
      %add3A_536 = arith.addi %broadcast_in_dim3A_535, %mul3A_7 : vector<16xi32>
      %gather3A_537 = tpu.vector_load_idx %arg6[%add3A_536] : memref<12800xf32, #tpu.memory_space<vmem>>[vector<16xi32>], vector<16xf32>,
      %slice3A_538 = vector.extract_strided_slice %gather3A {offsets = [4], sizes = [1], strides = [1]} : vector<16xi32> to vector<1xi32>
      %squeeze3A_539 = vector.extract %slice3A_538[0] : i32 from vector<1xi32>
      %slice3A_540 = vector.extract_strided_slice %gather3A_426 {offsets = [4], sizes = [1], strides = [1]} : vector<16xi32> to vector<1xi32>
      %squeeze3A_541 = vector.extract %slice3A_540[0] : i32 from vector<1xi32>
      %mul3A_542 = arith.constant 16 : i32
      %mul3A_543 = arith.muli %squeeze3A_539, %mul3A_542 : i32
      %broadcast_in_dim3A_544 = vector.broadcast %mul3A_543 : i32 to vector<16xi32>
      %add3A_545 = arith.addi %broadcast_in_dim3A_544, %iota3A : vector<16xi32>
      %gather3A_546 = tpu.vector_load_idx %arg9[%add3A_545] : memref<1600xf32, #tpu.memory_space<vmem>>[vector<16xi32>], vector<16xf32>,
      %min3A_547 = arith.minimumf %gather3A_546, %gather3A_537 : vector<16xf32>
      %max3A_548 = arith.maximumf %gather3A_546, %gather3A_537 : vector<16xf32>
      %select_n3A_549 = arith.select %lt3A_2, %min3A_547, %max3A_548 : vector<16xi1>, vector<16xf32>
      tpu.vector_store_idx %arg9[%add3A_545], %select_n3A_549 : memref<1600xf32, #tpu.memory_space<vmem>>[vector<16xi32>], vector<16xf32>,
      %mul3A_550 = arith.constant 16 : i32
      %mul3A_551 = arith.muli %squeeze3A_541, %mul3A_550 : i32
      %broadcast_in_dim3A_552 = vector.broadcast %mul3A_551 : i32 to vector<16xi32>
      %add3A_553 = arith.addi %broadcast_in_dim3A_552, %iota3A : vector<16xi32>
      %gather3A_554 = tpu.vector_load_idx %arg9[%add3A_553] : memref<1600xf32, #tpu.memory_space<vmem>>[vector<16xi32>], vector<16xf32>,
      %min3A_555 = arith.minimumf %gather3A_554, %gather3A_537 : vector<16xf32>
      %max3A_556 = arith.maximumf %gather3A_554, %gather3A_537 : vector<16xf32>
      %select_n3A_557 = arith.select %lt3A_2, %min3A_555, %max3A_556 : vector<16xi1>, vector<16xf32>
      tpu.vector_store_idx %arg9[%add3A_553], %select_n3A_557 : memref<1600xf32, #tpu.memory_space<vmem>>[vector<16xi32>], vector<16xf32>,
      %mul3A_558 = arith.constant 16 : i32
      %mul3A_559 = arith.muli %scan3A_421, %mul3A_558 : i32
      %add3A_560 = arith.constant 5 : i32
      %add3A_561 = arith.addi %mul3A_559, %add3A_560 : i32
      %broadcast_in_dim3A_562 = vector.broadcast %add3A_561 : i32 to vector<16xi32>
      %add3A_563 = arith.addi %broadcast_in_dim3A_562, %mul3A_7 : vector<16xi32>
      %gather3A_564 = tpu.vector_load_idx %arg6[%add3A_563] : memref<12800xf32, #tpu.memory_space<vmem>>[vector<16xi32>], vector<16xf32>,
      %slice3A_565 = vector.extract_strided_slice %gather3A {offsets = [5], sizes = [1], strides = [1]} : vector<16xi32> to vector<1xi32>
      %squeeze3A_566 = vector.extract %slice3A_565[0] : i32 from vector<1xi32>
      %slice3A_567 = vector.extract_strided_slice %gather3A_426 {offsets = [5], sizes = [1], strides = [1]} : vector<16xi32> to vector<1xi32>
      %squeeze3A_568 = vector.extract %slice3A_567[0] : i32 from vector<1xi32>
      %mul3A_569 = arith.constant 16 : i32
      %mul3A_570 = arith.muli %squeeze3A_566, %mul3A_569 : i32
      %broadcast_in_dim3A_571 = vector.broadcast %mul3A_570 : i32 to vector<16xi32>
      %add3A_572 = arith.addi %broadcast_in_dim3A_571, %iota3A : vector<16xi32>
      %gather3A_573 = tpu.vector_load_idx %arg9[%add3A_572] : memref<1600xf32, #tpu.memory_space<vmem>>[vector<16xi32>], vector<16xf32>,
      %min3A_574 = arith.minimumf %gather3A_573, %gather3A_564 : vector<16xf32>
      %max3A_575 = arith.maximumf %gather3A_573, %gather3A_564 : vector<16xf32>
      %select_n3A_576 = arith.select %lt3A_2, %min3A_574, %max3A_575 : vector<16xi1>, vector<16xf32>
      tpu.vector_store_idx %arg9[%add3A_572], %select_n3A_576 : memref<1600xf32, #tpu.memory_space<vmem>>[vector<16xi32>], vector<16xf32>,
      %mul3A_577 = arith.constant 16 : i32
      %mul3A_578 = arith.muli %squeeze3A_568, %mul3A_577 : i32
      %broadcast_in_dim3A_579 = vector.broadcast %mul3A_578 : i32 to vector<16xi32>
      %add3A_580 = arith.addi %broadcast_in_dim3A_579, %iota3A : vector<16xi32>
      %gather3A_581 = tpu.vector_load_idx %arg9[%add3A_580] : memref<1600xf32, #tpu.memory_space<vmem>>[vector<16xi32>], vector<16xf32>,
      %min3A_582 = arith.minimumf %gather3A_581, %gather3A_564 : vector<16xf32>
      %max3A_583 = arith.maximumf %gather3A_581, %gather3A_564 : vector<16xf32>
      %select_n3A_584 = arith.select %lt3A_2, %min3A_582, %max3A_583 : vector<16xi1>, vector<16xf32>
      tpu.vector_store_idx %arg9[%add3A_580], %select_n3A_584 : memref<1600xf32, #tpu.memory_space<vmem>>[vector<16xi32>], vector<16xf32>,
      %mul3A_585 = arith.constant 16 : i32
      %mul3A_586 = arith.muli %scan3A_421, %mul3A_585 : i32
      %add3A_587 = arith.constant 6 : i32
      %add3A_588 = arith.addi %mul3A_586, %add3A_587 : i32
      %broadcast_in_dim3A_589 = vector.broadcast %add3A_588 : i32 to vector<16xi32>
      %add3A_590 = arith.addi %broadcast_in_dim3A_589, %mul3A_7 : vector<16xi32>
      %gather3A_591 = tpu.vector_load_idx %arg6[%add3A_590] : memref<12800xf32, #tpu.memory_space<vmem>>[vector<16xi32>], vector<16xf32>,
      %slice3A_592 = vector.extract_strided_slice %gather3A {offsets = [6], sizes = [1], strides = [1]} : vector<16xi32> to vector<1xi32>
      %squeeze3A_593 = vector.extract %slice3A_592[0] : i32 from vector<1xi32>
      %slice3A_594 = vector.extract_strided_slice %gather3A_426 {offsets = [6], sizes = [1], strides = [1]} : vector<16xi32> to vector<1xi32>
      %squeeze3A_595 = vector.extract %slice3A_594[0] : i32 from vector<1xi32>
      %mul3A_596 = arith.constant 16 : i32
      %mul3A_597 = arith.muli %squeeze3A_593, %mul3A_596 : i32
      %broadcast_in_dim3A_598 = vector.broadcast %mul3A_597 : i32 to vector<16xi32>
      %add3A_599 = arith.addi %broadcast_in_dim3A_598, %iota3A : vector<16xi32>
      %gather3A_600 = tpu.vector_load_idx %arg9[%add3A_599] : memref<1600xf32, #tpu.memory_space<vmem>>[vector<16xi32>], vector<16xf32>,
      %min3A_601 = arith.minimumf %gather3A_600, %gather3A_591 : vector<16xf32>
      %max3A_602 = arith.maximumf %gather3A_600, %gather3A_591 : vector<16xf32>
      %select_n3A_603 = arith.select %lt3A_2, %min3A_601, %max3A_602 : vector<16xi1>, vector<16xf32>
      tpu.vector_store_idx %arg9[%add3A_599], %select_n3A_603 : memref<1600xf32, #tpu.memory_space<vmem>>[vector<16xi32>], vector<16xf32>,
      %mul3A_604 = arith.constant 16 : i32
      %mul3A_605 = arith.muli %squeeze3A_595, %mul3A_604 : i32
      %broadcast_in_dim3A_606 = vector.broadcast %mul3A_605 : i32 to vector<16xi32>
      %add3A_607 = arith.addi %broadcast_in_dim3A_606, %iota3A : vector<16xi32>
      %gather3A_608 = tpu.vector_load_idx %arg9[%add3A_607] : memref<1600xf32, #tpu.memory_space<vmem>>[vector<16xi32>], vector<16xf32>,
      %min3A_609 = arith.minimumf %gather3A_608, %gather3A_591 : vector<16xf32>
      %max3A_610 = arith.maximumf %gather3A_608, %gather3A_591 : vector<16xf32>
      %select_n3A_611 = arith.select %lt3A_2, %min3A_609, %max3A_610 : vector<16xi1>, vector<16xf32>
      tpu.vector_store_idx %arg9[%add3A_607], %select_n3A_611 : memref<1600xf32, #tpu.memory_space<vmem>>[vector<16xi32>], vector<16xf32>,
      %mul3A_612 = arith.constant 16 : i32
      %mul3A_613 = arith.muli %scan3A_421, %mul3A_612 : i32
      %add3A_614 = arith.constant 7 : i32
      %add3A_615 = arith.addi %mul3A_613, %add3A_614 : i32
      %broadcast_in_dim3A_616 = vector.broadcast %add3A_615 : i32 to vector<16xi32>
      %add3A_617 = arith.addi %broadcast_in_dim3A_616, %mul3A_7 : vector<16xi32>
      %gather3A_618 = tpu.vector_load_idx %arg6[%add3A_617] : memref<12800xf32, #tpu.memory_space<vmem>>[vector<16xi32>], vector<16xf32>,
      %slice3A_619 = vector.extract_strided_slice %gather3A {offsets = [7], sizes = [1], strides = [1]} : vector<16xi32> to vector<1xi32>
      %squeeze3A_620 = vector.extract %slice3A_619[0] : i32 from vector<1xi32>
      %slice3A_621 = vector.extract_strided_slice %gather3A_426 {offsets = [7], sizes = [1], strides = [1]} : vector<16xi32> to vector<1xi32>
      %squeeze3A_622 = vector.extract %slice3A_621[0] : i32 from vector<1xi32>
      %mul3A_623 = arith.constant 16 : i32
      %mul3A_624 = arith.muli %squeeze3A_620, %mul3A_623 : i32
      %broadcast_in_dim3A_625 = vector.broadcast %mul3A_624 : i32 to vector<16xi32>
      %add3A_626 = arith.addi %broadcast_in_dim3A_625, %iota3A : vector<16xi32>
      %gather3A_627 = tpu.vector_load_idx %arg9[%add3A_626] : memref<1600xf32, #tpu.memory_space<vmem>>[vector<16xi32>], vector<16xf32>,
      %min3A_628 = arith.minimumf %gather3A_627, %gather3A_618 : vector<16xf32>
      %max3A_629 = arith.maximumf %gather3A_627, %gather3A_618 : vector<16xf32>
      %select_n3A_630 = arith.select %lt3A_2, %min3A_628, %max3A_629 : vector<16xi1>, vector<16xf32>
      tpu.vector_store_idx %arg9[%add3A_626], %select_n3A_630 : memref<1600xf32, #tpu.memory_space<vmem>>[vector<16xi32>], vector<16xf32>,
      %mul3A_631 = arith.constant 16 : i32
      %mul3A_632 = arith.muli %squeeze3A_622, %mul3A_631 : i32
      %broadcast_in_dim3A_633 = vector.broadcast %mul3A_632 : i32 to vector<16xi32>
      %add3A_634 = arith.addi %broadcast_in_dim3A_633, %iota3A : vector<16xi32>
      %gather3A_635 = tpu.vector_load_idx %arg9[%add3A_634] : memref<1600xf32, #tpu.memory_space<vmem>>[vector<16xi32>], vector<16xf32>,
      %min3A_636 = arith.minimumf %gather3A_635, %gather3A_618 : vector<16xf32>
      %max3A_637 = arith.maximumf %gather3A_635, %gather3A_618 : vector<16xf32>
      %select_n3A_638 = arith.select %lt3A_2, %min3A_636, %max3A_637 : vector<16xi1>, vector<16xf32>
      tpu.vector_store_idx %arg9[%add3A_634], %select_n3A_638 : memref<1600xf32, #tpu.memory_space<vmem>>[vector<16xi32>], vector<16xf32>,
      %mul3A_639 = arith.constant 16 : i32
      %mul3A_640 = arith.muli %scan3A_421, %mul3A_639 : i32
      %add3A_641 = arith.constant 8 : i32
      %add3A_642 = arith.addi %mul3A_640, %add3A_641 : i32
      %broadcast_in_dim3A_643 = vector.broadcast %add3A_642 : i32 to vector<16xi32>
      %add3A_644 = arith.addi %broadcast_in_dim3A_643, %mul3A_7 : vector<16xi32>
      %gather3A_645 = tpu.vector_load_idx %arg6[%add3A_644] : memref<12800xf32, #tpu.memory_space<vmem>>[vector<16xi32>], vector<16xf32>,
      %slice3A_646 = vector.extract_strided_slice %gather3A {offsets = [8], sizes = [1], strides = [1]} : vector<16xi32> to vector<1xi32>
      %squeeze3A_647 = vector.extract %slice3A_646[0] : i32 from vector<1xi32>
      %slice3A_648 = vector.extract_strided_slice %gather3A_426 {offsets = [8], sizes = [1], strides = [1]} : vector<16xi32> to vector<1xi32>
      %squeeze3A_649 = vector.extract %slice3A_648[0] : i32 from vector<1xi32>
      %mul3A_650 = arith.constant 16 : i32
      %mul3A_651 = arith.muli %squeeze3A_647, %mul3A_650 : i32
      %broadcast_in_dim3A_652 = vector.broadcast %mul3A_651 : i32 to vector<16xi32>
      %add3A_653 = arith.addi %broadcast_in_dim3A_652, %iota3A : vector<16xi32>
      %gather3A_654 = tpu.vector_load_idx %arg9[%add3A_653] : memref<1600xf32, #tpu.memory_space<vmem>>[vector<16xi32>], vector<16xf32>,
      %min3A_655 = arith.minimumf %gather3A_654, %gather3A_645 : vector<16xf32>
      %max3A_656 = arith.maximumf %gather3A_654, %gather3A_645 : vector<16xf32>
      %select_n3A_657 = arith.select %lt3A_2, %min3A_655, %max3A_656 : vector<16xi1>, vector<16xf32>
      tpu.vector_store_idx %arg9[%add3A_653], %select_n3A_657 : memref<1600xf32, #tpu.memory_space<vmem>>[vector<16xi32>], vector<16xf32>,
      %mul3A_658 = arith.constant 16 : i32
      %mul3A_659 = arith.muli %squeeze3A_649, %mul3A_658 : i32
      %broadcast_in_dim3A_660 = vector.broadcast %mul3A_659 : i32 to vector<16xi32>
      %add3A_661 = arith.addi %broadcast_in_dim3A_660, %iota3A : vector<16xi32>
      %gather3A_662 = tpu.vector_load_idx %arg9[%add3A_661] : memref<1600xf32, #tpu.memory_space<vmem>>[vector<16xi32>], vector<16xf32>,
      %min3A_663 = arith.minimumf %gather3A_662, %gather3A_645 : vector<16xf32>
      %max3A_664 = arith.maximumf %gather3A_662, %gather3A_645 : vector<16xf32>
      %select_n3A_665 = arith.select %lt3A_2, %min3A_663, %max3A_664 : vector<16xi1>, vector<16xf32>
      tpu.vector_store_idx %arg9[%add3A_661], %select_n3A_665 : memref<1600xf32, #tpu.memory_space<vmem>>[vector<16xi32>], vector<16xf32>,
      %mul3A_666 = arith.constant 16 : i32
      %mul3A_667 = arith.muli %scan3A_421, %mul3A_666 : i32
      %add3A_668 = arith.constant 9 : i32
      %add3A_669 = arith.addi %mul3A_667, %add3A_668 : i32
      %broadcast_in_dim3A_670 = vector.broadcast %add3A_669 : i32 to vector<16xi32>
      %add3A_671 = arith.addi %broadcast_in_dim3A_670, %mul3A_7 : vector<16xi32>
      %gather3A_672 = tpu.vector_load_idx %arg6[%add3A_671] : memref<12800xf32, #tpu.memory_space<vmem>>[vector<16xi32>], vector<16xf32>,
      %slice3A_673 = vector.extract_strided_slice %gather3A {offsets = [9], sizes = [1], strides = [1]} : vector<16xi32> to vector<1xi32>
      %squeeze3A_674 = vector.extract %slice3A_673[0] : i32 from vector<1xi32>
      %slice3A_675 = vector.extract_strided_slice %gather3A_426 {offsets = [9], sizes = [1], strides = [1]} : vector<16xi32> to vector<1xi32>
      %squeeze3A_676 = vector.extract %slice3A_675[0] : i32 from vector<1xi32>
      %mul3A_677 = arith.constant 16 : i32
      %mul3A_678 = arith.muli %squeeze3A_674, %mul3A_677 : i32
      %broadcast_in_dim3A_679 = vector.broadcast %mul3A_678 : i32 to vector<16xi32>
      %add3A_680 = arith.addi %broadcast_in_dim3A_679, %iota3A : vector<16xi32>
      %gather3A_681 = tpu.vector_load_idx %arg9[%add3A_680] : memref<1600xf32, #tpu.memory_space<vmem>>[vector<16xi32>], vector<16xf32>,
      %min3A_682 = arith.minimumf %gather3A_681, %gather3A_672 : vector<16xf32>
      %max3A_683 = arith.maximumf %gather3A_681, %gather3A_672 : vector<16xf32>
      %select_n3A_684 = arith.select %lt3A_2, %min3A_682, %max3A_683 : vector<16xi1>, vector<16xf32>
      tpu.vector_store_idx %arg9[%add3A_680], %select_n3A_684 : memref<1600xf32, #tpu.memory_space<vmem>>[vector<16xi32>], vector<16xf32>,
      %mul3A_685 = arith.constant 16 : i32
      %mul3A_686 = arith.muli %squeeze3A_676, %mul3A_685 : i32
      %broadcast_in_dim3A_687 = vector.broadcast %mul3A_686 : i32 to vector<16xi32>
      %add3A_688 = arith.addi %broadcast_in_dim3A_687, %iota3A : vector<16xi32>
      %gather3A_689 = tpu.vector_load_idx %arg9[%add3A_688] : memref<1600xf32, #tpu.memory_space<vmem>>[vector<16xi32>], vector<16xf32>,
      %min3A_690 = arith.minimumf %gather3A_689, %gather3A_672 : vector<16xf32>
      %max3A_691 = arith.maximumf %gather3A_689, %gather3A_672 : vector<16xf32>
      %select_n3A_692 = arith.select %lt3A_2, %min3A_690, %max3A_691 : vector<16xi1>, vector<16xf32>
      tpu.vector_store_idx %arg9[%add3A_688], %select_n3A_692 : memref<1600xf32, #tpu.memory_space<vmem>>[vector<16xi32>], vector<16xf32>,
      %mul3A_693 = arith.constant 16 : i32
      %mul3A_694 = arith.muli %scan3A_421, %mul3A_693 : i32
      %add3A_695 = arith.constant 10 : i32
      %add3A_696 = arith.addi %mul3A_694, %add3A_695 : i32
      %broadcast_in_dim3A_697 = vector.broadcast %add3A_696 : i32 to vector<16xi32>
      %add3A_698 = arith.addi %broadcast_in_dim3A_697, %mul3A_7 : vector<16xi32>
      %gather3A_699 = tpu.vector_load_idx %arg6[%add3A_698] : memref<12800xf32, #tpu.memory_space<vmem>>[vector<16xi32>], vector<16xf32>,
      %slice3A_700 = vector.extract_strided_slice %gather3A {offsets = [10], sizes = [1], strides = [1]} : vector<16xi32> to vector<1xi32>
      %squeeze3A_701 = vector.extract %slice3A_700[0] : i32 from vector<1xi32>
      %slice3A_702 = vector.extract_strided_slice %gather3A_426 {offsets = [10], sizes = [1], strides = [1]} : vector<16xi32> to vector<1xi32>
      %squeeze3A_703 = vector.extract %slice3A_702[0] : i32 from vector<1xi32>
      %mul3A_704 = arith.constant 16 : i32
      %mul3A_705 = arith.muli %squeeze3A_701, %mul3A_704 : i32
      %broadcast_in_dim3A_706 = vector.broadcast %mul3A_705 : i32 to vector<16xi32>
      %add3A_707 = arith.addi %broadcast_in_dim3A_706, %iota3A : vector<16xi32>
      %gather3A_708 = tpu.vector_load_idx %arg9[%add3A_707] : memref<1600xf32, #tpu.memory_space<vmem>>[vector<16xi32>], vector<16xf32>,
      %min3A_709 = arith.minimumf %gather3A_708, %gather3A_699 : vector<16xf32>
      %max3A_710 = arith.maximumf %gather3A_708, %gather3A_699 : vector<16xf32>
      %select_n3A_711 = arith.select %lt3A_2, %min3A_709, %max3A_710 : vector<16xi1>, vector<16xf32>
      tpu.vector_store_idx %arg9[%add3A_707], %select_n3A_711 : memref<1600xf32, #tpu.memory_space<vmem>>[vector<16xi32>], vector<16xf32>,
      %mul3A_712 = arith.constant 16 : i32
      %mul3A_713 = arith.muli %squeeze3A_703, %mul3A_712 : i32
      %broadcast_in_dim3A_714 = vector.broadcast %mul3A_713 : i32 to vector<16xi32>
      %add3A_715 = arith.addi %broadcast_in_dim3A_714, %iota3A : vector<16xi32>
      %gather3A_716 = tpu.vector_load_idx %arg9[%add3A_715] : memref<1600xf32, #tpu.memory_space<vmem>>[vector<16xi32>], vector<16xf32>,
      %min3A_717 = arith.minimumf %gather3A_716, %gather3A_699 : vector<16xf32>
      %max3A_718 = arith.maximumf %gather3A_716, %gather3A_699 : vector<16xf32>
      %select_n3A_719 = arith.select %lt3A_2, %min3A_717, %max3A_718 : vector<16xi1>, vector<16xf32>
      tpu.vector_store_idx %arg9[%add3A_715], %select_n3A_719 : memref<1600xf32, #tpu.memory_space<vmem>>[vector<16xi32>], vector<16xf32>,
      %mul3A_720 = arith.constant 16 : i32
      %mul3A_721 = arith.muli %scan3A_421, %mul3A_720 : i32
      %add3A_722 = arith.constant 11 : i32
      %add3A_723 = arith.addi %mul3A_721, %add3A_722 : i32
      %broadcast_in_dim3A_724 = vector.broadcast %add3A_723 : i32 to vector<16xi32>
      %add3A_725 = arith.addi %broadcast_in_dim3A_724, %mul3A_7 : vector<16xi32>
      %gather3A_726 = tpu.vector_load_idx %arg6[%add3A_725] : memref<12800xf32, #tpu.memory_space<vmem>>[vector<16xi32>], vector<16xf32>,
      %slice3A_727 = vector.extract_strided_slice %gather3A {offsets = [11], sizes = [1], strides = [1]} : vector<16xi32> to vector<1xi32>
      %squeeze3A_728 = vector.extract %slice3A_727[0] : i32 from vector<1xi32>
      %slice3A_729 = vector.extract_strided_slice %gather3A_426 {offsets = [11], sizes = [1], strides = [1]} : vector<16xi32> to vector<1xi32>
      %squeeze3A_730 = vector.extract %slice3A_729[0] : i32 from vector<1xi32>
      %mul3A_731 = arith.constant 16 : i32
      %mul3A_732 = arith.muli %squeeze3A_728, %mul3A_731 : i32
      %broadcast_in_dim3A_733 = vector.broadcast %mul3A_732 : i32 to vector<16xi32>
      %add3A_734 = arith.addi %broadcast_in_dim3A_733, %iota3A : vector<16xi32>
      %gather3A_735 = tpu.vector_load_idx %arg9[%add3A_734] : memref<1600xf32, #tpu.memory_space<vmem>>[vector<16xi32>], vector<16xf32>,
      %min3A_736 = arith.minimumf %gather3A_735, %gather3A_726 : vector<16xf32>
      %max3A_737 = arith.maximumf %gather3A_735, %gather3A_726 : vector<16xf32>
      %select_n3A_738 = arith.select %lt3A_2, %min3A_736, %max3A_737 : vector<16xi1>, vector<16xf32>
      tpu.vector_store_idx %arg9[%add3A_734], %select_n3A_738 : memref<1600xf32, #tpu.memory_space<vmem>>[vector<16xi32>], vector<16xf32>,
      %mul3A_739 = arith.constant 16 : i32
      %mul3A_740 = arith.muli %squeeze3A_730, %mul3A_739 : i32
      %broadcast_in_dim3A_741 = vector.broadcast %mul3A_740 : i32 to vector<16xi32>
      %add3A_742 = arith.addi %broadcast_in_dim3A_741, %iota3A : vector<16xi32>
      %gather3A_743 = tpu.vector_load_idx %arg9[%add3A_742] : memref<1600xf32, #tpu.memory_space<vmem>>[vector<16xi32>], vector<16xf32>,
      %min3A_744 = arith.minimumf %gather3A_743, %gather3A_726 : vector<16xf32>
      %max3A_745 = arith.maximumf %gather3A_743, %gather3A_726 : vector<16xf32>
      %select_n3A_746 = arith.select %lt3A_2, %min3A_744, %max3A_745 : vector<16xi1>, vector<16xf32>
      tpu.vector_store_idx %arg9[%add3A_742], %select_n3A_746 : memref<1600xf32, #tpu.memory_space<vmem>>[vector<16xi32>], vector<16xf32>,
      %mul3A_747 = arith.constant 16 : i32
      %mul3A_748 = arith.muli %scan3A_421, %mul3A_747 : i32
      %add3A_749 = arith.constant 12 : i32
      %add3A_750 = arith.addi %mul3A_748, %add3A_749 : i32
      %broadcast_in_dim3A_751 = vector.broadcast %add3A_750 : i32 to vector<16xi32>
      %add3A_752 = arith.addi %broadcast_in_dim3A_751, %mul3A_7 : vector<16xi32>
      %gather3A_753 = tpu.vector_load_idx %arg6[%add3A_752] : memref<12800xf32, #tpu.memory_space<vmem>>[vector<16xi32>], vector<16xf32>,
      %slice3A_754 = vector.extract_strided_slice %gather3A {offsets = [12], sizes = [1], strides = [1]} : vector<16xi32> to vector<1xi32>
      %squeeze3A_755 = vector.extract %slice3A_754[0] : i32 from vector<1xi32>
      %slice3A_756 = vector.extract_strided_slice %gather3A_426 {offsets = [12], sizes = [1], strides = [1]} : vector<16xi32> to vector<1xi32>
      %squeeze3A_757 = vector.extract %slice3A_756[0] : i32 from vector<1xi32>
      %mul3A_758 = arith.constant 16 : i32
      %mul3A_759 = arith.muli %squeeze3A_755, %mul3A_758 : i32
      %broadcast_in_dim3A_760 = vector.broadcast %mul3A_759 : i32 to vector<16xi32>
      %add3A_761 = arith.addi %broadcast_in_dim3A_760, %iota3A : vector<16xi32>
      %gather3A_762 = tpu.vector_load_idx %arg9[%add3A_761] : memref<1600xf32, #tpu.memory_space<vmem>>[vector<16xi32>], vector<16xf32>,
      %min3A_763 = arith.minimumf %gather3A_762, %gather3A_753 : vector<16xf32>
      %max3A_764 = arith.maximumf %gather3A_762, %gather3A_753 : vector<16xf32>
      %select_n3A_765 = arith.select %lt3A_2, %min3A_763, %max3A_764 : vector<16xi1>, vector<16xf32>
      tpu.vector_store_idx %arg9[%add3A_761], %select_n3A_765 : memref<1600xf32, #tpu.memory_space<vmem>>[vector<16xi32>], vector<16xf32>,
      %mul3A_766 = arith.constant 16 : i32
      %mul3A_767 = arith.muli %squeeze3A_757, %mul3A_766 : i32
      %broadcast_in_dim3A_768 = vector.broadcast %mul3A_767 : i32 to vector<16xi32>
      %add3A_769 = arith.addi %broadcast_in_dim3A_768, %iota3A : vector<16xi32>
      %gather3A_770 = tpu.vector_load_idx %arg9[%add3A_769] : memref<1600xf32, #tpu.memory_space<vmem>>[vector<16xi32>], vector<16xf32>,
      %min3A_771 = arith.minimumf %gather3A_770, %gather3A_753 : vector<16xf32>
      %max3A_772 = arith.maximumf %gather3A_770, %gather3A_753 : vector<16xf32>
      %select_n3A_773 = arith.select %lt3A_2, %min3A_771, %max3A_772 : vector<16xi1>, vector<16xf32>
      tpu.vector_store_idx %arg9[%add3A_769], %select_n3A_773 : memref<1600xf32, #tpu.memory_space<vmem>>[vector<16xi32>], vector<16xf32>,
      %mul3A_774 = arith.constant 16 : i32
      %mul3A_775 = arith.muli %scan3A_421, %mul3A_774 : i32
      %add3A_776 = arith.constant 13 : i32
      %add3A_777 = arith.addi %mul3A_775, %add3A_776 : i32
      %broadcast_in_dim3A_778 = vector.broadcast %add3A_777 : i32 to vector<16xi32>
      %add3A_779 = arith.addi %broadcast_in_dim3A_778, %mul3A_7 : vector<16xi32>
      %gather3A_780 = tpu.vector_load_idx %arg6[%add3A_779] : memref<12800xf32, #tpu.memory_space<vmem>>[vector<16xi32>], vector<16xf32>,
      %slice3A_781 = vector.extract_strided_slice %gather3A {offsets = [13], sizes = [1], strides = [1]} : vector<16xi32> to vector<1xi32>
      %squeeze3A_782 = vector.extract %slice3A_781[0] : i32 from vector<1xi32>
      %slice3A_783 = vector.extract_strided_slice %gather3A_426 {offsets = [13], sizes = [1], strides = [1]} : vector<16xi32> to vector<1xi32>
      %squeeze3A_784 = vector.extract %slice3A_783[0] : i32 from vector<1xi32>
      %mul3A_785 = arith.constant 16 : i32
      %mul3A_786 = arith.muli %squeeze3A_782, %mul3A_785 : i32
      %broadcast_in_dim3A_787 = vector.broadcast %mul3A_786 : i32 to vector<16xi32>
      %add3A_788 = arith.addi %broadcast_in_dim3A_787, %iota3A : vector<16xi32>
      %gather3A_789 = tpu.vector_load_idx %arg9[%add3A_788] : memref<1600xf32, #tpu.memory_space<vmem>>[vector<16xi32>], vector<16xf32>,
      %min3A_790 = arith.minimumf %gather3A_789, %gather3A_780 : vector<16xf32>
      %max3A_791 = arith.maximumf %gather3A_789, %gather3A_780 : vector<16xf32>
      %select_n3A_792 = arith.select %lt3A_2, %min3A_790, %max3A_791 : vector<16xi1>, vector<16xf32>
      tpu.vector_store_idx %arg9[%add3A_788], %select_n3A_792 : memref<1600xf32, #tpu.memory_space<vmem>>[vector<16xi32>], vector<16xf32>,
      %mul3A_793 = arith.constant 16 : i32
      %mul3A_794 = arith.muli %squeeze3A_784, %mul3A_793 : i32
      %broadcast_in_dim3A_795 = vector.broadcast %mul3A_794 : i32 to vector<16xi32>
      %add3A_796 = arith.addi %broadcast_in_dim3A_795, %iota3A : vector<16xi32>
      %gather3A_797 = tpu.vector_load_idx %arg9[%add3A_796] : memref<1600xf32, #tpu.memory_space<vmem>>[vector<16xi32>], vector<16xf32>,
      %min3A_798 = arith.minimumf %gather3A_797, %gather3A_780 : vector<16xf32>
      %max3A_799 = arith.maximumf %gather3A_797, %gather3A_780 : vector<16xf32>
      %select_n3A_800 = arith.select %lt3A_2, %min3A_798, %max3A_799 : vector<16xi1>, vector<16xf32>
      tpu.vector_store_idx %arg9[%add3A_796], %select_n3A_800 : memref<1600xf32, #tpu.memory_space<vmem>>[vector<16xi32>], vector<16xf32>,
      %mul3A_801 = arith.constant 16 : i32
      %mul3A_802 = arith.muli %scan3A_421, %mul3A_801 : i32
      %add3A_803 = arith.constant 14 : i32
      %add3A_804 = arith.addi %mul3A_802, %add3A_803 : i32
      %broadcast_in_dim3A_805 = vector.broadcast %add3A_804 : i32 to vector<16xi32>
      %add3A_806 = arith.addi %broadcast_in_dim3A_805, %mul3A_7 : vector<16xi32>
      %gather3A_807 = tpu.vector_load_idx %arg6[%add3A_806] : memref<12800xf32, #tpu.memory_space<vmem>>[vector<16xi32>], vector<16xf32>,
      %slice3A_808 = vector.extract_strided_slice %gather3A {offsets = [14], sizes = [1], strides = [1]} : vector<16xi32> to vector<1xi32>
      %squeeze3A_809 = vector.extract %slice3A_808[0] : i32 from vector<1xi32>
      %slice3A_810 = vector.extract_strided_slice %gather3A_426 {offsets = [14], sizes = [1], strides = [1]} : vector<16xi32> to vector<1xi32>
      %squeeze3A_811 = vector.extract %slice3A_810[0] : i32 from vector<1xi32>
      %mul3A_812 = arith.constant 16 : i32
      %mul3A_813 = arith.muli %squeeze3A_809, %mul3A_812 : i32
      %broadcast_in_dim3A_814 = vector.broadcast %mul3A_813 : i32 to vector<16xi32>
      %add3A_815 = arith.addi %broadcast_in_dim3A_814, %iota3A : vector<16xi32>
      %gather3A_816 = tpu.vector_load_idx %arg9[%add3A_815] : memref<1600xf32, #tpu.memory_space<vmem>>[vector<16xi32>], vector<16xf32>,
      %min3A_817 = arith.minimumf %gather3A_816, %gather3A_807 : vector<16xf32>
      %max3A_818 = arith.maximumf %gather3A_816, %gather3A_807 : vector<16xf32>
      %select_n3A_819 = arith.select %lt3A_2, %min3A_817, %max3A_818 : vector<16xi1>, vector<16xf32>
      tpu.vector_store_idx %arg9[%add3A_815], %select_n3A_819 : memref<1600xf32, #tpu.memory_space<vmem>>[vector<16xi32>], vector<16xf32>,
      %mul3A_820 = arith.constant 16 : i32
      %mul3A_821 = arith.muli %squeeze3A_811, %mul3A_820 : i32
      %broadcast_in_dim3A_822 = vector.broadcast %mul3A_821 : i32 to vector<16xi32>
      %add3A_823 = arith.addi %broadcast_in_dim3A_822, %iota3A : vector<16xi32>
      %gather3A_824 = tpu.vector_load_idx %arg9[%add3A_823] : memref<1600xf32, #tpu.memory_space<vmem>>[vector<16xi32>], vector<16xf32>,
      %min3A_825 = arith.minimumf %gather3A_824, %gather3A_807 : vector<16xf32>
      %max3A_826 = arith.maximumf %gather3A_824, %gather3A_807 : vector<16xf32>
      %select_n3A_827 = arith.select %lt3A_2, %min3A_825, %max3A_826 : vector<16xi1>, vector<16xf32>
      tpu.vector_store_idx %arg9[%add3A_823], %select_n3A_827 : memref<1600xf32, #tpu.memory_space<vmem>>[vector<16xi32>], vector<16xf32>,
      %mul3A_828 = arith.constant 16 : i32
      %mul3A_829 = arith.muli %scan3A_421, %mul3A_828 : i32
      %add3A_830 = arith.constant 15 : i32
      %add3A_831 = arith.addi %mul3A_829, %add3A_830 : i32
      %broadcast_in_dim3A_832 = vector.broadcast %add3A_831 : i32 to vector<16xi32>
      %add3A_833 = arith.addi %broadcast_in_dim3A_832, %mul3A_7 : vector<16xi32>
      %gather3A_834 = tpu.vector_load_idx %arg6[%add3A_833] : memref<12800xf32, #tpu.memory_space<vmem>>[vector<16xi32>], vector<16xf32>,
      %slice3A_835 = vector.extract_strided_slice %gather3A {offsets = [15], sizes = [1], strides = [1]} : vector<16xi32> to vector<1xi32>
      %squeeze3A_836 = vector.extract %slice3A_835[0] : i32 from vector<1xi32>
      %slice3A_837 = vector.extract_strided_slice %gather3A_426 {offsets = [15], sizes = [1], strides = [1]} : vector<16xi32> to vector<1xi32>
      %squeeze3A_838 = vector.extract %slice3A_837[0] : i32 from vector<1xi32>
      %mul3A_839 = arith.constant 16 : i32
      %mul3A_840 = arith.muli %squeeze3A_836, %mul3A_839 : i32
      %broadcast_in_dim3A_841 = vector.broadcast %mul3A_840 : i32 to vector<16xi32>
      %add3A_842 = arith.addi %broadcast_in_dim3A_841, %iota3A : vector<16xi32>
      %gather3A_843 = tpu.vector_load_idx %arg9[%add3A_842] : memref<1600xf32, #tpu.memory_space<vmem>>[vector<16xi32>], vector<16xf32>,
      %min3A_844 = arith.minimumf %gather3A_843, %gather3A_834 : vector<16xf32>
      %max3A_845 = arith.maximumf %gather3A_843, %gather3A_834 : vector<16xf32>
      %select_n3A_846 = arith.select %lt3A_2, %min3A_844, %max3A_845 : vector<16xi1>, vector<16xf32>
      tpu.vector_store_idx %arg9[%add3A_842], %select_n3A_846 : memref<1600xf32, #tpu.memory_space<vmem>>[vector<16xi32>], vector<16xf32>,
      %mul3A_847 = arith.constant 16 : i32
      %mul3A_848 = arith.muli %squeeze3A_838, %mul3A_847 : i32
      %broadcast_in_dim3A_849 = vector.broadcast %mul3A_848 : i32 to vector<16xi32>
      %add3A_850 = arith.addi %broadcast_in_dim3A_849, %iota3A : vector<16xi32>
      %gather3A_851 = tpu.vector_load_idx %arg9[%add3A_850] : memref<1600xf32, #tpu.memory_space<vmem>>[vector<16xi32>], vector<16xf32>,
      %min3A_852 = arith.minimumf %gather3A_851, %gather3A_834 : vector<16xf32>
      %max3A_853 = arith.maximumf %gather3A_851, %gather3A_834 : vector<16xf32>
      %select_n3A_854 = arith.select %lt3A_2, %min3A_852, %max3A_853 : vector<16xi1>, vector<16xf32>
      tpu.vector_store_idx %arg9[%add3A_850], %select_n3A_854 : memref<1600xf32, #tpu.memory_space<vmem>>[vector<16xi32>], vector<16xf32>,
    }
    %scan3A_22 = arith.constant 100 : i32
    %broadcast_in_dim3A_23 = arith.constant 0.000000e+00 : f32
    %broadcast_in_dim3A_24 = vector.broadcast %broadcast_in_dim3A_23 : f32 to vector<16xf32>
    %scan3A_25 = arith.constant 0 : i32
    %scan3A_26 = arith.constant 100 : i32
    %scan3A_27 = arith.addi %scan3A_25, %scan3A_26 : i32
    %scan3A_28 = arith.constant 1 : i32
    %scan3A_29 = scf.for %scan3A_421 = %scan3A_25 to %scan3A_27 step %scan3A_28 iter_args(%scan3A_422 = %broadcast_in_dim3A_24) -> (vector<16xf32>)  : i32 {
      %mul3A_423 = arith.constant 16 : i32
      %mul3A_424 = arith.muli %scan3A_421, %mul3A_423 : i32
      %broadcast_in_dim3A_425 = vector.broadcast %mul3A_424 : i32 to vector<16xi32>
      %add3A_426 = arith.addi %broadcast_in_dim3A_425, %iota3A : vector<16xi32>
      %gather3A = tpu.vector_load_idx %arg9[%add3A_426] : memref<1600xf32, #tpu.memory_space<vmem>>[vector<16xi32>], vector<16xf32>,
      %abs3A = math.absf %gather3A : vector<16xf32>
      %lt3A_427 = arith.constant 0x7F800000 : f32
      %lt3A_428 = vector.broadcast %lt3A_427 : f32 to vector<16xf32>
      %lt3A_429 = arith.cmpf olt, %abs3A, %lt3A_428 : vector<16xf32>
      %jit3A_430 = arith.constant 1.000000e+00 : f32
      %broadcast_in_dim3A_431 = vector.broadcast %jit3A_430 : f32 to vector<16xf32>
      %select_n3A_432 = arith.select %lt3A_429, %gather3A, %broadcast_in_dim3A_431 : vector<16xi1>, vector<16xf32>
      tpu.vector_store_idx %arg9[%add3A_426], %select_n3A_432 : memref<1600xf32, #tpu.memory_space<vmem>>[vector<16xi32>], vector<16xf32>,
      %add3A_433 = arith.addf %scan3A_422, %select_n3A_432 : vector<16xf32>
      scf.yield %add3A_433 : vector<16xf32>
    }
    %scan3A_30 = arith.constant 100 : i32
    %div3A = arith.constant 1.000000e+02 : f32
    %div3A_31 = vector.broadcast %div3A : f32 to vector<16xf32>
    %div3A_32 = arith.divf %scan3A_29, %div3A_31 : vector<16xf32>
    %broadcast_in_dim3A_33 = arith.constant 0.000000e+00 : f32
    %broadcast_in_dim3A_34 = vector.broadcast %broadcast_in_dim3A_33 : f32 to vector<16xf32>
    %broadcast_in_dim3A_35 = arith.constant 0.000000e+00 : f32
    %broadcast_in_dim3A_36 = vector.broadcast %broadcast_in_dim3A_35 : f32 to vector<16xf32>
    %broadcast_in_dim3A_37 = arith.constant 0.000000e+00 : f32
    %broadcast_in_dim3A_38 = vector.broadcast %broadcast_in_dim3A_37 : f32 to vector<16xf32>
    %broadcast_in_dim3A_39 = arith.constant 0.000000e+00 : f32
    %broadcast_in_dim3A_40 = vector.broadcast %broadcast_in_dim3A_39 : f32 to vector<16xf32>
    %broadcast_in_dim3A_41 = arith.constant 0.000000e+00 : f32
    %broadcast_in_dim3A_42 = vector.broadcast %broadcast_in_dim3A_41 : f32 to vector<16xf32>
    %broadcast_in_dim3A_43 = arith.constant 0.000000e+00 : f32
    %broadcast_in_dim3A_44 = vector.broadcast %broadcast_in_dim3A_43 : f32 to vector<16xf32>
    %broadcast_in_dim3A_45 = arith.constant 0.000000e+00 : f32
    %broadcast_in_dim3A_46 = vector.broadcast %broadcast_in_dim3A_45 : f32 to vector<16xf32>
    %broadcast_in_dim3A_47 = arith.constant 0.000000e+00 : f32
    %broadcast_in_dim3A_48 = vector.broadcast %broadcast_in_dim3A_47 : f32 to vector<16xf32>
    %scan3A_49 = arith.constant 0 : i32
    %scan3A_50 = arith.constant 100 : i32
    %scan3A_51 = arith.addi %scan3A_49, %scan3A_50 : i32
    %scan3A_52 = arith.constant 1 : i32
    %scan3A_53:8 = scf.for %scan3A_421 = %scan3A_49 to %scan3A_51 step %scan3A_52 iter_args(%scan3A_422 = %broadcast_in_dim3A_34, %scan3A_423 = %broadcast_in_dim3A_36, %scan3A_424 = %broadcast_in_dim3A_38, %scan3A_425 = %broadcast_in_dim3A_40, %scan3A_426 = %broadcast_in_dim3A_42, %scan3A_427 = %broadcast_in_dim3A_44, %scan3A_428 = %broadcast_in_dim3A_46, %scan3A_429 = %broadcast_in_dim3A_48) -> (vector<16xf32>, vector<16xf32>, vector<16xf32>, vector<16xf32>, vector<16xf32>, vector<16xf32>, vector<16xf32>, vector<16xf32>)  : i32 {
      %mul3A_430 = arith.constant 16 : i32
      %mul3A_431 = arith.muli %scan3A_421, %mul3A_430 : i32
      %add3A_432 = vector.broadcast %mul3A_431 : i32 to vector<16xi32>
      %add3A_433 = arith.addi %add3A_432, %iota3A : vector<16xi32>
      %gather3A = tpu.vector_load_idx %arg7[%add3A_433] : memref<1600xi32, #tpu.memory_space<vmem>>[vector<16xi32>], vector<16xi32>,
      %gather3A_434 = tpu.vector_load_idx %arg8[%add3A_433] : memref<1600xi32, #tpu.memory_space<vmem>>[vector<16xi32>], vector<16xi32>,
      %add3A_435 = arith.constant 0 : i32
      %add3A_436 = vector.broadcast %add3A_435 : i32 to vector<16xi32>
      %add3A_437 = arith.addi %add3A_433, %add3A_436 : vector<16xi32>
      %gather3A_438 = tpu.vector_load_idx %arg6[%add3A_437] : memref<12800xf32, #tpu.memory_space<vmem>>[vector<16xi32>], vector<16xf32>,
      %mul3A_439 = arith.constant 16 : i32
      %mul3A_440 = vector.broadcast %mul3A_439 : i32 to vector<16xi32>
      %mul3A_441 = arith.muli %gather3A, %mul3A_440 : vector<16xi32>
      %add3A_442 = arith.constant 0 : i32
      %add3A_443 = vector.broadcast %add3A_442 : i32 to vector<16xi32>
      %add3A_444 = arith.addi %mul3A_441, %add3A_443 : vector<16xi32>
      %gather3A_445 = tpu.vector_load_idx %arg9[%add3A_444] : memref<1600xf32, #tpu.memory_space<vmem>>[vector<16xi32>], vector<16xf32>,
      %mul3A_446 = arith.constant 16 : i32
      %mul3A_447 = vector.broadcast %mul3A_446 : i32 to vector<16xi32>
      %mul3A_448 = arith.muli %gather3A_434, %mul3A_447 : vector<16xi32>
      %add3A_449 = arith.constant 0 : i32
      %add3A_450 = vector.broadcast %add3A_449 : i32 to vector<16xi32>
      %add3A_451 = arith.addi %mul3A_448, %add3A_450 : vector<16xi32>
      %gather3A_452 = tpu.vector_load_idx %arg9[%add3A_451] : memref<1600xf32, #tpu.memory_space<vmem>>[vector<16xi32>], vector<16xf32>,
      %gt3A = arith.cmpf ogt, %gather3A_438, %gather3A_445 : vector<16xf32>
      %gt3A_453 = arith.cmpf ogt, %gather3A_438, %gather3A_452 : vector<16xf32>
      %and3A_454 = arith.andi %gt3A, %gt3A_453 : vector<16xi1>
      %jit3A_455 = arith.constant 1.000000e+00 : f32
      %jit3A_456 = arith.constant 0.000000e+00 : f32
      %broadcast_in_dim3A_457 = vector.broadcast %jit3A_455 : f32 to vector<16xf32>
      %broadcast_in_dim3A_458 = vector.broadcast %jit3A_456 : f32 to vector<16xf32>
      %select_n3A_459 = arith.select %and3A_454, %broadcast_in_dim3A_457, %broadcast_in_dim3A_458 : vector<16xi1>, vector<16xf32>
      %max3A = arith.maximumf %scan3A_422, %select_n3A_459 : vector<16xf32>
      %add3A_460 = arith.constant 1600 : i32
      %add3A_461 = vector.broadcast %add3A_460 : i32 to vector<16xi32>
      %add3A_462 = arith.addi %add3A_433, %add3A_461 : vector<16xi32>
      %gather3A_463 = tpu.vector_load_idx %arg6[%add3A_462] : memref<12800xf32, #tpu.memory_space<vmem>>[vector<16xi32>], vector<16xf32>,
      %mul3A_464 = arith.constant 16 : i32
      %mul3A_465 = vector.broadcast %mul3A_464 : i32 to vector<16xi32>
      %mul3A_466 = arith.muli %gather3A, %mul3A_465 : vector<16xi32>
      %add3A_467 = arith.constant 1 : i32
      %add3A_468 = vector.broadcast %add3A_467 : i32 to vector<16xi32>
      %add3A_469 = arith.addi %mul3A_466, %add3A_468 : vector<16xi32>
      %gather3A_470 = tpu.vector_load_idx %arg9[%add3A_469] : memref<1600xf32, #tpu.memory_space<vmem>>[vector<16xi32>], vector<16xf32>,
      %mul3A_471 = arith.constant 16 : i32
      %mul3A_472 = vector.broadcast %mul3A_471 : i32 to vector<16xi32>
      %mul3A_473 = arith.muli %gather3A_434, %mul3A_472 : vector<16xi32>
      %add3A_474 = arith.constant 1 : i32
      %add3A_475 = vector.broadcast %add3A_474 : i32 to vector<16xi32>
      %add3A_476 = arith.addi %mul3A_473, %add3A_475 : vector<16xi32>
      %gather3A_477 = tpu.vector_load_idx %arg9[%add3A_476] : memref<1600xf32, #tpu.memory_space<vmem>>[vector<16xi32>], vector<16xf32>,
      %gt3A_478 = arith.cmpf ogt, %gather3A_463, %gather3A_470 : vector<16xf32>
      %gt3A_479 = arith.cmpf ogt, %gather3A_463, %gather3A_477 : vector<16xf32>
      %and3A_480 = arith.andi %gt3A_478, %gt3A_479 : vector<16xi1>
      %jit3A_481 = arith.constant 1.000000e+00 : f32
      %jit3A_482 = arith.constant 0.000000e+00 : f32
      %broadcast_in_dim3A_483 = vector.broadcast %jit3A_481 : f32 to vector<16xf32>
      %broadcast_in_dim3A_484 = vector.broadcast %jit3A_482 : f32 to vector<16xf32>
      %select_n3A_485 = arith.select %and3A_480, %broadcast_in_dim3A_483, %broadcast_in_dim3A_484 : vector<16xi1>, vector<16xf32>
      %max3A_486 = arith.maximumf %scan3A_423, %select_n3A_485 : vector<16xf32>
      %add3A_487 = arith.constant 3200 : i32
      %add3A_488 = vector.broadcast %add3A_487 : i32 to vector<16xi32>
      %add3A_489 = arith.addi %add3A_433, %add3A_488 : vector<16xi32>
      %gather3A_490 = tpu.vector_load_idx %arg6[%add3A_489] : memref<12800xf32, #tpu.memory_space<vmem>>[vector<16xi32>], vector<16xf32>,
      %mul3A_491 = arith.constant 16 : i32
      %mul3A_492 = vector.broadcast %mul3A_491 : i32 to vector<16xi32>
      %mul3A_493 = arith.muli %gather3A, %mul3A_492 : vector<16xi32>
      %add3A_494 = arith.constant 2 : i32
      %add3A_495 = vector.broadcast %add3A_494 : i32 to vector<16xi32>
      %add3A_496 = arith.addi %mul3A_493, %add3A_495 : vector<16xi32>
      %gather3A_497 = tpu.vector_load_idx %arg9[%add3A_496] : memref<1600xf32, #tpu.memory_space<vmem>>[vector<16xi32>], vector<16xf32>,
      %mul3A_498 = arith.constant 16 : i32
      %mul3A_499 = vector.broadcast %mul3A_498 : i32 to vector<16xi32>
      %mul3A_500 = arith.muli %gather3A_434, %mul3A_499 : vector<16xi32>
      %add3A_501 = arith.constant 2 : i32
      %add3A_502 = vector.broadcast %add3A_501 : i32 to vector<16xi32>
      %add3A_503 = arith.addi %mul3A_500, %add3A_502 : vector<16xi32>
      %gather3A_504 = tpu.vector_load_idx %arg9[%add3A_503] : memref<1600xf32, #tpu.memory_space<vmem>>[vector<16xi32>], vector<16xf32>,
      %gt3A_505 = arith.cmpf ogt, %gather3A_490, %gather3A_497 : vector<16xf32>
      %gt3A_506 = arith.cmpf ogt, %gather3A_490, %gather3A_504 : vector<16xf32>
      %and3A_507 = arith.andi %gt3A_505, %gt3A_506 : vector<16xi1>
      %jit3A_508 = arith.constant 1.000000e+00 : f32
      %jit3A_509 = arith.constant 0.000000e+00 : f32
      %broadcast_in_dim3A_510 = vector.broadcast %jit3A_508 : f32 to vector<16xf32>
      %broadcast_in_dim3A_511 = vector.broadcast %jit3A_509 : f32 to vector<16xf32>
      %select_n3A_512 = arith.select %and3A_507, %broadcast_in_dim3A_510, %broadcast_in_dim3A_511 : vector<16xi1>, vector<16xf32>
      %max3A_513 = arith.maximumf %scan3A_424, %select_n3A_512 : vector<16xf32>
      %add3A_514 = arith.constant 4800 : i32
      %add3A_515 = vector.broadcast %add3A_514 : i32 to vector<16xi32>
      %add3A_516 = arith.addi %add3A_433, %add3A_515 : vector<16xi32>
      %gather3A_517 = tpu.vector_load_idx %arg6[%add3A_516] : memref<12800xf32, #tpu.memory_space<vmem>>[vector<16xi32>], vector<16xf32>,
      %mul3A_518 = arith.constant 16 : i32
      %mul3A_519 = vector.broadcast %mul3A_518 : i32 to vector<16xi32>
      %mul3A_520 = arith.muli %gather3A, %mul3A_519 : vector<16xi32>
      %add3A_521 = arith.constant 3 : i32
      %add3A_522 = vector.broadcast %add3A_521 : i32 to vector<16xi32>
      %add3A_523 = arith.addi %mul3A_520, %add3A_522 : vector<16xi32>
      %gather3A_524 = tpu.vector_load_idx %arg9[%add3A_523] : memref<1600xf32, #tpu.memory_space<vmem>>[vector<16xi32>], vector<16xf32>,
      %mul3A_525 = arith.constant 16 : i32
      %mul3A_526 = vector.broadcast %mul3A_525 : i32 to vector<16xi32>
      %mul3A_527 = arith.muli %gather3A_434, %mul3A_526 : vector<16xi32>
      %add3A_528 = arith.constant 3 : i32
      %add3A_529 = vector.broadcast %add3A_528 : i32 to vector<16xi32>
      %add3A_530 = arith.addi %mul3A_527, %add3A_529 : vector<16xi32>
      %gather3A_531 = tpu.vector_load_idx %arg9[%add3A_530] : memref<1600xf32, #tpu.memory_space<vmem>>[vector<16xi32>], vector<16xf32>,
      %gt3A_532 = arith.cmpf ogt, %gather3A_517, %gather3A_524 : vector<16xf32>
      %gt3A_533 = arith.cmpf ogt, %gather3A_517, %gather3A_531 : vector<16xf32>
      %and3A_534 = arith.andi %gt3A_532, %gt3A_533 : vector<16xi1>
      %jit3A_535 = arith.constant 1.000000e+00 : f32
      %jit3A_536 = arith.constant 0.000000e+00 : f32
      %broadcast_in_dim3A_537 = vector.broadcast %jit3A_535 : f32 to vector<16xf32>
      %broadcast_in_dim3A_538 = vector.broadcast %jit3A_536 : f32 to vector<16xf32>
      %select_n3A_539 = arith.select %and3A_534, %broadcast_in_dim3A_537, %broadcast_in_dim3A_538 : vector<16xi1>, vector<16xf32>
      %max3A_540 = arith.maximumf %scan3A_425, %select_n3A_539 : vector<16xf32>
      %add3A_541 = arith.constant 6400 : i32
      %add3A_542 = vector.broadcast %add3A_541 : i32 to vector<16xi32>
      %add3A_543 = arith.addi %add3A_433, %add3A_542 : vector<16xi32>
      %gather3A_544 = tpu.vector_load_idx %arg6[%add3A_543] : memref<12800xf32, #tpu.memory_space<vmem>>[vector<16xi32>], vector<16xf32>,
      %mul3A_545 = arith.constant 16 : i32
      %mul3A_546 = vector.broadcast %mul3A_545 : i32 to vector<16xi32>
      %mul3A_547 = arith.muli %gather3A, %mul3A_546 : vector<16xi32>
      %add3A_548 = arith.constant 4 : i32
      %add3A_549 = vector.broadcast %add3A_548 : i32 to vector<16xi32>
      %add3A_550 = arith.addi %mul3A_547, %add3A_549 : vector<16xi32>
      %gather3A_551 = tpu.vector_load_idx %arg9[%add3A_550] : memref<1600xf32, #tpu.memory_space<vmem>>[vector<16xi32>], vector<16xf32>,
      %mul3A_552 = arith.constant 16 : i32
      %mul3A_553 = vector.broadcast %mul3A_552 : i32 to vector<16xi32>
      %mul3A_554 = arith.muli %gather3A_434, %mul3A_553 : vector<16xi32>
      %add3A_555 = arith.constant 4 : i32
      %add3A_556 = vector.broadcast %add3A_555 : i32 to vector<16xi32>
      %add3A_557 = arith.addi %mul3A_554, %add3A_556 : vector<16xi32>
      %gather3A_558 = tpu.vector_load_idx %arg9[%add3A_557] : memref<1600xf32, #tpu.memory_space<vmem>>[vector<16xi32>], vector<16xf32>,
      %gt3A_559 = arith.cmpf ogt, %gather3A_544, %gather3A_551 : vector<16xf32>
      %gt3A_560 = arith.cmpf ogt, %gather3A_544, %gather3A_558 : vector<16xf32>
      %and3A_561 = arith.andi %gt3A_559, %gt3A_560 : vector<16xi1>
      %jit3A_562 = arith.constant 1.000000e+00 : f32
      %jit3A_563 = arith.constant 0.000000e+00 : f32
      %broadcast_in_dim3A_564 = vector.broadcast %jit3A_562 : f32 to vector<16xf32>
      %broadcast_in_dim3A_565 = vector.broadcast %jit3A_563 : f32 to vector<16xf32>
      %select_n3A_566 = arith.select %and3A_561, %broadcast_in_dim3A_564, %broadcast_in_dim3A_565 : vector<16xi1>, vector<16xf32>
      %max3A_567 = arith.maximumf %scan3A_426, %select_n3A_566 : vector<16xf32>
      %add3A_568 = arith.constant 8000 : i32
      %add3A_569 = vector.broadcast %add3A_568 : i32 to vector<16xi32>
      %add3A_570 = arith.addi %add3A_433, %add3A_569 : vector<16xi32>
      %gather3A_571 = tpu.vector_load_idx %arg6[%add3A_570] : memref<12800xf32, #tpu.memory_space<vmem>>[vector<16xi32>], vector<16xf32>,
      %mul3A_572 = arith.constant 16 : i32
      %mul3A_573 = vector.broadcast %mul3A_572 : i32 to vector<16xi32>
      %mul3A_574 = arith.muli %gather3A, %mul3A_573 : vector<16xi32>
      %add3A_575 = arith.constant 5 : i32
      %add3A_576 = vector.broadcast %add3A_575 : i32 to vector<16xi32>
      %add3A_577 = arith.addi %mul3A_574, %add3A_576 : vector<16xi32>
      %gather3A_578 = tpu.vector_load_idx %arg9[%add3A_577] : memref<1600xf32, #tpu.memory_space<vmem>>[vector<16xi32>], vector<16xf32>,
      %mul3A_579 = arith.constant 16 : i32
      %mul3A_580 = vector.broadcast %mul3A_579 : i32 to vector<16xi32>
      %mul3A_581 = arith.muli %gather3A_434, %mul3A_580 : vector<16xi32>
      %add3A_582 = arith.constant 5 : i32
      %add3A_583 = vector.broadcast %add3A_582 : i32 to vector<16xi32>
      %add3A_584 = arith.addi %mul3A_581, %add3A_583 : vector<16xi32>
      %gather3A_585 = tpu.vector_load_idx %arg9[%add3A_584] : memref<1600xf32, #tpu.memory_space<vmem>>[vector<16xi32>], vector<16xf32>,
      %gt3A_586 = arith.cmpf ogt, %gather3A_571, %gather3A_578 : vector<16xf32>
      %gt3A_587 = arith.cmpf ogt, %gather3A_571, %gather3A_585 : vector<16xf32>
      %and3A_588 = arith.andi %gt3A_586, %gt3A_587 : vector<16xi1>
      %jit3A_589 = arith.constant 1.000000e+00 : f32
      %jit3A_590 = arith.constant 0.000000e+00 : f32
      %broadcast_in_dim3A_591 = vector.broadcast %jit3A_589 : f32 to vector<16xf32>
      %broadcast_in_dim3A_592 = vector.broadcast %jit3A_590 : f32 to vector<16xf32>
      %select_n3A_593 = arith.select %and3A_588, %broadcast_in_dim3A_591, %broadcast_in_dim3A_592 : vector<16xi1>, vector<16xf32>
      %max3A_594 = arith.maximumf %scan3A_427, %select_n3A_593 : vector<16xf32>
      %add3A_595 = arith.constant 9600 : i32
      %add3A_596 = vector.broadcast %add3A_595 : i32 to vector<16xi32>
      %add3A_597 = arith.addi %add3A_433, %add3A_596 : vector<16xi32>
      %gather3A_598 = tpu.vector_load_idx %arg6[%add3A_597] : memref<12800xf32, #tpu.memory_space<vmem>>[vector<16xi32>], vector<16xf32>,
      %mul3A_599 = arith.constant 16 : i32
      %mul3A_600 = vector.broadcast %mul3A_599 : i32 to vector<16xi32>
      %mul3A_601 = arith.muli %gather3A, %mul3A_600 : vector<16xi32>
      %add3A_602 = arith.constant 6 : i32
      %add3A_603 = vector.broadcast %add3A_602 : i32 to vector<16xi32>
      %add3A_604 = arith.addi %mul3A_601, %add3A_603 : vector<16xi32>
      %gather3A_605 = tpu.vector_load_idx %arg9[%add3A_604] : memref<1600xf32, #tpu.memory_space<vmem>>[vector<16xi32>], vector<16xf32>,
      %mul3A_606 = arith.constant 16 : i32
      %mul3A_607 = vector.broadcast %mul3A_606 : i32 to vector<16xi32>
      %mul3A_608 = arith.muli %gather3A_434, %mul3A_607 : vector<16xi32>
      %add3A_609 = arith.constant 6 : i32
      %add3A_610 = vector.broadcast %add3A_609 : i32 to vector<16xi32>
      %add3A_611 = arith.addi %mul3A_608, %add3A_610 : vector<16xi32>
      %gather3A_612 = tpu.vector_load_idx %arg9[%add3A_611] : memref<1600xf32, #tpu.memory_space<vmem>>[vector<16xi32>], vector<16xf32>,
      %gt3A_613 = arith.cmpf ogt, %gather3A_598, %gather3A_605 : vector<16xf32>
      %gt3A_614 = arith.cmpf ogt, %gather3A_598, %gather3A_612 : vector<16xf32>
      %and3A_615 = arith.andi %gt3A_613, %gt3A_614 : vector<16xi1>
      %jit3A_616 = arith.constant 1.000000e+00 : f32
      %jit3A_617 = arith.constant 0.000000e+00 : f32
      %broadcast_in_dim3A_618 = vector.broadcast %jit3A_616 : f32 to vector<16xf32>
      %broadcast_in_dim3A_619 = vector.broadcast %jit3A_617 : f32 to vector<16xf32>
      %select_n3A_620 = arith.select %and3A_615, %broadcast_in_dim3A_618, %broadcast_in_dim3A_619 : vector<16xi1>, vector<16xf32>
      %max3A_621 = arith.maximumf %scan3A_428, %select_n3A_620 : vector<16xf32>
      %add3A_622 = arith.constant 11200 : i32
      %add3A_623 = vector.broadcast %add3A_622 : i32 to vector<16xi32>
      %add3A_624 = arith.addi %add3A_433, %add3A_623 : vector<16xi32>
      %gather3A_625 = tpu.vector_load_idx %arg6[%add3A_624] : memref<12800xf32, #tpu.memory_space<vmem>>[vector<16xi32>], vector<16xf32>,
      %mul3A_626 = arith.constant 16 : i32
      %mul3A_627 = vector.broadcast %mul3A_626 : i32 to vector<16xi32>
      %mul3A_628 = arith.muli %gather3A, %mul3A_627 : vector<16xi32>
      %add3A_629 = arith.constant 7 : i32
      %add3A_630 = vector.broadcast %add3A_629 : i32 to vector<16xi32>
      %add3A_631 = arith.addi %mul3A_628, %add3A_630 : vector<16xi32>
      %gather3A_632 = tpu.vector_load_idx %arg9[%add3A_631] : memref<1600xf32, #tpu.memory_space<vmem>>[vector<16xi32>], vector<16xf32>,
      %mul3A_633 = arith.constant 16 : i32
      %mul3A_634 = vector.broadcast %mul3A_633 : i32 to vector<16xi32>
      %mul3A_635 = arith.muli %gather3A_434, %mul3A_634 : vector<16xi32>
      %add3A_636 = arith.constant 7 : i32
      %add3A_637 = vector.broadcast %add3A_636 : i32 to vector<16xi32>
      %add3A_638 = arith.addi %mul3A_635, %add3A_637 : vector<16xi32>
      %gather3A_639 = tpu.vector_load_idx %arg9[%add3A_638] : memref<1600xf32, #tpu.memory_space<vmem>>[vector<16xi32>], vector<16xf32>,
      %gt3A_640 = arith.cmpf ogt, %gather3A_625, %gather3A_632 : vector<16xf32>
      %gt3A_641 = arith.cmpf ogt, %gather3A_625, %gather3A_639 : vector<16xf32>
      %and3A_642 = arith.andi %gt3A_640, %gt3A_641 : vector<16xi1>
      %jit3A_643 = arith.constant 1.000000e+00 : f32
      %jit3A_644 = arith.constant 0.000000e+00 : f32
      %broadcast_in_dim3A_645 = vector.broadcast %jit3A_643 : f32 to vector<16xf32>
      %broadcast_in_dim3A_646 = vector.broadcast %jit3A_644 : f32 to vector<16xf32>
      %select_n3A_647 = arith.select %and3A_642, %broadcast_in_dim3A_645, %broadcast_in_dim3A_646 : vector<16xi1>, vector<16xf32>
      %max3A_648 = arith.maximumf %scan3A_429, %select_n3A_647 : vector<16xf32>
      scf.yield %max3A, %max3A_486, %max3A_513, %max3A_540, %max3A_567, %max3A_594, %max3A_621, %max3A_648 : vector<16xf32>, vector<16xf32>, vector<16xf32>, vector<16xf32>, vector<16xf32>, vector<16xf32>, vector<16xf32>, vector<16xf32>
    }
    %scan3A_54 = arith.constant 100 : i32
    %broadcast_in_dim3A_55 = arith.constant 0.000000e+00 : f32
    %broadcast_in_dim3A_56 = vector.broadcast %broadcast_in_dim3A_55 : f32 to vector<16xf32>
    %eq3A = arith.constant 0 : i32
    %eq3A_57 = vector.broadcast %eq3A : i32 to vector<16xi32>
    %eq3A_58 = arith.cmpi eq, %iota3A, %eq3A_57 : vector<16xi32>
    %reduce_max3A = arith.constant true
    %reduce_max3A_59 = vector.broadcast %reduce_max3A : i1 to vector<16xi1>
    %reduce_max3A_60 = tpu.scan <max>, %scan3A_53#0 masked %reduce_max3A_59 : vector<16xf32>, vector<16xi1> -> vector<16xf32>
    %reduce_max3A_61 = vector.extract %reduce_max3A_60[15] : f32 from vector<16xf32>
    %broadcast_in_dim3A_62 = vector.broadcast %reduce_max3A_61 : f32 to vector<16xf32>
    %select_n3A_63 = arith.select %eq3A_58, %broadcast_in_dim3A_62, %broadcast_in_dim3A_56 : vector<16xi1>, vector<16xf32>
    %eq3A_64 = arith.constant 1 : i32
    %eq3A_65 = vector.broadcast %eq3A_64 : i32 to vector<16xi32>
    %eq3A_66 = arith.cmpi eq, %iota3A, %eq3A_65 : vector<16xi32>
    %reduce_max3A_67 = arith.constant true
    %reduce_max3A_68 = vector.broadcast %reduce_max3A_67 : i1 to vector<16xi1>
    %reduce_max3A_69 = tpu.scan <max>, %scan3A_53#1 masked %reduce_max3A_68 : vector<16xf32>, vector<16xi1> -> vector<16xf32>
    %reduce_max3A_70 = vector.extract %reduce_max3A_69[15] : f32 from vector<16xf32>
    %broadcast_in_dim3A_71 = vector.broadcast %reduce_max3A_70 : f32 to vector<16xf32>
    %select_n3A_72 = arith.select %eq3A_66, %broadcast_in_dim3A_71, %select_n3A_63 : vector<16xi1>, vector<16xf32>
    %eq3A_73 = arith.constant 2 : i32
    %eq3A_74 = vector.broadcast %eq3A_73 : i32 to vector<16xi32>
    %eq3A_75 = arith.cmpi eq, %iota3A, %eq3A_74 : vector<16xi32>
    %reduce_max3A_76 = arith.constant true
    %reduce_max3A_77 = vector.broadcast %reduce_max3A_76 : i1 to vector<16xi1>
    %reduce_max3A_78 = tpu.scan <max>, %scan3A_53#2 masked %reduce_max3A_77 : vector<16xf32>, vector<16xi1> -> vector<16xf32>
    %reduce_max3A_79 = vector.extract %reduce_max3A_78[15] : f32 from vector<16xf32>
    %broadcast_in_dim3A_80 = vector.broadcast %reduce_max3A_79 : f32 to vector<16xf32>
    %select_n3A_81 = arith.select %eq3A_75, %broadcast_in_dim3A_80, %select_n3A_72 : vector<16xi1>, vector<16xf32>
    %eq3A_82 = arith.constant 3 : i32
    %eq3A_83 = vector.broadcast %eq3A_82 : i32 to vector<16xi32>
    %eq3A_84 = arith.cmpi eq, %iota3A, %eq3A_83 : vector<16xi32>
    %reduce_max3A_85 = arith.constant true
    %reduce_max3A_86 = vector.broadcast %reduce_max3A_85 : i1 to vector<16xi1>
    %reduce_max3A_87 = tpu.scan <max>, %scan3A_53#3 masked %reduce_max3A_86 : vector<16xf32>, vector<16xi1> -> vector<16xf32>
    %reduce_max3A_88 = vector.extract %reduce_max3A_87[15] : f32 from vector<16xf32>
    %broadcast_in_dim3A_89 = vector.broadcast %reduce_max3A_88 : f32 to vector<16xf32>
    %select_n3A_90 = arith.select %eq3A_84, %broadcast_in_dim3A_89, %select_n3A_81 : vector<16xi1>, vector<16xf32>
    %eq3A_91 = arith.constant 4 : i32
    %eq3A_92 = vector.broadcast %eq3A_91 : i32 to vector<16xi32>
    %eq3A_93 = arith.cmpi eq, %iota3A, %eq3A_92 : vector<16xi32>
    %reduce_max3A_94 = arith.constant true
    %reduce_max3A_95 = vector.broadcast %reduce_max3A_94 : i1 to vector<16xi1>
    %reduce_max3A_96 = tpu.scan <max>, %scan3A_53#4 masked %reduce_max3A_95 : vector<16xf32>, vector<16xi1> -> vector<16xf32>
    %reduce_max3A_97 = vector.extract %reduce_max3A_96[15] : f32 from vector<16xf32>
    %broadcast_in_dim3A_98 = vector.broadcast %reduce_max3A_97 : f32 to vector<16xf32>
    %select_n3A_99 = arith.select %eq3A_93, %broadcast_in_dim3A_98, %select_n3A_90 : vector<16xi1>, vector<16xf32>
    %eq3A_100 = arith.constant 5 : i32
    %eq3A_101 = vector.broadcast %eq3A_100 : i32 to vector<16xi32>
    %eq3A_102 = arith.cmpi eq, %iota3A, %eq3A_101 : vector<16xi32>
    %reduce_max3A_103 = arith.constant true
    %reduce_max3A_104 = vector.broadcast %reduce_max3A_103 : i1 to vector<16xi1>
    %reduce_max3A_105 = tpu.scan <max>, %scan3A_53#5 masked %reduce_max3A_104 : vector<16xf32>, vector<16xi1> -> vector<16xf32>
    %reduce_max3A_106 = vector.extract %reduce_max3A_105[15] : f32 from vector<16xf32>
    %broadcast_in_dim3A_107 = vector.broadcast %reduce_max3A_106 : f32 to vector<16xf32>
    %select_n3A_108 = arith.select %eq3A_102, %broadcast_in_dim3A_107, %select_n3A_99 : vector<16xi1>, vector<16xf32>
    %eq3A_109 = arith.constant 6 : i32
    %eq3A_110 = vector.broadcast %eq3A_109 : i32 to vector<16xi32>
    %eq3A_111 = arith.cmpi eq, %iota3A, %eq3A_110 : vector<16xi32>
    %reduce_max3A_112 = arith.constant true
    %reduce_max3A_113 = vector.broadcast %reduce_max3A_112 : i1 to vector<16xi1>
    %reduce_max3A_114 = tpu.scan <max>, %scan3A_53#6 masked %reduce_max3A_113 : vector<16xf32>, vector<16xi1> -> vector<16xf32>
    %reduce_max3A_115 = vector.extract %reduce_max3A_114[15] : f32 from vector<16xf32>
    %broadcast_in_dim3A_116 = vector.broadcast %reduce_max3A_115 : f32 to vector<16xf32>
    %select_n3A_117 = arith.select %eq3A_111, %broadcast_in_dim3A_116, %select_n3A_108 : vector<16xi1>, vector<16xf32>
    %eq3A_118 = arith.constant 7 : i32
    %eq3A_119 = vector.broadcast %eq3A_118 : i32 to vector<16xi32>
    %eq3A_120 = arith.cmpi eq, %iota3A, %eq3A_119 : vector<16xi32>
    %reduce_max3A_121 = arith.constant true
    %reduce_max3A_122 = vector.broadcast %reduce_max3A_121 : i1 to vector<16xi1>
    %reduce_max3A_123 = tpu.scan <max>, %scan3A_53#7 masked %reduce_max3A_122 : vector<16xf32>, vector<16xi1> -> vector<16xf32>
    %reduce_max3A_124 = vector.extract %reduce_max3A_123[15] : f32 from vector<16xf32>
    %broadcast_in_dim3A_125 = vector.broadcast %reduce_max3A_124 : f32 to vector<16xf32>
    %select_n3A_126 = arith.select %eq3A_120, %broadcast_in_dim3A_125, %select_n3A_117 : vector<16xi1>, vector<16xf32>
    %xor3A = arith.constant 8 : i32
    %xor3A_127 = vector.broadcast %xor3A : i32 to vector<16xi32>
    %xor3A_128 = arith.xori %iota3A, %xor3A_127 : vector<16xi32>
    tpu.vector_store_idx %arg10[%xor3A_128], %div3A_32 : memref<64xf32, #tpu.memory_space<vmem>>[vector<16xi32>], vector<16xf32>,
    %add3A_129 = arith.constant 16 : i32
    %add3A_130 = vector.broadcast %add3A_129 : i32 to vector<16xi32>
    %add3A_131 = arith.addi %iota3A, %add3A_130 : vector<16xi32>
    tpu.vector_store_idx %arg10[%add3A_131], %select_n3A_126 : memref<64xf32, #tpu.memory_space<vmem>>[vector<16xi32>], vector<16xf32>,
    %add3A_132 = arith.constant 32 : i32
    %add3A_133 = vector.broadcast %add3A_132 : i32 to vector<16xi32>
    %add3A_134 = arith.addi %iota3A, %add3A_133 : vector<16xi32>
    %broadcast_in_dim3A_135 = arith.constant 0.000000e+00 : f32
    %broadcast_in_dim3A_136 = vector.broadcast %broadcast_in_dim3A_135 : f32 to vector<16xf32>
    tpu.vector_store_idx %arg10[%add3A_134], %broadcast_in_dim3A_136 : memref<64xf32, #tpu.memory_space<vmem>>[vector<16xi32>], vector<16xf32>,
    %add3A_137 = arith.constant 48 : i32
    %add3A_138 = vector.broadcast %add3A_137 : i32 to vector<16xi32>
    %add3A_139 = arith.addi %iota3A, %add3A_138 : vector<16xi32>
    %broadcast_in_dim3A_140 = arith.constant 0.000000e+00 : f32
    %broadcast_in_dim3A_141 = vector.broadcast %broadcast_in_dim3A_140 : f32 to vector<16xf32>
    tpu.vector_store_idx %arg10[%add3A_139], %broadcast_in_dim3A_141 : memref<64xf32, #tpu.memory_space<vmem>>[vector<16xi32>], vector<16xf32>,
    "tpu.region"() ({
      %run_scoped3A = tpu.sem_alloc : memref<!tpu.dma_semaphore, #tpu.memory_space<semaphore_mem>>
      %dma_start3A = arith.constant 0 : i32
      %dma_start3A_421 = tpu.memref_slice %arg5[%add3A_11, %dma_start3A] : memref<100x64xf32, #tpu.memory_space<hbm>> -> memref<1x64xf32, #tpu.memory_space<hbm>>
      %dma_start3A_422 = tpu.memref_squeeze %dma_start3A_421 : memref<1x64xf32, #tpu.memory_space<hbm>> -> memref<64xf32, #tpu.memory_space<hbm>>
      %dma_start3A_423 = arith.constant 0 : i32
      %dma_start3A_424 = tpu.memref_slice %arg5[%add3A_11, %dma_start3A_423] : memref<100x64xf32, #tpu.memory_space<hbm>> -> memref<1x64xf32, #tpu.memory_space<hbm>>
      %dma_start3A_425 = tpu.memref_squeeze %dma_start3A_424 : memref<1x64xf32, #tpu.memory_space<hbm>> -> memref<64xf32, #tpu.memory_space<hbm>>
      tpu.enqueue_dma source(%arg10 : memref<64xf32, #tpu.memory_space<vmem>>) target(%dma_start3A_425 : memref<64xf32, #tpu.memory_space<hbm>>) target_semaphore(%run_scoped3A : memref<!tpu.dma_semaphore, #tpu.memory_space<semaphore_mem>>)
      %dma_wait3A = arith.constant 0 : i32
      %dma_wait3A_426 = tpu.memref_slice %arg5[%add3A_11, %dma_wait3A] : memref<100x64xf32, #tpu.memory_space<hbm>> -> memref<1x64xf32, #tpu.memory_space<hbm>>
      %dma_wait3A_427 = tpu.memref_squeeze %dma_wait3A_426 : memref<1x64xf32, #tpu.memory_space<hbm>> -> memref<64xf32, #tpu.memory_space<hbm>>
      %dma_wait3A_428 = arith.constant 0 : i32
      %dma_wait3A_429 = tpu.memref_slice %arg5[%add3A_11, %dma_wait3A_428] : memref<100x64xf32, #tpu.memory_space<hbm>> -> memref<1x64xf32, #tpu.memory_space<hbm>>
      %dma_wait3A_430 = tpu.memref_squeeze %dma_wait3A_429 : memref<1x64xf32, #tpu.memory_space<hbm>> -> memref<64xf32, #tpu.memory_space<hbm>>
      tpu.wait_dma2 semaphore(%run_scoped3A : memref<!tpu.dma_semaphore, #tpu.memory_space<semaphore_mem>>) src(%arg10 : memref<64xf32, #tpu.memory_space<vmem>>) dst(%dma_wait3A_430 : memref<64xf32, #tpu.memory_space<hbm>>)
      tpu.yield
    }) : () -> ()
    %add3A_142 = arith.constant 32 : i32
    %add3A_143 = arith.addi %add3A, %add3A_142 : i32
    "tpu.region"() ({
      %run_scoped3A = tpu.sem_alloc : memref<!tpu.dma_semaphore, #tpu.memory_space<semaphore_mem>>
      %dma_start3A = arith.constant 0 : i32
      %dma_start3A_421 = tpu.memref_slice %arg2[%add3A_143, %dma_start3A] : memref<100x12800xf32, #tpu.memory_space<hbm>> -> memref<1x12800xf32, #tpu.memory_space<hbm>>
      %dma_start3A_422 = tpu.memref_squeeze %dma_start3A_421 : memref<1x12800xf32, #tpu.memory_space<hbm>> -> memref<12800xf32, #tpu.memory_space<hbm>>
      %dma_start3A_423 = arith.constant 0 : i32
      %dma_start3A_424 = tpu.memref_slice %arg2[%add3A_143, %dma_start3A_423] : memref<100x12800xf32, #tpu.memory_space<hbm>> -> memref<1x12800xf32, #tpu.memory_space<hbm>>
      %dma_start3A_425 = tpu.memref_squeeze %dma_start3A_424 : memref<1x12800xf32, #tpu.memory_space<hbm>> -> memref<12800xf32, #tpu.memory_space<hbm>>
      tpu.enqueue_dma source(%dma_start3A_425 : memref<12800xf32, #tpu.memory_space<hbm>>) target(%arg6 : memref<12800xf32, #tpu.memory_space<vmem>>) target_semaphore(%run_scoped3A : memref<!tpu.dma_semaphore, #tpu.memory_space<semaphore_mem>>)
      %dma_wait3A = arith.constant 0 : i32
      %dma_wait3A_426 = tpu.memref_slice %arg2[%add3A_143, %dma_wait3A] : memref<100x12800xf32, #tpu.memory_space<hbm>> -> memref<1x12800xf32, #tpu.memory_space<hbm>>
      %dma_wait3A_427 = tpu.memref_squeeze %dma_wait3A_426 : memref<1x12800xf32, #tpu.memory_space<hbm>> -> memref<12800xf32, #tpu.memory_space<hbm>>
      %dma_wait3A_428 = arith.constant 0 : i32
      %dma_wait3A_429 = tpu.memref_slice %arg2[%add3A_143, %dma_wait3A_428] : memref<100x12800xf32, #tpu.memory_space<hbm>> -> memref<1x12800xf32, #tpu.memory_space<hbm>>
      %dma_wait3A_430 = tpu.memref_squeeze %dma_wait3A_429 : memref<1x12800xf32, #tpu.memory_space<hbm>> -> memref<12800xf32, #tpu.memory_space<hbm>>
      tpu.wait_dma2 semaphore(%run_scoped3A : memref<!tpu.dma_semaphore, #tpu.memory_space<semaphore_mem>>) src(%dma_wait3A_430 : memref<12800xf32, #tpu.memory_space<hbm>>) dst(%arg6 : memref<12800xf32, #tpu.memory_space<vmem>>)
      tpu.yield
    }) : () -> ()
    "tpu.region"() ({
      %run_scoped3A = tpu.sem_alloc : memref<!tpu.dma_semaphore, #tpu.memory_space<semaphore_mem>>
      %dma_start3A = arith.constant 0 : i32
      %dma_start3A_421 = tpu.memref_slice %arg3[%add3A_143, %dma_start3A] : memref<100x1600xi32, #tpu.memory_space<hbm>> -> memref<1x1600xi32, #tpu.memory_space<hbm>>
      %dma_start3A_422 = tpu.memref_squeeze %dma_start3A_421 : memref<1x1600xi32, #tpu.memory_space<hbm>> -> memref<1600xi32, #tpu.memory_space<hbm>>
      %dma_start3A_423 = arith.constant 0 : i32
      %dma_start3A_424 = tpu.memref_slice %arg3[%add3A_143, %dma_start3A_423] : memref<100x1600xi32, #tpu.memory_space<hbm>> -> memref<1x1600xi32, #tpu.memory_space<hbm>>
      %dma_start3A_425 = tpu.memref_squeeze %dma_start3A_424 : memref<1x1600xi32, #tpu.memory_space<hbm>> -> memref<1600xi32, #tpu.memory_space<hbm>>
      tpu.enqueue_dma source(%dma_start3A_425 : memref<1600xi32, #tpu.memory_space<hbm>>) target(%arg7 : memref<1600xi32, #tpu.memory_space<vmem>>) target_semaphore(%run_scoped3A : memref<!tpu.dma_semaphore, #tpu.memory_space<semaphore_mem>>)
      %dma_wait3A = arith.constant 0 : i32
      %dma_wait3A_426 = tpu.memref_slice %arg3[%add3A_143, %dma_wait3A] : memref<100x1600xi32, #tpu.memory_space<hbm>> -> memref<1x1600xi32, #tpu.memory_space<hbm>>
      %dma_wait3A_427 = tpu.memref_squeeze %dma_wait3A_426 : memref<1x1600xi32, #tpu.memory_space<hbm>> -> memref<1600xi32, #tpu.memory_space<hbm>>
      %dma_wait3A_428 = arith.constant 0 : i32
      %dma_wait3A_429 = tpu.memref_slice %arg3[%add3A_143, %dma_wait3A_428] : memref<100x1600xi32, #tpu.memory_space<hbm>> -> memref<1x1600xi32, #tpu.memory_space<hbm>>
      %dma_wait3A_430 = tpu.memref_squeeze %dma_wait3A_429 : memref<1x1600xi32, #tpu.memory_space<hbm>> -> memref<1600xi32, #tpu.memory_space<hbm>>
      tpu.wait_dma2 semaphore(%run_scoped3A : memref<!tpu.dma_semaphore, #tpu.memory_space<semaphore_mem>>) src(%dma_wait3A_430 : memref<1600xi32, #tpu.memory_space<hbm>>) dst(%arg7 : memref<1600xi32, #tpu.memory_space<vmem>>)
      tpu.yield
    }) : () -> ()
    "tpu.region"() ({
      %run_scoped3A = tpu.sem_alloc : memref<!tpu.dma_semaphore, #tpu.memory_space<semaphore_mem>>
      %dma_start3A = arith.constant 0 : i32
      %dma_start3A_421 = tpu.memref_slice %arg4[%add3A_143, %dma_start3A] : memref<100x1600xi32, #tpu.memory_space<hbm>> -> memref<1x1600xi32, #tpu.memory_space<hbm>>
      %dma_start3A_422 = tpu.memref_squeeze %dma_start3A_421 : memref<1x1600xi32, #tpu.memory_space<hbm>> -> memref<1600xi32, #tpu.memory_space<hbm>>
      %dma_start3A_423 = arith.constant 0 : i32
      %dma_start3A_424 = tpu.memref_slice %arg4[%add3A_143, %dma_start3A_423] : memref<100x1600xi32, #tpu.memory_space<hbm>> -> memref<1x1600xi32, #tpu.memory_space<hbm>>
      %dma_start3A_425 = tpu.memref_squeeze %dma_start3A_424 : memref<1x1600xi32, #tpu.memory_space<hbm>> -> memref<1600xi32, #tpu.memory_space<hbm>>
      tpu.enqueue_dma source(%dma_start3A_425 : memref<1600xi32, #tpu.memory_space<hbm>>) target(%arg8 : memref<1600xi32, #tpu.memory_space<vmem>>) target_semaphore(%run_scoped3A : memref<!tpu.dma_semaphore, #tpu.memory_space<semaphore_mem>>)
      %dma_wait3A = arith.constant 0 : i32
      %dma_wait3A_426 = tpu.memref_slice %arg4[%add3A_143, %dma_wait3A] : memref<100x1600xi32, #tpu.memory_space<hbm>> -> memref<1x1600xi32, #tpu.memory_space<hbm>>
      %dma_wait3A_427 = tpu.memref_squeeze %dma_wait3A_426 : memref<1x1600xi32, #tpu.memory_space<hbm>> -> memref<1600xi32, #tpu.memory_space<hbm>>
      %dma_wait3A_428 = arith.constant 0 : i32
      %dma_wait3A_429 = tpu.memref_slice %arg4[%add3A_143, %dma_wait3A_428] : memref<100x1600xi32, #tpu.memory_space<hbm>> -> memref<1x1600xi32, #tpu.memory_space<hbm>>
      %dma_wait3A_430 = tpu.memref_squeeze %dma_wait3A_429 : memref<1x1600xi32, #tpu.memory_space<hbm>> -> memref<1600xi32, #tpu.memory_space<hbm>>
      tpu.wait_dma2 semaphore(%run_scoped3A : memref<!tpu.dma_semaphore, #tpu.memory_space<semaphore_mem>>) src(%dma_wait3A_430 : memref<1600xi32, #tpu.memory_space<hbm>>) dst(%arg8 : memref<1600xi32, #tpu.memory_space<vmem>>)
      tpu.yield
    }) : () -> ()
    %scan3A_144 = arith.constant 0 : i32
    %scan3A_145 = arith.constant 0 : i32
    %scan3A_146 = arith.constant 100 : i32
    %scan3A_147 = arith.addi %scan3A_145, %scan3A_146 : i32
    %scan3A_148 = arith.constant 1 : i32
    scf.for %scan3A_421 = %scan3A_145 to %scan3A_147 step %scan3A_148  : i32 {
      %mul3A_422 = arith.constant 16 : i32
      %mul3A_423 = arith.muli %scan3A_421, %mul3A_422 : i32
      %broadcast_in_dim3A_424 = vector.broadcast %mul3A_423 : i32 to vector<16xi32>
      %add3A_425 = arith.addi %broadcast_in_dim3A_424, %iota3A : vector<16xi32>
      tpu.vector_store_idx %arg9[%add3A_425], %select_n3A : memref<1600xf32, #tpu.memory_space<vmem>>[vector<16xi32>], vector<16xf32>,
    }
    %scan3A_149 = arith.constant 100 : i32
    %scan3A_150 = arith.constant 0 : i32
    %scan3A_151 = arith.constant 0 : i32
    %scan3A_152 = arith.constant 100 : i32
    %scan3A_153 = arith.addi %scan3A_151, %scan3A_152 : i32
    %scan3A_154 = arith.constant 1 : i32
    scf.for %scan3A_421 = %scan3A_151 to %scan3A_153 step %scan3A_154  : i32 {
      %mul3A_422 = arith.constant 16 : i32
      %mul3A_423 = arith.muli %scan3A_421, %mul3A_422 : i32
      %add3A_424 = vector.broadcast %mul3A_423 : i32 to vector<16xi32>
      %add3A_425 = arith.addi %add3A_424, %iota3A : vector<16xi32>
      %gather3A = tpu.vector_load_idx %arg7[%add3A_425] : memref<1600xi32, #tpu.memory_space<vmem>>[vector<16xi32>], vector<16xi32>,
      %gather3A_426 = tpu.vector_load_idx %arg8[%add3A_425] : memref<1600xi32, #tpu.memory_space<vmem>>[vector<16xi32>], vector<16xi32>,
      %mul3A_427 = arith.constant 16 : i32
      %mul3A_428 = arith.muli %scan3A_421, %mul3A_427 : i32
      %add3A_429 = arith.constant 0 : i32
      %add3A_430 = arith.addi %mul3A_428, %add3A_429 : i32
      %broadcast_in_dim3A_431 = vector.broadcast %add3A_430 : i32 to vector<16xi32>
      %add3A_432 = arith.addi %broadcast_in_dim3A_431, %mul3A_7 : vector<16xi32>
      %gather3A_433 = tpu.vector_load_idx %arg6[%add3A_432] : memref<12800xf32, #tpu.memory_space<vmem>>[vector<16xi32>], vector<16xf32>,
      %slice3A = vector.extract_strided_slice %gather3A {offsets = [0], sizes = [1], strides = [1]} : vector<16xi32> to vector<1xi32>
      %squeeze3A = vector.extract %slice3A[0] : i32 from vector<1xi32>
      %slice3A_434 = vector.extract_strided_slice %gather3A_426 {offsets = [0], sizes = [1], strides = [1]} : vector<16xi32> to vector<1xi32>
      %squeeze3A_435 = vector.extract %slice3A_434[0] : i32 from vector<1xi32>
      %mul3A_436 = arith.constant 16 : i32
      %mul3A_437 = arith.muli %squeeze3A, %mul3A_436 : i32
      %broadcast_in_dim3A_438 = vector.broadcast %mul3A_437 : i32 to vector<16xi32>
      %add3A_439 = arith.addi %broadcast_in_dim3A_438, %iota3A : vector<16xi32>
      %gather3A_440 = tpu.vector_load_idx %arg9[%add3A_439] : memref<1600xf32, #tpu.memory_space<vmem>>[vector<16xi32>], vector<16xf32>,
      %min3A = arith.minimumf %gather3A_440, %gather3A_433 : vector<16xf32>
      %max3A = arith.maximumf %gather3A_440, %gather3A_433 : vector<16xf32>
      %select_n3A_441 = arith.select %lt3A_2, %min3A, %max3A : vector<16xi1>, vector<16xf32>
      tpu.vector_store_idx %arg9[%add3A_439], %select_n3A_441 : memref<1600xf32, #tpu.memory_space<vmem>>[vector<16xi32>], vector<16xf32>,
      %mul3A_442 = arith.constant 16 : i32
      %mul3A_443 = arith.muli %squeeze3A_435, %mul3A_442 : i32
      %broadcast_in_dim3A_444 = vector.broadcast %mul3A_443 : i32 to vector<16xi32>
      %add3A_445 = arith.addi %broadcast_in_dim3A_444, %iota3A : vector<16xi32>
      %gather3A_446 = tpu.vector_load_idx %arg9[%add3A_445] : memref<1600xf32, #tpu.memory_space<vmem>>[vector<16xi32>], vector<16xf32>,
      %min3A_447 = arith.minimumf %gather3A_446, %gather3A_433 : vector<16xf32>
      %max3A_448 = arith.maximumf %gather3A_446, %gather3A_433 : vector<16xf32>
      %select_n3A_449 = arith.select %lt3A_2, %min3A_447, %max3A_448 : vector<16xi1>, vector<16xf32>
      tpu.vector_store_idx %arg9[%add3A_445], %select_n3A_449 : memref<1600xf32, #tpu.memory_space<vmem>>[vector<16xi32>], vector<16xf32>,
      %mul3A_450 = arith.constant 16 : i32
      %mul3A_451 = arith.muli %scan3A_421, %mul3A_450 : i32
      %add3A_452 = arith.constant 1 : i32
      %add3A_453 = arith.addi %mul3A_451, %add3A_452 : i32
      %broadcast_in_dim3A_454 = vector.broadcast %add3A_453 : i32 to vector<16xi32>
      %add3A_455 = arith.addi %broadcast_in_dim3A_454, %mul3A_7 : vector<16xi32>
      %gather3A_456 = tpu.vector_load_idx %arg6[%add3A_455] : memref<12800xf32, #tpu.memory_space<vmem>>[vector<16xi32>], vector<16xf32>,
      %slice3A_457 = vector.extract_strided_slice %gather3A {offsets = [1], sizes = [1], strides = [1]} : vector<16xi32> to vector<1xi32>
      %squeeze3A_458 = vector.extract %slice3A_457[0] : i32 from vector<1xi32>
      %slice3A_459 = vector.extract_strided_slice %gather3A_426 {offsets = [1], sizes = [1], strides = [1]} : vector<16xi32> to vector<1xi32>
      %squeeze3A_460 = vector.extract %slice3A_459[0] : i32 from vector<1xi32>
      %mul3A_461 = arith.constant 16 : i32
      %mul3A_462 = arith.muli %squeeze3A_458, %mul3A_461 : i32
      %broadcast_in_dim3A_463 = vector.broadcast %mul3A_462 : i32 to vector<16xi32>
      %add3A_464 = arith.addi %broadcast_in_dim3A_463, %iota3A : vector<16xi32>
      %gather3A_465 = tpu.vector_load_idx %arg9[%add3A_464] : memref<1600xf32, #tpu.memory_space<vmem>>[vector<16xi32>], vector<16xf32>,
      %min3A_466 = arith.minimumf %gather3A_465, %gather3A_456 : vector<16xf32>
      %max3A_467 = arith.maximumf %gather3A_465, %gather3A_456 : vector<16xf32>
      %select_n3A_468 = arith.select %lt3A_2, %min3A_466, %max3A_467 : vector<16xi1>, vector<16xf32>
      tpu.vector_store_idx %arg9[%add3A_464], %select_n3A_468 : memref<1600xf32, #tpu.memory_space<vmem>>[vector<16xi32>], vector<16xf32>,
      %mul3A_469 = arith.constant 16 : i32
      %mul3A_470 = arith.muli %squeeze3A_460, %mul3A_469 : i32
      %broadcast_in_dim3A_471 = vector.broadcast %mul3A_470 : i32 to vector<16xi32>
      %add3A_472 = arith.addi %broadcast_in_dim3A_471, %iota3A : vector<16xi32>
      %gather3A_473 = tpu.vector_load_idx %arg9[%add3A_472] : memref<1600xf32, #tpu.memory_space<vmem>>[vector<16xi32>], vector<16xf32>,
      %min3A_474 = arith.minimumf %gather3A_473, %gather3A_456 : vector<16xf32>
      %max3A_475 = arith.maximumf %gather3A_473, %gather3A_456 : vector<16xf32>
      %select_n3A_476 = arith.select %lt3A_2, %min3A_474, %max3A_475 : vector<16xi1>, vector<16xf32>
      tpu.vector_store_idx %arg9[%add3A_472], %select_n3A_476 : memref<1600xf32, #tpu.memory_space<vmem>>[vector<16xi32>], vector<16xf32>,
      %mul3A_477 = arith.constant 16 : i32
      %mul3A_478 = arith.muli %scan3A_421, %mul3A_477 : i32
      %add3A_479 = arith.constant 2 : i32
      %add3A_480 = arith.addi %mul3A_478, %add3A_479 : i32
      %broadcast_in_dim3A_481 = vector.broadcast %add3A_480 : i32 to vector<16xi32>
      %add3A_482 = arith.addi %broadcast_in_dim3A_481, %mul3A_7 : vector<16xi32>
      %gather3A_483 = tpu.vector_load_idx %arg6[%add3A_482] : memref<12800xf32, #tpu.memory_space<vmem>>[vector<16xi32>], vector<16xf32>,
      %slice3A_484 = vector.extract_strided_slice %gather3A {offsets = [2], sizes = [1], strides = [1]} : vector<16xi32> to vector<1xi32>
      %squeeze3A_485 = vector.extract %slice3A_484[0] : i32 from vector<1xi32>
      %slice3A_486 = vector.extract_strided_slice %gather3A_426 {offsets = [2], sizes = [1], strides = [1]} : vector<16xi32> to vector<1xi32>
      %squeeze3A_487 = vector.extract %slice3A_486[0] : i32 from vector<1xi32>
      %mul3A_488 = arith.constant 16 : i32
      %mul3A_489 = arith.muli %squeeze3A_485, %mul3A_488 : i32
      %broadcast_in_dim3A_490 = vector.broadcast %mul3A_489 : i32 to vector<16xi32>
      %add3A_491 = arith.addi %broadcast_in_dim3A_490, %iota3A : vector<16xi32>
      %gather3A_492 = tpu.vector_load_idx %arg9[%add3A_491] : memref<1600xf32, #tpu.memory_space<vmem>>[vector<16xi32>], vector<16xf32>,
      %min3A_493 = arith.minimumf %gather3A_492, %gather3A_483 : vector<16xf32>
      %max3A_494 = arith.maximumf %gather3A_492, %gather3A_483 : vector<16xf32>
      %select_n3A_495 = arith.select %lt3A_2, %min3A_493, %max3A_494 : vector<16xi1>, vector<16xf32>
      tpu.vector_store_idx %arg9[%add3A_491], %select_n3A_495 : memref<1600xf32, #tpu.memory_space<vmem>>[vector<16xi32>], vector<16xf32>,
      %mul3A_496 = arith.constant 16 : i32
      %mul3A_497 = arith.muli %squeeze3A_487, %mul3A_496 : i32
      %broadcast_in_dim3A_498 = vector.broadcast %mul3A_497 : i32 to vector<16xi32>
      %add3A_499 = arith.addi %broadcast_in_dim3A_498, %iota3A : vector<16xi32>
      %gather3A_500 = tpu.vector_load_idx %arg9[%add3A_499] : memref<1600xf32, #tpu.memory_space<vmem>>[vector<16xi32>], vector<16xf32>,
      %min3A_501 = arith.minimumf %gather3A_500, %gather3A_483 : vector<16xf32>
      %max3A_502 = arith.maximumf %gather3A_500, %gather3A_483 : vector<16xf32>
      %select_n3A_503 = arith.select %lt3A_2, %min3A_501, %max3A_502 : vector<16xi1>, vector<16xf32>
      tpu.vector_store_idx %arg9[%add3A_499], %select_n3A_503 : memref<1600xf32, #tpu.memory_space<vmem>>[vector<16xi32>], vector<16xf32>,
      %mul3A_504 = arith.constant 16 : i32
      %mul3A_505 = arith.muli %scan3A_421, %mul3A_504 : i32
      %add3A_506 = arith.constant 3 : i32
      %add3A_507 = arith.addi %mul3A_505, %add3A_506 : i32
      %broadcast_in_dim3A_508 = vector.broadcast %add3A_507 : i32 to vector<16xi32>
      %add3A_509 = arith.addi %broadcast_in_dim3A_508, %mul3A_7 : vector<16xi32>
      %gather3A_510 = tpu.vector_load_idx %arg6[%add3A_509] : memref<12800xf32, #tpu.memory_space<vmem>>[vector<16xi32>], vector<16xf32>,
      %slice3A_511 = vector.extract_strided_slice %gather3A {offsets = [3], sizes = [1], strides = [1]} : vector<16xi32> to vector<1xi32>
      %squeeze3A_512 = vector.extract %slice3A_511[0] : i32 from vector<1xi32>
      %slice3A_513 = vector.extract_strided_slice %gather3A_426 {offsets = [3], sizes = [1], strides = [1]} : vector<16xi32> to vector<1xi32>
      %squeeze3A_514 = vector.extract %slice3A_513[0] : i32 from vector<1xi32>
      %mul3A_515 = arith.constant 16 : i32
      %mul3A_516 = arith.muli %squeeze3A_512, %mul3A_515 : i32
      %broadcast_in_dim3A_517 = vector.broadcast %mul3A_516 : i32 to vector<16xi32>
      %add3A_518 = arith.addi %broadcast_in_dim3A_517, %iota3A : vector<16xi32>
      %gather3A_519 = tpu.vector_load_idx %arg9[%add3A_518] : memref<1600xf32, #tpu.memory_space<vmem>>[vector<16xi32>], vector<16xf32>,
      %min3A_520 = arith.minimumf %gather3A_519, %gather3A_510 : vector<16xf32>
      %max3A_521 = arith.maximumf %gather3A_519, %gather3A_510 : vector<16xf32>
      %select_n3A_522 = arith.select %lt3A_2, %min3A_520, %max3A_521 : vector<16xi1>, vector<16xf32>
      tpu.vector_store_idx %arg9[%add3A_518], %select_n3A_522 : memref<1600xf32, #tpu.memory_space<vmem>>[vector<16xi32>], vector<16xf32>,
      %mul3A_523 = arith.constant 16 : i32
      %mul3A_524 = arith.muli %squeeze3A_514, %mul3A_523 : i32
      %broadcast_in_dim3A_525 = vector.broadcast %mul3A_524 : i32 to vector<16xi32>
      %add3A_526 = arith.addi %broadcast_in_dim3A_525, %iota3A : vector<16xi32>
      %gather3A_527 = tpu.vector_load_idx %arg9[%add3A_526] : memref<1600xf32, #tpu.memory_space<vmem>>[vector<16xi32>], vector<16xf32>,
      %min3A_528 = arith.minimumf %gather3A_527, %gather3A_510 : vector<16xf32>
      %max3A_529 = arith.maximumf %gather3A_527, %gather3A_510 : vector<16xf32>
      %select_n3A_530 = arith.select %lt3A_2, %min3A_528, %max3A_529 : vector<16xi1>, vector<16xf32>
      tpu.vector_store_idx %arg9[%add3A_526], %select_n3A_530 : memref<1600xf32, #tpu.memory_space<vmem>>[vector<16xi32>], vector<16xf32>,
      %mul3A_531 = arith.constant 16 : i32
      %mul3A_532 = arith.muli %scan3A_421, %mul3A_531 : i32
      %add3A_533 = arith.constant 4 : i32
      %add3A_534 = arith.addi %mul3A_532, %add3A_533 : i32
      %broadcast_in_dim3A_535 = vector.broadcast %add3A_534 : i32 to vector<16xi32>
      %add3A_536 = arith.addi %broadcast_in_dim3A_535, %mul3A_7 : vector<16xi32>
      %gather3A_537 = tpu.vector_load_idx %arg6[%add3A_536] : memref<12800xf32, #tpu.memory_space<vmem>>[vector<16xi32>], vector<16xf32>,
      %slice3A_538 = vector.extract_strided_slice %gather3A {offsets = [4], sizes = [1], strides = [1]} : vector<16xi32> to vector<1xi32>
      %squeeze3A_539 = vector.extract %slice3A_538[0] : i32 from vector<1xi32>
      %slice3A_540 = vector.extract_strided_slice %gather3A_426 {offsets = [4], sizes = [1], strides = [1]} : vector<16xi32> to vector<1xi32>
      %squeeze3A_541 = vector.extract %slice3A_540[0] : i32 from vector<1xi32>
      %mul3A_542 = arith.constant 16 : i32
      %mul3A_543 = arith.muli %squeeze3A_539, %mul3A_542 : i32
      %broadcast_in_dim3A_544 = vector.broadcast %mul3A_543 : i32 to vector<16xi32>
      %add3A_545 = arith.addi %broadcast_in_dim3A_544, %iota3A : vector<16xi32>
      %gather3A_546 = tpu.vector_load_idx %arg9[%add3A_545] : memref<1600xf32, #tpu.memory_space<vmem>>[vector<16xi32>], vector<16xf32>,
      %min3A_547 = arith.minimumf %gather3A_546, %gather3A_537 : vector<16xf32>
      %max3A_548 = arith.maximumf %gather3A_546, %gather3A_537 : vector<16xf32>
      %select_n3A_549 = arith.select %lt3A_2, %min3A_547, %max3A_548 : vector<16xi1>, vector<16xf32>
      tpu.vector_store_idx %arg9[%add3A_545], %select_n3A_549 : memref<1600xf32, #tpu.memory_space<vmem>>[vector<16xi32>], vector<16xf32>,
      %mul3A_550 = arith.constant 16 : i32
      %mul3A_551 = arith.muli %squeeze3A_541, %mul3A_550 : i32
      %broadcast_in_dim3A_552 = vector.broadcast %mul3A_551 : i32 to vector<16xi32>
      %add3A_553 = arith.addi %broadcast_in_dim3A_552, %iota3A : vector<16xi32>
      %gather3A_554 = tpu.vector_load_idx %arg9[%add3A_553] : memref<1600xf32, #tpu.memory_space<vmem>>[vector<16xi32>], vector<16xf32>,
      %min3A_555 = arith.minimumf %gather3A_554, %gather3A_537 : vector<16xf32>
      %max3A_556 = arith.maximumf %gather3A_554, %gather3A_537 : vector<16xf32>
      %select_n3A_557 = arith.select %lt3A_2, %min3A_555, %max3A_556 : vector<16xi1>, vector<16xf32>
      tpu.vector_store_idx %arg9[%add3A_553], %select_n3A_557 : memref<1600xf32, #tpu.memory_space<vmem>>[vector<16xi32>], vector<16xf32>,
      %mul3A_558 = arith.constant 16 : i32
      %mul3A_559 = arith.muli %scan3A_421, %mul3A_558 : i32
      %add3A_560 = arith.constant 5 : i32
      %add3A_561 = arith.addi %mul3A_559, %add3A_560 : i32
      %broadcast_in_dim3A_562 = vector.broadcast %add3A_561 : i32 to vector<16xi32>
      %add3A_563 = arith.addi %broadcast_in_dim3A_562, %mul3A_7 : vector<16xi32>
      %gather3A_564 = tpu.vector_load_idx %arg6[%add3A_563] : memref<12800xf32, #tpu.memory_space<vmem>>[vector<16xi32>], vector<16xf32>,
      %slice3A_565 = vector.extract_strided_slice %gather3A {offsets = [5], sizes = [1], strides = [1]} : vector<16xi32> to vector<1xi32>
      %squeeze3A_566 = vector.extract %slice3A_565[0] : i32 from vector<1xi32>
      %slice3A_567 = vector.extract_strided_slice %gather3A_426 {offsets = [5], sizes = [1], strides = [1]} : vector<16xi32> to vector<1xi32>
      %squeeze3A_568 = vector.extract %slice3A_567[0] : i32 from vector<1xi32>
      %mul3A_569 = arith.constant 16 : i32
      %mul3A_570 = arith.muli %squeeze3A_566, %mul3A_569 : i32
      %broadcast_in_dim3A_571 = vector.broadcast %mul3A_570 : i32 to vector<16xi32>
      %add3A_572 = arith.addi %broadcast_in_dim3A_571, %iota3A : vector<16xi32>
      %gather3A_573 = tpu.vector_load_idx %arg9[%add3A_572] : memref<1600xf32, #tpu.memory_space<vmem>>[vector<16xi32>], vector<16xf32>,
      %min3A_574 = arith.minimumf %gather3A_573, %gather3A_564 : vector<16xf32>
      %max3A_575 = arith.maximumf %gather3A_573, %gather3A_564 : vector<16xf32>
      %select_n3A_576 = arith.select %lt3A_2, %min3A_574, %max3A_575 : vector<16xi1>, vector<16xf32>
      tpu.vector_store_idx %arg9[%add3A_572], %select_n3A_576 : memref<1600xf32, #tpu.memory_space<vmem>>[vector<16xi32>], vector<16xf32>,
      %mul3A_577 = arith.constant 16 : i32
      %mul3A_578 = arith.muli %squeeze3A_568, %mul3A_577 : i32
      %broadcast_in_dim3A_579 = vector.broadcast %mul3A_578 : i32 to vector<16xi32>
      %add3A_580 = arith.addi %broadcast_in_dim3A_579, %iota3A : vector<16xi32>
      %gather3A_581 = tpu.vector_load_idx %arg9[%add3A_580] : memref<1600xf32, #tpu.memory_space<vmem>>[vector<16xi32>], vector<16xf32>,
      %min3A_582 = arith.minimumf %gather3A_581, %gather3A_564 : vector<16xf32>
      %max3A_583 = arith.maximumf %gather3A_581, %gather3A_564 : vector<16xf32>
      %select_n3A_584 = arith.select %lt3A_2, %min3A_582, %max3A_583 : vector<16xi1>, vector<16xf32>
      tpu.vector_store_idx %arg9[%add3A_580], %select_n3A_584 : memref<1600xf32, #tpu.memory_space<vmem>>[vector<16xi32>], vector<16xf32>,
      %mul3A_585 = arith.constant 16 : i32
      %mul3A_586 = arith.muli %scan3A_421, %mul3A_585 : i32
      %add3A_587 = arith.constant 6 : i32
      %add3A_588 = arith.addi %mul3A_586, %add3A_587 : i32
      %broadcast_in_dim3A_589 = vector.broadcast %add3A_588 : i32 to vector<16xi32>
      %add3A_590 = arith.addi %broadcast_in_dim3A_589, %mul3A_7 : vector<16xi32>
      %gather3A_591 = tpu.vector_load_idx %arg6[%add3A_590] : memref<12800xf32, #tpu.memory_space<vmem>>[vector<16xi32>], vector<16xf32>,
      %slice3A_592 = vector.extract_strided_slice %gather3A {offsets = [6], sizes = [1], strides = [1]} : vector<16xi32> to vector<1xi32>
      %squeeze3A_593 = vector.extract %slice3A_592[0] : i32 from vector<1xi32>
      %slice3A_594 = vector.extract_strided_slice %gather3A_426 {offsets = [6], sizes = [1], strides = [1]} : vector<16xi32> to vector<1xi32>
      %squeeze3A_595 = vector.extract %slice3A_594[0] : i32 from vector<1xi32>
      %mul3A_596 = arith.constant 16 : i32
      %mul3A_597 = arith.muli %squeeze3A_593, %mul3A_596 : i32
      %broadcast_in_dim3A_598 = vector.broadcast %mul3A_597 : i32 to vector<16xi32>
      %add3A_599 = arith.addi %broadcast_in_dim3A_598, %iota3A : vector<16xi32>
      %gather3A_600 = tpu.vector_load_idx %arg9[%add3A_599] : memref<1600xf32, #tpu.memory_space<vmem>>[vector<16xi32>], vector<16xf32>,
      %min3A_601 = arith.minimumf %gather3A_600, %gather3A_591 : vector<16xf32>
      %max3A_602 = arith.maximumf %gather3A_600, %gather3A_591 : vector<16xf32>
      %select_n3A_603 = arith.select %lt3A_2, %min3A_601, %max3A_602 : vector<16xi1>, vector<16xf32>
      tpu.vector_store_idx %arg9[%add3A_599], %select_n3A_603 : memref<1600xf32, #tpu.memory_space<vmem>>[vector<16xi32>], vector<16xf32>,
      %mul3A_604 = arith.constant 16 : i32
      %mul3A_605 = arith.muli %squeeze3A_595, %mul3A_604 : i32
      %broadcast_in_dim3A_606 = vector.broadcast %mul3A_605 : i32 to vector<16xi32>
      %add3A_607 = arith.addi %broadcast_in_dim3A_606, %iota3A : vector<16xi32>
      %gather3A_608 = tpu.vector_load_idx %arg9[%add3A_607] : memref<1600xf32, #tpu.memory_space<vmem>>[vector<16xi32>], vector<16xf32>,
      %min3A_609 = arith.minimumf %gather3A_608, %gather3A_591 : vector<16xf32>
      %max3A_610 = arith.maximumf %gather3A_608, %gather3A_591 : vector<16xf32>
      %select_n3A_611 = arith.select %lt3A_2, %min3A_609, %max3A_610 : vector<16xi1>, vector<16xf32>
      tpu.vector_store_idx %arg9[%add3A_607], %select_n3A_611 : memref<1600xf32, #tpu.memory_space<vmem>>[vector<16xi32>], vector<16xf32>,
      %mul3A_612 = arith.constant 16 : i32
      %mul3A_613 = arith.muli %scan3A_421, %mul3A_612 : i32
      %add3A_614 = arith.constant 7 : i32
      %add3A_615 = arith.addi %mul3A_613, %add3A_614 : i32
      %broadcast_in_dim3A_616 = vector.broadcast %add3A_615 : i32 to vector<16xi32>
      %add3A_617 = arith.addi %broadcast_in_dim3A_616, %mul3A_7 : vector<16xi32>
      %gather3A_618 = tpu.vector_load_idx %arg6[%add3A_617] : memref<12800xf32, #tpu.memory_space<vmem>>[vector<16xi32>], vector<16xf32>,
      %slice3A_619 = vector.extract_strided_slice %gather3A {offsets = [7], sizes = [1], strides = [1]} : vector<16xi32> to vector<1xi32>
      %squeeze3A_620 = vector.extract %slice3A_619[0] : i32 from vector<1xi32>
      %slice3A_621 = vector.extract_strided_slice %gather3A_426 {offsets = [7], sizes = [1], strides = [1]} : vector<16xi32> to vector<1xi32>
      %squeeze3A_622 = vector.extract %slice3A_621[0] : i32 from vector<1xi32>
      %mul3A_623 = arith.constant 16 : i32
      %mul3A_624 = arith.muli %squeeze3A_620, %mul3A_623 : i32
      %broadcast_in_dim3A_625 = vector.broadcast %mul3A_624 : i32 to vector<16xi32>
      %add3A_626 = arith.addi %broadcast_in_dim3A_625, %iota3A : vector<16xi32>
      %gather3A_627 = tpu.vector_load_idx %arg9[%add3A_626] : memref<1600xf32, #tpu.memory_space<vmem>>[vector<16xi32>], vector<16xf32>,
      %min3A_628 = arith.minimumf %gather3A_627, %gather3A_618 : vector<16xf32>
      %max3A_629 = arith.maximumf %gather3A_627, %gather3A_618 : vector<16xf32>
      %select_n3A_630 = arith.select %lt3A_2, %min3A_628, %max3A_629 : vector<16xi1>, vector<16xf32>
      tpu.vector_store_idx %arg9[%add3A_626], %select_n3A_630 : memref<1600xf32, #tpu.memory_space<vmem>>[vector<16xi32>], vector<16xf32>,
      %mul3A_631 = arith.constant 16 : i32
      %mul3A_632 = arith.muli %squeeze3A_622, %mul3A_631 : i32
      %broadcast_in_dim3A_633 = vector.broadcast %mul3A_632 : i32 to vector<16xi32>
      %add3A_634 = arith.addi %broadcast_in_dim3A_633, %iota3A : vector<16xi32>
      %gather3A_635 = tpu.vector_load_idx %arg9[%add3A_634] : memref<1600xf32, #tpu.memory_space<vmem>>[vector<16xi32>], vector<16xf32>,
      %min3A_636 = arith.minimumf %gather3A_635, %gather3A_618 : vector<16xf32>
      %max3A_637 = arith.maximumf %gather3A_635, %gather3A_618 : vector<16xf32>
      %select_n3A_638 = arith.select %lt3A_2, %min3A_636, %max3A_637 : vector<16xi1>, vector<16xf32>
      tpu.vector_store_idx %arg9[%add3A_634], %select_n3A_638 : memref<1600xf32, #tpu.memory_space<vmem>>[vector<16xi32>], vector<16xf32>,
      %mul3A_639 = arith.constant 16 : i32
      %mul3A_640 = arith.muli %scan3A_421, %mul3A_639 : i32
      %add3A_641 = arith.constant 8 : i32
      %add3A_642 = arith.addi %mul3A_640, %add3A_641 : i32
      %broadcast_in_dim3A_643 = vector.broadcast %add3A_642 : i32 to vector<16xi32>
      %add3A_644 = arith.addi %broadcast_in_dim3A_643, %mul3A_7 : vector<16xi32>
      %gather3A_645 = tpu.vector_load_idx %arg6[%add3A_644] : memref<12800xf32, #tpu.memory_space<vmem>>[vector<16xi32>], vector<16xf32>,
      %slice3A_646 = vector.extract_strided_slice %gather3A {offsets = [8], sizes = [1], strides = [1]} : vector<16xi32> to vector<1xi32>
      %squeeze3A_647 = vector.extract %slice3A_646[0] : i32 from vector<1xi32>
      %slice3A_648 = vector.extract_strided_slice %gather3A_426 {offsets = [8], sizes = [1], strides = [1]} : vector<16xi32> to vector<1xi32>
      %squeeze3A_649 = vector.extract %slice3A_648[0] : i32 from vector<1xi32>
      %mul3A_650 = arith.constant 16 : i32
      %mul3A_651 = arith.muli %squeeze3A_647, %mul3A_650 : i32
      %broadcast_in_dim3A_652 = vector.broadcast %mul3A_651 : i32 to vector<16xi32>
      %add3A_653 = arith.addi %broadcast_in_dim3A_652, %iota3A : vector<16xi32>
      %gather3A_654 = tpu.vector_load_idx %arg9[%add3A_653] : memref<1600xf32, #tpu.memory_space<vmem>>[vector<16xi32>], vector<16xf32>,
      %min3A_655 = arith.minimumf %gather3A_654, %gather3A_645 : vector<16xf32>
      %max3A_656 = arith.maximumf %gather3A_654, %gather3A_645 : vector<16xf32>
      %select_n3A_657 = arith.select %lt3A_2, %min3A_655, %max3A_656 : vector<16xi1>, vector<16xf32>
      tpu.vector_store_idx %arg9[%add3A_653], %select_n3A_657 : memref<1600xf32, #tpu.memory_space<vmem>>[vector<16xi32>], vector<16xf32>,
      %mul3A_658 = arith.constant 16 : i32
      %mul3A_659 = arith.muli %squeeze3A_649, %mul3A_658 : i32
      %broadcast_in_dim3A_660 = vector.broadcast %mul3A_659 : i32 to vector<16xi32>
      %add3A_661 = arith.addi %broadcast_in_dim3A_660, %iota3A : vector<16xi32>
      %gather3A_662 = tpu.vector_load_idx %arg9[%add3A_661] : memref<1600xf32, #tpu.memory_space<vmem>>[vector<16xi32>], vector<16xf32>,
      %min3A_663 = arith.minimumf %gather3A_662, %gather3A_645 : vector<16xf32>
      %max3A_664 = arith.maximumf %gather3A_662, %gather3A_645 : vector<16xf32>
      %select_n3A_665 = arith.select %lt3A_2, %min3A_663, %max3A_664 : vector<16xi1>, vector<16xf32>
      tpu.vector_store_idx %arg9[%add3A_661], %select_n3A_665 : memref<1600xf32, #tpu.memory_space<vmem>>[vector<16xi32>], vector<16xf32>,
      %mul3A_666 = arith.constant 16 : i32
      %mul3A_667 = arith.muli %scan3A_421, %mul3A_666 : i32
      %add3A_668 = arith.constant 9 : i32
      %add3A_669 = arith.addi %mul3A_667, %add3A_668 : i32
      %broadcast_in_dim3A_670 = vector.broadcast %add3A_669 : i32 to vector<16xi32>
      %add3A_671 = arith.addi %broadcast_in_dim3A_670, %mul3A_7 : vector<16xi32>
      %gather3A_672 = tpu.vector_load_idx %arg6[%add3A_671] : memref<12800xf32, #tpu.memory_space<vmem>>[vector<16xi32>], vector<16xf32>,
      %slice3A_673 = vector.extract_strided_slice %gather3A {offsets = [9], sizes = [1], strides = [1]} : vector<16xi32> to vector<1xi32>
      %squeeze3A_674 = vector.extract %slice3A_673[0] : i32 from vector<1xi32>
      %slice3A_675 = vector.extract_strided_slice %gather3A_426 {offsets = [9], sizes = [1], strides = [1]} : vector<16xi32> to vector<1xi32>
      %squeeze3A_676 = vector.extract %slice3A_675[0] : i32 from vector<1xi32>
      %mul3A_677 = arith.constant 16 : i32
      %mul3A_678 = arith.muli %squeeze3A_674, %mul3A_677 : i32
      %broadcast_in_dim3A_679 = vector.broadcast %mul3A_678 : i32 to vector<16xi32>
      %add3A_680 = arith.addi %broadcast_in_dim3A_679, %iota3A : vector<16xi32>
      %gather3A_681 = tpu.vector_load_idx %arg9[%add3A_680] : memref<1600xf32, #tpu.memory_space<vmem>>[vector<16xi32>], vector<16xf32>,
      %min3A_682 = arith.minimumf %gather3A_681, %gather3A_672 : vector<16xf32>
      %max3A_683 = arith.maximumf %gather3A_681, %gather3A_672 : vector<16xf32>
      %select_n3A_684 = arith.select %lt3A_2, %min3A_682, %max3A_683 : vector<16xi1>, vector<16xf32>
      tpu.vector_store_idx %arg9[%add3A_680], %select_n3A_684 : memref<1600xf32, #tpu.memory_space<vmem>>[vector<16xi32>], vector<16xf32>,
      %mul3A_685 = arith.constant 16 : i32
      %mul3A_686 = arith.muli %squeeze3A_676, %mul3A_685 : i32
      %broadcast_in_dim3A_687 = vector.broadcast %mul3A_686 : i32 to vector<16xi32>
      %add3A_688 = arith.addi %broadcast_in_dim3A_687, %iota3A : vector<16xi32>
      %gather3A_689 = tpu.vector_load_idx %arg9[%add3A_688] : memref<1600xf32, #tpu.memory_space<vmem>>[vector<16xi32>], vector<16xf32>,
      %min3A_690 = arith.minimumf %gather3A_689, %gather3A_672 : vector<16xf32>
      %max3A_691 = arith.maximumf %gather3A_689, %gather3A_672 : vector<16xf32>
      %select_n3A_692 = arith.select %lt3A_2, %min3A_690, %max3A_691 : vector<16xi1>, vector<16xf32>
      tpu.vector_store_idx %arg9[%add3A_688], %select_n3A_692 : memref<1600xf32, #tpu.memory_space<vmem>>[vector<16xi32>], vector<16xf32>,
      %mul3A_693 = arith.constant 16 : i32
      %mul3A_694 = arith.muli %scan3A_421, %mul3A_693 : i32
      %add3A_695 = arith.constant 10 : i32
      %add3A_696 = arith.addi %mul3A_694, %add3A_695 : i32
      %broadcast_in_dim3A_697 = vector.broadcast %add3A_696 : i32 to vector<16xi32>
      %add3A_698 = arith.addi %broadcast_in_dim3A_697, %mul3A_7 : vector<16xi32>
      %gather3A_699 = tpu.vector_load_idx %arg6[%add3A_698] : memref<12800xf32, #tpu.memory_space<vmem>>[vector<16xi32>], vector<16xf32>,
      %slice3A_700 = vector.extract_strided_slice %gather3A {offsets = [10], sizes = [1], strides = [1]} : vector<16xi32> to vector<1xi32>
      %squeeze3A_701 = vector.extract %slice3A_700[0] : i32 from vector<1xi32>
      %slice3A_702 = vector.extract_strided_slice %gather3A_426 {offsets = [10], sizes = [1], strides = [1]} : vector<16xi32> to vector<1xi32>
      %squeeze3A_703 = vector.extract %slice3A_702[0] : i32 from vector<1xi32>
      %mul3A_704 = arith.constant 16 : i32
      %mul3A_705 = arith.muli %squeeze3A_701, %mul3A_704 : i32
      %broadcast_in_dim3A_706 = vector.broadcast %mul3A_705 : i32 to vector<16xi32>
      %add3A_707 = arith.addi %broadcast_in_dim3A_706, %iota3A : vector<16xi32>
      %gather3A_708 = tpu.vector_load_idx %arg9[%add3A_707] : memref<1600xf32, #tpu.memory_space<vmem>>[vector<16xi32>], vector<16xf32>,
      %min3A_709 = arith.minimumf %gather3A_708, %gather3A_699 : vector<16xf32>
      %max3A_710 = arith.maximumf %gather3A_708, %gather3A_699 : vector<16xf32>
      %select_n3A_711 = arith.select %lt3A_2, %min3A_709, %max3A_710 : vector<16xi1>, vector<16xf32>
      tpu.vector_store_idx %arg9[%add3A_707], %select_n3A_711 : memref<1600xf32, #tpu.memory_space<vmem>>[vector<16xi32>], vector<16xf32>,
      %mul3A_712 = arith.constant 16 : i32
      %mul3A_713 = arith.muli %squeeze3A_703, %mul3A_712 : i32
      %broadcast_in_dim3A_714 = vector.broadcast %mul3A_713 : i32 to vector<16xi32>
      %add3A_715 = arith.addi %broadcast_in_dim3A_714, %iota3A : vector<16xi32>
      %gather3A_716 = tpu.vector_load_idx %arg9[%add3A_715] : memref<1600xf32, #tpu.memory_space<vmem>>[vector<16xi32>], vector<16xf32>,
      %min3A_717 = arith.minimumf %gather3A_716, %gather3A_699 : vector<16xf32>
      %max3A_718 = arith.maximumf %gather3A_716, %gather3A_699 : vector<16xf32>
      %select_n3A_719 = arith.select %lt3A_2, %min3A_717, %max3A_718 : vector<16xi1>, vector<16xf32>
      tpu.vector_store_idx %arg9[%add3A_715], %select_n3A_719 : memref<1600xf32, #tpu.memory_space<vmem>>[vector<16xi32>], vector<16xf32>,
      %mul3A_720 = arith.constant 16 : i32
      %mul3A_721 = arith.muli %scan3A_421, %mul3A_720 : i32
      %add3A_722 = arith.constant 11 : i32
      %add3A_723 = arith.addi %mul3A_721, %add3A_722 : i32
      %broadcast_in_dim3A_724 = vector.broadcast %add3A_723 : i32 to vector<16xi32>
      %add3A_725 = arith.addi %broadcast_in_dim3A_724, %mul3A_7 : vector<16xi32>
      %gather3A_726 = tpu.vector_load_idx %arg6[%add3A_725] : memref<12800xf32, #tpu.memory_space<vmem>>[vector<16xi32>], vector<16xf32>,
      %slice3A_727 = vector.extract_strided_slice %gather3A {offsets = [11], sizes = [1], strides = [1]} : vector<16xi32> to vector<1xi32>
      %squeeze3A_728 = vector.extract %slice3A_727[0] : i32 from vector<1xi32>
      %slice3A_729 = vector.extract_strided_slice %gather3A_426 {offsets = [11], sizes = [1], strides = [1]} : vector<16xi32> to vector<1xi32>
      %squeeze3A_730 = vector.extract %slice3A_729[0] : i32 from vector<1xi32>
      %mul3A_731 = arith.constant 16 : i32
      %mul3A_732 = arith.muli %squeeze3A_728, %mul3A_731 : i32
      %broadcast_in_dim3A_733 = vector.broadcast %mul3A_732 : i32 to vector<16xi32>
      %add3A_734 = arith.addi %broadcast_in_dim3A_733, %iota3A : vector<16xi32>
      %gather3A_735 = tpu.vector_load_idx %arg9[%add3A_734] : memref<1600xf32, #tpu.memory_space<vmem>>[vector<16xi32>], vector<16xf32>,
      %min3A_736 = arith.minimumf %gather3A_735, %gather3A_726 : vector<16xf32>
      %max3A_737 = arith.maximumf %gather3A_735, %gather3A_726 : vector<16xf32>
      %select_n3A_738 = arith.select %lt3A_2, %min3A_736, %max3A_737 : vector<16xi1>, vector<16xf32>
      tpu.vector_store_idx %arg9[%add3A_734], %select_n3A_738 : memref<1600xf32, #tpu.memory_space<vmem>>[vector<16xi32>], vector<16xf32>,
      %mul3A_739 = arith.constant 16 : i32
      %mul3A_740 = arith.muli %squeeze3A_730, %mul3A_739 : i32
      %broadcast_in_dim3A_741 = vector.broadcast %mul3A_740 : i32 to vector<16xi32>
      %add3A_742 = arith.addi %broadcast_in_dim3A_741, %iota3A : vector<16xi32>
      %gather3A_743 = tpu.vector_load_idx %arg9[%add3A_742] : memref<1600xf32, #tpu.memory_space<vmem>>[vector<16xi32>], vector<16xf32>,
      %min3A_744 = arith.minimumf %gather3A_743, %gather3A_726 : vector<16xf32>
      %max3A_745 = arith.maximumf %gather3A_743, %gather3A_726 : vector<16xf32>
      %select_n3A_746 = arith.select %lt3A_2, %min3A_744, %max3A_745 : vector<16xi1>, vector<16xf32>
      tpu.vector_store_idx %arg9[%add3A_742], %select_n3A_746 : memref<1600xf32, #tpu.memory_space<vmem>>[vector<16xi32>], vector<16xf32>,
      %mul3A_747 = arith.constant 16 : i32
      %mul3A_748 = arith.muli %scan3A_421, %mul3A_747 : i32
      %add3A_749 = arith.constant 12 : i32
      %add3A_750 = arith.addi %mul3A_748, %add3A_749 : i32
      %broadcast_in_dim3A_751 = vector.broadcast %add3A_750 : i32 to vector<16xi32>
      %add3A_752 = arith.addi %broadcast_in_dim3A_751, %mul3A_7 : vector<16xi32>
      %gather3A_753 = tpu.vector_load_idx %arg6[%add3A_752] : memref<12800xf32, #tpu.memory_space<vmem>>[vector<16xi32>], vector<16xf32>,
      %slice3A_754 = vector.extract_strided_slice %gather3A {offsets = [12], sizes = [1], strides = [1]} : vector<16xi32> to vector<1xi32>
      %squeeze3A_755 = vector.extract %slice3A_754[0] : i32 from vector<1xi32>
      %slice3A_756 = vector.extract_strided_slice %gather3A_426 {offsets = [12], sizes = [1], strides = [1]} : vector<16xi32> to vector<1xi32>
      %squeeze3A_757 = vector.extract %slice3A_756[0] : i32 from vector<1xi32>
      %mul3A_758 = arith.constant 16 : i32
      %mul3A_759 = arith.muli %squeeze3A_755, %mul3A_758 : i32
      %broadcast_in_dim3A_760 = vector.broadcast %mul3A_759 : i32 to vector<16xi32>
      %add3A_761 = arith.addi %broadcast_in_dim3A_760, %iota3A : vector<16xi32>
      %gather3A_762 = tpu.vector_load_idx %arg9[%add3A_761] : memref<1600xf32, #tpu.memory_space<vmem>>[vector<16xi32>], vector<16xf32>,
      %min3A_763 = arith.minimumf %gather3A_762, %gather3A_753 : vector<16xf32>
      %max3A_764 = arith.maximumf %gather3A_762, %gather3A_753 : vector<16xf32>
      %select_n3A_765 = arith.select %lt3A_2, %min3A_763, %max3A_764 : vector<16xi1>, vector<16xf32>
      tpu.vector_store_idx %arg9[%add3A_761], %select_n3A_765 : memref<1600xf32, #tpu.memory_space<vmem>>[vector<16xi32>], vector<16xf32>,
      %mul3A_766 = arith.constant 16 : i32
      %mul3A_767 = arith.muli %squeeze3A_757, %mul3A_766 : i32
      %broadcast_in_dim3A_768 = vector.broadcast %mul3A_767 : i32 to vector<16xi32>
      %add3A_769 = arith.addi %broadcast_in_dim3A_768, %iota3A : vector<16xi32>
      %gather3A_770 = tpu.vector_load_idx %arg9[%add3A_769] : memref<1600xf32, #tpu.memory_space<vmem>>[vector<16xi32>], vector<16xf32>,
      %min3A_771 = arith.minimumf %gather3A_770, %gather3A_753 : vector<16xf32>
      %max3A_772 = arith.maximumf %gather3A_770, %gather3A_753 : vector<16xf32>
      %select_n3A_773 = arith.select %lt3A_2, %min3A_771, %max3A_772 : vector<16xi1>, vector<16xf32>
      tpu.vector_store_idx %arg9[%add3A_769], %select_n3A_773 : memref<1600xf32, #tpu.memory_space<vmem>>[vector<16xi32>], vector<16xf32>,
      %mul3A_774 = arith.constant 16 : i32
      %mul3A_775 = arith.muli %scan3A_421, %mul3A_774 : i32
      %add3A_776 = arith.constant 13 : i32
      %add3A_777 = arith.addi %mul3A_775, %add3A_776 : i32
      %broadcast_in_dim3A_778 = vector.broadcast %add3A_777 : i32 to vector<16xi32>
      %add3A_779 = arith.addi %broadcast_in_dim3A_778, %mul3A_7 : vector<16xi32>
      %gather3A_780 = tpu.vector_load_idx %arg6[%add3A_779] : memref<12800xf32, #tpu.memory_space<vmem>>[vector<16xi32>], vector<16xf32>,
      %slice3A_781 = vector.extract_strided_slice %gather3A {offsets = [13], sizes = [1], strides = [1]} : vector<16xi32> to vector<1xi32>
      %squeeze3A_782 = vector.extract %slice3A_781[0] : i32 from vector<1xi32>
      %slice3A_783 = vector.extract_strided_slice %gather3A_426 {offsets = [13], sizes = [1], strides = [1]} : vector<16xi32> to vector<1xi32>
      %squeeze3A_784 = vector.extract %slice3A_783[0] : i32 from vector<1xi32>
      %mul3A_785 = arith.constant 16 : i32
      %mul3A_786 = arith.muli %squeeze3A_782, %mul3A_785 : i32
      %broadcast_in_dim3A_787 = vector.broadcast %mul3A_786 : i32 to vector<16xi32>
      %add3A_788 = arith.addi %broadcast_in_dim3A_787, %iota3A : vector<16xi32>
      %gather3A_789 = tpu.vector_load_idx %arg9[%add3A_788] : memref<1600xf32, #tpu.memory_space<vmem>>[vector<16xi32>], vector<16xf32>,
      %min3A_790 = arith.minimumf %gather3A_789, %gather3A_780 : vector<16xf32>
      %max3A_791 = arith.maximumf %gather3A_789, %gather3A_780 : vector<16xf32>
      %select_n3A_792 = arith.select %lt3A_2, %min3A_790, %max3A_791 : vector<16xi1>, vector<16xf32>
      tpu.vector_store_idx %arg9[%add3A_788], %select_n3A_792 : memref<1600xf32, #tpu.memory_space<vmem>>[vector<16xi32>], vector<16xf32>,
      %mul3A_793 = arith.constant 16 : i32
      %mul3A_794 = arith.muli %squeeze3A_784, %mul3A_793 : i32
      %broadcast_in_dim3A_795 = vector.broadcast %mul3A_794 : i32 to vector<16xi32>
      %add3A_796 = arith.addi %broadcast_in_dim3A_795, %iota3A : vector<16xi32>
      %gather3A_797 = tpu.vector_load_idx %arg9[%add3A_796] : memref<1600xf32, #tpu.memory_space<vmem>>[vector<16xi32>], vector<16xf32>,
      %min3A_798 = arith.minimumf %gather3A_797, %gather3A_780 : vector<16xf32>
      %max3A_799 = arith.maximumf %gather3A_797, %gather3A_780 : vector<16xf32>
      %select_n3A_800 = arith.select %lt3A_2, %min3A_798, %max3A_799 : vector<16xi1>, vector<16xf32>
      tpu.vector_store_idx %arg9[%add3A_796], %select_n3A_800 : memref<1600xf32, #tpu.memory_space<vmem>>[vector<16xi32>], vector<16xf32>,
      %mul3A_801 = arith.constant 16 : i32
      %mul3A_802 = arith.muli %scan3A_421, %mul3A_801 : i32
      %add3A_803 = arith.constant 14 : i32
      %add3A_804 = arith.addi %mul3A_802, %add3A_803 : i32
      %broadcast_in_dim3A_805 = vector.broadcast %add3A_804 : i32 to vector<16xi32>
      %add3A_806 = arith.addi %broadcast_in_dim3A_805, %mul3A_7 : vector<16xi32>
      %gather3A_807 = tpu.vector_load_idx %arg6[%add3A_806] : memref<12800xf32, #tpu.memory_space<vmem>>[vector<16xi32>], vector<16xf32>,
      %slice3A_808 = vector.extract_strided_slice %gather3A {offsets = [14], sizes = [1], strides = [1]} : vector<16xi32> to vector<1xi32>
      %squeeze3A_809 = vector.extract %slice3A_808[0] : i32 from vector<1xi32>
      %slice3A_810 = vector.extract_strided_slice %gather3A_426 {offsets = [14], sizes = [1], strides = [1]} : vector<16xi32> to vector<1xi32>
      %squeeze3A_811 = vector.extract %slice3A_810[0] : i32 from vector<1xi32>
      %mul3A_812 = arith.constant 16 : i32
      %mul3A_813 = arith.muli %squeeze3A_809, %mul3A_812 : i32
      %broadcast_in_dim3A_814 = vector.broadcast %mul3A_813 : i32 to vector<16xi32>
      %add3A_815 = arith.addi %broadcast_in_dim3A_814, %iota3A : vector<16xi32>
      %gather3A_816 = tpu.vector_load_idx %arg9[%add3A_815] : memref<1600xf32, #tpu.memory_space<vmem>>[vector<16xi32>], vector<16xf32>,
      %min3A_817 = arith.minimumf %gather3A_816, %gather3A_807 : vector<16xf32>
      %max3A_818 = arith.maximumf %gather3A_816, %gather3A_807 : vector<16xf32>
      %select_n3A_819 = arith.select %lt3A_2, %min3A_817, %max3A_818 : vector<16xi1>, vector<16xf32>
      tpu.vector_store_idx %arg9[%add3A_815], %select_n3A_819 : memref<1600xf32, #tpu.memory_space<vmem>>[vector<16xi32>], vector<16xf32>,
      %mul3A_820 = arith.constant 16 : i32
      %mul3A_821 = arith.muli %squeeze3A_811, %mul3A_820 : i32
      %broadcast_in_dim3A_822 = vector.broadcast %mul3A_821 : i32 to vector<16xi32>
      %add3A_823 = arith.addi %broadcast_in_dim3A_822, %iota3A : vector<16xi32>
      %gather3A_824 = tpu.vector_load_idx %arg9[%add3A_823] : memref<1600xf32, #tpu.memory_space<vmem>>[vector<16xi32>], vector<16xf32>,
      %min3A_825 = arith.minimumf %gather3A_824, %gather3A_807 : vector<16xf32>
      %max3A_826 = arith.maximumf %gather3A_824, %gather3A_807 : vector<16xf32>
      %select_n3A_827 = arith.select %lt3A_2, %min3A_825, %max3A_826 : vector<16xi1>, vector<16xf32>
      tpu.vector_store_idx %arg9[%add3A_823], %select_n3A_827 : memref<1600xf32, #tpu.memory_space<vmem>>[vector<16xi32>], vector<16xf32>,
      %mul3A_828 = arith.constant 16 : i32
      %mul3A_829 = arith.muli %scan3A_421, %mul3A_828 : i32
      %add3A_830 = arith.constant 15 : i32
      %add3A_831 = arith.addi %mul3A_829, %add3A_830 : i32
      %broadcast_in_dim3A_832 = vector.broadcast %add3A_831 : i32 to vector<16xi32>
      %add3A_833 = arith.addi %broadcast_in_dim3A_832, %mul3A_7 : vector<16xi32>
      %gather3A_834 = tpu.vector_load_idx %arg6[%add3A_833] : memref<12800xf32, #tpu.memory_space<vmem>>[vector<16xi32>], vector<16xf32>,
      %slice3A_835 = vector.extract_strided_slice %gather3A {offsets = [15], sizes = [1], strides = [1]} : vector<16xi32> to vector<1xi32>
      %squeeze3A_836 = vector.extract %slice3A_835[0] : i32 from vector<1xi32>
      %slice3A_837 = vector.extract_strided_slice %gather3A_426 {offsets = [15], sizes = [1], strides = [1]} : vector<16xi32> to vector<1xi32>
      %squeeze3A_838 = vector.extract %slice3A_837[0] : i32 from vector<1xi32>
      %mul3A_839 = arith.constant 16 : i32
      %mul3A_840 = arith.muli %squeeze3A_836, %mul3A_839 : i32
      %broadcast_in_dim3A_841 = vector.broadcast %mul3A_840 : i32 to vector<16xi32>
      %add3A_842 = arith.addi %broadcast_in_dim3A_841, %iota3A : vector<16xi32>
      %gather3A_843 = tpu.vector_load_idx %arg9[%add3A_842] : memref<1600xf32, #tpu.memory_space<vmem>>[vector<16xi32>], vector<16xf32>,
      %min3A_844 = arith.minimumf %gather3A_843, %gather3A_834 : vector<16xf32>
      %max3A_845 = arith.maximumf %gather3A_843, %gather3A_834 : vector<16xf32>
      %select_n3A_846 = arith.select %lt3A_2, %min3A_844, %max3A_845 : vector<16xi1>, vector<16xf32>
      tpu.vector_store_idx %arg9[%add3A_842], %select_n3A_846 : memref<1600xf32, #tpu.memory_space<vmem>>[vector<16xi32>], vector<16xf32>,
      %mul3A_847 = arith.constant 16 : i32
      %mul3A_848 = arith.muli %squeeze3A_838, %mul3A_847 : i32
      %broadcast_in_dim3A_849 = vector.broadcast %mul3A_848 : i32 to vector<16xi32>
      %add3A_850 = arith.addi %broadcast_in_dim3A_849, %iota3A : vector<16xi32>
      %gather3A_851 = tpu.vector_load_idx %arg9[%add3A_850] : memref<1600xf32, #tpu.memory_space<vmem>>[vector<16xi32>], vector<16xf32>,
      %min3A_852 = arith.minimumf %gather3A_851, %gather3A_834 : vector<16xf32>
      %max3A_853 = arith.maximumf %gather3A_851, %gather3A_834 : vector<16xf32>
      %select_n3A_854 = arith.select %lt3A_2, %min3A_852, %max3A_853 : vector<16xi1>, vector<16xf32>
      tpu.vector_store_idx %arg9[%add3A_850], %select_n3A_854 : memref<1600xf32, #tpu.memory_space<vmem>>[vector<16xi32>], vector<16xf32>,
    }
    %scan3A_155 = arith.constant 100 : i32
    %broadcast_in_dim3A_156 = arith.constant 0.000000e+00 : f32
    %broadcast_in_dim3A_157 = vector.broadcast %broadcast_in_dim3A_156 : f32 to vector<16xf32>
    %scan3A_158 = arith.constant 0 : i32
    %scan3A_159 = arith.constant 100 : i32
    %scan3A_160 = arith.addi %scan3A_158, %scan3A_159 : i32
    %scan3A_161 = arith.constant 1 : i32
    %scan3A_162 = scf.for %scan3A_421 = %scan3A_158 to %scan3A_160 step %scan3A_161 iter_args(%scan3A_422 = %broadcast_in_dim3A_157) -> (vector<16xf32>)  : i32 {
      %mul3A_423 = arith.constant 16 : i32
      %mul3A_424 = arith.muli %scan3A_421, %mul3A_423 : i32
      %broadcast_in_dim3A_425 = vector.broadcast %mul3A_424 : i32 to vector<16xi32>
      %add3A_426 = arith.addi %broadcast_in_dim3A_425, %iota3A : vector<16xi32>
      %gather3A = tpu.vector_load_idx %arg9[%add3A_426] : memref<1600xf32, #tpu.memory_space<vmem>>[vector<16xi32>], vector<16xf32>,
      %abs3A = math.absf %gather3A : vector<16xf32>
      %lt3A_427 = arith.constant 0x7F800000 : f32
      %lt3A_428 = vector.broadcast %lt3A_427 : f32 to vector<16xf32>
      %lt3A_429 = arith.cmpf olt, %abs3A, %lt3A_428 : vector<16xf32>
      %jit3A_430 = arith.constant 1.000000e+00 : f32
      %broadcast_in_dim3A_431 = vector.broadcast %jit3A_430 : f32 to vector<16xf32>
      %select_n3A_432 = arith.select %lt3A_429, %gather3A, %broadcast_in_dim3A_431 : vector<16xi1>, vector<16xf32>
      tpu.vector_store_idx %arg9[%add3A_426], %select_n3A_432 : memref<1600xf32, #tpu.memory_space<vmem>>[vector<16xi32>], vector<16xf32>,
      %add3A_433 = arith.addf %scan3A_422, %select_n3A_432 : vector<16xf32>
      scf.yield %add3A_433 : vector<16xf32>
    }
    %scan3A_163 = arith.constant 100 : i32
    %div3A_164 = arith.constant 1.000000e+02 : f32
    %div3A_165 = vector.broadcast %div3A_164 : f32 to vector<16xf32>
    %div3A_166 = arith.divf %scan3A_162, %div3A_165 : vector<16xf32>
    %broadcast_in_dim3A_167 = arith.constant 0.000000e+00 : f32
    %broadcast_in_dim3A_168 = vector.broadcast %broadcast_in_dim3A_167 : f32 to vector<16xf32>
    %broadcast_in_dim3A_169 = arith.constant 0.000000e+00 : f32
    %broadcast_in_dim3A_170 = vector.broadcast %broadcast_in_dim3A_169 : f32 to vector<16xf32>
    %broadcast_in_dim3A_171 = arith.constant 0.000000e+00 : f32
    %broadcast_in_dim3A_172 = vector.broadcast %broadcast_in_dim3A_171 : f32 to vector<16xf32>
    %broadcast_in_dim3A_173 = arith.constant 0.000000e+00 : f32
    %broadcast_in_dim3A_174 = vector.broadcast %broadcast_in_dim3A_173 : f32 to vector<16xf32>
    %broadcast_in_dim3A_175 = arith.constant 0.000000e+00 : f32
    %broadcast_in_dim3A_176 = vector.broadcast %broadcast_in_dim3A_175 : f32 to vector<16xf32>
    %broadcast_in_dim3A_177 = arith.constant 0.000000e+00 : f32
    %broadcast_in_dim3A_178 = vector.broadcast %broadcast_in_dim3A_177 : f32 to vector<16xf32>
    %broadcast_in_dim3A_179 = arith.constant 0.000000e+00 : f32
    %broadcast_in_dim3A_180 = vector.broadcast %broadcast_in_dim3A_179 : f32 to vector<16xf32>
    %broadcast_in_dim3A_181 = arith.constant 0.000000e+00 : f32
    %broadcast_in_dim3A_182 = vector.broadcast %broadcast_in_dim3A_181 : f32 to vector<16xf32>
    %scan3A_183 = arith.constant 0 : i32
    %scan3A_184 = arith.constant 100 : i32
    %scan3A_185 = arith.addi %scan3A_183, %scan3A_184 : i32
    %scan3A_186 = arith.constant 1 : i32
    %scan3A_187:8 = scf.for %scan3A_421 = %scan3A_183 to %scan3A_185 step %scan3A_186 iter_args(%scan3A_422 = %broadcast_in_dim3A_168, %scan3A_423 = %broadcast_in_dim3A_170, %scan3A_424 = %broadcast_in_dim3A_172, %scan3A_425 = %broadcast_in_dim3A_174, %scan3A_426 = %broadcast_in_dim3A_176, %scan3A_427 = %broadcast_in_dim3A_178, %scan3A_428 = %broadcast_in_dim3A_180, %scan3A_429 = %broadcast_in_dim3A_182) -> (vector<16xf32>, vector<16xf32>, vector<16xf32>, vector<16xf32>, vector<16xf32>, vector<16xf32>, vector<16xf32>, vector<16xf32>)  : i32 {
      %mul3A_430 = arith.constant 16 : i32
      %mul3A_431 = arith.muli %scan3A_421, %mul3A_430 : i32
      %add3A_432 = vector.broadcast %mul3A_431 : i32 to vector<16xi32>
      %add3A_433 = arith.addi %add3A_432, %iota3A : vector<16xi32>
      %gather3A = tpu.vector_load_idx %arg7[%add3A_433] : memref<1600xi32, #tpu.memory_space<vmem>>[vector<16xi32>], vector<16xi32>,
      %gather3A_434 = tpu.vector_load_idx %arg8[%add3A_433] : memref<1600xi32, #tpu.memory_space<vmem>>[vector<16xi32>], vector<16xi32>,
      %add3A_435 = arith.constant 0 : i32
      %add3A_436 = vector.broadcast %add3A_435 : i32 to vector<16xi32>
      %add3A_437 = arith.addi %add3A_433, %add3A_436 : vector<16xi32>
      %gather3A_438 = tpu.vector_load_idx %arg6[%add3A_437] : memref<12800xf32, #tpu.memory_space<vmem>>[vector<16xi32>], vector<16xf32>,
      %mul3A_439 = arith.constant 16 : i32
      %mul3A_440 = vector.broadcast %mul3A_439 : i32 to vector<16xi32>
      %mul3A_441 = arith.muli %gather3A, %mul3A_440 : vector<16xi32>
      %add3A_442 = arith.constant 0 : i32
      %add3A_443 = vector.broadcast %add3A_442 : i32 to vector<16xi32>
      %add3A_444 = arith.addi %mul3A_441, %add3A_443 : vector<16xi32>
      %gather3A_445 = tpu.vector_load_idx %arg9[%add3A_444] : memref<1600xf32, #tpu.memory_space<vmem>>[vector<16xi32>], vector<16xf32>,
      %mul3A_446 = arith.constant 16 : i32
      %mul3A_447 = vector.broadcast %mul3A_446 : i32 to vector<16xi32>
      %mul3A_448 = arith.muli %gather3A_434, %mul3A_447 : vector<16xi32>
      %add3A_449 = arith.constant 0 : i32
      %add3A_450 = vector.broadcast %add3A_449 : i32 to vector<16xi32>
      %add3A_451 = arith.addi %mul3A_448, %add3A_450 : vector<16xi32>
      %gather3A_452 = tpu.vector_load_idx %arg9[%add3A_451] : memref<1600xf32, #tpu.memory_space<vmem>>[vector<16xi32>], vector<16xf32>,
      %gt3A = arith.cmpf ogt, %gather3A_438, %gather3A_445 : vector<16xf32>
      %gt3A_453 = arith.cmpf ogt, %gather3A_438, %gather3A_452 : vector<16xf32>
      %and3A_454 = arith.andi %gt3A, %gt3A_453 : vector<16xi1>
      %jit3A_455 = arith.constant 1.000000e+00 : f32
      %jit3A_456 = arith.constant 0.000000e+00 : f32
      %broadcast_in_dim3A_457 = vector.broadcast %jit3A_455 : f32 to vector<16xf32>
      %broadcast_in_dim3A_458 = vector.broadcast %jit3A_456 : f32 to vector<16xf32>
      %select_n3A_459 = arith.select %and3A_454, %broadcast_in_dim3A_457, %broadcast_in_dim3A_458 : vector<16xi1>, vector<16xf32>
      %max3A = arith.maximumf %scan3A_422, %select_n3A_459 : vector<16xf32>
      %add3A_460 = arith.constant 1600 : i32
      %add3A_461 = vector.broadcast %add3A_460 : i32 to vector<16xi32>
      %add3A_462 = arith.addi %add3A_433, %add3A_461 : vector<16xi32>
      %gather3A_463 = tpu.vector_load_idx %arg6[%add3A_462] : memref<12800xf32, #tpu.memory_space<vmem>>[vector<16xi32>], vector<16xf32>,
      %mul3A_464 = arith.constant 16 : i32
      %mul3A_465 = vector.broadcast %mul3A_464 : i32 to vector<16xi32>
      %mul3A_466 = arith.muli %gather3A, %mul3A_465 : vector<16xi32>
      %add3A_467 = arith.constant 1 : i32
      %add3A_468 = vector.broadcast %add3A_467 : i32 to vector<16xi32>
      %add3A_469 = arith.addi %mul3A_466, %add3A_468 : vector<16xi32>
      %gather3A_470 = tpu.vector_load_idx %arg9[%add3A_469] : memref<1600xf32, #tpu.memory_space<vmem>>[vector<16xi32>], vector<16xf32>,
      %mul3A_471 = arith.constant 16 : i32
      %mul3A_472 = vector.broadcast %mul3A_471 : i32 to vector<16xi32>
      %mul3A_473 = arith.muli %gather3A_434, %mul3A_472 : vector<16xi32>
      %add3A_474 = arith.constant 1 : i32
      %add3A_475 = vector.broadcast %add3A_474 : i32 to vector<16xi32>
      %add3A_476 = arith.addi %mul3A_473, %add3A_475 : vector<16xi32>
      %gather3A_477 = tpu.vector_load_idx %arg9[%add3A_476] : memref<1600xf32, #tpu.memory_space<vmem>>[vector<16xi32>], vector<16xf32>,
      %gt3A_478 = arith.cmpf ogt, %gather3A_463, %gather3A_470 : vector<16xf32>
      %gt3A_479 = arith.cmpf ogt, %gather3A_463, %gather3A_477 : vector<16xf32>
      %and3A_480 = arith.andi %gt3A_478, %gt3A_479 : vector<16xi1>
      %jit3A_481 = arith.constant 1.000000e+00 : f32
      %jit3A_482 = arith.constant 0.000000e+00 : f32
      %broadcast_in_dim3A_483 = vector.broadcast %jit3A_481 : f32 to vector<16xf32>
      %broadcast_in_dim3A_484 = vector.broadcast %jit3A_482 : f32 to vector<16xf32>
      %select_n3A_485 = arith.select %and3A_480, %broadcast_in_dim3A_483, %broadcast_in_dim3A_484 : vector<16xi1>, vector<16xf32>
      %max3A_486 = arith.maximumf %scan3A_423, %select_n3A_485 : vector<16xf32>
      %add3A_487 = arith.constant 3200 : i32
      %add3A_488 = vector.broadcast %add3A_487 : i32 to vector<16xi32>
      %add3A_489 = arith.addi %add3A_433, %add3A_488 : vector<16xi32>
      %gather3A_490 = tpu.vector_load_idx %arg6[%add3A_489] : memref<12800xf32, #tpu.memory_space<vmem>>[vector<16xi32>], vector<16xf32>,
      %mul3A_491 = arith.constant 16 : i32
      %mul3A_492 = vector.broadcast %mul3A_491 : i32 to vector<16xi32>
      %mul3A_493 = arith.muli %gather3A, %mul3A_492 : vector<16xi32>
      %add3A_494 = arith.constant 2 : i32
      %add3A_495 = vector.broadcast %add3A_494 : i32 to vector<16xi32>
      %add3A_496 = arith.addi %mul3A_493, %add3A_495 : vector<16xi32>
      %gather3A_497 = tpu.vector_load_idx %arg9[%add3A_496] : memref<1600xf32, #tpu.memory_space<vmem>>[vector<16xi32>], vector<16xf32>,
      %mul3A_498 = arith.constant 16 : i32
      %mul3A_499 = vector.broadcast %mul3A_498 : i32 to vector<16xi32>
      %mul3A_500 = arith.muli %gather3A_434, %mul3A_499 : vector<16xi32>
      %add3A_501 = arith.constant 2 : i32
      %add3A_502 = vector.broadcast %add3A_501 : i32 to vector<16xi32>
      %add3A_503 = arith.addi %mul3A_500, %add3A_502 : vector<16xi32>
      %gather3A_504 = tpu.vector_load_idx %arg9[%add3A_503] : memref<1600xf32, #tpu.memory_space<vmem>>[vector<16xi32>], vector<16xf32>,
      %gt3A_505 = arith.cmpf ogt, %gather3A_490, %gather3A_497 : vector<16xf32>
      %gt3A_506 = arith.cmpf ogt, %gather3A_490, %gather3A_504 : vector<16xf32>
      %and3A_507 = arith.andi %gt3A_505, %gt3A_506 : vector<16xi1>
      %jit3A_508 = arith.constant 1.000000e+00 : f32
      %jit3A_509 = arith.constant 0.000000e+00 : f32
      %broadcast_in_dim3A_510 = vector.broadcast %jit3A_508 : f32 to vector<16xf32>
      %broadcast_in_dim3A_511 = vector.broadcast %jit3A_509 : f32 to vector<16xf32>
      %select_n3A_512 = arith.select %and3A_507, %broadcast_in_dim3A_510, %broadcast_in_dim3A_511 : vector<16xi1>, vector<16xf32>
      %max3A_513 = arith.maximumf %scan3A_424, %select_n3A_512 : vector<16xf32>
      %add3A_514 = arith.constant 4800 : i32
      %add3A_515 = vector.broadcast %add3A_514 : i32 to vector<16xi32>
      %add3A_516 = arith.addi %add3A_433, %add3A_515 : vector<16xi32>
      %gather3A_517 = tpu.vector_load_idx %arg6[%add3A_516] : memref<12800xf32, #tpu.memory_space<vmem>>[vector<16xi32>], vector<16xf32>,
      %mul3A_518 = arith.constant 16 : i32
      %mul3A_519 = vector.broadcast %mul3A_518 : i32 to vector<16xi32>
      %mul3A_520 = arith.muli %gather3A, %mul3A_519 : vector<16xi32>
      %add3A_521 = arith.constant 3 : i32
      %add3A_522 = vector.broadcast %add3A_521 : i32 to vector<16xi32>
      %add3A_523 = arith.addi %mul3A_520, %add3A_522 : vector<16xi32>
      %gather3A_524 = tpu.vector_load_idx %arg9[%add3A_523] : memref<1600xf32, #tpu.memory_space<vmem>>[vector<16xi32>], vector<16xf32>,
      %mul3A_525 = arith.constant 16 : i32
      %mul3A_526 = vector.broadcast %mul3A_525 : i32 to vector<16xi32>
      %mul3A_527 = arith.muli %gather3A_434, %mul3A_526 : vector<16xi32>
      %add3A_528 = arith.constant 3 : i32
      %add3A_529 = vector.broadcast %add3A_528 : i32 to vector<16xi32>
      %add3A_530 = arith.addi %mul3A_527, %add3A_529 : vector<16xi32>
      %gather3A_531 = tpu.vector_load_idx %arg9[%add3A_530] : memref<1600xf32, #tpu.memory_space<vmem>>[vector<16xi32>], vector<16xf32>,
      %gt3A_532 = arith.cmpf ogt, %gather3A_517, %gather3A_524 : vector<16xf32>
      %gt3A_533 = arith.cmpf ogt, %gather3A_517, %gather3A_531 : vector<16xf32>
      %and3A_534 = arith.andi %gt3A_532, %gt3A_533 : vector<16xi1>
      %jit3A_535 = arith.constant 1.000000e+00 : f32
      %jit3A_536 = arith.constant 0.000000e+00 : f32
      %broadcast_in_dim3A_537 = vector.broadcast %jit3A_535 : f32 to vector<16xf32>
      %broadcast_in_dim3A_538 = vector.broadcast %jit3A_536 : f32 to vector<16xf32>
      %select_n3A_539 = arith.select %and3A_534, %broadcast_in_dim3A_537, %broadcast_in_dim3A_538 : vector<16xi1>, vector<16xf32>
      %max3A_540 = arith.maximumf %scan3A_425, %select_n3A_539 : vector<16xf32>
      %add3A_541 = arith.constant 6400 : i32
      %add3A_542 = vector.broadcast %add3A_541 : i32 to vector<16xi32>
      %add3A_543 = arith.addi %add3A_433, %add3A_542 : vector<16xi32>
      %gather3A_544 = tpu.vector_load_idx %arg6[%add3A_543] : memref<12800xf32, #tpu.memory_space<vmem>>[vector<16xi32>], vector<16xf32>,
      %mul3A_545 = arith.constant 16 : i32
      %mul3A_546 = vector.broadcast %mul3A_545 : i32 to vector<16xi32>
      %mul3A_547 = arith.muli %gather3A, %mul3A_546 : vector<16xi32>
      %add3A_548 = arith.constant 4 : i32
      %add3A_549 = vector.broadcast %add3A_548 : i32 to vector<16xi32>
      %add3A_550 = arith.addi %mul3A_547, %add3A_549 : vector<16xi32>
      %gather3A_551 = tpu.vector_load_idx %arg9[%add3A_550] : memref<1600xf32, #tpu.memory_space<vmem>>[vector<16xi32>], vector<16xf32>,
      %mul3A_552 = arith.constant 16 : i32
      %mul3A_553 = vector.broadcast %mul3A_552 : i32 to vector<16xi32>
      %mul3A_554 = arith.muli %gather3A_434, %mul3A_553 : vector<16xi32>
      %add3A_555 = arith.constant 4 : i32
      %add3A_556 = vector.broadcast %add3A_555 : i32 to vector<16xi32>
      %add3A_557 = arith.addi %mul3A_554, %add3A_556 : vector<16xi32>
      %gather3A_558 = tpu.vector_load_idx %arg9[%add3A_557] : memref<1600xf32, #tpu.memory_space<vmem>>[vector<16xi32>], vector<16xf32>,
      %gt3A_559 = arith.cmpf ogt, %gather3A_544, %gather3A_551 : vector<16xf32>
      %gt3A_560 = arith.cmpf ogt, %gather3A_544, %gather3A_558 : vector<16xf32>
      %and3A_561 = arith.andi %gt3A_559, %gt3A_560 : vector<16xi1>
      %jit3A_562 = arith.constant 1.000000e+00 : f32
      %jit3A_563 = arith.constant 0.000000e+00 : f32
      %broadcast_in_dim3A_564 = vector.broadcast %jit3A_562 : f32 to vector<16xf32>
      %broadcast_in_dim3A_565 = vector.broadcast %jit3A_563 : f32 to vector<16xf32>
      %select_n3A_566 = arith.select %and3A_561, %broadcast_in_dim3A_564, %broadcast_in_dim3A_565 : vector<16xi1>, vector<16xf32>
      %max3A_567 = arith.maximumf %scan3A_426, %select_n3A_566 : vector<16xf32>
      %add3A_568 = arith.constant 8000 : i32
      %add3A_569 = vector.broadcast %add3A_568 : i32 to vector<16xi32>
      %add3A_570 = arith.addi %add3A_433, %add3A_569 : vector<16xi32>
      %gather3A_571 = tpu.vector_load_idx %arg6[%add3A_570] : memref<12800xf32, #tpu.memory_space<vmem>>[vector<16xi32>], vector<16xf32>,
      %mul3A_572 = arith.constant 16 : i32
      %mul3A_573 = vector.broadcast %mul3A_572 : i32 to vector<16xi32>
      %mul3A_574 = arith.muli %gather3A, %mul3A_573 : vector<16xi32>
      %add3A_575 = arith.constant 5 : i32
      %add3A_576 = vector.broadcast %add3A_575 : i32 to vector<16xi32>
      %add3A_577 = arith.addi %mul3A_574, %add3A_576 : vector<16xi32>
      %gather3A_578 = tpu.vector_load_idx %arg9[%add3A_577] : memref<1600xf32, #tpu.memory_space<vmem>>[vector<16xi32>], vector<16xf32>,
      %mul3A_579 = arith.constant 16 : i32
      %mul3A_580 = vector.broadcast %mul3A_579 : i32 to vector<16xi32>
      %mul3A_581 = arith.muli %gather3A_434, %mul3A_580 : vector<16xi32>
      %add3A_582 = arith.constant 5 : i32
      %add3A_583 = vector.broadcast %add3A_582 : i32 to vector<16xi32>
      %add3A_584 = arith.addi %mul3A_581, %add3A_583 : vector<16xi32>
      %gather3A_585 = tpu.vector_load_idx %arg9[%add3A_584] : memref<1600xf32, #tpu.memory_space<vmem>>[vector<16xi32>], vector<16xf32>,
      %gt3A_586 = arith.cmpf ogt, %gather3A_571, %gather3A_578 : vector<16xf32>
      %gt3A_587 = arith.cmpf ogt, %gather3A_571, %gather3A_585 : vector<16xf32>
      %and3A_588 = arith.andi %gt3A_586, %gt3A_587 : vector<16xi1>
      %jit3A_589 = arith.constant 1.000000e+00 : f32
      %jit3A_590 = arith.constant 0.000000e+00 : f32
      %broadcast_in_dim3A_591 = vector.broadcast %jit3A_589 : f32 to vector<16xf32>
      %broadcast_in_dim3A_592 = vector.broadcast %jit3A_590 : f32 to vector<16xf32>
      %select_n3A_593 = arith.select %and3A_588, %broadcast_in_dim3A_591, %broadcast_in_dim3A_592 : vector<16xi1>, vector<16xf32>
      %max3A_594 = arith.maximumf %scan3A_427, %select_n3A_593 : vector<16xf32>
      %add3A_595 = arith.constant 9600 : i32
      %add3A_596 = vector.broadcast %add3A_595 : i32 to vector<16xi32>
      %add3A_597 = arith.addi %add3A_433, %add3A_596 : vector<16xi32>
      %gather3A_598 = tpu.vector_load_idx %arg6[%add3A_597] : memref<12800xf32, #tpu.memory_space<vmem>>[vector<16xi32>], vector<16xf32>,
      %mul3A_599 = arith.constant 16 : i32
      %mul3A_600 = vector.broadcast %mul3A_599 : i32 to vector<16xi32>
      %mul3A_601 = arith.muli %gather3A, %mul3A_600 : vector<16xi32>
      %add3A_602 = arith.constant 6 : i32
      %add3A_603 = vector.broadcast %add3A_602 : i32 to vector<16xi32>
      %add3A_604 = arith.addi %mul3A_601, %add3A_603 : vector<16xi32>
      %gather3A_605 = tpu.vector_load_idx %arg9[%add3A_604] : memref<1600xf32, #tpu.memory_space<vmem>>[vector<16xi32>], vector<16xf32>,
      %mul3A_606 = arith.constant 16 : i32
      %mul3A_607 = vector.broadcast %mul3A_606 : i32 to vector<16xi32>
      %mul3A_608 = arith.muli %gather3A_434, %mul3A_607 : vector<16xi32>
      %add3A_609 = arith.constant 6 : i32
      %add3A_610 = vector.broadcast %add3A_609 : i32 to vector<16xi32>
      %add3A_611 = arith.addi %mul3A_608, %add3A_610 : vector<16xi32>
      %gather3A_612 = tpu.vector_load_idx %arg9[%add3A_611] : memref<1600xf32, #tpu.memory_space<vmem>>[vector<16xi32>], vector<16xf32>,
      %gt3A_613 = arith.cmpf ogt, %gather3A_598, %gather3A_605 : vector<16xf32>
      %gt3A_614 = arith.cmpf ogt, %gather3A_598, %gather3A_612 : vector<16xf32>
      %and3A_615 = arith.andi %gt3A_613, %gt3A_614 : vector<16xi1>
      %jit3A_616 = arith.constant 1.000000e+00 : f32
      %jit3A_617 = arith.constant 0.000000e+00 : f32
      %broadcast_in_dim3A_618 = vector.broadcast %jit3A_616 : f32 to vector<16xf32>
      %broadcast_in_dim3A_619 = vector.broadcast %jit3A_617 : f32 to vector<16xf32>
      %select_n3A_620 = arith.select %and3A_615, %broadcast_in_dim3A_618, %broadcast_in_dim3A_619 : vector<16xi1>, vector<16xf32>
      %max3A_621 = arith.maximumf %scan3A_428, %select_n3A_620 : vector<16xf32>
      %add3A_622 = arith.constant 11200 : i32
      %add3A_623 = vector.broadcast %add3A_622 : i32 to vector<16xi32>
      %add3A_624 = arith.addi %add3A_433, %add3A_623 : vector<16xi32>
      %gather3A_625 = tpu.vector_load_idx %arg6[%add3A_624] : memref<12800xf32, #tpu.memory_space<vmem>>[vector<16xi32>], vector<16xf32>,
      %mul3A_626 = arith.constant 16 : i32
      %mul3A_627 = vector.broadcast %mul3A_626 : i32 to vector<16xi32>
      %mul3A_628 = arith.muli %gather3A, %mul3A_627 : vector<16xi32>
      %add3A_629 = arith.constant 7 : i32
      %add3A_630 = vector.broadcast %add3A_629 : i32 to vector<16xi32>
      %add3A_631 = arith.addi %mul3A_628, %add3A_630 : vector<16xi32>
      %gather3A_632 = tpu.vector_load_idx %arg9[%add3A_631] : memref<1600xf32, #tpu.memory_space<vmem>>[vector<16xi32>], vector<16xf32>,
      %mul3A_633 = arith.constant 16 : i32
      %mul3A_634 = vector.broadcast %mul3A_633 : i32 to vector<16xi32>
      %mul3A_635 = arith.muli %gather3A_434, %mul3A_634 : vector<16xi32>
      %add3A_636 = arith.constant 7 : i32
      %add3A_637 = vector.broadcast %add3A_636 : i32 to vector<16xi32>
      %add3A_638 = arith.addi %mul3A_635, %add3A_637 : vector<16xi32>
      %gather3A_639 = tpu.vector_load_idx %arg9[%add3A_638] : memref<1600xf32, #tpu.memory_space<vmem>>[vector<16xi32>], vector<16xf32>,
      %gt3A_640 = arith.cmpf ogt, %gather3A_625, %gather3A_632 : vector<16xf32>
      %gt3A_641 = arith.cmpf ogt, %gather3A_625, %gather3A_639 : vector<16xf32>
      %and3A_642 = arith.andi %gt3A_640, %gt3A_641 : vector<16xi1>
      %jit3A_643 = arith.constant 1.000000e+00 : f32
      %jit3A_644 = arith.constant 0.000000e+00 : f32
      %broadcast_in_dim3A_645 = vector.broadcast %jit3A_643 : f32 to vector<16xf32>
      %broadcast_in_dim3A_646 = vector.broadcast %jit3A_644 : f32 to vector<16xf32>
      %select_n3A_647 = arith.select %and3A_642, %broadcast_in_dim3A_645, %broadcast_in_dim3A_646 : vector<16xi1>, vector<16xf32>
      %max3A_648 = arith.maximumf %scan3A_429, %select_n3A_647 : vector<16xf32>
      scf.yield %max3A, %max3A_486, %max3A_513, %max3A_540, %max3A_567, %max3A_594, %max3A_621, %max3A_648 : vector<16xf32>, vector<16xf32>, vector<16xf32>, vector<16xf32>, vector<16xf32>, vector<16xf32>, vector<16xf32>, vector<16xf32>
    }
    %scan3A_188 = arith.constant 100 : i32
    %broadcast_in_dim3A_189 = arith.constant 0.000000e+00 : f32
    %broadcast_in_dim3A_190 = vector.broadcast %broadcast_in_dim3A_189 : f32 to vector<16xf32>
    %eq3A_191 = arith.constant 0 : i32
    %eq3A_192 = vector.broadcast %eq3A_191 : i32 to vector<16xi32>
    %eq3A_193 = arith.cmpi eq, %iota3A, %eq3A_192 : vector<16xi32>
    %reduce_max3A_194 = arith.constant true
    %reduce_max3A_195 = vector.broadcast %reduce_max3A_194 : i1 to vector<16xi1>
    %reduce_max3A_196 = tpu.scan <max>, %scan3A_187#0 masked %reduce_max3A_195 : vector<16xf32>, vector<16xi1> -> vector<16xf32>
    %reduce_max3A_197 = vector.extract %reduce_max3A_196[15] : f32 from vector<16xf32>
    %broadcast_in_dim3A_198 = vector.broadcast %reduce_max3A_197 : f32 to vector<16xf32>
    %select_n3A_199 = arith.select %eq3A_193, %broadcast_in_dim3A_198, %broadcast_in_dim3A_190 : vector<16xi1>, vector<16xf32>
    %eq3A_200 = arith.constant 1 : i32
    %eq3A_201 = vector.broadcast %eq3A_200 : i32 to vector<16xi32>
    %eq3A_202 = arith.cmpi eq, %iota3A, %eq3A_201 : vector<16xi32>
    %reduce_max3A_203 = arith.constant true
    %reduce_max3A_204 = vector.broadcast %reduce_max3A_203 : i1 to vector<16xi1>
    %reduce_max3A_205 = tpu.scan <max>, %scan3A_187#1 masked %reduce_max3A_204 : vector<16xf32>, vector<16xi1> -> vector<16xf32>
    %reduce_max3A_206 = vector.extract %reduce_max3A_205[15] : f32 from vector<16xf32>
    %broadcast_in_dim3A_207 = vector.broadcast %reduce_max3A_206 : f32 to vector<16xf32>
    %select_n3A_208 = arith.select %eq3A_202, %broadcast_in_dim3A_207, %select_n3A_199 : vector<16xi1>, vector<16xf32>
    %eq3A_209 = arith.constant 2 : i32
    %eq3A_210 = vector.broadcast %eq3A_209 : i32 to vector<16xi32>
    %eq3A_211 = arith.cmpi eq, %iota3A, %eq3A_210 : vector<16xi32>
    %reduce_max3A_212 = arith.constant true
    %reduce_max3A_213 = vector.broadcast %reduce_max3A_212 : i1 to vector<16xi1>
    %reduce_max3A_214 = tpu.scan <max>, %scan3A_187#2 masked %reduce_max3A_213 : vector<16xf32>, vector<16xi1> -> vector<16xf32>
    %reduce_max3A_215 = vector.extract %reduce_max3A_214[15] : f32 from vector<16xf32>
    %broadcast_in_dim3A_216 = vector.broadcast %reduce_max3A_215 : f32 to vector<16xf32>
    %select_n3A_217 = arith.select %eq3A_211, %broadcast_in_dim3A_216, %select_n3A_208 : vector<16xi1>, vector<16xf32>
    %eq3A_218 = arith.constant 3 : i32
    %eq3A_219 = vector.broadcast %eq3A_218 : i32 to vector<16xi32>
    %eq3A_220 = arith.cmpi eq, %iota3A, %eq3A_219 : vector<16xi32>
    %reduce_max3A_221 = arith.constant true
    %reduce_max3A_222 = vector.broadcast %reduce_max3A_221 : i1 to vector<16xi1>
    %reduce_max3A_223 = tpu.scan <max>, %scan3A_187#3 masked %reduce_max3A_222 : vector<16xf32>, vector<16xi1> -> vector<16xf32>
    %reduce_max3A_224 = vector.extract %reduce_max3A_223[15] : f32 from vector<16xf32>
    %broadcast_in_dim3A_225 = vector.broadcast %reduce_max3A_224 : f32 to vector<16xf32>
    %select_n3A_226 = arith.select %eq3A_220, %broadcast_in_dim3A_225, %select_n3A_217 : vector<16xi1>, vector<16xf32>
    %eq3A_227 = arith.constant 4 : i32
    %eq3A_228 = vector.broadcast %eq3A_227 : i32 to vector<16xi32>
    %eq3A_229 = arith.cmpi eq, %iota3A, %eq3A_228 : vector<16xi32>
    %reduce_max3A_230 = arith.constant true
    %reduce_max3A_231 = vector.broadcast %reduce_max3A_230 : i1 to vector<16xi1>
    %reduce_max3A_232 = tpu.scan <max>, %scan3A_187#4 masked %reduce_max3A_231 : vector<16xf32>, vector<16xi1> -> vector<16xf32>
    %reduce_max3A_233 = vector.extract %reduce_max3A_232[15] : f32 from vector<16xf32>
    %broadcast_in_dim3A_234 = vector.broadcast %reduce_max3A_233 : f32 to vector<16xf32>
    %select_n3A_235 = arith.select %eq3A_229, %broadcast_in_dim3A_234, %select_n3A_226 : vector<16xi1>, vector<16xf32>
    %eq3A_236 = arith.constant 5 : i32
    %eq3A_237 = vector.broadcast %eq3A_236 : i32 to vector<16xi32>
    %eq3A_238 = arith.cmpi eq, %iota3A, %eq3A_237 : vector<16xi32>
    %reduce_max3A_239 = arith.constant true
    %reduce_max3A_240 = vector.broadcast %reduce_max3A_239 : i1 to vector<16xi1>
    %reduce_max3A_241 = tpu.scan <max>, %scan3A_187#5 masked %reduce_max3A_240 : vector<16xf32>, vector<16xi1> -> vector<16xf32>
    %reduce_max3A_242 = vector.extract %reduce_max3A_241[15] : f32 from vector<16xf32>
    %broadcast_in_dim3A_243 = vector.broadcast %reduce_max3A_242 : f32 to vector<16xf32>
    %select_n3A_244 = arith.select %eq3A_238, %broadcast_in_dim3A_243, %select_n3A_235 : vector<16xi1>, vector<16xf32>
    %eq3A_245 = arith.constant 6 : i32
    %eq3A_246 = vector.broadcast %eq3A_245 : i32 to vector<16xi32>
    %eq3A_247 = arith.cmpi eq, %iota3A, %eq3A_246 : vector<16xi32>
    %reduce_max3A_248 = arith.constant true
    %reduce_max3A_249 = vector.broadcast %reduce_max3A_248 : i1 to vector<16xi1>
    %reduce_max3A_250 = tpu.scan <max>, %scan3A_187#6 masked %reduce_max3A_249 : vector<16xf32>, vector<16xi1> -> vector<16xf32>
    %reduce_max3A_251 = vector.extract %reduce_max3A_250[15] : f32 from vector<16xf32>
    %broadcast_in_dim3A_252 = vector.broadcast %reduce_max3A_251 : f32 to vector<16xf32>
    %select_n3A_253 = arith.select %eq3A_247, %broadcast_in_dim3A_252, %select_n3A_244 : vector<16xi1>, vector<16xf32>
    %eq3A_254 = arith.constant 7 : i32
    %eq3A_255 = vector.broadcast %eq3A_254 : i32 to vector<16xi32>
    %eq3A_256 = arith.cmpi eq, %iota3A, %eq3A_255 : vector<16xi32>
    %reduce_max3A_257 = arith.constant true
    %reduce_max3A_258 = vector.broadcast %reduce_max3A_257 : i1 to vector<16xi1>
    %reduce_max3A_259 = tpu.scan <max>, %scan3A_187#7 masked %reduce_max3A_258 : vector<16xf32>, vector<16xi1> -> vector<16xf32>
    %reduce_max3A_260 = vector.extract %reduce_max3A_259[15] : f32 from vector<16xf32>
    %broadcast_in_dim3A_261 = vector.broadcast %reduce_max3A_260 : f32 to vector<16xf32>
    %select_n3A_262 = arith.select %eq3A_256, %broadcast_in_dim3A_261, %select_n3A_253 : vector<16xi1>, vector<16xf32>
    %xor3A_263 = arith.constant 8 : i32
    %xor3A_264 = vector.broadcast %xor3A_263 : i32 to vector<16xi32>
    %xor3A_265 = arith.xori %iota3A, %xor3A_264 : vector<16xi32>
    tpu.vector_store_idx %arg10[%xor3A_265], %div3A_166 : memref<64xf32, #tpu.memory_space<vmem>>[vector<16xi32>], vector<16xf32>,
    %add3A_266 = arith.constant 16 : i32
    %add3A_267 = vector.broadcast %add3A_266 : i32 to vector<16xi32>
    %add3A_268 = arith.addi %iota3A, %add3A_267 : vector<16xi32>
    tpu.vector_store_idx %arg10[%add3A_268], %select_n3A_262 : memref<64xf32, #tpu.memory_space<vmem>>[vector<16xi32>], vector<16xf32>,
    %add3A_269 = arith.constant 32 : i32
    %add3A_270 = vector.broadcast %add3A_269 : i32 to vector<16xi32>
    %add3A_271 = arith.addi %iota3A, %add3A_270 : vector<16xi32>
    %broadcast_in_dim3A_272 = arith.constant 0.000000e+00 : f32
    %broadcast_in_dim3A_273 = vector.broadcast %broadcast_in_dim3A_272 : f32 to vector<16xf32>
    tpu.vector_store_idx %arg10[%add3A_271], %broadcast_in_dim3A_273 : memref<64xf32, #tpu.memory_space<vmem>>[vector<16xi32>], vector<16xf32>,
    %add3A_274 = arith.constant 48 : i32
    %add3A_275 = vector.broadcast %add3A_274 : i32 to vector<16xi32>
    %add3A_276 = arith.addi %iota3A, %add3A_275 : vector<16xi32>
    %broadcast_in_dim3A_277 = arith.constant 0.000000e+00 : f32
    %broadcast_in_dim3A_278 = vector.broadcast %broadcast_in_dim3A_277 : f32 to vector<16xf32>
    tpu.vector_store_idx %arg10[%add3A_276], %broadcast_in_dim3A_278 : memref<64xf32, #tpu.memory_space<vmem>>[vector<16xi32>], vector<16xf32>,
    "tpu.region"() ({
      %run_scoped3A = tpu.sem_alloc : memref<!tpu.dma_semaphore, #tpu.memory_space<semaphore_mem>>
      %dma_start3A = arith.constant 0 : i32
      %dma_start3A_421 = tpu.memref_slice %arg5[%add3A_143, %dma_start3A] : memref<100x64xf32, #tpu.memory_space<hbm>> -> memref<1x64xf32, #tpu.memory_space<hbm>>
      %dma_start3A_422 = tpu.memref_squeeze %dma_start3A_421 : memref<1x64xf32, #tpu.memory_space<hbm>> -> memref<64xf32, #tpu.memory_space<hbm>>
      %dma_start3A_423 = arith.constant 0 : i32
      %dma_start3A_424 = tpu.memref_slice %arg5[%add3A_143, %dma_start3A_423] : memref<100x64xf32, #tpu.memory_space<hbm>> -> memref<1x64xf32, #tpu.memory_space<hbm>>
      %dma_start3A_425 = tpu.memref_squeeze %dma_start3A_424 : memref<1x64xf32, #tpu.memory_space<hbm>> -> memref<64xf32, #tpu.memory_space<hbm>>
      tpu.enqueue_dma source(%arg10 : memref<64xf32, #tpu.memory_space<vmem>>) target(%dma_start3A_425 : memref<64xf32, #tpu.memory_space<hbm>>) target_semaphore(%run_scoped3A : memref<!tpu.dma_semaphore, #tpu.memory_space<semaphore_mem>>)
      %dma_wait3A = arith.constant 0 : i32
      %dma_wait3A_426 = tpu.memref_slice %arg5[%add3A_143, %dma_wait3A] : memref<100x64xf32, #tpu.memory_space<hbm>> -> memref<1x64xf32, #tpu.memory_space<hbm>>
      %dma_wait3A_427 = tpu.memref_squeeze %dma_wait3A_426 : memref<1x64xf32, #tpu.memory_space<hbm>> -> memref<64xf32, #tpu.memory_space<hbm>>
      %dma_wait3A_428 = arith.constant 0 : i32
      %dma_wait3A_429 = tpu.memref_slice %arg5[%add3A_143, %dma_wait3A_428] : memref<100x64xf32, #tpu.memory_space<hbm>> -> memref<1x64xf32, #tpu.memory_space<hbm>>
      %dma_wait3A_430 = tpu.memref_squeeze %dma_wait3A_429 : memref<1x64xf32, #tpu.memory_space<hbm>> -> memref<64xf32, #tpu.memory_space<hbm>>
      tpu.wait_dma2 semaphore(%run_scoped3A : memref<!tpu.dma_semaphore, #tpu.memory_space<semaphore_mem>>) src(%arg10 : memref<64xf32, #tpu.memory_space<vmem>>) dst(%dma_wait3A_430 : memref<64xf32, #tpu.memory_space<hbm>>)
      tpu.yield
    }) : () -> ()
    %add3A_279 = arith.constant 64 : i32
    %add3A_280 = arith.addi %add3A, %add3A_279 : i32
    "tpu.region"() ({
      %run_scoped3A = tpu.sem_alloc : memref<!tpu.dma_semaphore, #tpu.memory_space<semaphore_mem>>
      %dma_start3A = arith.constant 0 : i32
      %dma_start3A_421 = tpu.memref_slice %arg2[%add3A_280, %dma_start3A] : memref<100x12800xf32, #tpu.memory_space<hbm>> -> memref<1x12800xf32, #tpu.memory_space<hbm>>
      %dma_start3A_422 = tpu.memref_squeeze %dma_start3A_421 : memref<1x12800xf32, #tpu.memory_space<hbm>> -> memref<12800xf32, #tpu.memory_space<hbm>>
      %dma_start3A_423 = arith.constant 0 : i32
      %dma_start3A_424 = tpu.memref_slice %arg2[%add3A_280, %dma_start3A_423] : memref<100x12800xf32, #tpu.memory_space<hbm>> -> memref<1x12800xf32, #tpu.memory_space<hbm>>
      %dma_start3A_425 = tpu.memref_squeeze %dma_start3A_424 : memref<1x12800xf32, #tpu.memory_space<hbm>> -> memref<12800xf32, #tpu.memory_space<hbm>>
      tpu.enqueue_dma source(%dma_start3A_425 : memref<12800xf32, #tpu.memory_space<hbm>>) target(%arg6 : memref<12800xf32, #tpu.memory_space<vmem>>) target_semaphore(%run_scoped3A : memref<!tpu.dma_semaphore, #tpu.memory_space<semaphore_mem>>)
      %dma_wait3A = arith.constant 0 : i32
      %dma_wait3A_426 = tpu.memref_slice %arg2[%add3A_280, %dma_wait3A] : memref<100x12800xf32, #tpu.memory_space<hbm>> -> memref<1x12800xf32, #tpu.memory_space<hbm>>
      %dma_wait3A_427 = tpu.memref_squeeze %dma_wait3A_426 : memref<1x12800xf32, #tpu.memory_space<hbm>> -> memref<12800xf32, #tpu.memory_space<hbm>>
      %dma_wait3A_428 = arith.constant 0 : i32
      %dma_wait3A_429 = tpu.memref_slice %arg2[%add3A_280, %dma_wait3A_428] : memref<100x12800xf32, #tpu.memory_space<hbm>> -> memref<1x12800xf32, #tpu.memory_space<hbm>>
      %dma_wait3A_430 = tpu.memref_squeeze %dma_wait3A_429 : memref<1x12800xf32, #tpu.memory_space<hbm>> -> memref<12800xf32, #tpu.memory_space<hbm>>
      tpu.wait_dma2 semaphore(%run_scoped3A : memref<!tpu.dma_semaphore, #tpu.memory_space<semaphore_mem>>) src(%dma_wait3A_430 : memref<12800xf32, #tpu.memory_space<hbm>>) dst(%arg6 : memref<12800xf32, #tpu.memory_space<vmem>>)
      tpu.yield
    }) : () -> ()
    "tpu.region"() ({
      %run_scoped3A = tpu.sem_alloc : memref<!tpu.dma_semaphore, #tpu.memory_space<semaphore_mem>>
      %dma_start3A = arith.constant 0 : i32
      %dma_start3A_421 = tpu.memref_slice %arg3[%add3A_280, %dma_start3A] : memref<100x1600xi32, #tpu.memory_space<hbm>> -> memref<1x1600xi32, #tpu.memory_space<hbm>>
      %dma_start3A_422 = tpu.memref_squeeze %dma_start3A_421 : memref<1x1600xi32, #tpu.memory_space<hbm>> -> memref<1600xi32, #tpu.memory_space<hbm>>
      %dma_start3A_423 = arith.constant 0 : i32
      %dma_start3A_424 = tpu.memref_slice %arg3[%add3A_280, %dma_start3A_423] : memref<100x1600xi32, #tpu.memory_space<hbm>> -> memref<1x1600xi32, #tpu.memory_space<hbm>>
      %dma_start3A_425 = tpu.memref_squeeze %dma_start3A_424 : memref<1x1600xi32, #tpu.memory_space<hbm>> -> memref<1600xi32, #tpu.memory_space<hbm>>
      tpu.enqueue_dma source(%dma_start3A_425 : memref<1600xi32, #tpu.memory_space<hbm>>) target(%arg7 : memref<1600xi32, #tpu.memory_space<vmem>>) target_semaphore(%run_scoped3A : memref<!tpu.dma_semaphore, #tpu.memory_space<semaphore_mem>>)
      %dma_wait3A = arith.constant 0 : i32
      %dma_wait3A_426 = tpu.memref_slice %arg3[%add3A_280, %dma_wait3A] : memref<100x1600xi32, #tpu.memory_space<hbm>> -> memref<1x1600xi32, #tpu.memory_space<hbm>>
      %dma_wait3A_427 = tpu.memref_squeeze %dma_wait3A_426 : memref<1x1600xi32, #tpu.memory_space<hbm>> -> memref<1600xi32, #tpu.memory_space<hbm>>
      %dma_wait3A_428 = arith.constant 0 : i32
      %dma_wait3A_429 = tpu.memref_slice %arg3[%add3A_280, %dma_wait3A_428] : memref<100x1600xi32, #tpu.memory_space<hbm>> -> memref<1x1600xi32, #tpu.memory_space<hbm>>
      %dma_wait3A_430 = tpu.memref_squeeze %dma_wait3A_429 : memref<1x1600xi32, #tpu.memory_space<hbm>> -> memref<1600xi32, #tpu.memory_space<hbm>>
      tpu.wait_dma2 semaphore(%run_scoped3A : memref<!tpu.dma_semaphore, #tpu.memory_space<semaphore_mem>>) src(%dma_wait3A_430 : memref<1600xi32, #tpu.memory_space<hbm>>) dst(%arg7 : memref<1600xi32, #tpu.memory_space<vmem>>)
      tpu.yield
    }) : () -> ()
    "tpu.region"() ({
      %run_scoped3A = tpu.sem_alloc : memref<!tpu.dma_semaphore, #tpu.memory_space<semaphore_mem>>
      %dma_start3A = arith.constant 0 : i32
      %dma_start3A_421 = tpu.memref_slice %arg4[%add3A_280, %dma_start3A] : memref<100x1600xi32, #tpu.memory_space<hbm>> -> memref<1x1600xi32, #tpu.memory_space<hbm>>
      %dma_start3A_422 = tpu.memref_squeeze %dma_start3A_421 : memref<1x1600xi32, #tpu.memory_space<hbm>> -> memref<1600xi32, #tpu.memory_space<hbm>>
      %dma_start3A_423 = arith.constant 0 : i32
      %dma_start3A_424 = tpu.memref_slice %arg4[%add3A_280, %dma_start3A_423] : memref<100x1600xi32, #tpu.memory_space<hbm>> -> memref<1x1600xi32, #tpu.memory_space<hbm>>
      %dma_start3A_425 = tpu.memref_squeeze %dma_start3A_424 : memref<1x1600xi32, #tpu.memory_space<hbm>> -> memref<1600xi32, #tpu.memory_space<hbm>>
      tpu.enqueue_dma source(%dma_start3A_425 : memref<1600xi32, #tpu.memory_space<hbm>>) target(%arg8 : memref<1600xi32, #tpu.memory_space<vmem>>) target_semaphore(%run_scoped3A : memref<!tpu.dma_semaphore, #tpu.memory_space<semaphore_mem>>)
      %dma_wait3A = arith.constant 0 : i32
      %dma_wait3A_426 = tpu.memref_slice %arg4[%add3A_280, %dma_wait3A] : memref<100x1600xi32, #tpu.memory_space<hbm>> -> memref<1x1600xi32, #tpu.memory_space<hbm>>
      %dma_wait3A_427 = tpu.memref_squeeze %dma_wait3A_426 : memref<1x1600xi32, #tpu.memory_space<hbm>> -> memref<1600xi32, #tpu.memory_space<hbm>>
      %dma_wait3A_428 = arith.constant 0 : i32
      %dma_wait3A_429 = tpu.memref_slice %arg4[%add3A_280, %dma_wait3A_428] : memref<100x1600xi32, #tpu.memory_space<hbm>> -> memref<1x1600xi32, #tpu.memory_space<hbm>>
      %dma_wait3A_430 = tpu.memref_squeeze %dma_wait3A_429 : memref<1x1600xi32, #tpu.memory_space<hbm>> -> memref<1600xi32, #tpu.memory_space<hbm>>
      tpu.wait_dma2 semaphore(%run_scoped3A : memref<!tpu.dma_semaphore, #tpu.memory_space<semaphore_mem>>) src(%dma_wait3A_430 : memref<1600xi32, #tpu.memory_space<hbm>>) dst(%arg8 : memref<1600xi32, #tpu.memory_space<vmem>>)
      tpu.yield
    }) : () -> ()
    %scan3A_281 = arith.constant 0 : i32
    %scan3A_282 = arith.constant 0 : i32
    %scan3A_283 = arith.constant 100 : i32
    %scan3A_284 = arith.addi %scan3A_282, %scan3A_283 : i32
    %scan3A_285 = arith.constant 1 : i32
    scf.for %scan3A_421 = %scan3A_282 to %scan3A_284 step %scan3A_285  : i32 {
      %mul3A_422 = arith.constant 16 : i32
      %mul3A_423 = arith.muli %scan3A_421, %mul3A_422 : i32
      %broadcast_in_dim3A_424 = vector.broadcast %mul3A_423 : i32 to vector<16xi32>
      %add3A_425 = arith.addi %broadcast_in_dim3A_424, %iota3A : vector<16xi32>
      tpu.vector_store_idx %arg9[%add3A_425], %select_n3A : memref<1600xf32, #tpu.memory_space<vmem>>[vector<16xi32>], vector<16xf32>,
    }
    %scan3A_286 = arith.constant 100 : i32
    %scan3A_287 = arith.constant 0 : i32
    %scan3A_288 = arith.constant 0 : i32
    %scan3A_289 = arith.constant 100 : i32
    %scan3A_290 = arith.addi %scan3A_288, %scan3A_289 : i32
    %scan3A_291 = arith.constant 1 : i32
    scf.for %scan3A_421 = %scan3A_288 to %scan3A_290 step %scan3A_291  : i32 {
      %mul3A_422 = arith.constant 16 : i32
      %mul3A_423 = arith.muli %scan3A_421, %mul3A_422 : i32
      %add3A_424 = vector.broadcast %mul3A_423 : i32 to vector<16xi32>
      %add3A_425 = arith.addi %add3A_424, %iota3A : vector<16xi32>
      %gather3A = tpu.vector_load_idx %arg7[%add3A_425] : memref<1600xi32, #tpu.memory_space<vmem>>[vector<16xi32>], vector<16xi32>,
      %gather3A_426 = tpu.vector_load_idx %arg8[%add3A_425] : memref<1600xi32, #tpu.memory_space<vmem>>[vector<16xi32>], vector<16xi32>,
      %mul3A_427 = arith.constant 16 : i32
      %mul3A_428 = arith.muli %scan3A_421, %mul3A_427 : i32
      %add3A_429 = arith.constant 0 : i32
      %add3A_430 = arith.addi %mul3A_428, %add3A_429 : i32
      %broadcast_in_dim3A_431 = vector.broadcast %add3A_430 : i32 to vector<16xi32>
      %add3A_432 = arith.addi %broadcast_in_dim3A_431, %mul3A_7 : vector<16xi32>
      %gather3A_433 = tpu.vector_load_idx %arg6[%add3A_432] : memref<12800xf32, #tpu.memory_space<vmem>>[vector<16xi32>], vector<16xf32>,
      %slice3A = vector.extract_strided_slice %gather3A {offsets = [0], sizes = [1], strides = [1]} : vector<16xi32> to vector<1xi32>
      %squeeze3A = vector.extract %slice3A[0] : i32 from vector<1xi32>
      %slice3A_434 = vector.extract_strided_slice %gather3A_426 {offsets = [0], sizes = [1], strides = [1]} : vector<16xi32> to vector<1xi32>
      %squeeze3A_435 = vector.extract %slice3A_434[0] : i32 from vector<1xi32>
      %mul3A_436 = arith.constant 16 : i32
      %mul3A_437 = arith.muli %squeeze3A, %mul3A_436 : i32
      %broadcast_in_dim3A_438 = vector.broadcast %mul3A_437 : i32 to vector<16xi32>
      %add3A_439 = arith.addi %broadcast_in_dim3A_438, %iota3A : vector<16xi32>
      %gather3A_440 = tpu.vector_load_idx %arg9[%add3A_439] : memref<1600xf32, #tpu.memory_space<vmem>>[vector<16xi32>], vector<16xf32>,
      %min3A = arith.minimumf %gather3A_440, %gather3A_433 : vector<16xf32>
      %max3A = arith.maximumf %gather3A_440, %gather3A_433 : vector<16xf32>
      %select_n3A_441 = arith.select %lt3A_2, %min3A, %max3A : vector<16xi1>, vector<16xf32>
      tpu.vector_store_idx %arg9[%add3A_439], %select_n3A_441 : memref<1600xf32, #tpu.memory_space<vmem>>[vector<16xi32>], vector<16xf32>,
      %mul3A_442 = arith.constant 16 : i32
      %mul3A_443 = arith.muli %squeeze3A_435, %mul3A_442 : i32
      %broadcast_in_dim3A_444 = vector.broadcast %mul3A_443 : i32 to vector<16xi32>
      %add3A_445 = arith.addi %broadcast_in_dim3A_444, %iota3A : vector<16xi32>
      %gather3A_446 = tpu.vector_load_idx %arg9[%add3A_445] : memref<1600xf32, #tpu.memory_space<vmem>>[vector<16xi32>], vector<16xf32>,
      %min3A_447 = arith.minimumf %gather3A_446, %gather3A_433 : vector<16xf32>
      %max3A_448 = arith.maximumf %gather3A_446, %gather3A_433 : vector<16xf32>
      %select_n3A_449 = arith.select %lt3A_2, %min3A_447, %max3A_448 : vector<16xi1>, vector<16xf32>
      tpu.vector_store_idx %arg9[%add3A_445], %select_n3A_449 : memref<1600xf32, #tpu.memory_space<vmem>>[vector<16xi32>], vector<16xf32>,
      %mul3A_450 = arith.constant 16 : i32
      %mul3A_451 = arith.muli %scan3A_421, %mul3A_450 : i32
      %add3A_452 = arith.constant 1 : i32
      %add3A_453 = arith.addi %mul3A_451, %add3A_452 : i32
      %broadcast_in_dim3A_454 = vector.broadcast %add3A_453 : i32 to vector<16xi32>
      %add3A_455 = arith.addi %broadcast_in_dim3A_454, %mul3A_7 : vector<16xi32>
      %gather3A_456 = tpu.vector_load_idx %arg6[%add3A_455] : memref<12800xf32, #tpu.memory_space<vmem>>[vector<16xi32>], vector<16xf32>,
      %slice3A_457 = vector.extract_strided_slice %gather3A {offsets = [1], sizes = [1], strides = [1]} : vector<16xi32> to vector<1xi32>
      %squeeze3A_458 = vector.extract %slice3A_457[0] : i32 from vector<1xi32>
      %slice3A_459 = vector.extract_strided_slice %gather3A_426 {offsets = [1], sizes = [1], strides = [1]} : vector<16xi32> to vector<1xi32>
      %squeeze3A_460 = vector.extract %slice3A_459[0] : i32 from vector<1xi32>
      %mul3A_461 = arith.constant 16 : i32
      %mul3A_462 = arith.muli %squeeze3A_458, %mul3A_461 : i32
      %broadcast_in_dim3A_463 = vector.broadcast %mul3A_462 : i32 to vector<16xi32>
      %add3A_464 = arith.addi %broadcast_in_dim3A_463, %iota3A : vector<16xi32>
      %gather3A_465 = tpu.vector_load_idx %arg9[%add3A_464] : memref<1600xf32, #tpu.memory_space<vmem>>[vector<16xi32>], vector<16xf32>,
      %min3A_466 = arith.minimumf %gather3A_465, %gather3A_456 : vector<16xf32>
      %max3A_467 = arith.maximumf %gather3A_465, %gather3A_456 : vector<16xf32>
      %select_n3A_468 = arith.select %lt3A_2, %min3A_466, %max3A_467 : vector<16xi1>, vector<16xf32>
      tpu.vector_store_idx %arg9[%add3A_464], %select_n3A_468 : memref<1600xf32, #tpu.memory_space<vmem>>[vector<16xi32>], vector<16xf32>,
      %mul3A_469 = arith.constant 16 : i32
      %mul3A_470 = arith.muli %squeeze3A_460, %mul3A_469 : i32
      %broadcast_in_dim3A_471 = vector.broadcast %mul3A_470 : i32 to vector<16xi32>
      %add3A_472 = arith.addi %broadcast_in_dim3A_471, %iota3A : vector<16xi32>
      %gather3A_473 = tpu.vector_load_idx %arg9[%add3A_472] : memref<1600xf32, #tpu.memory_space<vmem>>[vector<16xi32>], vector<16xf32>,
      %min3A_474 = arith.minimumf %gather3A_473, %gather3A_456 : vector<16xf32>
      %max3A_475 = arith.maximumf %gather3A_473, %gather3A_456 : vector<16xf32>
      %select_n3A_476 = arith.select %lt3A_2, %min3A_474, %max3A_475 : vector<16xi1>, vector<16xf32>
      tpu.vector_store_idx %arg9[%add3A_472], %select_n3A_476 : memref<1600xf32, #tpu.memory_space<vmem>>[vector<16xi32>], vector<16xf32>,
      %mul3A_477 = arith.constant 16 : i32
      %mul3A_478 = arith.muli %scan3A_421, %mul3A_477 : i32
      %add3A_479 = arith.constant 2 : i32
      %add3A_480 = arith.addi %mul3A_478, %add3A_479 : i32
      %broadcast_in_dim3A_481 = vector.broadcast %add3A_480 : i32 to vector<16xi32>
      %add3A_482 = arith.addi %broadcast_in_dim3A_481, %mul3A_7 : vector<16xi32>
      %gather3A_483 = tpu.vector_load_idx %arg6[%add3A_482] : memref<12800xf32, #tpu.memory_space<vmem>>[vector<16xi32>], vector<16xf32>,
      %slice3A_484 = vector.extract_strided_slice %gather3A {offsets = [2], sizes = [1], strides = [1]} : vector<16xi32> to vector<1xi32>
      %squeeze3A_485 = vector.extract %slice3A_484[0] : i32 from vector<1xi32>
      %slice3A_486 = vector.extract_strided_slice %gather3A_426 {offsets = [2], sizes = [1], strides = [1]} : vector<16xi32> to vector<1xi32>
      %squeeze3A_487 = vector.extract %slice3A_486[0] : i32 from vector<1xi32>
      %mul3A_488 = arith.constant 16 : i32
      %mul3A_489 = arith.muli %squeeze3A_485, %mul3A_488 : i32
      %broadcast_in_dim3A_490 = vector.broadcast %mul3A_489 : i32 to vector<16xi32>
      %add3A_491 = arith.addi %broadcast_in_dim3A_490, %iota3A : vector<16xi32>
      %gather3A_492 = tpu.vector_load_idx %arg9[%add3A_491] : memref<1600xf32, #tpu.memory_space<vmem>>[vector<16xi32>], vector<16xf32>,
      %min3A_493 = arith.minimumf %gather3A_492, %gather3A_483 : vector<16xf32>
      %max3A_494 = arith.maximumf %gather3A_492, %gather3A_483 : vector<16xf32>
      %select_n3A_495 = arith.select %lt3A_2, %min3A_493, %max3A_494 : vector<16xi1>, vector<16xf32>
      tpu.vector_store_idx %arg9[%add3A_491], %select_n3A_495 : memref<1600xf32, #tpu.memory_space<vmem>>[vector<16xi32>], vector<16xf32>,
      %mul3A_496 = arith.constant 16 : i32
      %mul3A_497 = arith.muli %squeeze3A_487, %mul3A_496 : i32
      %broadcast_in_dim3A_498 = vector.broadcast %mul3A_497 : i32 to vector<16xi32>
      %add3A_499 = arith.addi %broadcast_in_dim3A_498, %iota3A : vector<16xi32>
      %gather3A_500 = tpu.vector_load_idx %arg9[%add3A_499] : memref<1600xf32, #tpu.memory_space<vmem>>[vector<16xi32>], vector<16xf32>,
      %min3A_501 = arith.minimumf %gather3A_500, %gather3A_483 : vector<16xf32>
      %max3A_502 = arith.maximumf %gather3A_500, %gather3A_483 : vector<16xf32>
      %select_n3A_503 = arith.select %lt3A_2, %min3A_501, %max3A_502 : vector<16xi1>, vector<16xf32>
      tpu.vector_store_idx %arg9[%add3A_499], %select_n3A_503 : memref<1600xf32, #tpu.memory_space<vmem>>[vector<16xi32>], vector<16xf32>,
      %mul3A_504 = arith.constant 16 : i32
      %mul3A_505 = arith.muli %scan3A_421, %mul3A_504 : i32
      %add3A_506 = arith.constant 3 : i32
      %add3A_507 = arith.addi %mul3A_505, %add3A_506 : i32
      %broadcast_in_dim3A_508 = vector.broadcast %add3A_507 : i32 to vector<16xi32>
      %add3A_509 = arith.addi %broadcast_in_dim3A_508, %mul3A_7 : vector<16xi32>
      %gather3A_510 = tpu.vector_load_idx %arg6[%add3A_509] : memref<12800xf32, #tpu.memory_space<vmem>>[vector<16xi32>], vector<16xf32>,
      %slice3A_511 = vector.extract_strided_slice %gather3A {offsets = [3], sizes = [1], strides = [1]} : vector<16xi32> to vector<1xi32>
      %squeeze3A_512 = vector.extract %slice3A_511[0] : i32 from vector<1xi32>
      %slice3A_513 = vector.extract_strided_slice %gather3A_426 {offsets = [3], sizes = [1], strides = [1]} : vector<16xi32> to vector<1xi32>
      %squeeze3A_514 = vector.extract %slice3A_513[0] : i32 from vector<1xi32>
      %mul3A_515 = arith.constant 16 : i32
      %mul3A_516 = arith.muli %squeeze3A_512, %mul3A_515 : i32
      %broadcast_in_dim3A_517 = vector.broadcast %mul3A_516 : i32 to vector<16xi32>
      %add3A_518 = arith.addi %broadcast_in_dim3A_517, %iota3A : vector<16xi32>
      %gather3A_519 = tpu.vector_load_idx %arg9[%add3A_518] : memref<1600xf32, #tpu.memory_space<vmem>>[vector<16xi32>], vector<16xf32>,
      %min3A_520 = arith.minimumf %gather3A_519, %gather3A_510 : vector<16xf32>
      %max3A_521 = arith.maximumf %gather3A_519, %gather3A_510 : vector<16xf32>
      %select_n3A_522 = arith.select %lt3A_2, %min3A_520, %max3A_521 : vector<16xi1>, vector<16xf32>
      tpu.vector_store_idx %arg9[%add3A_518], %select_n3A_522 : memref<1600xf32, #tpu.memory_space<vmem>>[vector<16xi32>], vector<16xf32>,
      %mul3A_523 = arith.constant 16 : i32
      %mul3A_524 = arith.muli %squeeze3A_514, %mul3A_523 : i32
      %broadcast_in_dim3A_525 = vector.broadcast %mul3A_524 : i32 to vector<16xi32>
      %add3A_526 = arith.addi %broadcast_in_dim3A_525, %iota3A : vector<16xi32>
      %gather3A_527 = tpu.vector_load_idx %arg9[%add3A_526] : memref<1600xf32, #tpu.memory_space<vmem>>[vector<16xi32>], vector<16xf32>,
      %min3A_528 = arith.minimumf %gather3A_527, %gather3A_510 : vector<16xf32>
      %max3A_529 = arith.maximumf %gather3A_527, %gather3A_510 : vector<16xf32>
      %select_n3A_530 = arith.select %lt3A_2, %min3A_528, %max3A_529 : vector<16xi1>, vector<16xf32>
      tpu.vector_store_idx %arg9[%add3A_526], %select_n3A_530 : memref<1600xf32, #tpu.memory_space<vmem>>[vector<16xi32>], vector<16xf32>,
      %mul3A_531 = arith.constant 16 : i32
      %mul3A_532 = arith.muli %scan3A_421, %mul3A_531 : i32
      %add3A_533 = arith.constant 4 : i32
      %add3A_534 = arith.addi %mul3A_532, %add3A_533 : i32
      %broadcast_in_dim3A_535 = vector.broadcast %add3A_534 : i32 to vector<16xi32>
      %add3A_536 = arith.addi %broadcast_in_dim3A_535, %mul3A_7 : vector<16xi32>
      %gather3A_537 = tpu.vector_load_idx %arg6[%add3A_536] : memref<12800xf32, #tpu.memory_space<vmem>>[vector<16xi32>], vector<16xf32>,
      %slice3A_538 = vector.extract_strided_slice %gather3A {offsets = [4], sizes = [1], strides = [1]} : vector<16xi32> to vector<1xi32>
      %squeeze3A_539 = vector.extract %slice3A_538[0] : i32 from vector<1xi32>
      %slice3A_540 = vector.extract_strided_slice %gather3A_426 {offsets = [4], sizes = [1], strides = [1]} : vector<16xi32> to vector<1xi32>
      %squeeze3A_541 = vector.extract %slice3A_540[0] : i32 from vector<1xi32>
      %mul3A_542 = arith.constant 16 : i32
      %mul3A_543 = arith.muli %squeeze3A_539, %mul3A_542 : i32
      %broadcast_in_dim3A_544 = vector.broadcast %mul3A_543 : i32 to vector<16xi32>
      %add3A_545 = arith.addi %broadcast_in_dim3A_544, %iota3A : vector<16xi32>
      %gather3A_546 = tpu.vector_load_idx %arg9[%add3A_545] : memref<1600xf32, #tpu.memory_space<vmem>>[vector<16xi32>], vector<16xf32>,
      %min3A_547 = arith.minimumf %gather3A_546, %gather3A_537 : vector<16xf32>
      %max3A_548 = arith.maximumf %gather3A_546, %gather3A_537 : vector<16xf32>
      %select_n3A_549 = arith.select %lt3A_2, %min3A_547, %max3A_548 : vector<16xi1>, vector<16xf32>
      tpu.vector_store_idx %arg9[%add3A_545], %select_n3A_549 : memref<1600xf32, #tpu.memory_space<vmem>>[vector<16xi32>], vector<16xf32>,
      %mul3A_550 = arith.constant 16 : i32
      %mul3A_551 = arith.muli %squeeze3A_541, %mul3A_550 : i32
      %broadcast_in_dim3A_552 = vector.broadcast %mul3A_551 : i32 to vector<16xi32>
      %add3A_553 = arith.addi %broadcast_in_dim3A_552, %iota3A : vector<16xi32>
      %gather3A_554 = tpu.vector_load_idx %arg9[%add3A_553] : memref<1600xf32, #tpu.memory_space<vmem>>[vector<16xi32>], vector<16xf32>,
      %min3A_555 = arith.minimumf %gather3A_554, %gather3A_537 : vector<16xf32>
      %max3A_556 = arith.maximumf %gather3A_554, %gather3A_537 : vector<16xf32>
      %select_n3A_557 = arith.select %lt3A_2, %min3A_555, %max3A_556 : vector<16xi1>, vector<16xf32>
      tpu.vector_store_idx %arg9[%add3A_553], %select_n3A_557 : memref<1600xf32, #tpu.memory_space<vmem>>[vector<16xi32>], vector<16xf32>,
      %mul3A_558 = arith.constant 16 : i32
      %mul3A_559 = arith.muli %scan3A_421, %mul3A_558 : i32
      %add3A_560 = arith.constant 5 : i32
      %add3A_561 = arith.addi %mul3A_559, %add3A_560 : i32
      %broadcast_in_dim3A_562 = vector.broadcast %add3A_561 : i32 to vector<16xi32>
      %add3A_563 = arith.addi %broadcast_in_dim3A_562, %mul3A_7 : vector<16xi32>
      %gather3A_564 = tpu.vector_load_idx %arg6[%add3A_563] : memref<12800xf32, #tpu.memory_space<vmem>>[vector<16xi32>], vector<16xf32>,
      %slice3A_565 = vector.extract_strided_slice %gather3A {offsets = [5], sizes = [1], strides = [1]} : vector<16xi32> to vector<1xi32>
      %squeeze3A_566 = vector.extract %slice3A_565[0] : i32 from vector<1xi32>
      %slice3A_567 = vector.extract_strided_slice %gather3A_426 {offsets = [5], sizes = [1], strides = [1]} : vector<16xi32> to vector<1xi32>
      %squeeze3A_568 = vector.extract %slice3A_567[0] : i32 from vector<1xi32>
      %mul3A_569 = arith.constant 16 : i32
      %mul3A_570 = arith.muli %squeeze3A_566, %mul3A_569 : i32
      %broadcast_in_dim3A_571 = vector.broadcast %mul3A_570 : i32 to vector<16xi32>
      %add3A_572 = arith.addi %broadcast_in_dim3A_571, %iota3A : vector<16xi32>
      %gather3A_573 = tpu.vector_load_idx %arg9[%add3A_572] : memref<1600xf32, #tpu.memory_space<vmem>>[vector<16xi32>], vector<16xf32>,
      %min3A_574 = arith.minimumf %gather3A_573, %gather3A_564 : vector<16xf32>
      %max3A_575 = arith.maximumf %gather3A_573, %gather3A_564 : vector<16xf32>
      %select_n3A_576 = arith.select %lt3A_2, %min3A_574, %max3A_575 : vector<16xi1>, vector<16xf32>
      tpu.vector_store_idx %arg9[%add3A_572], %select_n3A_576 : memref<1600xf32, #tpu.memory_space<vmem>>[vector<16xi32>], vector<16xf32>,
      %mul3A_577 = arith.constant 16 : i32
      %mul3A_578 = arith.muli %squeeze3A_568, %mul3A_577 : i32
      %broadcast_in_dim3A_579 = vector.broadcast %mul3A_578 : i32 to vector<16xi32>
      %add3A_580 = arith.addi %broadcast_in_dim3A_579, %iota3A : vector<16xi32>
      %gather3A_581 = tpu.vector_load_idx %arg9[%add3A_580] : memref<1600xf32, #tpu.memory_space<vmem>>[vector<16xi32>], vector<16xf32>,
      %min3A_582 = arith.minimumf %gather3A_581, %gather3A_564 : vector<16xf32>
      %max3A_583 = arith.maximumf %gather3A_581, %gather3A_564 : vector<16xf32>
      %select_n3A_584 = arith.select %lt3A_2, %min3A_582, %max3A_583 : vector<16xi1>, vector<16xf32>
      tpu.vector_store_idx %arg9[%add3A_580], %select_n3A_584 : memref<1600xf32, #tpu.memory_space<vmem>>[vector<16xi32>], vector<16xf32>,
      %mul3A_585 = arith.constant 16 : i32
      %mul3A_586 = arith.muli %scan3A_421, %mul3A_585 : i32
      %add3A_587 = arith.constant 6 : i32
      %add3A_588 = arith.addi %mul3A_586, %add3A_587 : i32
      %broadcast_in_dim3A_589 = vector.broadcast %add3A_588 : i32 to vector<16xi32>
      %add3A_590 = arith.addi %broadcast_in_dim3A_589, %mul3A_7 : vector<16xi32>
      %gather3A_591 = tpu.vector_load_idx %arg6[%add3A_590] : memref<12800xf32, #tpu.memory_space<vmem>>[vector<16xi32>], vector<16xf32>,
      %slice3A_592 = vector.extract_strided_slice %gather3A {offsets = [6], sizes = [1], strides = [1]} : vector<16xi32> to vector<1xi32>
      %squeeze3A_593 = vector.extract %slice3A_592[0] : i32 from vector<1xi32>
      %slice3A_594 = vector.extract_strided_slice %gather3A_426 {offsets = [6], sizes = [1], strides = [1]} : vector<16xi32> to vector<1xi32>
      %squeeze3A_595 = vector.extract %slice3A_594[0] : i32 from vector<1xi32>
      %mul3A_596 = arith.constant 16 : i32
      %mul3A_597 = arith.muli %squeeze3A_593, %mul3A_596 : i32
      %broadcast_in_dim3A_598 = vector.broadcast %mul3A_597 : i32 to vector<16xi32>
      %add3A_599 = arith.addi %broadcast_in_dim3A_598, %iota3A : vector<16xi32>
      %gather3A_600 = tpu.vector_load_idx %arg9[%add3A_599] : memref<1600xf32, #tpu.memory_space<vmem>>[vector<16xi32>], vector<16xf32>,
      %min3A_601 = arith.minimumf %gather3A_600, %gather3A_591 : vector<16xf32>
      %max3A_602 = arith.maximumf %gather3A_600, %gather3A_591 : vector<16xf32>
      %select_n3A_603 = arith.select %lt3A_2, %min3A_601, %max3A_602 : vector<16xi1>, vector<16xf32>
      tpu.vector_store_idx %arg9[%add3A_599], %select_n3A_603 : memref<1600xf32, #tpu.memory_space<vmem>>[vector<16xi32>], vector<16xf32>,
      %mul3A_604 = arith.constant 16 : i32
      %mul3A_605 = arith.muli %squeeze3A_595, %mul3A_604 : i32
      %broadcast_in_dim3A_606 = vector.broadcast %mul3A_605 : i32 to vector<16xi32>
      %add3A_607 = arith.addi %broadcast_in_dim3A_606, %iota3A : vector<16xi32>
      %gather3A_608 = tpu.vector_load_idx %arg9[%add3A_607] : memref<1600xf32, #tpu.memory_space<vmem>>[vector<16xi32>], vector<16xf32>,
      %min3A_609 = arith.minimumf %gather3A_608, %gather3A_591 : vector<16xf32>
      %max3A_610 = arith.maximumf %gather3A_608, %gather3A_591 : vector<16xf32>
      %select_n3A_611 = arith.select %lt3A_2, %min3A_609, %max3A_610 : vector<16xi1>, vector<16xf32>
      tpu.vector_store_idx %arg9[%add3A_607], %select_n3A_611 : memref<1600xf32, #tpu.memory_space<vmem>>[vector<16xi32>], vector<16xf32>,
      %mul3A_612 = arith.constant 16 : i32
      %mul3A_613 = arith.muli %scan3A_421, %mul3A_612 : i32
      %add3A_614 = arith.constant 7 : i32
      %add3A_615 = arith.addi %mul3A_613, %add3A_614 : i32
      %broadcast_in_dim3A_616 = vector.broadcast %add3A_615 : i32 to vector<16xi32>
      %add3A_617 = arith.addi %broadcast_in_dim3A_616, %mul3A_7 : vector<16xi32>
      %gather3A_618 = tpu.vector_load_idx %arg6[%add3A_617] : memref<12800xf32, #tpu.memory_space<vmem>>[vector<16xi32>], vector<16xf32>,
      %slice3A_619 = vector.extract_strided_slice %gather3A {offsets = [7], sizes = [1], strides = [1]} : vector<16xi32> to vector<1xi32>
      %squeeze3A_620 = vector.extract %slice3A_619[0] : i32 from vector<1xi32>
      %slice3A_621 = vector.extract_strided_slice %gather3A_426 {offsets = [7], sizes = [1], strides = [1]} : vector<16xi32> to vector<1xi32>
      %squeeze3A_622 = vector.extract %slice3A_621[0] : i32 from vector<1xi32>
      %mul3A_623 = arith.constant 16 : i32
      %mul3A_624 = arith.muli %squeeze3A_620, %mul3A_623 : i32
      %broadcast_in_dim3A_625 = vector.broadcast %mul3A_624 : i32 to vector<16xi32>
      %add3A_626 = arith.addi %broadcast_in_dim3A_625, %iota3A : vector<16xi32>
      %gather3A_627 = tpu.vector_load_idx %arg9[%add3A_626] : memref<1600xf32, #tpu.memory_space<vmem>>[vector<16xi32>], vector<16xf32>,
      %min3A_628 = arith.minimumf %gather3A_627, %gather3A_618 : vector<16xf32>
      %max3A_629 = arith.maximumf %gather3A_627, %gather3A_618 : vector<16xf32>
      %select_n3A_630 = arith.select %lt3A_2, %min3A_628, %max3A_629 : vector<16xi1>, vector<16xf32>
      tpu.vector_store_idx %arg9[%add3A_626], %select_n3A_630 : memref<1600xf32, #tpu.memory_space<vmem>>[vector<16xi32>], vector<16xf32>,
      %mul3A_631 = arith.constant 16 : i32
      %mul3A_632 = arith.muli %squeeze3A_622, %mul3A_631 : i32
      %broadcast_in_dim3A_633 = vector.broadcast %mul3A_632 : i32 to vector<16xi32>
      %add3A_634 = arith.addi %broadcast_in_dim3A_633, %iota3A : vector<16xi32>
      %gather3A_635 = tpu.vector_load_idx %arg9[%add3A_634] : memref<1600xf32, #tpu.memory_space<vmem>>[vector<16xi32>], vector<16xf32>,
      %min3A_636 = arith.minimumf %gather3A_635, %gather3A_618 : vector<16xf32>
      %max3A_637 = arith.maximumf %gather3A_635, %gather3A_618 : vector<16xf32>
      %select_n3A_638 = arith.select %lt3A_2, %min3A_636, %max3A_637 : vector<16xi1>, vector<16xf32>
      tpu.vector_store_idx %arg9[%add3A_634], %select_n3A_638 : memref<1600xf32, #tpu.memory_space<vmem>>[vector<16xi32>], vector<16xf32>,
      %mul3A_639 = arith.constant 16 : i32
      %mul3A_640 = arith.muli %scan3A_421, %mul3A_639 : i32
      %add3A_641 = arith.constant 8 : i32
      %add3A_642 = arith.addi %mul3A_640, %add3A_641 : i32
      %broadcast_in_dim3A_643 = vector.broadcast %add3A_642 : i32 to vector<16xi32>
      %add3A_644 = arith.addi %broadcast_in_dim3A_643, %mul3A_7 : vector<16xi32>
      %gather3A_645 = tpu.vector_load_idx %arg6[%add3A_644] : memref<12800xf32, #tpu.memory_space<vmem>>[vector<16xi32>], vector<16xf32>,
      %slice3A_646 = vector.extract_strided_slice %gather3A {offsets = [8], sizes = [1], strides = [1]} : vector<16xi32> to vector<1xi32>
      %squeeze3A_647 = vector.extract %slice3A_646[0] : i32 from vector<1xi32>
      %slice3A_648 = vector.extract_strided_slice %gather3A_426 {offsets = [8], sizes = [1], strides = [1]} : vector<16xi32> to vector<1xi32>
      %squeeze3A_649 = vector.extract %slice3A_648[0] : i32 from vector<1xi32>
      %mul3A_650 = arith.constant 16 : i32
      %mul3A_651 = arith.muli %squeeze3A_647, %mul3A_650 : i32
      %broadcast_in_dim3A_652 = vector.broadcast %mul3A_651 : i32 to vector<16xi32>
      %add3A_653 = arith.addi %broadcast_in_dim3A_652, %iota3A : vector<16xi32>
      %gather3A_654 = tpu.vector_load_idx %arg9[%add3A_653] : memref<1600xf32, #tpu.memory_space<vmem>>[vector<16xi32>], vector<16xf32>,
      %min3A_655 = arith.minimumf %gather3A_654, %gather3A_645 : vector<16xf32>
      %max3A_656 = arith.maximumf %gather3A_654, %gather3A_645 : vector<16xf32>
      %select_n3A_657 = arith.select %lt3A_2, %min3A_655, %max3A_656 : vector<16xi1>, vector<16xf32>
      tpu.vector_store_idx %arg9[%add3A_653], %select_n3A_657 : memref<1600xf32, #tpu.memory_space<vmem>>[vector<16xi32>], vector<16xf32>,
      %mul3A_658 = arith.constant 16 : i32
      %mul3A_659 = arith.muli %squeeze3A_649, %mul3A_658 : i32
      %broadcast_in_dim3A_660 = vector.broadcast %mul3A_659 : i32 to vector<16xi32>
      %add3A_661 = arith.addi %broadcast_in_dim3A_660, %iota3A : vector<16xi32>
      %gather3A_662 = tpu.vector_load_idx %arg9[%add3A_661] : memref<1600xf32, #tpu.memory_space<vmem>>[vector<16xi32>], vector<16xf32>,
      %min3A_663 = arith.minimumf %gather3A_662, %gather3A_645 : vector<16xf32>
      %max3A_664 = arith.maximumf %gather3A_662, %gather3A_645 : vector<16xf32>
      %select_n3A_665 = arith.select %lt3A_2, %min3A_663, %max3A_664 : vector<16xi1>, vector<16xf32>
      tpu.vector_store_idx %arg9[%add3A_661], %select_n3A_665 : memref<1600xf32, #tpu.memory_space<vmem>>[vector<16xi32>], vector<16xf32>,
      %mul3A_666 = arith.constant 16 : i32
      %mul3A_667 = arith.muli %scan3A_421, %mul3A_666 : i32
      %add3A_668 = arith.constant 9 : i32
      %add3A_669 = arith.addi %mul3A_667, %add3A_668 : i32
      %broadcast_in_dim3A_670 = vector.broadcast %add3A_669 : i32 to vector<16xi32>
      %add3A_671 = arith.addi %broadcast_in_dim3A_670, %mul3A_7 : vector<16xi32>
      %gather3A_672 = tpu.vector_load_idx %arg6[%add3A_671] : memref<12800xf32, #tpu.memory_space<vmem>>[vector<16xi32>], vector<16xf32>,
      %slice3A_673 = vector.extract_strided_slice %gather3A {offsets = [9], sizes = [1], strides = [1]} : vector<16xi32> to vector<1xi32>
      %squeeze3A_674 = vector.extract %slice3A_673[0] : i32 from vector<1xi32>
      %slice3A_675 = vector.extract_strided_slice %gather3A_426 {offsets = [9], sizes = [1], strides = [1]} : vector<16xi32> to vector<1xi32>
      %squeeze3A_676 = vector.extract %slice3A_675[0] : i32 from vector<1xi32>
      %mul3A_677 = arith.constant 16 : i32
      %mul3A_678 = arith.muli %squeeze3A_674, %mul3A_677 : i32
      %broadcast_in_dim3A_679 = vector.broadcast %mul3A_678 : i32 to vector<16xi32>
      %add3A_680 = arith.addi %broadcast_in_dim3A_679, %iota3A : vector<16xi32>
      %gather3A_681 = tpu.vector_load_idx %arg9[%add3A_680] : memref<1600xf32, #tpu.memory_space<vmem>>[vector<16xi32>], vector<16xf32>,
      %min3A_682 = arith.minimumf %gather3A_681, %gather3A_672 : vector<16xf32>
      %max3A_683 = arith.maximumf %gather3A_681, %gather3A_672 : vector<16xf32>
      %select_n3A_684 = arith.select %lt3A_2, %min3A_682, %max3A_683 : vector<16xi1>, vector<16xf32>
      tpu.vector_store_idx %arg9[%add3A_680], %select_n3A_684 : memref<1600xf32, #tpu.memory_space<vmem>>[vector<16xi32>], vector<16xf32>,
      %mul3A_685 = arith.constant 16 : i32
      %mul3A_686 = arith.muli %squeeze3A_676, %mul3A_685 : i32
      %broadcast_in_dim3A_687 = vector.broadcast %mul3A_686 : i32 to vector<16xi32>
      %add3A_688 = arith.addi %broadcast_in_dim3A_687, %iota3A : vector<16xi32>
      %gather3A_689 = tpu.vector_load_idx %arg9[%add3A_688] : memref<1600xf32, #tpu.memory_space<vmem>>[vector<16xi32>], vector<16xf32>,
      %min3A_690 = arith.minimumf %gather3A_689, %gather3A_672 : vector<16xf32>
      %max3A_691 = arith.maximumf %gather3A_689, %gather3A_672 : vector<16xf32>
      %select_n3A_692 = arith.select %lt3A_2, %min3A_690, %max3A_691 : vector<16xi1>, vector<16xf32>
      tpu.vector_store_idx %arg9[%add3A_688], %select_n3A_692 : memref<1600xf32, #tpu.memory_space<vmem>>[vector<16xi32>], vector<16xf32>,
      %mul3A_693 = arith.constant 16 : i32
      %mul3A_694 = arith.muli %scan3A_421, %mul3A_693 : i32
      %add3A_695 = arith.constant 10 : i32
      %add3A_696 = arith.addi %mul3A_694, %add3A_695 : i32
      %broadcast_in_dim3A_697 = vector.broadcast %add3A_696 : i32 to vector<16xi32>
      %add3A_698 = arith.addi %broadcast_in_dim3A_697, %mul3A_7 : vector<16xi32>
      %gather3A_699 = tpu.vector_load_idx %arg6[%add3A_698] : memref<12800xf32, #tpu.memory_space<vmem>>[vector<16xi32>], vector<16xf32>,
      %slice3A_700 = vector.extract_strided_slice %gather3A {offsets = [10], sizes = [1], strides = [1]} : vector<16xi32> to vector<1xi32>
      %squeeze3A_701 = vector.extract %slice3A_700[0] : i32 from vector<1xi32>
      %slice3A_702 = vector.extract_strided_slice %gather3A_426 {offsets = [10], sizes = [1], strides = [1]} : vector<16xi32> to vector<1xi32>
      %squeeze3A_703 = vector.extract %slice3A_702[0] : i32 from vector<1xi32>
      %mul3A_704 = arith.constant 16 : i32
      %mul3A_705 = arith.muli %squeeze3A_701, %mul3A_704 : i32
      %broadcast_in_dim3A_706 = vector.broadcast %mul3A_705 : i32 to vector<16xi32>
      %add3A_707 = arith.addi %broadcast_in_dim3A_706, %iota3A : vector<16xi32>
      %gather3A_708 = tpu.vector_load_idx %arg9[%add3A_707] : memref<1600xf32, #tpu.memory_space<vmem>>[vector<16xi32>], vector<16xf32>,
      %min3A_709 = arith.minimumf %gather3A_708, %gather3A_699 : vector<16xf32>
      %max3A_710 = arith.maximumf %gather3A_708, %gather3A_699 : vector<16xf32>
      %select_n3A_711 = arith.select %lt3A_2, %min3A_709, %max3A_710 : vector<16xi1>, vector<16xf32>
      tpu.vector_store_idx %arg9[%add3A_707], %select_n3A_711 : memref<1600xf32, #tpu.memory_space<vmem>>[vector<16xi32>], vector<16xf32>,
      %mul3A_712 = arith.constant 16 : i32
      %mul3A_713 = arith.muli %squeeze3A_703, %mul3A_712 : i32
      %broadcast_in_dim3A_714 = vector.broadcast %mul3A_713 : i32 to vector<16xi32>
      %add3A_715 = arith.addi %broadcast_in_dim3A_714, %iota3A : vector<16xi32>
      %gather3A_716 = tpu.vector_load_idx %arg9[%add3A_715] : memref<1600xf32, #tpu.memory_space<vmem>>[vector<16xi32>], vector<16xf32>,
      %min3A_717 = arith.minimumf %gather3A_716, %gather3A_699 : vector<16xf32>
      %max3A_718 = arith.maximumf %gather3A_716, %gather3A_699 : vector<16xf32>
      %select_n3A_719 = arith.select %lt3A_2, %min3A_717, %max3A_718 : vector<16xi1>, vector<16xf32>
      tpu.vector_store_idx %arg9[%add3A_715], %select_n3A_719 : memref<1600xf32, #tpu.memory_space<vmem>>[vector<16xi32>], vector<16xf32>,
      %mul3A_720 = arith.constant 16 : i32
      %mul3A_721 = arith.muli %scan3A_421, %mul3A_720 : i32
      %add3A_722 = arith.constant 11 : i32
      %add3A_723 = arith.addi %mul3A_721, %add3A_722 : i32
      %broadcast_in_dim3A_724 = vector.broadcast %add3A_723 : i32 to vector<16xi32>
      %add3A_725 = arith.addi %broadcast_in_dim3A_724, %mul3A_7 : vector<16xi32>
      %gather3A_726 = tpu.vector_load_idx %arg6[%add3A_725] : memref<12800xf32, #tpu.memory_space<vmem>>[vector<16xi32>], vector<16xf32>,
      %slice3A_727 = vector.extract_strided_slice %gather3A {offsets = [11], sizes = [1], strides = [1]} : vector<16xi32> to vector<1xi32>
      %squeeze3A_728 = vector.extract %slice3A_727[0] : i32 from vector<1xi32>
      %slice3A_729 = vector.extract_strided_slice %gather3A_426 {offsets = [11], sizes = [1], strides = [1]} : vector<16xi32> to vector<1xi32>
      %squeeze3A_730 = vector.extract %slice3A_729[0] : i32 from vector<1xi32>
      %mul3A_731 = arith.constant 16 : i32
      %mul3A_732 = arith.muli %squeeze3A_728, %mul3A_731 : i32
      %broadcast_in_dim3A_733 = vector.broadcast %mul3A_732 : i32 to vector<16xi32>
      %add3A_734 = arith.addi %broadcast_in_dim3A_733, %iota3A : vector<16xi32>
      %gather3A_735 = tpu.vector_load_idx %arg9[%add3A_734] : memref<1600xf32, #tpu.memory_space<vmem>>[vector<16xi32>], vector<16xf32>,
      %min3A_736 = arith.minimumf %gather3A_735, %gather3A_726 : vector<16xf32>
      %max3A_737 = arith.maximumf %gather3A_735, %gather3A_726 : vector<16xf32>
      %select_n3A_738 = arith.select %lt3A_2, %min3A_736, %max3A_737 : vector<16xi1>, vector<16xf32>
      tpu.vector_store_idx %arg9[%add3A_734], %select_n3A_738 : memref<1600xf32, #tpu.memory_space<vmem>>[vector<16xi32>], vector<16xf32>,
      %mul3A_739 = arith.constant 16 : i32
      %mul3A_740 = arith.muli %squeeze3A_730, %mul3A_739 : i32
      %broadcast_in_dim3A_741 = vector.broadcast %mul3A_740 : i32 to vector<16xi32>
      %add3A_742 = arith.addi %broadcast_in_dim3A_741, %iota3A : vector<16xi32>
      %gather3A_743 = tpu.vector_load_idx %arg9[%add3A_742] : memref<1600xf32, #tpu.memory_space<vmem>>[vector<16xi32>], vector<16xf32>,
      %min3A_744 = arith.minimumf %gather3A_743, %gather3A_726 : vector<16xf32>
      %max3A_745 = arith.maximumf %gather3A_743, %gather3A_726 : vector<16xf32>
      %select_n3A_746 = arith.select %lt3A_2, %min3A_744, %max3A_745 : vector<16xi1>, vector<16xf32>
      tpu.vector_store_idx %arg9[%add3A_742], %select_n3A_746 : memref<1600xf32, #tpu.memory_space<vmem>>[vector<16xi32>], vector<16xf32>,
      %mul3A_747 = arith.constant 16 : i32
      %mul3A_748 = arith.muli %scan3A_421, %mul3A_747 : i32
      %add3A_749 = arith.constant 12 : i32
      %add3A_750 = arith.addi %mul3A_748, %add3A_749 : i32
      %broadcast_in_dim3A_751 = vector.broadcast %add3A_750 : i32 to vector<16xi32>
      %add3A_752 = arith.addi %broadcast_in_dim3A_751, %mul3A_7 : vector<16xi32>
      %gather3A_753 = tpu.vector_load_idx %arg6[%add3A_752] : memref<12800xf32, #tpu.memory_space<vmem>>[vector<16xi32>], vector<16xf32>,
      %slice3A_754 = vector.extract_strided_slice %gather3A {offsets = [12], sizes = [1], strides = [1]} : vector<16xi32> to vector<1xi32>
      %squeeze3A_755 = vector.extract %slice3A_754[0] : i32 from vector<1xi32>
      %slice3A_756 = vector.extract_strided_slice %gather3A_426 {offsets = [12], sizes = [1], strides = [1]} : vector<16xi32> to vector<1xi32>
      %squeeze3A_757 = vector.extract %slice3A_756[0] : i32 from vector<1xi32>
      %mul3A_758 = arith.constant 16 : i32
      %mul3A_759 = arith.muli %squeeze3A_755, %mul3A_758 : i32
      %broadcast_in_dim3A_760 = vector.broadcast %mul3A_759 : i32 to vector<16xi32>
      %add3A_761 = arith.addi %broadcast_in_dim3A_760, %iota3A : vector<16xi32>
      %gather3A_762 = tpu.vector_load_idx %arg9[%add3A_761] : memref<1600xf32, #tpu.memory_space<vmem>>[vector<16xi32>], vector<16xf32>,
      %min3A_763 = arith.minimumf %gather3A_762, %gather3A_753 : vector<16xf32>
      %max3A_764 = arith.maximumf %gather3A_762, %gather3A_753 : vector<16xf32>
      %select_n3A_765 = arith.select %lt3A_2, %min3A_763, %max3A_764 : vector<16xi1>, vector<16xf32>
      tpu.vector_store_idx %arg9[%add3A_761], %select_n3A_765 : memref<1600xf32, #tpu.memory_space<vmem>>[vector<16xi32>], vector<16xf32>,
      %mul3A_766 = arith.constant 16 : i32
      %mul3A_767 = arith.muli %squeeze3A_757, %mul3A_766 : i32
      %broadcast_in_dim3A_768 = vector.broadcast %mul3A_767 : i32 to vector<16xi32>
      %add3A_769 = arith.addi %broadcast_in_dim3A_768, %iota3A : vector<16xi32>
      %gather3A_770 = tpu.vector_load_idx %arg9[%add3A_769] : memref<1600xf32, #tpu.memory_space<vmem>>[vector<16xi32>], vector<16xf32>,
      %min3A_771 = arith.minimumf %gather3A_770, %gather3A_753 : vector<16xf32>
      %max3A_772 = arith.maximumf %gather3A_770, %gather3A_753 : vector<16xf32>
      %select_n3A_773 = arith.select %lt3A_2, %min3A_771, %max3A_772 : vector<16xi1>, vector<16xf32>
      tpu.vector_store_idx %arg9[%add3A_769], %select_n3A_773 : memref<1600xf32, #tpu.memory_space<vmem>>[vector<16xi32>], vector<16xf32>,
      %mul3A_774 = arith.constant 16 : i32
      %mul3A_775 = arith.muli %scan3A_421, %mul3A_774 : i32
      %add3A_776 = arith.constant 13 : i32
      %add3A_777 = arith.addi %mul3A_775, %add3A_776 : i32
      %broadcast_in_dim3A_778 = vector.broadcast %add3A_777 : i32 to vector<16xi32>
      %add3A_779 = arith.addi %broadcast_in_dim3A_778, %mul3A_7 : vector<16xi32>
      %gather3A_780 = tpu.vector_load_idx %arg6[%add3A_779] : memref<12800xf32, #tpu.memory_space<vmem>>[vector<16xi32>], vector<16xf32>,
      %slice3A_781 = vector.extract_strided_slice %gather3A {offsets = [13], sizes = [1], strides = [1]} : vector<16xi32> to vector<1xi32>
      %squeeze3A_782 = vector.extract %slice3A_781[0] : i32 from vector<1xi32>
      %slice3A_783 = vector.extract_strided_slice %gather3A_426 {offsets = [13], sizes = [1], strides = [1]} : vector<16xi32> to vector<1xi32>
      %squeeze3A_784 = vector.extract %slice3A_783[0] : i32 from vector<1xi32>
      %mul3A_785 = arith.constant 16 : i32
      %mul3A_786 = arith.muli %squeeze3A_782, %mul3A_785 : i32
      %broadcast_in_dim3A_787 = vector.broadcast %mul3A_786 : i32 to vector<16xi32>
      %add3A_788 = arith.addi %broadcast_in_dim3A_787, %iota3A : vector<16xi32>
      %gather3A_789 = tpu.vector_load_idx %arg9[%add3A_788] : memref<1600xf32, #tpu.memory_space<vmem>>[vector<16xi32>], vector<16xf32>,
      %min3A_790 = arith.minimumf %gather3A_789, %gather3A_780 : vector<16xf32>
      %max3A_791 = arith.maximumf %gather3A_789, %gather3A_780 : vector<16xf32>
      %select_n3A_792 = arith.select %lt3A_2, %min3A_790, %max3A_791 : vector<16xi1>, vector<16xf32>
      tpu.vector_store_idx %arg9[%add3A_788], %select_n3A_792 : memref<1600xf32, #tpu.memory_space<vmem>>[vector<16xi32>], vector<16xf32>,
      %mul3A_793 = arith.constant 16 : i32
      %mul3A_794 = arith.muli %squeeze3A_784, %mul3A_793 : i32
      %broadcast_in_dim3A_795 = vector.broadcast %mul3A_794 : i32 to vector<16xi32>
      %add3A_796 = arith.addi %broadcast_in_dim3A_795, %iota3A : vector<16xi32>
      %gather3A_797 = tpu.vector_load_idx %arg9[%add3A_796] : memref<1600xf32, #tpu.memory_space<vmem>>[vector<16xi32>], vector<16xf32>,
      %min3A_798 = arith.minimumf %gather3A_797, %gather3A_780 : vector<16xf32>
      %max3A_799 = arith.maximumf %gather3A_797, %gather3A_780 : vector<16xf32>
      %select_n3A_800 = arith.select %lt3A_2, %min3A_798, %max3A_799 : vector<16xi1>, vector<16xf32>
      tpu.vector_store_idx %arg9[%add3A_796], %select_n3A_800 : memref<1600xf32, #tpu.memory_space<vmem>>[vector<16xi32>], vector<16xf32>,
      %mul3A_801 = arith.constant 16 : i32
      %mul3A_802 = arith.muli %scan3A_421, %mul3A_801 : i32
      %add3A_803 = arith.constant 14 : i32
      %add3A_804 = arith.addi %mul3A_802, %add3A_803 : i32
      %broadcast_in_dim3A_805 = vector.broadcast %add3A_804 : i32 to vector<16xi32>
      %add3A_806 = arith.addi %broadcast_in_dim3A_805, %mul3A_7 : vector<16xi32>
      %gather3A_807 = tpu.vector_load_idx %arg6[%add3A_806] : memref<12800xf32, #tpu.memory_space<vmem>>[vector<16xi32>], vector<16xf32>,
      %slice3A_808 = vector.extract_strided_slice %gather3A {offsets = [14], sizes = [1], strides = [1]} : vector<16xi32> to vector<1xi32>
      %squeeze3A_809 = vector.extract %slice3A_808[0] : i32 from vector<1xi32>
      %slice3A_810 = vector.extract_strided_slice %gather3A_426 {offsets = [14], sizes = [1], strides = [1]} : vector<16xi32> to vector<1xi32>
      %squeeze3A_811 = vector.extract %slice3A_810[0] : i32 from vector<1xi32>
      %mul3A_812 = arith.constant 16 : i32
      %mul3A_813 = arith.muli %squeeze3A_809, %mul3A_812 : i32
      %broadcast_in_dim3A_814 = vector.broadcast %mul3A_813 : i32 to vector<16xi32>
      %add3A_815 = arith.addi %broadcast_in_dim3A_814, %iota3A : vector<16xi32>
      %gather3A_816 = tpu.vector_load_idx %arg9[%add3A_815] : memref<1600xf32, #tpu.memory_space<vmem>>[vector<16xi32>], vector<16xf32>,
      %min3A_817 = arith.minimumf %gather3A_816, %gather3A_807 : vector<16xf32>
      %max3A_818 = arith.maximumf %gather3A_816, %gather3A_807 : vector<16xf32>
      %select_n3A_819 = arith.select %lt3A_2, %min3A_817, %max3A_818 : vector<16xi1>, vector<16xf32>
      tpu.vector_store_idx %arg9[%add3A_815], %select_n3A_819 : memref<1600xf32, #tpu.memory_space<vmem>>[vector<16xi32>], vector<16xf32>,
      %mul3A_820 = arith.constant 16 : i32
      %mul3A_821 = arith.muli %squeeze3A_811, %mul3A_820 : i32
      %broadcast_in_dim3A_822 = vector.broadcast %mul3A_821 : i32 to vector<16xi32>
      %add3A_823 = arith.addi %broadcast_in_dim3A_822, %iota3A : vector<16xi32>
      %gather3A_824 = tpu.vector_load_idx %arg9[%add3A_823] : memref<1600xf32, #tpu.memory_space<vmem>>[vector<16xi32>], vector<16xf32>,
      %min3A_825 = arith.minimumf %gather3A_824, %gather3A_807 : vector<16xf32>
      %max3A_826 = arith.maximumf %gather3A_824, %gather3A_807 : vector<16xf32>
      %select_n3A_827 = arith.select %lt3A_2, %min3A_825, %max3A_826 : vector<16xi1>, vector<16xf32>
      tpu.vector_store_idx %arg9[%add3A_823], %select_n3A_827 : memref<1600xf32, #tpu.memory_space<vmem>>[vector<16xi32>], vector<16xf32>,
      %mul3A_828 = arith.constant 16 : i32
      %mul3A_829 = arith.muli %scan3A_421, %mul3A_828 : i32
      %add3A_830 = arith.constant 15 : i32
      %add3A_831 = arith.addi %mul3A_829, %add3A_830 : i32
      %broadcast_in_dim3A_832 = vector.broadcast %add3A_831 : i32 to vector<16xi32>
      %add3A_833 = arith.addi %broadcast_in_dim3A_832, %mul3A_7 : vector<16xi32>
      %gather3A_834 = tpu.vector_load_idx %arg6[%add3A_833] : memref<12800xf32, #tpu.memory_space<vmem>>[vector<16xi32>], vector<16xf32>,
      %slice3A_835 = vector.extract_strided_slice %gather3A {offsets = [15], sizes = [1], strides = [1]} : vector<16xi32> to vector<1xi32>
      %squeeze3A_836 = vector.extract %slice3A_835[0] : i32 from vector<1xi32>
      %slice3A_837 = vector.extract_strided_slice %gather3A_426 {offsets = [15], sizes = [1], strides = [1]} : vector<16xi32> to vector<1xi32>
      %squeeze3A_838 = vector.extract %slice3A_837[0] : i32 from vector<1xi32>
      %mul3A_839 = arith.constant 16 : i32
      %mul3A_840 = arith.muli %squeeze3A_836, %mul3A_839 : i32
      %broadcast_in_dim3A_841 = vector.broadcast %mul3A_840 : i32 to vector<16xi32>
      %add3A_842 = arith.addi %broadcast_in_dim3A_841, %iota3A : vector<16xi32>
      %gather3A_843 = tpu.vector_load_idx %arg9[%add3A_842] : memref<1600xf32, #tpu.memory_space<vmem>>[vector<16xi32>], vector<16xf32>,
      %min3A_844 = arith.minimumf %gather3A_843, %gather3A_834 : vector<16xf32>
      %max3A_845 = arith.maximumf %gather3A_843, %gather3A_834 : vector<16xf32>
      %select_n3A_846 = arith.select %lt3A_2, %min3A_844, %max3A_845 : vector<16xi1>, vector<16xf32>
      tpu.vector_store_idx %arg9[%add3A_842], %select_n3A_846 : memref<1600xf32, #tpu.memory_space<vmem>>[vector<16xi32>], vector<16xf32>,
      %mul3A_847 = arith.constant 16 : i32
      %mul3A_848 = arith.muli %squeeze3A_838, %mul3A_847 : i32
      %broadcast_in_dim3A_849 = vector.broadcast %mul3A_848 : i32 to vector<16xi32>
      %add3A_850 = arith.addi %broadcast_in_dim3A_849, %iota3A : vector<16xi32>
      %gather3A_851 = tpu.vector_load_idx %arg9[%add3A_850] : memref<1600xf32, #tpu.memory_space<vmem>>[vector<16xi32>], vector<16xf32>,
      %min3A_852 = arith.minimumf %gather3A_851, %gather3A_834 : vector<16xf32>
      %max3A_853 = arith.maximumf %gather3A_851, %gather3A_834 : vector<16xf32>
      %select_n3A_854 = arith.select %lt3A_2, %min3A_852, %max3A_853 : vector<16xi1>, vector<16xf32>
      tpu.vector_store_idx %arg9[%add3A_850], %select_n3A_854 : memref<1600xf32, #tpu.memory_space<vmem>>[vector<16xi32>], vector<16xf32>,
    }
    %scan3A_292 = arith.constant 100 : i32
    %broadcast_in_dim3A_293 = arith.constant 0.000000e+00 : f32
    %broadcast_in_dim3A_294 = vector.broadcast %broadcast_in_dim3A_293 : f32 to vector<16xf32>
    %scan3A_295 = arith.constant 0 : i32
    %scan3A_296 = arith.constant 100 : i32
    %scan3A_297 = arith.addi %scan3A_295, %scan3A_296 : i32
    %scan3A_298 = arith.constant 1 : i32
    %scan3A_299 = scf.for %scan3A_421 = %scan3A_295 to %scan3A_297 step %scan3A_298 iter_args(%scan3A_422 = %broadcast_in_dim3A_294) -> (vector<16xf32>)  : i32 {
      %mul3A_423 = arith.constant 16 : i32
      %mul3A_424 = arith.muli %scan3A_421, %mul3A_423 : i32
      %broadcast_in_dim3A_425 = vector.broadcast %mul3A_424 : i32 to vector<16xi32>
      %add3A_426 = arith.addi %broadcast_in_dim3A_425, %iota3A : vector<16xi32>
      %gather3A = tpu.vector_load_idx %arg9[%add3A_426] : memref<1600xf32, #tpu.memory_space<vmem>>[vector<16xi32>], vector<16xf32>,
      %abs3A = math.absf %gather3A : vector<16xf32>
      %lt3A_427 = arith.constant 0x7F800000 : f32
      %lt3A_428 = vector.broadcast %lt3A_427 : f32 to vector<16xf32>
      %lt3A_429 = arith.cmpf olt, %abs3A, %lt3A_428 : vector<16xf32>
      %jit3A_430 = arith.constant 1.000000e+00 : f32
      %broadcast_in_dim3A_431 = vector.broadcast %jit3A_430 : f32 to vector<16xf32>
      %select_n3A_432 = arith.select %lt3A_429, %gather3A, %broadcast_in_dim3A_431 : vector<16xi1>, vector<16xf32>
      tpu.vector_store_idx %arg9[%add3A_426], %select_n3A_432 : memref<1600xf32, #tpu.memory_space<vmem>>[vector<16xi32>], vector<16xf32>,
      %add3A_433 = arith.addf %scan3A_422, %select_n3A_432 : vector<16xf32>
      scf.yield %add3A_433 : vector<16xf32>
    }
    %scan3A_300 = arith.constant 100 : i32
    %div3A_301 = arith.constant 1.000000e+02 : f32
    %div3A_302 = vector.broadcast %div3A_301 : f32 to vector<16xf32>
    %div3A_303 = arith.divf %scan3A_299, %div3A_302 : vector<16xf32>
    %broadcast_in_dim3A_304 = arith.constant 0.000000e+00 : f32
    %broadcast_in_dim3A_305 = vector.broadcast %broadcast_in_dim3A_304 : f32 to vector<16xf32>
    %broadcast_in_dim3A_306 = arith.constant 0.000000e+00 : f32
    %broadcast_in_dim3A_307 = vector.broadcast %broadcast_in_dim3A_306 : f32 to vector<16xf32>
    %broadcast_in_dim3A_308 = arith.constant 0.000000e+00 : f32
    %broadcast_in_dim3A_309 = vector.broadcast %broadcast_in_dim3A_308 : f32 to vector<16xf32>
    %broadcast_in_dim3A_310 = arith.constant 0.000000e+00 : f32
    %broadcast_in_dim3A_311 = vector.broadcast %broadcast_in_dim3A_310 : f32 to vector<16xf32>
    %broadcast_in_dim3A_312 = arith.constant 0.000000e+00 : f32
    %broadcast_in_dim3A_313 = vector.broadcast %broadcast_in_dim3A_312 : f32 to vector<16xf32>
    %broadcast_in_dim3A_314 = arith.constant 0.000000e+00 : f32
    %broadcast_in_dim3A_315 = vector.broadcast %broadcast_in_dim3A_314 : f32 to vector<16xf32>
    %broadcast_in_dim3A_316 = arith.constant 0.000000e+00 : f32
    %broadcast_in_dim3A_317 = vector.broadcast %broadcast_in_dim3A_316 : f32 to vector<16xf32>
    %broadcast_in_dim3A_318 = arith.constant 0.000000e+00 : f32
    %broadcast_in_dim3A_319 = vector.broadcast %broadcast_in_dim3A_318 : f32 to vector<16xf32>
    %scan3A_320 = arith.constant 0 : i32
    %scan3A_321 = arith.constant 100 : i32
    %scan3A_322 = arith.addi %scan3A_320, %scan3A_321 : i32
    %scan3A_323 = arith.constant 1 : i32
    %scan3A_324:8 = scf.for %scan3A_421 = %scan3A_320 to %scan3A_322 step %scan3A_323 iter_args(%scan3A_422 = %broadcast_in_dim3A_305, %scan3A_423 = %broadcast_in_dim3A_307, %scan3A_424 = %broadcast_in_dim3A_309, %scan3A_425 = %broadcast_in_dim3A_311, %scan3A_426 = %broadcast_in_dim3A_313, %scan3A_427 = %broadcast_in_dim3A_315, %scan3A_428 = %broadcast_in_dim3A_317, %scan3A_429 = %broadcast_in_dim3A_319) -> (vector<16xf32>, vector<16xf32>, vector<16xf32>, vector<16xf32>, vector<16xf32>, vector<16xf32>, vector<16xf32>, vector<16xf32>)  : i32 {
      %mul3A_430 = arith.constant 16 : i32
      %mul3A_431 = arith.muli %scan3A_421, %mul3A_430 : i32
      %add3A_432 = vector.broadcast %mul3A_431 : i32 to vector<16xi32>
      %add3A_433 = arith.addi %add3A_432, %iota3A : vector<16xi32>
      %gather3A = tpu.vector_load_idx %arg7[%add3A_433] : memref<1600xi32, #tpu.memory_space<vmem>>[vector<16xi32>], vector<16xi32>,
      %gather3A_434 = tpu.vector_load_idx %arg8[%add3A_433] : memref<1600xi32, #tpu.memory_space<vmem>>[vector<16xi32>], vector<16xi32>,
      %add3A_435 = arith.constant 0 : i32
      %add3A_436 = vector.broadcast %add3A_435 : i32 to vector<16xi32>
      %add3A_437 = arith.addi %add3A_433, %add3A_436 : vector<16xi32>
      %gather3A_438 = tpu.vector_load_idx %arg6[%add3A_437] : memref<12800xf32, #tpu.memory_space<vmem>>[vector<16xi32>], vector<16xf32>,
      %mul3A_439 = arith.constant 16 : i32
      %mul3A_440 = vector.broadcast %mul3A_439 : i32 to vector<16xi32>
      %mul3A_441 = arith.muli %gather3A, %mul3A_440 : vector<16xi32>
      %add3A_442 = arith.constant 0 : i32
      %add3A_443 = vector.broadcast %add3A_442 : i32 to vector<16xi32>
      %add3A_444 = arith.addi %mul3A_441, %add3A_443 : vector<16xi32>
      %gather3A_445 = tpu.vector_load_idx %arg9[%add3A_444] : memref<1600xf32, #tpu.memory_space<vmem>>[vector<16xi32>], vector<16xf32>,
      %mul3A_446 = arith.constant 16 : i32
      %mul3A_447 = vector.broadcast %mul3A_446 : i32 to vector<16xi32>
      %mul3A_448 = arith.muli %gather3A_434, %mul3A_447 : vector<16xi32>
      %add3A_449 = arith.constant 0 : i32
      %add3A_450 = vector.broadcast %add3A_449 : i32 to vector<16xi32>
      %add3A_451 = arith.addi %mul3A_448, %add3A_450 : vector<16xi32>
      %gather3A_452 = tpu.vector_load_idx %arg9[%add3A_451] : memref<1600xf32, #tpu.memory_space<vmem>>[vector<16xi32>], vector<16xf32>,
      %gt3A = arith.cmpf ogt, %gather3A_438, %gather3A_445 : vector<16xf32>
      %gt3A_453 = arith.cmpf ogt, %gather3A_438, %gather3A_452 : vector<16xf32>
      %and3A_454 = arith.andi %gt3A, %gt3A_453 : vector<16xi1>
      %jit3A_455 = arith.constant 1.000000e+00 : f32
      %jit3A_456 = arith.constant 0.000000e+00 : f32
      %broadcast_in_dim3A_457 = vector.broadcast %jit3A_455 : f32 to vector<16xf32>
      %broadcast_in_dim3A_458 = vector.broadcast %jit3A_456 : f32 to vector<16xf32>
      %select_n3A_459 = arith.select %and3A_454, %broadcast_in_dim3A_457, %broadcast_in_dim3A_458 : vector<16xi1>, vector<16xf32>
      %max3A = arith.maximumf %scan3A_422, %select_n3A_459 : vector<16xf32>
      %add3A_460 = arith.constant 1600 : i32
      %add3A_461 = vector.broadcast %add3A_460 : i32 to vector<16xi32>
      %add3A_462 = arith.addi %add3A_433, %add3A_461 : vector<16xi32>
      %gather3A_463 = tpu.vector_load_idx %arg6[%add3A_462] : memref<12800xf32, #tpu.memory_space<vmem>>[vector<16xi32>], vector<16xf32>,
      %mul3A_464 = arith.constant 16 : i32
      %mul3A_465 = vector.broadcast %mul3A_464 : i32 to vector<16xi32>
      %mul3A_466 = arith.muli %gather3A, %mul3A_465 : vector<16xi32>
      %add3A_467 = arith.constant 1 : i32
      %add3A_468 = vector.broadcast %add3A_467 : i32 to vector<16xi32>
      %add3A_469 = arith.addi %mul3A_466, %add3A_468 : vector<16xi32>
      %gather3A_470 = tpu.vector_load_idx %arg9[%add3A_469] : memref<1600xf32, #tpu.memory_space<vmem>>[vector<16xi32>], vector<16xf32>,
      %mul3A_471 = arith.constant 16 : i32
      %mul3A_472 = vector.broadcast %mul3A_471 : i32 to vector<16xi32>
      %mul3A_473 = arith.muli %gather3A_434, %mul3A_472 : vector<16xi32>
      %add3A_474 = arith.constant 1 : i32
      %add3A_475 = vector.broadcast %add3A_474 : i32 to vector<16xi32>
      %add3A_476 = arith.addi %mul3A_473, %add3A_475 : vector<16xi32>
      %gather3A_477 = tpu.vector_load_idx %arg9[%add3A_476] : memref<1600xf32, #tpu.memory_space<vmem>>[vector<16xi32>], vector<16xf32>,
      %gt3A_478 = arith.cmpf ogt, %gather3A_463, %gather3A_470 : vector<16xf32>
      %gt3A_479 = arith.cmpf ogt, %gather3A_463, %gather3A_477 : vector<16xf32>
      %and3A_480 = arith.andi %gt3A_478, %gt3A_479 : vector<16xi1>
      %jit3A_481 = arith.constant 1.000000e+00 : f32
      %jit3A_482 = arith.constant 0.000000e+00 : f32
      %broadcast_in_dim3A_483 = vector.broadcast %jit3A_481 : f32 to vector<16xf32>
      %broadcast_in_dim3A_484 = vector.broadcast %jit3A_482 : f32 to vector<16xf32>
      %select_n3A_485 = arith.select %and3A_480, %broadcast_in_dim3A_483, %broadcast_in_dim3A_484 : vector<16xi1>, vector<16xf32>
      %max3A_486 = arith.maximumf %scan3A_423, %select_n3A_485 : vector<16xf32>
      %add3A_487 = arith.constant 3200 : i32
      %add3A_488 = vector.broadcast %add3A_487 : i32 to vector<16xi32>
      %add3A_489 = arith.addi %add3A_433, %add3A_488 : vector<16xi32>
      %gather3A_490 = tpu.vector_load_idx %arg6[%add3A_489] : memref<12800xf32, #tpu.memory_space<vmem>>[vector<16xi32>], vector<16xf32>,
      %mul3A_491 = arith.constant 16 : i32
      %mul3A_492 = vector.broadcast %mul3A_491 : i32 to vector<16xi32>
      %mul3A_493 = arith.muli %gather3A, %mul3A_492 : vector<16xi32>
      %add3A_494 = arith.constant 2 : i32
      %add3A_495 = vector.broadcast %add3A_494 : i32 to vector<16xi32>
      %add3A_496 = arith.addi %mul3A_493, %add3A_495 : vector<16xi32>
      %gather3A_497 = tpu.vector_load_idx %arg9[%add3A_496] : memref<1600xf32, #tpu.memory_space<vmem>>[vector<16xi32>], vector<16xf32>,
      %mul3A_498 = arith.constant 16 : i32
      %mul3A_499 = vector.broadcast %mul3A_498 : i32 to vector<16xi32>
      %mul3A_500 = arith.muli %gather3A_434, %mul3A_499 : vector<16xi32>
      %add3A_501 = arith.constant 2 : i32
      %add3A_502 = vector.broadcast %add3A_501 : i32 to vector<16xi32>
      %add3A_503 = arith.addi %mul3A_500, %add3A_502 : vector<16xi32>
      %gather3A_504 = tpu.vector_load_idx %arg9[%add3A_503] : memref<1600xf32, #tpu.memory_space<vmem>>[vector<16xi32>], vector<16xf32>,
      %gt3A_505 = arith.cmpf ogt, %gather3A_490, %gather3A_497 : vector<16xf32>
      %gt3A_506 = arith.cmpf ogt, %gather3A_490, %gather3A_504 : vector<16xf32>
      %and3A_507 = arith.andi %gt3A_505, %gt3A_506 : vector<16xi1>
      %jit3A_508 = arith.constant 1.000000e+00 : f32
      %jit3A_509 = arith.constant 0.000000e+00 : f32
      %broadcast_in_dim3A_510 = vector.broadcast %jit3A_508 : f32 to vector<16xf32>
      %broadcast_in_dim3A_511 = vector.broadcast %jit3A_509 : f32 to vector<16xf32>
      %select_n3A_512 = arith.select %and3A_507, %broadcast_in_dim3A_510, %broadcast_in_dim3A_511 : vector<16xi1>, vector<16xf32>
      %max3A_513 = arith.maximumf %scan3A_424, %select_n3A_512 : vector<16xf32>
      %add3A_514 = arith.constant 4800 : i32
      %add3A_515 = vector.broadcast %add3A_514 : i32 to vector<16xi32>
      %add3A_516 = arith.addi %add3A_433, %add3A_515 : vector<16xi32>
      %gather3A_517 = tpu.vector_load_idx %arg6[%add3A_516] : memref<12800xf32, #tpu.memory_space<vmem>>[vector<16xi32>], vector<16xf32>,
      %mul3A_518 = arith.constant 16 : i32
      %mul3A_519 = vector.broadcast %mul3A_518 : i32 to vector<16xi32>
      %mul3A_520 = arith.muli %gather3A, %mul3A_519 : vector<16xi32>
      %add3A_521 = arith.constant 3 : i32
      %add3A_522 = vector.broadcast %add3A_521 : i32 to vector<16xi32>
      %add3A_523 = arith.addi %mul3A_520, %add3A_522 : vector<16xi32>
      %gather3A_524 = tpu.vector_load_idx %arg9[%add3A_523] : memref<1600xf32, #tpu.memory_space<vmem>>[vector<16xi32>], vector<16xf32>,
      %mul3A_525 = arith.constant 16 : i32
      %mul3A_526 = vector.broadcast %mul3A_525 : i32 to vector<16xi32>
      %mul3A_527 = arith.muli %gather3A_434, %mul3A_526 : vector<16xi32>
      %add3A_528 = arith.constant 3 : i32
      %add3A_529 = vector.broadcast %add3A_528 : i32 to vector<16xi32>
      %add3A_530 = arith.addi %mul3A_527, %add3A_529 : vector<16xi32>
      %gather3A_531 = tpu.vector_load_idx %arg9[%add3A_530] : memref<1600xf32, #tpu.memory_space<vmem>>[vector<16xi32>], vector<16xf32>,
      %gt3A_532 = arith.cmpf ogt, %gather3A_517, %gather3A_524 : vector<16xf32>
      %gt3A_533 = arith.cmpf ogt, %gather3A_517, %gather3A_531 : vector<16xf32>
      %and3A_534 = arith.andi %gt3A_532, %gt3A_533 : vector<16xi1>
      %jit3A_535 = arith.constant 1.000000e+00 : f32
      %jit3A_536 = arith.constant 0.000000e+00 : f32
      %broadcast_in_dim3A_537 = vector.broadcast %jit3A_535 : f32 to vector<16xf32>
      %broadcast_in_dim3A_538 = vector.broadcast %jit3A_536 : f32 to vector<16xf32>
      %select_n3A_539 = arith.select %and3A_534, %broadcast_in_dim3A_537, %broadcast_in_dim3A_538 : vector<16xi1>, vector<16xf32>
      %max3A_540 = arith.maximumf %scan3A_425, %select_n3A_539 : vector<16xf32>
      %add3A_541 = arith.constant 6400 : i32
      %add3A_542 = vector.broadcast %add3A_541 : i32 to vector<16xi32>
      %add3A_543 = arith.addi %add3A_433, %add3A_542 : vector<16xi32>
      %gather3A_544 = tpu.vector_load_idx %arg6[%add3A_543] : memref<12800xf32, #tpu.memory_space<vmem>>[vector<16xi32>], vector<16xf32>,
      %mul3A_545 = arith.constant 16 : i32
      %mul3A_546 = vector.broadcast %mul3A_545 : i32 to vector<16xi32>
      %mul3A_547 = arith.muli %gather3A, %mul3A_546 : vector<16xi32>
      %add3A_548 = arith.constant 4 : i32
      %add3A_549 = vector.broadcast %add3A_548 : i32 to vector<16xi32>
      %add3A_550 = arith.addi %mul3A_547, %add3A_549 : vector<16xi32>
      %gather3A_551 = tpu.vector_load_idx %arg9[%add3A_550] : memref<1600xf32, #tpu.memory_space<vmem>>[vector<16xi32>], vector<16xf32>,
      %mul3A_552 = arith.constant 16 : i32
      %mul3A_553 = vector.broadcast %mul3A_552 : i32 to vector<16xi32>
      %mul3A_554 = arith.muli %gather3A_434, %mul3A_553 : vector<16xi32>
      %add3A_555 = arith.constant 4 : i32
      %add3A_556 = vector.broadcast %add3A_555 : i32 to vector<16xi32>
      %add3A_557 = arith.addi %mul3A_554, %add3A_556 : vector<16xi32>
      %gather3A_558 = tpu.vector_load_idx %arg9[%add3A_557] : memref<1600xf32, #tpu.memory_space<vmem>>[vector<16xi32>], vector<16xf32>,
      %gt3A_559 = arith.cmpf ogt, %gather3A_544, %gather3A_551 : vector<16xf32>
      %gt3A_560 = arith.cmpf ogt, %gather3A_544, %gather3A_558 : vector<16xf32>
      %and3A_561 = arith.andi %gt3A_559, %gt3A_560 : vector<16xi1>
      %jit3A_562 = arith.constant 1.000000e+00 : f32
      %jit3A_563 = arith.constant 0.000000e+00 : f32
      %broadcast_in_dim3A_564 = vector.broadcast %jit3A_562 : f32 to vector<16xf32>
      %broadcast_in_dim3A_565 = vector.broadcast %jit3A_563 : f32 to vector<16xf32>
      %select_n3A_566 = arith.select %and3A_561, %broadcast_in_dim3A_564, %broadcast_in_dim3A_565 : vector<16xi1>, vector<16xf32>
      %max3A_567 = arith.maximumf %scan3A_426, %select_n3A_566 : vector<16xf32>
      %add3A_568 = arith.constant 8000 : i32
      %add3A_569 = vector.broadcast %add3A_568 : i32 to vector<16xi32>
      %add3A_570 = arith.addi %add3A_433, %add3A_569 : vector<16xi32>
      %gather3A_571 = tpu.vector_load_idx %arg6[%add3A_570] : memref<12800xf32, #tpu.memory_space<vmem>>[vector<16xi32>], vector<16xf32>,
      %mul3A_572 = arith.constant 16 : i32
      %mul3A_573 = vector.broadcast %mul3A_572 : i32 to vector<16xi32>
      %mul3A_574 = arith.muli %gather3A, %mul3A_573 : vector<16xi32>
      %add3A_575 = arith.constant 5 : i32
      %add3A_576 = vector.broadcast %add3A_575 : i32 to vector<16xi32>
      %add3A_577 = arith.addi %mul3A_574, %add3A_576 : vector<16xi32>
      %gather3A_578 = tpu.vector_load_idx %arg9[%add3A_577] : memref<1600xf32, #tpu.memory_space<vmem>>[vector<16xi32>], vector<16xf32>,
      %mul3A_579 = arith.constant 16 : i32
      %mul3A_580 = vector.broadcast %mul3A_579 : i32 to vector<16xi32>
      %mul3A_581 = arith.muli %gather3A_434, %mul3A_580 : vector<16xi32>
      %add3A_582 = arith.constant 5 : i32
      %add3A_583 = vector.broadcast %add3A_582 : i32 to vector<16xi32>
      %add3A_584 = arith.addi %mul3A_581, %add3A_583 : vector<16xi32>
      %gather3A_585 = tpu.vector_load_idx %arg9[%add3A_584] : memref<1600xf32, #tpu.memory_space<vmem>>[vector<16xi32>], vector<16xf32>,
      %gt3A_586 = arith.cmpf ogt, %gather3A_571, %gather3A_578 : vector<16xf32>
      %gt3A_587 = arith.cmpf ogt, %gather3A_571, %gather3A_585 : vector<16xf32>
      %and3A_588 = arith.andi %gt3A_586, %gt3A_587 : vector<16xi1>
      %jit3A_589 = arith.constant 1.000000e+00 : f32
      %jit3A_590 = arith.constant 0.000000e+00 : f32
      %broadcast_in_dim3A_591 = vector.broadcast %jit3A_589 : f32 to vector<16xf32>
      %broadcast_in_dim3A_592 = vector.broadcast %jit3A_590 : f32 to vector<16xf32>
      %select_n3A_593 = arith.select %and3A_588, %broadcast_in_dim3A_591, %broadcast_in_dim3A_592 : vector<16xi1>, vector<16xf32>
      %max3A_594 = arith.maximumf %scan3A_427, %select_n3A_593 : vector<16xf32>
      %add3A_595 = arith.constant 9600 : i32
      %add3A_596 = vector.broadcast %add3A_595 : i32 to vector<16xi32>
      %add3A_597 = arith.addi %add3A_433, %add3A_596 : vector<16xi32>
      %gather3A_598 = tpu.vector_load_idx %arg6[%add3A_597] : memref<12800xf32, #tpu.memory_space<vmem>>[vector<16xi32>], vector<16xf32>,
      %mul3A_599 = arith.constant 16 : i32
      %mul3A_600 = vector.broadcast %mul3A_599 : i32 to vector<16xi32>
      %mul3A_601 = arith.muli %gather3A, %mul3A_600 : vector<16xi32>
      %add3A_602 = arith.constant 6 : i32
      %add3A_603 = vector.broadcast %add3A_602 : i32 to vector<16xi32>
      %add3A_604 = arith.addi %mul3A_601, %add3A_603 : vector<16xi32>
      %gather3A_605 = tpu.vector_load_idx %arg9[%add3A_604] : memref<1600xf32, #tpu.memory_space<vmem>>[vector<16xi32>], vector<16xf32>,
      %mul3A_606 = arith.constant 16 : i32
      %mul3A_607 = vector.broadcast %mul3A_606 : i32 to vector<16xi32>
      %mul3A_608 = arith.muli %gather3A_434, %mul3A_607 : vector<16xi32>
      %add3A_609 = arith.constant 6 : i32
      %add3A_610 = vector.broadcast %add3A_609 : i32 to vector<16xi32>
      %add3A_611 = arith.addi %mul3A_608, %add3A_610 : vector<16xi32>
      %gather3A_612 = tpu.vector_load_idx %arg9[%add3A_611] : memref<1600xf32, #tpu.memory_space<vmem>>[vector<16xi32>], vector<16xf32>,
      %gt3A_613 = arith.cmpf ogt, %gather3A_598, %gather3A_605 : vector<16xf32>
      %gt3A_614 = arith.cmpf ogt, %gather3A_598, %gather3A_612 : vector<16xf32>
      %and3A_615 = arith.andi %gt3A_613, %gt3A_614 : vector<16xi1>
      %jit3A_616 = arith.constant 1.000000e+00 : f32
      %jit3A_617 = arith.constant 0.000000e+00 : f32
      %broadcast_in_dim3A_618 = vector.broadcast %jit3A_616 : f32 to vector<16xf32>
      %broadcast_in_dim3A_619 = vector.broadcast %jit3A_617 : f32 to vector<16xf32>
      %select_n3A_620 = arith.select %and3A_615, %broadcast_in_dim3A_618, %broadcast_in_dim3A_619 : vector<16xi1>, vector<16xf32>
      %max3A_621 = arith.maximumf %scan3A_428, %select_n3A_620 : vector<16xf32>
      %add3A_622 = arith.constant 11200 : i32
      %add3A_623 = vector.broadcast %add3A_622 : i32 to vector<16xi32>
      %add3A_624 = arith.addi %add3A_433, %add3A_623 : vector<16xi32>
      %gather3A_625 = tpu.vector_load_idx %arg6[%add3A_624] : memref<12800xf32, #tpu.memory_space<vmem>>[vector<16xi32>], vector<16xf32>,
      %mul3A_626 = arith.constant 16 : i32
      %mul3A_627 = vector.broadcast %mul3A_626 : i32 to vector<16xi32>
      %mul3A_628 = arith.muli %gather3A, %mul3A_627 : vector<16xi32>
      %add3A_629 = arith.constant 7 : i32
      %add3A_630 = vector.broadcast %add3A_629 : i32 to vector<16xi32>
      %add3A_631 = arith.addi %mul3A_628, %add3A_630 : vector<16xi32>
      %gather3A_632 = tpu.vector_load_idx %arg9[%add3A_631] : memref<1600xf32, #tpu.memory_space<vmem>>[vector<16xi32>], vector<16xf32>,
      %mul3A_633 = arith.constant 16 : i32
      %mul3A_634 = vector.broadcast %mul3A_633 : i32 to vector<16xi32>
      %mul3A_635 = arith.muli %gather3A_434, %mul3A_634 : vector<16xi32>
      %add3A_636 = arith.constant 7 : i32
      %add3A_637 = vector.broadcast %add3A_636 : i32 to vector<16xi32>
      %add3A_638 = arith.addi %mul3A_635, %add3A_637 : vector<16xi32>
      %gather3A_639 = tpu.vector_load_idx %arg9[%add3A_638] : memref<1600xf32, #tpu.memory_space<vmem>>[vector<16xi32>], vector<16xf32>,
      %gt3A_640 = arith.cmpf ogt, %gather3A_625, %gather3A_632 : vector<16xf32>
      %gt3A_641 = arith.cmpf ogt, %gather3A_625, %gather3A_639 : vector<16xf32>
      %and3A_642 = arith.andi %gt3A_640, %gt3A_641 : vector<16xi1>
      %jit3A_643 = arith.constant 1.000000e+00 : f32
      %jit3A_644 = arith.constant 0.000000e+00 : f32
      %broadcast_in_dim3A_645 = vector.broadcast %jit3A_643 : f32 to vector<16xf32>
      %broadcast_in_dim3A_646 = vector.broadcast %jit3A_644 : f32 to vector<16xf32>
      %select_n3A_647 = arith.select %and3A_642, %broadcast_in_dim3A_645, %broadcast_in_dim3A_646 : vector<16xi1>, vector<16xf32>
      %max3A_648 = arith.maximumf %scan3A_429, %select_n3A_647 : vector<16xf32>
      scf.yield %max3A, %max3A_486, %max3A_513, %max3A_540, %max3A_567, %max3A_594, %max3A_621, %max3A_648 : vector<16xf32>, vector<16xf32>, vector<16xf32>, vector<16xf32>, vector<16xf32>, vector<16xf32>, vector<16xf32>, vector<16xf32>
    }
    %scan3A_325 = arith.constant 100 : i32
    %broadcast_in_dim3A_326 = arith.constant 0.000000e+00 : f32
    %broadcast_in_dim3A_327 = vector.broadcast %broadcast_in_dim3A_326 : f32 to vector<16xf32>
    %eq3A_328 = arith.constant 0 : i32
    %eq3A_329 = vector.broadcast %eq3A_328 : i32 to vector<16xi32>
    %eq3A_330 = arith.cmpi eq, %iota3A, %eq3A_329 : vector<16xi32>
    %reduce_max3A_331 = arith.constant true
    %reduce_max3A_332 = vector.broadcast %reduce_max3A_331 : i1 to vector<16xi1>
    %reduce_max3A_333 = tpu.scan <max>, %scan3A_324#0 masked %reduce_max3A_332 : vector<16xf32>, vector<16xi1> -> vector<16xf32>
    %reduce_max3A_334 = vector.extract %reduce_max3A_333[15] : f32 from vector<16xf32>
    %broadcast_in_dim3A_335 = vector.broadcast %reduce_max3A_334 : f32 to vector<16xf32>
    %select_n3A_336 = arith.select %eq3A_330, %broadcast_in_dim3A_335, %broadcast_in_dim3A_327 : vector<16xi1>, vector<16xf32>
    %eq3A_337 = arith.constant 1 : i32
    %eq3A_338 = vector.broadcast %eq3A_337 : i32 to vector<16xi32>
    %eq3A_339 = arith.cmpi eq, %iota3A, %eq3A_338 : vector<16xi32>
    %reduce_max3A_340 = arith.constant true
    %reduce_max3A_341 = vector.broadcast %reduce_max3A_340 : i1 to vector<16xi1>
    %reduce_max3A_342 = tpu.scan <max>, %scan3A_324#1 masked %reduce_max3A_341 : vector<16xf32>, vector<16xi1> -> vector<16xf32>
    %reduce_max3A_343 = vector.extract %reduce_max3A_342[15] : f32 from vector<16xf32>
    %broadcast_in_dim3A_344 = vector.broadcast %reduce_max3A_343 : f32 to vector<16xf32>
    %select_n3A_345 = arith.select %eq3A_339, %broadcast_in_dim3A_344, %select_n3A_336 : vector<16xi1>, vector<16xf32>
    %eq3A_346 = arith.constant 2 : i32
    %eq3A_347 = vector.broadcast %eq3A_346 : i32 to vector<16xi32>
    %eq3A_348 = arith.cmpi eq, %iota3A, %eq3A_347 : vector<16xi32>
    %reduce_max3A_349 = arith.constant true
    %reduce_max3A_350 = vector.broadcast %reduce_max3A_349 : i1 to vector<16xi1>
    %reduce_max3A_351 = tpu.scan <max>, %scan3A_324#2 masked %reduce_max3A_350 : vector<16xf32>, vector<16xi1> -> vector<16xf32>
    %reduce_max3A_352 = vector.extract %reduce_max3A_351[15] : f32 from vector<16xf32>
    %broadcast_in_dim3A_353 = vector.broadcast %reduce_max3A_352 : f32 to vector<16xf32>
    %select_n3A_354 = arith.select %eq3A_348, %broadcast_in_dim3A_353, %select_n3A_345 : vector<16xi1>, vector<16xf32>
    %eq3A_355 = arith.constant 3 : i32
    %eq3A_356 = vector.broadcast %eq3A_355 : i32 to vector<16xi32>
    %eq3A_357 = arith.cmpi eq, %iota3A, %eq3A_356 : vector<16xi32>
    %reduce_max3A_358 = arith.constant true
    %reduce_max3A_359 = vector.broadcast %reduce_max3A_358 : i1 to vector<16xi1>
    %reduce_max3A_360 = tpu.scan <max>, %scan3A_324#3 masked %reduce_max3A_359 : vector<16xf32>, vector<16xi1> -> vector<16xf32>
    %reduce_max3A_361 = vector.extract %reduce_max3A_360[15] : f32 from vector<16xf32>
    %broadcast_in_dim3A_362 = vector.broadcast %reduce_max3A_361 : f32 to vector<16xf32>
    %select_n3A_363 = arith.select %eq3A_357, %broadcast_in_dim3A_362, %select_n3A_354 : vector<16xi1>, vector<16xf32>
    %eq3A_364 = arith.constant 4 : i32
    %eq3A_365 = vector.broadcast %eq3A_364 : i32 to vector<16xi32>
    %eq3A_366 = arith.cmpi eq, %iota3A, %eq3A_365 : vector<16xi32>
    %reduce_max3A_367 = arith.constant true
    %reduce_max3A_368 = vector.broadcast %reduce_max3A_367 : i1 to vector<16xi1>
    %reduce_max3A_369 = tpu.scan <max>, %scan3A_324#4 masked %reduce_max3A_368 : vector<16xf32>, vector<16xi1> -> vector<16xf32>
    %reduce_max3A_370 = vector.extract %reduce_max3A_369[15] : f32 from vector<16xf32>
    %broadcast_in_dim3A_371 = vector.broadcast %reduce_max3A_370 : f32 to vector<16xf32>
    %select_n3A_372 = arith.select %eq3A_366, %broadcast_in_dim3A_371, %select_n3A_363 : vector<16xi1>, vector<16xf32>
    %eq3A_373 = arith.constant 5 : i32
    %eq3A_374 = vector.broadcast %eq3A_373 : i32 to vector<16xi32>
    %eq3A_375 = arith.cmpi eq, %iota3A, %eq3A_374 : vector<16xi32>
    %reduce_max3A_376 = arith.constant true
    %reduce_max3A_377 = vector.broadcast %reduce_max3A_376 : i1 to vector<16xi1>
    %reduce_max3A_378 = tpu.scan <max>, %scan3A_324#5 masked %reduce_max3A_377 : vector<16xf32>, vector<16xi1> -> vector<16xf32>
    %reduce_max3A_379 = vector.extract %reduce_max3A_378[15] : f32 from vector<16xf32>
    %broadcast_in_dim3A_380 = vector.broadcast %reduce_max3A_379 : f32 to vector<16xf32>
    %select_n3A_381 = arith.select %eq3A_375, %broadcast_in_dim3A_380, %select_n3A_372 : vector<16xi1>, vector<16xf32>
    %eq3A_382 = arith.constant 6 : i32
    %eq3A_383 = vector.broadcast %eq3A_382 : i32 to vector<16xi32>
    %eq3A_384 = arith.cmpi eq, %iota3A, %eq3A_383 : vector<16xi32>
    %reduce_max3A_385 = arith.constant true
    %reduce_max3A_386 = vector.broadcast %reduce_max3A_385 : i1 to vector<16xi1>
    %reduce_max3A_387 = tpu.scan <max>, %scan3A_324#6 masked %reduce_max3A_386 : vector<16xf32>, vector<16xi1> -> vector<16xf32>
    %reduce_max3A_388 = vector.extract %reduce_max3A_387[15] : f32 from vector<16xf32>
    %broadcast_in_dim3A_389 = vector.broadcast %reduce_max3A_388 : f32 to vector<16xf32>
    %select_n3A_390 = arith.select %eq3A_384, %broadcast_in_dim3A_389, %select_n3A_381 : vector<16xi1>, vector<16xf32>
    %eq3A_391 = arith.constant 7 : i32
    %eq3A_392 = vector.broadcast %eq3A_391 : i32 to vector<16xi32>
    %eq3A_393 = arith.cmpi eq, %iota3A, %eq3A_392 : vector<16xi32>
    %reduce_max3A_394 = arith.constant true
    %reduce_max3A_395 = vector.broadcast %reduce_max3A_394 : i1 to vector<16xi1>
    %reduce_max3A_396 = tpu.scan <max>, %scan3A_324#7 masked %reduce_max3A_395 : vector<16xf32>, vector<16xi1> -> vector<16xf32>
    %reduce_max3A_397 = vector.extract %reduce_max3A_396[15] : f32 from vector<16xf32>
    %broadcast_in_dim3A_398 = vector.broadcast %reduce_max3A_397 : f32 to vector<16xf32>
    %select_n3A_399 = arith.select %eq3A_393, %broadcast_in_dim3A_398, %select_n3A_390 : vector<16xi1>, vector<16xf32>
    %xor3A_400 = arith.constant 8 : i32
    %xor3A_401 = vector.broadcast %xor3A_400 : i32 to vector<16xi32>
    %xor3A_402 = arith.xori %iota3A, %xor3A_401 : vector<16xi32>
    tpu.vector_store_idx %arg10[%xor3A_402], %div3A_303 : memref<64xf32, #tpu.memory_space<vmem>>[vector<16xi32>], vector<16xf32>,
    %add3A_403 = arith.constant 16 : i32
    %add3A_404 = vector.broadcast %add3A_403 : i32 to vector<16xi32>
    %add3A_405 = arith.addi %iota3A, %add3A_404 : vector<16xi32>
    tpu.vector_store_idx %arg10[%add3A_405], %select_n3A_399 : memref<64xf32, #tpu.memory_space<vmem>>[vector<16xi32>], vector<16xf32>,
    %add3A_406 = arith.constant 32 : i32
    %add3A_407 = vector.broadcast %add3A_406 : i32 to vector<16xi32>
    %add3A_408 = arith.addi %iota3A, %add3A_407 : vector<16xi32>
    %broadcast_in_dim3A_409 = arith.constant 0.000000e+00 : f32
    %broadcast_in_dim3A_410 = vector.broadcast %broadcast_in_dim3A_409 : f32 to vector<16xf32>
    tpu.vector_store_idx %arg10[%add3A_408], %broadcast_in_dim3A_410 : memref<64xf32, #tpu.memory_space<vmem>>[vector<16xi32>], vector<16xf32>,
    %add3A_411 = arith.constant 48 : i32
    %add3A_412 = vector.broadcast %add3A_411 : i32 to vector<16xi32>
    %add3A_413 = arith.addi %iota3A, %add3A_412 : vector<16xi32>
    %broadcast_in_dim3A_414 = arith.constant 0.000000e+00 : f32
    %broadcast_in_dim3A_415 = vector.broadcast %broadcast_in_dim3A_414 : f32 to vector<16xf32>
    tpu.vector_store_idx %arg10[%add3A_413], %broadcast_in_dim3A_415 : memref<64xf32, #tpu.memory_space<vmem>>[vector<16xi32>], vector<16xf32>,
    "tpu.region"() ({
      %run_scoped3A = tpu.sem_alloc : memref<!tpu.dma_semaphore, #tpu.memory_space<semaphore_mem>>
      %dma_start3A = arith.constant 0 : i32
      %dma_start3A_421 = tpu.memref_slice %arg5[%add3A_280, %dma_start3A] : memref<100x64xf32, #tpu.memory_space<hbm>> -> memref<1x64xf32, #tpu.memory_space<hbm>>
      %dma_start3A_422 = tpu.memref_squeeze %dma_start3A_421 : memref<1x64xf32, #tpu.memory_space<hbm>> -> memref<64xf32, #tpu.memory_space<hbm>>
      %dma_start3A_423 = arith.constant 0 : i32
      %dma_start3A_424 = tpu.memref_slice %arg5[%add3A_280, %dma_start3A_423] : memref<100x64xf32, #tpu.memory_space<hbm>> -> memref<1x64xf32, #tpu.memory_space<hbm>>
      %dma_start3A_425 = tpu.memref_squeeze %dma_start3A_424 : memref<1x64xf32, #tpu.memory_space<hbm>> -> memref<64xf32, #tpu.memory_space<hbm>>
      tpu.enqueue_dma source(%arg10 : memref<64xf32, #tpu.memory_space<vmem>>) target(%dma_start3A_425 : memref<64xf32, #tpu.memory_space<hbm>>) target_semaphore(%run_scoped3A : memref<!tpu.dma_semaphore, #tpu.memory_space<semaphore_mem>>)
      %dma_wait3A = arith.constant 0 : i32
      %dma_wait3A_426 = tpu.memref_slice %arg5[%add3A_280, %dma_wait3A] : memref<100x64xf32, #tpu.memory_space<hbm>> -> memref<1x64xf32, #tpu.memory_space<hbm>>
      %dma_wait3A_427 = tpu.memref_squeeze %dma_wait3A_426 : memref<1x64xf32, #tpu.memory_space<hbm>> -> memref<64xf32, #tpu.memory_space<hbm>>
      %dma_wait3A_428 = arith.constant 0 : i32
      %dma_wait3A_429 = tpu.memref_slice %arg5[%add3A_280, %dma_wait3A_428] : memref<100x64xf32, #tpu.memory_space<hbm>> -> memref<1x64xf32, #tpu.memory_space<hbm>>
      %dma_wait3A_430 = tpu.memref_squeeze %dma_wait3A_429 : memref<1x64xf32, #tpu.memory_space<hbm>> -> memref<64xf32, #tpu.memory_space<hbm>>
      tpu.wait_dma2 semaphore(%run_scoped3A : memref<!tpu.dma_semaphore, #tpu.memory_space<semaphore_mem>>) src(%arg10 : memref<64xf32, #tpu.memory_space<vmem>>) dst(%dma_wait3A_430 : memref<64xf32, #tpu.memory_space<hbm>>)
      tpu.yield
    }) : () -> ()
    %add3A_416 = arith.constant 96 : i32
    %add3A_417 = arith.addi %add3A, %add3A_416 : i32
    %lt3A_418 = arith.constant 100 : i32
    %lt3A_419 = arith.cmpi slt, %add3A_417, %lt3A_418 : i32
    %convert_element_type3A = arith.extui %lt3A_419 : i1 to i32
    %cond3A = arith.constant 0 : i32
    %cond3A_420 = arith.cmpi ne, %convert_element_type3A, %cond3A : i32
    scf.if %cond3A_420 {
      "tpu.region"() ({
        %run_scoped3A = tpu.sem_alloc : memref<!tpu.dma_semaphore, #tpu.memory_space<semaphore_mem>>
        %dma_start3A = arith.constant 0 : i32
        %dma_start3A_556 = tpu.memref_slice %arg2[%add3A_417, %dma_start3A] : memref<100x12800xf32, #tpu.memory_space<hbm>> -> memref<1x12800xf32, #tpu.memory_space<hbm>>
        %dma_start3A_557 = tpu.memref_squeeze %dma_start3A_556 : memref<1x12800xf32, #tpu.memory_space<hbm>> -> memref<12800xf32, #tpu.memory_space<hbm>>
        %dma_start3A_558 = arith.constant 0 : i32
        %dma_start3A_559 = tpu.memref_slice %arg2[%add3A_417, %dma_start3A_558] : memref<100x12800xf32, #tpu.memory_space<hbm>> -> memref<1x12800xf32, #tpu.memory_space<hbm>>
        %dma_start3A_560 = tpu.memref_squeeze %dma_start3A_559 : memref<1x12800xf32, #tpu.memory_space<hbm>> -> memref<12800xf32, #tpu.memory_space<hbm>>
        tpu.enqueue_dma source(%dma_start3A_560 : memref<12800xf32, #tpu.memory_space<hbm>>) target(%arg6 : memref<12800xf32, #tpu.memory_space<vmem>>) target_semaphore(%run_scoped3A : memref<!tpu.dma_semaphore, #tpu.memory_space<semaphore_mem>>)
        %dma_wait3A = arith.constant 0 : i32
        %dma_wait3A_561 = tpu.memref_slice %arg2[%add3A_417, %dma_wait3A] : memref<100x12800xf32, #tpu.memory_space<hbm>> -> memref<1x12800xf32, #tpu.memory_space<hbm>>
        %dma_wait3A_562 = tpu.memref_squeeze %dma_wait3A_561 : memref<1x12800xf32, #tpu.memory_space<hbm>> -> memref<12800xf32, #tpu.memory_space<hbm>>
        %dma_wait3A_563 = arith.constant 0 : i32
        %dma_wait3A_564 = tpu.memref_slice %arg2[%add3A_417, %dma_wait3A_563] : memref<100x12800xf32, #tpu.memory_space<hbm>> -> memref<1x12800xf32, #tpu.memory_space<hbm>>
        %dma_wait3A_565 = tpu.memref_squeeze %dma_wait3A_564 : memref<1x12800xf32, #tpu.memory_space<hbm>> -> memref<12800xf32, #tpu.memory_space<hbm>>
        tpu.wait_dma2 semaphore(%run_scoped3A : memref<!tpu.dma_semaphore, #tpu.memory_space<semaphore_mem>>) src(%dma_wait3A_565 : memref<12800xf32, #tpu.memory_space<hbm>>) dst(%arg6 : memref<12800xf32, #tpu.memory_space<vmem>>)
        tpu.yield
      }) : () -> ()
      "tpu.region"() ({
        %run_scoped3A = tpu.sem_alloc : memref<!tpu.dma_semaphore, #tpu.memory_space<semaphore_mem>>
        %dma_start3A = arith.constant 0 : i32
        %dma_start3A_556 = tpu.memref_slice %arg3[%add3A_417, %dma_start3A] : memref<100x1600xi32, #tpu.memory_space<hbm>> -> memref<1x1600xi32, #tpu.memory_space<hbm>>
        %dma_start3A_557 = tpu.memref_squeeze %dma_start3A_556 : memref<1x1600xi32, #tpu.memory_space<hbm>> -> memref<1600xi32, #tpu.memory_space<hbm>>
        %dma_start3A_558 = arith.constant 0 : i32
        %dma_start3A_559 = tpu.memref_slice %arg3[%add3A_417, %dma_start3A_558] : memref<100x1600xi32, #tpu.memory_space<hbm>> -> memref<1x1600xi32, #tpu.memory_space<hbm>>
        %dma_start3A_560 = tpu.memref_squeeze %dma_start3A_559 : memref<1x1600xi32, #tpu.memory_space<hbm>> -> memref<1600xi32, #tpu.memory_space<hbm>>
        tpu.enqueue_dma source(%dma_start3A_560 : memref<1600xi32, #tpu.memory_space<hbm>>) target(%arg7 : memref<1600xi32, #tpu.memory_space<vmem>>) target_semaphore(%run_scoped3A : memref<!tpu.dma_semaphore, #tpu.memory_space<semaphore_mem>>)
        %dma_wait3A = arith.constant 0 : i32
        %dma_wait3A_561 = tpu.memref_slice %arg3[%add3A_417, %dma_wait3A] : memref<100x1600xi32, #tpu.memory_space<hbm>> -> memref<1x1600xi32, #tpu.memory_space<hbm>>
        %dma_wait3A_562 = tpu.memref_squeeze %dma_wait3A_561 : memref<1x1600xi32, #tpu.memory_space<hbm>> -> memref<1600xi32, #tpu.memory_space<hbm>>
        %dma_wait3A_563 = arith.constant 0 : i32
        %dma_wait3A_564 = tpu.memref_slice %arg3[%add3A_417, %dma_wait3A_563] : memref<100x1600xi32, #tpu.memory_space<hbm>> -> memref<1x1600xi32, #tpu.memory_space<hbm>>
        %dma_wait3A_565 = tpu.memref_squeeze %dma_wait3A_564 : memref<1x1600xi32, #tpu.memory_space<hbm>> -> memref<1600xi32, #tpu.memory_space<hbm>>
        tpu.wait_dma2 semaphore(%run_scoped3A : memref<!tpu.dma_semaphore, #tpu.memory_space<semaphore_mem>>) src(%dma_wait3A_565 : memref<1600xi32, #tpu.memory_space<hbm>>) dst(%arg7 : memref<1600xi32, #tpu.memory_space<vmem>>)
        tpu.yield
      }) : () -> ()
      "tpu.region"() ({
        %run_scoped3A = tpu.sem_alloc : memref<!tpu.dma_semaphore, #tpu.memory_space<semaphore_mem>>
        %dma_start3A = arith.constant 0 : i32
        %dma_start3A_556 = tpu.memref_slice %arg4[%add3A_417, %dma_start3A] : memref<100x1600xi32, #tpu.memory_space<hbm>> -> memref<1x1600xi32, #tpu.memory_space<hbm>>
        %dma_start3A_557 = tpu.memref_squeeze %dma_start3A_556 : memref<1x1600xi32, #tpu.memory_space<hbm>> -> memref<1600xi32, #tpu.memory_space<hbm>>
        %dma_start3A_558 = arith.constant 0 : i32
        %dma_start3A_559 = tpu.memref_slice %arg4[%add3A_417, %dma_start3A_558] : memref<100x1600xi32, #tpu.memory_space<hbm>> -> memref<1x1600xi32, #tpu.memory_space<hbm>>
        %dma_start3A_560 = tpu.memref_squeeze %dma_start3A_559 : memref<1x1600xi32, #tpu.memory_space<hbm>> -> memref<1600xi32, #tpu.memory_space<hbm>>
        tpu.enqueue_dma source(%dma_start3A_560 : memref<1600xi32, #tpu.memory_space<hbm>>) target(%arg8 : memref<1600xi32, #tpu.memory_space<vmem>>) target_semaphore(%run_scoped3A : memref<!tpu.dma_semaphore, #tpu.memory_space<semaphore_mem>>)
        %dma_wait3A = arith.constant 0 : i32
        %dma_wait3A_561 = tpu.memref_slice %arg4[%add3A_417, %dma_wait3A] : memref<100x1600xi32, #tpu.memory_space<hbm>> -> memref<1x1600xi32, #tpu.memory_space<hbm>>
        %dma_wait3A_562 = tpu.memref_squeeze %dma_wait3A_561 : memref<1x1600xi32, #tpu.memory_space<hbm>> -> memref<1600xi32, #tpu.memory_space<hbm>>
        %dma_wait3A_563 = arith.constant 0 : i32
        %dma_wait3A_564 = tpu.memref_slice %arg4[%add3A_417, %dma_wait3A_563] : memref<100x1600xi32, #tpu.memory_space<hbm>> -> memref<1x1600xi32, #tpu.memory_space<hbm>>
        %dma_wait3A_565 = tpu.memref_squeeze %dma_wait3A_564 : memref<1x1600xi32, #tpu.memory_space<hbm>> -> memref<1600xi32, #tpu.memory_space<hbm>>
        tpu.wait_dma2 semaphore(%run_scoped3A : memref<!tpu.dma_semaphore, #tpu.memory_space<semaphore_mem>>) src(%dma_wait3A_565 : memref<1600xi32, #tpu.memory_space<hbm>>) dst(%arg8 : memref<1600xi32, #tpu.memory_space<vmem>>)
        tpu.yield
      }) : () -> ()
      %scan3A_421 = arith.constant 0 : i32
      %scan3A_422 = arith.constant 0 : i32
      %scan3A_423 = arith.constant 100 : i32
      %scan3A_424 = arith.addi %scan3A_422, %scan3A_423 : i32
      %scan3A_425 = arith.constant 1 : i32
      scf.for %scan3A_556 = %scan3A_422 to %scan3A_424 step %scan3A_425  : i32 {
        %mul3A_557 = arith.constant 16 : i32
        %mul3A_558 = arith.muli %scan3A_556, %mul3A_557 : i32
        %broadcast_in_dim3A_559 = vector.broadcast %mul3A_558 : i32 to vector<16xi32>
        %add3A_560 = arith.addi %broadcast_in_dim3A_559, %iota3A : vector<16xi32>
        tpu.vector_store_idx %arg9[%add3A_560], %select_n3A : memref<1600xf32, #tpu.memory_space<vmem>>[vector<16xi32>], vector<16xf32>,
      }
      %scan3A_426 = arith.constant 100 : i32
      %scan3A_427 = arith.constant 0 : i32
      %scan3A_428 = arith.constant 0 : i32
      %scan3A_429 = arith.constant 100 : i32
      %scan3A_430 = arith.addi %scan3A_428, %scan3A_429 : i32
      %scan3A_431 = arith.constant 1 : i32
      scf.for %scan3A_556 = %scan3A_428 to %scan3A_430 step %scan3A_431  : i32 {
        %mul3A_557 = arith.constant 16 : i32
        %mul3A_558 = arith.muli %scan3A_556, %mul3A_557 : i32
        %add3A_559 = vector.broadcast %mul3A_558 : i32 to vector<16xi32>
        %add3A_560 = arith.addi %add3A_559, %iota3A : vector<16xi32>
        %gather3A = tpu.vector_load_idx %arg7[%add3A_560] : memref<1600xi32, #tpu.memory_space<vmem>>[vector<16xi32>], vector<16xi32>,
        %gather3A_561 = tpu.vector_load_idx %arg8[%add3A_560] : memref<1600xi32, #tpu.memory_space<vmem>>[vector<16xi32>], vector<16xi32>,
        %mul3A_562 = arith.constant 16 : i32
        %mul3A_563 = arith.muli %scan3A_556, %mul3A_562 : i32
        %add3A_564 = arith.constant 0 : i32
        %add3A_565 = arith.addi %mul3A_563, %add3A_564 : i32
        %broadcast_in_dim3A_566 = vector.broadcast %add3A_565 : i32 to vector<16xi32>
        %add3A_567 = arith.addi %broadcast_in_dim3A_566, %mul3A_7 : vector<16xi32>
        %gather3A_568 = tpu.vector_load_idx %arg6[%add3A_567] : memref<12800xf32, #tpu.memory_space<vmem>>[vector<16xi32>], vector<16xf32>,
        %slice3A = vector.extract_strided_slice %gather3A {offsets = [0], sizes = [1], strides = [1]} : vector<16xi32> to vector<1xi32>
        %squeeze3A = vector.extract %slice3A[0] : i32 from vector<1xi32>
        %slice3A_569 = vector.extract_strided_slice %gather3A_561 {offsets = [0], sizes = [1], strides = [1]} : vector<16xi32> to vector<1xi32>
        %squeeze3A_570 = vector.extract %slice3A_569[0] : i32 from vector<1xi32>
        %mul3A_571 = arith.constant 16 : i32
        %mul3A_572 = arith.muli %squeeze3A, %mul3A_571 : i32
        %broadcast_in_dim3A_573 = vector.broadcast %mul3A_572 : i32 to vector<16xi32>
        %add3A_574 = arith.addi %broadcast_in_dim3A_573, %iota3A : vector<16xi32>
        %gather3A_575 = tpu.vector_load_idx %arg9[%add3A_574] : memref<1600xf32, #tpu.memory_space<vmem>>[vector<16xi32>], vector<16xf32>,
        %min3A = arith.minimumf %gather3A_575, %gather3A_568 : vector<16xf32>
        %max3A = arith.maximumf %gather3A_575, %gather3A_568 : vector<16xf32>
        %select_n3A_576 = arith.select %lt3A_2, %min3A, %max3A : vector<16xi1>, vector<16xf32>
        tpu.vector_store_idx %arg9[%add3A_574], %select_n3A_576 : memref<1600xf32, #tpu.memory_space<vmem>>[vector<16xi32>], vector<16xf32>,
        %mul3A_577 = arith.constant 16 : i32
        %mul3A_578 = arith.muli %squeeze3A_570, %mul3A_577 : i32
        %broadcast_in_dim3A_579 = vector.broadcast %mul3A_578 : i32 to vector<16xi32>
        %add3A_580 = arith.addi %broadcast_in_dim3A_579, %iota3A : vector<16xi32>
        %gather3A_581 = tpu.vector_load_idx %arg9[%add3A_580] : memref<1600xf32, #tpu.memory_space<vmem>>[vector<16xi32>], vector<16xf32>,
        %min3A_582 = arith.minimumf %gather3A_581, %gather3A_568 : vector<16xf32>
        %max3A_583 = arith.maximumf %gather3A_581, %gather3A_568 : vector<16xf32>
        %select_n3A_584 = arith.select %lt3A_2, %min3A_582, %max3A_583 : vector<16xi1>, vector<16xf32>
        tpu.vector_store_idx %arg9[%add3A_580], %select_n3A_584 : memref<1600xf32, #tpu.memory_space<vmem>>[vector<16xi32>], vector<16xf32>,
        %mul3A_585 = arith.constant 16 : i32
        %mul3A_586 = arith.muli %scan3A_556, %mul3A_585 : i32
        %add3A_587 = arith.constant 1 : i32
        %add3A_588 = arith.addi %mul3A_586, %add3A_587 : i32
        %broadcast_in_dim3A_589 = vector.broadcast %add3A_588 : i32 to vector<16xi32>
        %add3A_590 = arith.addi %broadcast_in_dim3A_589, %mul3A_7 : vector<16xi32>
        %gather3A_591 = tpu.vector_load_idx %arg6[%add3A_590] : memref<12800xf32, #tpu.memory_space<vmem>>[vector<16xi32>], vector<16xf32>,
        %slice3A_592 = vector.extract_strided_slice %gather3A {offsets = [1], sizes = [1], strides = [1]} : vector<16xi32> to vector<1xi32>
        %squeeze3A_593 = vector.extract %slice3A_592[0] : i32 from vector<1xi32>
        %slice3A_594 = vector.extract_strided_slice %gather3A_561 {offsets = [1], sizes = [1], strides = [1]} : vector<16xi32> to vector<1xi32>
        %squeeze3A_595 = vector.extract %slice3A_594[0] : i32 from vector<1xi32>
        %mul3A_596 = arith.constant 16 : i32
        %mul3A_597 = arith.muli %squeeze3A_593, %mul3A_596 : i32
        %broadcast_in_dim3A_598 = vector.broadcast %mul3A_597 : i32 to vector<16xi32>
        %add3A_599 = arith.addi %broadcast_in_dim3A_598, %iota3A : vector<16xi32>
        %gather3A_600 = tpu.vector_load_idx %arg9[%add3A_599] : memref<1600xf32, #tpu.memory_space<vmem>>[vector<16xi32>], vector<16xf32>,
        %min3A_601 = arith.minimumf %gather3A_600, %gather3A_591 : vector<16xf32>
        %max3A_602 = arith.maximumf %gather3A_600, %gather3A_591 : vector<16xf32>
        %select_n3A_603 = arith.select %lt3A_2, %min3A_601, %max3A_602 : vector<16xi1>, vector<16xf32>
        tpu.vector_store_idx %arg9[%add3A_599], %select_n3A_603 : memref<1600xf32, #tpu.memory_space<vmem>>[vector<16xi32>], vector<16xf32>,
        %mul3A_604 = arith.constant 16 : i32
        %mul3A_605 = arith.muli %squeeze3A_595, %mul3A_604 : i32
        %broadcast_in_dim3A_606 = vector.broadcast %mul3A_605 : i32 to vector<16xi32>
        %add3A_607 = arith.addi %broadcast_in_dim3A_606, %iota3A : vector<16xi32>
        %gather3A_608 = tpu.vector_load_idx %arg9[%add3A_607] : memref<1600xf32, #tpu.memory_space<vmem>>[vector<16xi32>], vector<16xf32>,
        %min3A_609 = arith.minimumf %gather3A_608, %gather3A_591 : vector<16xf32>
        %max3A_610 = arith.maximumf %gather3A_608, %gather3A_591 : vector<16xf32>
        %select_n3A_611 = arith.select %lt3A_2, %min3A_609, %max3A_610 : vector<16xi1>, vector<16xf32>
        tpu.vector_store_idx %arg9[%add3A_607], %select_n3A_611 : memref<1600xf32, #tpu.memory_space<vmem>>[vector<16xi32>], vector<16xf32>,
        %mul3A_612 = arith.constant 16 : i32
        %mul3A_613 = arith.muli %scan3A_556, %mul3A_612 : i32
        %add3A_614 = arith.constant 2 : i32
        %add3A_615 = arith.addi %mul3A_613, %add3A_614 : i32
        %broadcast_in_dim3A_616 = vector.broadcast %add3A_615 : i32 to vector<16xi32>
        %add3A_617 = arith.addi %broadcast_in_dim3A_616, %mul3A_7 : vector<16xi32>
        %gather3A_618 = tpu.vector_load_idx %arg6[%add3A_617] : memref<12800xf32, #tpu.memory_space<vmem>>[vector<16xi32>], vector<16xf32>,
        %slice3A_619 = vector.extract_strided_slice %gather3A {offsets = [2], sizes = [1], strides = [1]} : vector<16xi32> to vector<1xi32>
        %squeeze3A_620 = vector.extract %slice3A_619[0] : i32 from vector<1xi32>
        %slice3A_621 = vector.extract_strided_slice %gather3A_561 {offsets = [2], sizes = [1], strides = [1]} : vector<16xi32> to vector<1xi32>
        %squeeze3A_622 = vector.extract %slice3A_621[0] : i32 from vector<1xi32>
        %mul3A_623 = arith.constant 16 : i32
        %mul3A_624 = arith.muli %squeeze3A_620, %mul3A_623 : i32
        %broadcast_in_dim3A_625 = vector.broadcast %mul3A_624 : i32 to vector<16xi32>
        %add3A_626 = arith.addi %broadcast_in_dim3A_625, %iota3A : vector<16xi32>
        %gather3A_627 = tpu.vector_load_idx %arg9[%add3A_626] : memref<1600xf32, #tpu.memory_space<vmem>>[vector<16xi32>], vector<16xf32>,
        %min3A_628 = arith.minimumf %gather3A_627, %gather3A_618 : vector<16xf32>
        %max3A_629 = arith.maximumf %gather3A_627, %gather3A_618 : vector<16xf32>
        %select_n3A_630 = arith.select %lt3A_2, %min3A_628, %max3A_629 : vector<16xi1>, vector<16xf32>
        tpu.vector_store_idx %arg9[%add3A_626], %select_n3A_630 : memref<1600xf32, #tpu.memory_space<vmem>>[vector<16xi32>], vector<16xf32>,
        %mul3A_631 = arith.constant 16 : i32
        %mul3A_632 = arith.muli %squeeze3A_622, %mul3A_631 : i32
        %broadcast_in_dim3A_633 = vector.broadcast %mul3A_632 : i32 to vector<16xi32>
        %add3A_634 = arith.addi %broadcast_in_dim3A_633, %iota3A : vector<16xi32>
        %gather3A_635 = tpu.vector_load_idx %arg9[%add3A_634] : memref<1600xf32, #tpu.memory_space<vmem>>[vector<16xi32>], vector<16xf32>,
        %min3A_636 = arith.minimumf %gather3A_635, %gather3A_618 : vector<16xf32>
        %max3A_637 = arith.maximumf %gather3A_635, %gather3A_618 : vector<16xf32>
        %select_n3A_638 = arith.select %lt3A_2, %min3A_636, %max3A_637 : vector<16xi1>, vector<16xf32>
        tpu.vector_store_idx %arg9[%add3A_634], %select_n3A_638 : memref<1600xf32, #tpu.memory_space<vmem>>[vector<16xi32>], vector<16xf32>,
        %mul3A_639 = arith.constant 16 : i32
        %mul3A_640 = arith.muli %scan3A_556, %mul3A_639 : i32
        %add3A_641 = arith.constant 3 : i32
        %add3A_642 = arith.addi %mul3A_640, %add3A_641 : i32
        %broadcast_in_dim3A_643 = vector.broadcast %add3A_642 : i32 to vector<16xi32>
        %add3A_644 = arith.addi %broadcast_in_dim3A_643, %mul3A_7 : vector<16xi32>
        %gather3A_645 = tpu.vector_load_idx %arg6[%add3A_644] : memref<12800xf32, #tpu.memory_space<vmem>>[vector<16xi32>], vector<16xf32>,
        %slice3A_646 = vector.extract_strided_slice %gather3A {offsets = [3], sizes = [1], strides = [1]} : vector<16xi32> to vector<1xi32>
        %squeeze3A_647 = vector.extract %slice3A_646[0] : i32 from vector<1xi32>
        %slice3A_648 = vector.extract_strided_slice %gather3A_561 {offsets = [3], sizes = [1], strides = [1]} : vector<16xi32> to vector<1xi32>
        %squeeze3A_649 = vector.extract %slice3A_648[0] : i32 from vector<1xi32>
        %mul3A_650 = arith.constant 16 : i32
        %mul3A_651 = arith.muli %squeeze3A_647, %mul3A_650 : i32
        %broadcast_in_dim3A_652 = vector.broadcast %mul3A_651 : i32 to vector<16xi32>
        %add3A_653 = arith.addi %broadcast_in_dim3A_652, %iota3A : vector<16xi32>
        %gather3A_654 = tpu.vector_load_idx %arg9[%add3A_653] : memref<1600xf32, #tpu.memory_space<vmem>>[vector<16xi32>], vector<16xf32>,
        %min3A_655 = arith.minimumf %gather3A_654, %gather3A_645 : vector<16xf32>
        %max3A_656 = arith.maximumf %gather3A_654, %gather3A_645 : vector<16xf32>
        %select_n3A_657 = arith.select %lt3A_2, %min3A_655, %max3A_656 : vector<16xi1>, vector<16xf32>
        tpu.vector_store_idx %arg9[%add3A_653], %select_n3A_657 : memref<1600xf32, #tpu.memory_space<vmem>>[vector<16xi32>], vector<16xf32>,
        %mul3A_658 = arith.constant 16 : i32
        %mul3A_659 = arith.muli %squeeze3A_649, %mul3A_658 : i32
        %broadcast_in_dim3A_660 = vector.broadcast %mul3A_659 : i32 to vector<16xi32>
        %add3A_661 = arith.addi %broadcast_in_dim3A_660, %iota3A : vector<16xi32>
        %gather3A_662 = tpu.vector_load_idx %arg9[%add3A_661] : memref<1600xf32, #tpu.memory_space<vmem>>[vector<16xi32>], vector<16xf32>,
        %min3A_663 = arith.minimumf %gather3A_662, %gather3A_645 : vector<16xf32>
        %max3A_664 = arith.maximumf %gather3A_662, %gather3A_645 : vector<16xf32>
        %select_n3A_665 = arith.select %lt3A_2, %min3A_663, %max3A_664 : vector<16xi1>, vector<16xf32>
        tpu.vector_store_idx %arg9[%add3A_661], %select_n3A_665 : memref<1600xf32, #tpu.memory_space<vmem>>[vector<16xi32>], vector<16xf32>,
        %mul3A_666 = arith.constant 16 : i32
        %mul3A_667 = arith.muli %scan3A_556, %mul3A_666 : i32
        %add3A_668 = arith.constant 4 : i32
        %add3A_669 = arith.addi %mul3A_667, %add3A_668 : i32
        %broadcast_in_dim3A_670 = vector.broadcast %add3A_669 : i32 to vector<16xi32>
        %add3A_671 = arith.addi %broadcast_in_dim3A_670, %mul3A_7 : vector<16xi32>
        %gather3A_672 = tpu.vector_load_idx %arg6[%add3A_671] : memref<12800xf32, #tpu.memory_space<vmem>>[vector<16xi32>], vector<16xf32>,
        %slice3A_673 = vector.extract_strided_slice %gather3A {offsets = [4], sizes = [1], strides = [1]} : vector<16xi32> to vector<1xi32>
        %squeeze3A_674 = vector.extract %slice3A_673[0] : i32 from vector<1xi32>
        %slice3A_675 = vector.extract_strided_slice %gather3A_561 {offsets = [4], sizes = [1], strides = [1]} : vector<16xi32> to vector<1xi32>
        %squeeze3A_676 = vector.extract %slice3A_675[0] : i32 from vector<1xi32>
        %mul3A_677 = arith.constant 16 : i32
        %mul3A_678 = arith.muli %squeeze3A_674, %mul3A_677 : i32
        %broadcast_in_dim3A_679 = vector.broadcast %mul3A_678 : i32 to vector<16xi32>
        %add3A_680 = arith.addi %broadcast_in_dim3A_679, %iota3A : vector<16xi32>
        %gather3A_681 = tpu.vector_load_idx %arg9[%add3A_680] : memref<1600xf32, #tpu.memory_space<vmem>>[vector<16xi32>], vector<16xf32>,
        %min3A_682 = arith.minimumf %gather3A_681, %gather3A_672 : vector<16xf32>
        %max3A_683 = arith.maximumf %gather3A_681, %gather3A_672 : vector<16xf32>
        %select_n3A_684 = arith.select %lt3A_2, %min3A_682, %max3A_683 : vector<16xi1>, vector<16xf32>
        tpu.vector_store_idx %arg9[%add3A_680], %select_n3A_684 : memref<1600xf32, #tpu.memory_space<vmem>>[vector<16xi32>], vector<16xf32>,
        %mul3A_685 = arith.constant 16 : i32
        %mul3A_686 = arith.muli %squeeze3A_676, %mul3A_685 : i32
        %broadcast_in_dim3A_687 = vector.broadcast %mul3A_686 : i32 to vector<16xi32>
        %add3A_688 = arith.addi %broadcast_in_dim3A_687, %iota3A : vector<16xi32>
        %gather3A_689 = tpu.vector_load_idx %arg9[%add3A_688] : memref<1600xf32, #tpu.memory_space<vmem>>[vector<16xi32>], vector<16xf32>,
        %min3A_690 = arith.minimumf %gather3A_689, %gather3A_672 : vector<16xf32>
        %max3A_691 = arith.maximumf %gather3A_689, %gather3A_672 : vector<16xf32>
        %select_n3A_692 = arith.select %lt3A_2, %min3A_690, %max3A_691 : vector<16xi1>, vector<16xf32>
        tpu.vector_store_idx %arg9[%add3A_688], %select_n3A_692 : memref<1600xf32, #tpu.memory_space<vmem>>[vector<16xi32>], vector<16xf32>,
        %mul3A_693 = arith.constant 16 : i32
        %mul3A_694 = arith.muli %scan3A_556, %mul3A_693 : i32
        %add3A_695 = arith.constant 5 : i32
        %add3A_696 = arith.addi %mul3A_694, %add3A_695 : i32
        %broadcast_in_dim3A_697 = vector.broadcast %add3A_696 : i32 to vector<16xi32>
        %add3A_698 = arith.addi %broadcast_in_dim3A_697, %mul3A_7 : vector<16xi32>
        %gather3A_699 = tpu.vector_load_idx %arg6[%add3A_698] : memref<12800xf32, #tpu.memory_space<vmem>>[vector<16xi32>], vector<16xf32>,
        %slice3A_700 = vector.extract_strided_slice %gather3A {offsets = [5], sizes = [1], strides = [1]} : vector<16xi32> to vector<1xi32>
        %squeeze3A_701 = vector.extract %slice3A_700[0] : i32 from vector<1xi32>
        %slice3A_702 = vector.extract_strided_slice %gather3A_561 {offsets = [5], sizes = [1], strides = [1]} : vector<16xi32> to vector<1xi32>
        %squeeze3A_703 = vector.extract %slice3A_702[0] : i32 from vector<1xi32>
        %mul3A_704 = arith.constant 16 : i32
        %mul3A_705 = arith.muli %squeeze3A_701, %mul3A_704 : i32
        %broadcast_in_dim3A_706 = vector.broadcast %mul3A_705 : i32 to vector<16xi32>
        %add3A_707 = arith.addi %broadcast_in_dim3A_706, %iota3A : vector<16xi32>
        %gather3A_708 = tpu.vector_load_idx %arg9[%add3A_707] : memref<1600xf32, #tpu.memory_space<vmem>>[vector<16xi32>], vector<16xf32>,
        %min3A_709 = arith.minimumf %gather3A_708, %gather3A_699 : vector<16xf32>
        %max3A_710 = arith.maximumf %gather3A_708, %gather3A_699 : vector<16xf32>
        %select_n3A_711 = arith.select %lt3A_2, %min3A_709, %max3A_710 : vector<16xi1>, vector<16xf32>
        tpu.vector_store_idx %arg9[%add3A_707], %select_n3A_711 : memref<1600xf32, #tpu.memory_space<vmem>>[vector<16xi32>], vector<16xf32>,
        %mul3A_712 = arith.constant 16 : i32
        %mul3A_713 = arith.muli %squeeze3A_703, %mul3A_712 : i32
        %broadcast_in_dim3A_714 = vector.broadcast %mul3A_713 : i32 to vector<16xi32>
        %add3A_715 = arith.addi %broadcast_in_dim3A_714, %iota3A : vector<16xi32>
        %gather3A_716 = tpu.vector_load_idx %arg9[%add3A_715] : memref<1600xf32, #tpu.memory_space<vmem>>[vector<16xi32>], vector<16xf32>,
        %min3A_717 = arith.minimumf %gather3A_716, %gather3A_699 : vector<16xf32>
        %max3A_718 = arith.maximumf %gather3A_716, %gather3A_699 : vector<16xf32>
        %select_n3A_719 = arith.select %lt3A_2, %min3A_717, %max3A_718 : vector<16xi1>, vector<16xf32>
        tpu.vector_store_idx %arg9[%add3A_715], %select_n3A_719 : memref<1600xf32, #tpu.memory_space<vmem>>[vector<16xi32>], vector<16xf32>,
        %mul3A_720 = arith.constant 16 : i32
        %mul3A_721 = arith.muli %scan3A_556, %mul3A_720 : i32
        %add3A_722 = arith.constant 6 : i32
        %add3A_723 = arith.addi %mul3A_721, %add3A_722 : i32
        %broadcast_in_dim3A_724 = vector.broadcast %add3A_723 : i32 to vector<16xi32>
        %add3A_725 = arith.addi %broadcast_in_dim3A_724, %mul3A_7 : vector<16xi32>
        %gather3A_726 = tpu.vector_load_idx %arg6[%add3A_725] : memref<12800xf32, #tpu.memory_space<vmem>>[vector<16xi32>], vector<16xf32>,
        %slice3A_727 = vector.extract_strided_slice %gather3A {offsets = [6], sizes = [1], strides = [1]} : vector<16xi32> to vector<1xi32>
        %squeeze3A_728 = vector.extract %slice3A_727[0] : i32 from vector<1xi32>
        %slice3A_729 = vector.extract_strided_slice %gather3A_561 {offsets = [6], sizes = [1], strides = [1]} : vector<16xi32> to vector<1xi32>
        %squeeze3A_730 = vector.extract %slice3A_729[0] : i32 from vector<1xi32>
        %mul3A_731 = arith.constant 16 : i32
        %mul3A_732 = arith.muli %squeeze3A_728, %mul3A_731 : i32
        %broadcast_in_dim3A_733 = vector.broadcast %mul3A_732 : i32 to vector<16xi32>
        %add3A_734 = arith.addi %broadcast_in_dim3A_733, %iota3A : vector<16xi32>
        %gather3A_735 = tpu.vector_load_idx %arg9[%add3A_734] : memref<1600xf32, #tpu.memory_space<vmem>>[vector<16xi32>], vector<16xf32>,
        %min3A_736 = arith.minimumf %gather3A_735, %gather3A_726 : vector<16xf32>
        %max3A_737 = arith.maximumf %gather3A_735, %gather3A_726 : vector<16xf32>
        %select_n3A_738 = arith.select %lt3A_2, %min3A_736, %max3A_737 : vector<16xi1>, vector<16xf32>
        tpu.vector_store_idx %arg9[%add3A_734], %select_n3A_738 : memref<1600xf32, #tpu.memory_space<vmem>>[vector<16xi32>], vector<16xf32>,
        %mul3A_739 = arith.constant 16 : i32
        %mul3A_740 = arith.muli %squeeze3A_730, %mul3A_739 : i32
        %broadcast_in_dim3A_741 = vector.broadcast %mul3A_740 : i32 to vector<16xi32>
        %add3A_742 = arith.addi %broadcast_in_dim3A_741, %iota3A : vector<16xi32>
        %gather3A_743 = tpu.vector_load_idx %arg9[%add3A_742] : memref<1600xf32, #tpu.memory_space<vmem>>[vector<16xi32>], vector<16xf32>,
        %min3A_744 = arith.minimumf %gather3A_743, %gather3A_726 : vector<16xf32>
        %max3A_745 = arith.maximumf %gather3A_743, %gather3A_726 : vector<16xf32>
        %select_n3A_746 = arith.select %lt3A_2, %min3A_744, %max3A_745 : vector<16xi1>, vector<16xf32>
        tpu.vector_store_idx %arg9[%add3A_742], %select_n3A_746 : memref<1600xf32, #tpu.memory_space<vmem>>[vector<16xi32>], vector<16xf32>,
        %mul3A_747 = arith.constant 16 : i32
        %mul3A_748 = arith.muli %scan3A_556, %mul3A_747 : i32
        %add3A_749 = arith.constant 7 : i32
        %add3A_750 = arith.addi %mul3A_748, %add3A_749 : i32
        %broadcast_in_dim3A_751 = vector.broadcast %add3A_750 : i32 to vector<16xi32>
        %add3A_752 = arith.addi %broadcast_in_dim3A_751, %mul3A_7 : vector<16xi32>
        %gather3A_753 = tpu.vector_load_idx %arg6[%add3A_752] : memref<12800xf32, #tpu.memory_space<vmem>>[vector<16xi32>], vector<16xf32>,
        %slice3A_754 = vector.extract_strided_slice %gather3A {offsets = [7], sizes = [1], strides = [1]} : vector<16xi32> to vector<1xi32>
        %squeeze3A_755 = vector.extract %slice3A_754[0] : i32 from vector<1xi32>
        %slice3A_756 = vector.extract_strided_slice %gather3A_561 {offsets = [7], sizes = [1], strides = [1]} : vector<16xi32> to vector<1xi32>
        %squeeze3A_757 = vector.extract %slice3A_756[0] : i32 from vector<1xi32>
        %mul3A_758 = arith.constant 16 : i32
        %mul3A_759 = arith.muli %squeeze3A_755, %mul3A_758 : i32
        %broadcast_in_dim3A_760 = vector.broadcast %mul3A_759 : i32 to vector<16xi32>
        %add3A_761 = arith.addi %broadcast_in_dim3A_760, %iota3A : vector<16xi32>
        %gather3A_762 = tpu.vector_load_idx %arg9[%add3A_761] : memref<1600xf32, #tpu.memory_space<vmem>>[vector<16xi32>], vector<16xf32>,
        %min3A_763 = arith.minimumf %gather3A_762, %gather3A_753 : vector<16xf32>
        %max3A_764 = arith.maximumf %gather3A_762, %gather3A_753 : vector<16xf32>
        %select_n3A_765 = arith.select %lt3A_2, %min3A_763, %max3A_764 : vector<16xi1>, vector<16xf32>
        tpu.vector_store_idx %arg9[%add3A_761], %select_n3A_765 : memref<1600xf32, #tpu.memory_space<vmem>>[vector<16xi32>], vector<16xf32>,
        %mul3A_766 = arith.constant 16 : i32
        %mul3A_767 = arith.muli %squeeze3A_757, %mul3A_766 : i32
        %broadcast_in_dim3A_768 = vector.broadcast %mul3A_767 : i32 to vector<16xi32>
        %add3A_769 = arith.addi %broadcast_in_dim3A_768, %iota3A : vector<16xi32>
        %gather3A_770 = tpu.vector_load_idx %arg9[%add3A_769] : memref<1600xf32, #tpu.memory_space<vmem>>[vector<16xi32>], vector<16xf32>,
        %min3A_771 = arith.minimumf %gather3A_770, %gather3A_753 : vector<16xf32>
        %max3A_772 = arith.maximumf %gather3A_770, %gather3A_753 : vector<16xf32>
        %select_n3A_773 = arith.select %lt3A_2, %min3A_771, %max3A_772 : vector<16xi1>, vector<16xf32>
        tpu.vector_store_idx %arg9[%add3A_769], %select_n3A_773 : memref<1600xf32, #tpu.memory_space<vmem>>[vector<16xi32>], vector<16xf32>,
        %mul3A_774 = arith.constant 16 : i32
        %mul3A_775 = arith.muli %scan3A_556, %mul3A_774 : i32
        %add3A_776 = arith.constant 8 : i32
        %add3A_777 = arith.addi %mul3A_775, %add3A_776 : i32
        %broadcast_in_dim3A_778 = vector.broadcast %add3A_777 : i32 to vector<16xi32>
        %add3A_779 = arith.addi %broadcast_in_dim3A_778, %mul3A_7 : vector<16xi32>
        %gather3A_780 = tpu.vector_load_idx %arg6[%add3A_779] : memref<12800xf32, #tpu.memory_space<vmem>>[vector<16xi32>], vector<16xf32>,
        %slice3A_781 = vector.extract_strided_slice %gather3A {offsets = [8], sizes = [1], strides = [1]} : vector<16xi32> to vector<1xi32>
        %squeeze3A_782 = vector.extract %slice3A_781[0] : i32 from vector<1xi32>
        %slice3A_783 = vector.extract_strided_slice %gather3A_561 {offsets = [8], sizes = [1], strides = [1]} : vector<16xi32> to vector<1xi32>
        %squeeze3A_784 = vector.extract %slice3A_783[0] : i32 from vector<1xi32>
        %mul3A_785 = arith.constant 16 : i32
        %mul3A_786 = arith.muli %squeeze3A_782, %mul3A_785 : i32
        %broadcast_in_dim3A_787 = vector.broadcast %mul3A_786 : i32 to vector<16xi32>
        %add3A_788 = arith.addi %broadcast_in_dim3A_787, %iota3A : vector<16xi32>
        %gather3A_789 = tpu.vector_load_idx %arg9[%add3A_788] : memref<1600xf32, #tpu.memory_space<vmem>>[vector<16xi32>], vector<16xf32>,
        %min3A_790 = arith.minimumf %gather3A_789, %gather3A_780 : vector<16xf32>
        %max3A_791 = arith.maximumf %gather3A_789, %gather3A_780 : vector<16xf32>
        %select_n3A_792 = arith.select %lt3A_2, %min3A_790, %max3A_791 : vector<16xi1>, vector<16xf32>
        tpu.vector_store_idx %arg9[%add3A_788], %select_n3A_792 : memref<1600xf32, #tpu.memory_space<vmem>>[vector<16xi32>], vector<16xf32>,
        %mul3A_793 = arith.constant 16 : i32
        %mul3A_794 = arith.muli %squeeze3A_784, %mul3A_793 : i32
        %broadcast_in_dim3A_795 = vector.broadcast %mul3A_794 : i32 to vector<16xi32>
        %add3A_796 = arith.addi %broadcast_in_dim3A_795, %iota3A : vector<16xi32>
        %gather3A_797 = tpu.vector_load_idx %arg9[%add3A_796] : memref<1600xf32, #tpu.memory_space<vmem>>[vector<16xi32>], vector<16xf32>,
        %min3A_798 = arith.minimumf %gather3A_797, %gather3A_780 : vector<16xf32>
        %max3A_799 = arith.maximumf %gather3A_797, %gather3A_780 : vector<16xf32>
        %select_n3A_800 = arith.select %lt3A_2, %min3A_798, %max3A_799 : vector<16xi1>, vector<16xf32>
        tpu.vector_store_idx %arg9[%add3A_796], %select_n3A_800 : memref<1600xf32, #tpu.memory_space<vmem>>[vector<16xi32>], vector<16xf32>,
        %mul3A_801 = arith.constant 16 : i32
        %mul3A_802 = arith.muli %scan3A_556, %mul3A_801 : i32
        %add3A_803 = arith.constant 9 : i32
        %add3A_804 = arith.addi %mul3A_802, %add3A_803 : i32
        %broadcast_in_dim3A_805 = vector.broadcast %add3A_804 : i32 to vector<16xi32>
        %add3A_806 = arith.addi %broadcast_in_dim3A_805, %mul3A_7 : vector<16xi32>
        %gather3A_807 = tpu.vector_load_idx %arg6[%add3A_806] : memref<12800xf32, #tpu.memory_space<vmem>>[vector<16xi32>], vector<16xf32>,
        %slice3A_808 = vector.extract_strided_slice %gather3A {offsets = [9], sizes = [1], strides = [1]} : vector<16xi32> to vector<1xi32>
        %squeeze3A_809 = vector.extract %slice3A_808[0] : i32 from vector<1xi32>
        %slice3A_810 = vector.extract_strided_slice %gather3A_561 {offsets = [9], sizes = [1], strides = [1]} : vector<16xi32> to vector<1xi32>
        %squeeze3A_811 = vector.extract %slice3A_810[0] : i32 from vector<1xi32>
        %mul3A_812 = arith.constant 16 : i32
        %mul3A_813 = arith.muli %squeeze3A_809, %mul3A_812 : i32
        %broadcast_in_dim3A_814 = vector.broadcast %mul3A_813 : i32 to vector<16xi32>
        %add3A_815 = arith.addi %broadcast_in_dim3A_814, %iota3A : vector<16xi32>
        %gather3A_816 = tpu.vector_load_idx %arg9[%add3A_815] : memref<1600xf32, #tpu.memory_space<vmem>>[vector<16xi32>], vector<16xf32>,
        %min3A_817 = arith.minimumf %gather3A_816, %gather3A_807 : vector<16xf32>
        %max3A_818 = arith.maximumf %gather3A_816, %gather3A_807 : vector<16xf32>
        %select_n3A_819 = arith.select %lt3A_2, %min3A_817, %max3A_818 : vector<16xi1>, vector<16xf32>
        tpu.vector_store_idx %arg9[%add3A_815], %select_n3A_819 : memref<1600xf32, #tpu.memory_space<vmem>>[vector<16xi32>], vector<16xf32>,
        %mul3A_820 = arith.constant 16 : i32
        %mul3A_821 = arith.muli %squeeze3A_811, %mul3A_820 : i32
        %broadcast_in_dim3A_822 = vector.broadcast %mul3A_821 : i32 to vector<16xi32>
        %add3A_823 = arith.addi %broadcast_in_dim3A_822, %iota3A : vector<16xi32>
        %gather3A_824 = tpu.vector_load_idx %arg9[%add3A_823] : memref<1600xf32, #tpu.memory_space<vmem>>[vector<16xi32>], vector<16xf32>,
        %min3A_825 = arith.minimumf %gather3A_824, %gather3A_807 : vector<16xf32>
        %max3A_826 = arith.maximumf %gather3A_824, %gather3A_807 : vector<16xf32>
        %select_n3A_827 = arith.select %lt3A_2, %min3A_825, %max3A_826 : vector<16xi1>, vector<16xf32>
        tpu.vector_store_idx %arg9[%add3A_823], %select_n3A_827 : memref<1600xf32, #tpu.memory_space<vmem>>[vector<16xi32>], vector<16xf32>,
        %mul3A_828 = arith.constant 16 : i32
        %mul3A_829 = arith.muli %scan3A_556, %mul3A_828 : i32
        %add3A_830 = arith.constant 10 : i32
        %add3A_831 = arith.addi %mul3A_829, %add3A_830 : i32
        %broadcast_in_dim3A_832 = vector.broadcast %add3A_831 : i32 to vector<16xi32>
        %add3A_833 = arith.addi %broadcast_in_dim3A_832, %mul3A_7 : vector<16xi32>
        %gather3A_834 = tpu.vector_load_idx %arg6[%add3A_833] : memref<12800xf32, #tpu.memory_space<vmem>>[vector<16xi32>], vector<16xf32>,
        %slice3A_835 = vector.extract_strided_slice %gather3A {offsets = [10], sizes = [1], strides = [1]} : vector<16xi32> to vector<1xi32>
        %squeeze3A_836 = vector.extract %slice3A_835[0] : i32 from vector<1xi32>
        %slice3A_837 = vector.extract_strided_slice %gather3A_561 {offsets = [10], sizes = [1], strides = [1]} : vector<16xi32> to vector<1xi32>
        %squeeze3A_838 = vector.extract %slice3A_837[0] : i32 from vector<1xi32>
        %mul3A_839 = arith.constant 16 : i32
        %mul3A_840 = arith.muli %squeeze3A_836, %mul3A_839 : i32
        %broadcast_in_dim3A_841 = vector.broadcast %mul3A_840 : i32 to vector<16xi32>
        %add3A_842 = arith.addi %broadcast_in_dim3A_841, %iota3A : vector<16xi32>
        %gather3A_843 = tpu.vector_load_idx %arg9[%add3A_842] : memref<1600xf32, #tpu.memory_space<vmem>>[vector<16xi32>], vector<16xf32>,
        %min3A_844 = arith.minimumf %gather3A_843, %gather3A_834 : vector<16xf32>
        %max3A_845 = arith.maximumf %gather3A_843, %gather3A_834 : vector<16xf32>
        %select_n3A_846 = arith.select %lt3A_2, %min3A_844, %max3A_845 : vector<16xi1>, vector<16xf32>
        tpu.vector_store_idx %arg9[%add3A_842], %select_n3A_846 : memref<1600xf32, #tpu.memory_space<vmem>>[vector<16xi32>], vector<16xf32>,
        %mul3A_847 = arith.constant 16 : i32
        %mul3A_848 = arith.muli %squeeze3A_838, %mul3A_847 : i32
        %broadcast_in_dim3A_849 = vector.broadcast %mul3A_848 : i32 to vector<16xi32>
        %add3A_850 = arith.addi %broadcast_in_dim3A_849, %iota3A : vector<16xi32>
        %gather3A_851 = tpu.vector_load_idx %arg9[%add3A_850] : memref<1600xf32, #tpu.memory_space<vmem>>[vector<16xi32>], vector<16xf32>,
        %min3A_852 = arith.minimumf %gather3A_851, %gather3A_834 : vector<16xf32>
        %max3A_853 = arith.maximumf %gather3A_851, %gather3A_834 : vector<16xf32>
        %select_n3A_854 = arith.select %lt3A_2, %min3A_852, %max3A_853 : vector<16xi1>, vector<16xf32>
        tpu.vector_store_idx %arg9[%add3A_850], %select_n3A_854 : memref<1600xf32, #tpu.memory_space<vmem>>[vector<16xi32>], vector<16xf32>,
        %mul3A_855 = arith.constant 16 : i32
        %mul3A_856 = arith.muli %scan3A_556, %mul3A_855 : i32
        %add3A_857 = arith.constant 11 : i32
        %add3A_858 = arith.addi %mul3A_856, %add3A_857 : i32
        %broadcast_in_dim3A_859 = vector.broadcast %add3A_858 : i32 to vector<16xi32>
        %add3A_860 = arith.addi %broadcast_in_dim3A_859, %mul3A_7 : vector<16xi32>
        %gather3A_861 = tpu.vector_load_idx %arg6[%add3A_860] : memref<12800xf32, #tpu.memory_space<vmem>>[vector<16xi32>], vector<16xf32>,
        %slice3A_862 = vector.extract_strided_slice %gather3A {offsets = [11], sizes = [1], strides = [1]} : vector<16xi32> to vector<1xi32>
        %squeeze3A_863 = vector.extract %slice3A_862[0] : i32 from vector<1xi32>
        %slice3A_864 = vector.extract_strided_slice %gather3A_561 {offsets = [11], sizes = [1], strides = [1]} : vector<16xi32> to vector<1xi32>
        %squeeze3A_865 = vector.extract %slice3A_864[0] : i32 from vector<1xi32>
        %mul3A_866 = arith.constant 16 : i32
        %mul3A_867 = arith.muli %squeeze3A_863, %mul3A_866 : i32
        %broadcast_in_dim3A_868 = vector.broadcast %mul3A_867 : i32 to vector<16xi32>
        %add3A_869 = arith.addi %broadcast_in_dim3A_868, %iota3A : vector<16xi32>
        %gather3A_870 = tpu.vector_load_idx %arg9[%add3A_869] : memref<1600xf32, #tpu.memory_space<vmem>>[vector<16xi32>], vector<16xf32>,
        %min3A_871 = arith.minimumf %gather3A_870, %gather3A_861 : vector<16xf32>
        %max3A_872 = arith.maximumf %gather3A_870, %gather3A_861 : vector<16xf32>
        %select_n3A_873 = arith.select %lt3A_2, %min3A_871, %max3A_872 : vector<16xi1>, vector<16xf32>
        tpu.vector_store_idx %arg9[%add3A_869], %select_n3A_873 : memref<1600xf32, #tpu.memory_space<vmem>>[vector<16xi32>], vector<16xf32>,
        %mul3A_874 = arith.constant 16 : i32
        %mul3A_875 = arith.muli %squeeze3A_865, %mul3A_874 : i32
        %broadcast_in_dim3A_876 = vector.broadcast %mul3A_875 : i32 to vector<16xi32>
        %add3A_877 = arith.addi %broadcast_in_dim3A_876, %iota3A : vector<16xi32>
        %gather3A_878 = tpu.vector_load_idx %arg9[%add3A_877] : memref<1600xf32, #tpu.memory_space<vmem>>[vector<16xi32>], vector<16xf32>,
        %min3A_879 = arith.minimumf %gather3A_878, %gather3A_861 : vector<16xf32>
        %max3A_880 = arith.maximumf %gather3A_878, %gather3A_861 : vector<16xf32>
        %select_n3A_881 = arith.select %lt3A_2, %min3A_879, %max3A_880 : vector<16xi1>, vector<16xf32>
        tpu.vector_store_idx %arg9[%add3A_877], %select_n3A_881 : memref<1600xf32, #tpu.memory_space<vmem>>[vector<16xi32>], vector<16xf32>,
        %mul3A_882 = arith.constant 16 : i32
        %mul3A_883 = arith.muli %scan3A_556, %mul3A_882 : i32
        %add3A_884 = arith.constant 12 : i32
        %add3A_885 = arith.addi %mul3A_883, %add3A_884 : i32
        %broadcast_in_dim3A_886 = vector.broadcast %add3A_885 : i32 to vector<16xi32>
        %add3A_887 = arith.addi %broadcast_in_dim3A_886, %mul3A_7 : vector<16xi32>
        %gather3A_888 = tpu.vector_load_idx %arg6[%add3A_887] : memref<12800xf32, #tpu.memory_space<vmem>>[vector<16xi32>], vector<16xf32>,
        %slice3A_889 = vector.extract_strided_slice %gather3A {offsets = [12], sizes = [1], strides = [1]} : vector<16xi32> to vector<1xi32>
        %squeeze3A_890 = vector.extract %slice3A_889[0] : i32 from vector<1xi32>
        %slice3A_891 = vector.extract_strided_slice %gather3A_561 {offsets = [12], sizes = [1], strides = [1]} : vector<16xi32> to vector<1xi32>
        %squeeze3A_892 = vector.extract %slice3A_891[0] : i32 from vector<1xi32>
        %mul3A_893 = arith.constant 16 : i32
        %mul3A_894 = arith.muli %squeeze3A_890, %mul3A_893 : i32
        %broadcast_in_dim3A_895 = vector.broadcast %mul3A_894 : i32 to vector<16xi32>
        %add3A_896 = arith.addi %broadcast_in_dim3A_895, %iota3A : vector<16xi32>
        %gather3A_897 = tpu.vector_load_idx %arg9[%add3A_896] : memref<1600xf32, #tpu.memory_space<vmem>>[vector<16xi32>], vector<16xf32>,
        %min3A_898 = arith.minimumf %gather3A_897, %gather3A_888 : vector<16xf32>
        %max3A_899 = arith.maximumf %gather3A_897, %gather3A_888 : vector<16xf32>
        %select_n3A_900 = arith.select %lt3A_2, %min3A_898, %max3A_899 : vector<16xi1>, vector<16xf32>
        tpu.vector_store_idx %arg9[%add3A_896], %select_n3A_900 : memref<1600xf32, #tpu.memory_space<vmem>>[vector<16xi32>], vector<16xf32>,
        %mul3A_901 = arith.constant 16 : i32
        %mul3A_902 = arith.muli %squeeze3A_892, %mul3A_901 : i32
        %broadcast_in_dim3A_903 = vector.broadcast %mul3A_902 : i32 to vector<16xi32>
        %add3A_904 = arith.addi %broadcast_in_dim3A_903, %iota3A : vector<16xi32>
        %gather3A_905 = tpu.vector_load_idx %arg9[%add3A_904] : memref<1600xf32, #tpu.memory_space<vmem>>[vector<16xi32>], vector<16xf32>,
        %min3A_906 = arith.minimumf %gather3A_905, %gather3A_888 : vector<16xf32>
        %max3A_907 = arith.maximumf %gather3A_905, %gather3A_888 : vector<16xf32>
        %select_n3A_908 = arith.select %lt3A_2, %min3A_906, %max3A_907 : vector<16xi1>, vector<16xf32>
        tpu.vector_store_idx %arg9[%add3A_904], %select_n3A_908 : memref<1600xf32, #tpu.memory_space<vmem>>[vector<16xi32>], vector<16xf32>,
        %mul3A_909 = arith.constant 16 : i32
        %mul3A_910 = arith.muli %scan3A_556, %mul3A_909 : i32
        %add3A_911 = arith.constant 13 : i32
        %add3A_912 = arith.addi %mul3A_910, %add3A_911 : i32
        %broadcast_in_dim3A_913 = vector.broadcast %add3A_912 : i32 to vector<16xi32>
        %add3A_914 = arith.addi %broadcast_in_dim3A_913, %mul3A_7 : vector<16xi32>
        %gather3A_915 = tpu.vector_load_idx %arg6[%add3A_914] : memref<12800xf32, #tpu.memory_space<vmem>>[vector<16xi32>], vector<16xf32>,
        %slice3A_916 = vector.extract_strided_slice %gather3A {offsets = [13], sizes = [1], strides = [1]} : vector<16xi32> to vector<1xi32>
        %squeeze3A_917 = vector.extract %slice3A_916[0] : i32 from vector<1xi32>
        %slice3A_918 = vector.extract_strided_slice %gather3A_561 {offsets = [13], sizes = [1], strides = [1]} : vector<16xi32> to vector<1xi32>
        %squeeze3A_919 = vector.extract %slice3A_918[0] : i32 from vector<1xi32>
        %mul3A_920 = arith.constant 16 : i32
        %mul3A_921 = arith.muli %squeeze3A_917, %mul3A_920 : i32
        %broadcast_in_dim3A_922 = vector.broadcast %mul3A_921 : i32 to vector<16xi32>
        %add3A_923 = arith.addi %broadcast_in_dim3A_922, %iota3A : vector<16xi32>
        %gather3A_924 = tpu.vector_load_idx %arg9[%add3A_923] : memref<1600xf32, #tpu.memory_space<vmem>>[vector<16xi32>], vector<16xf32>,
        %min3A_925 = arith.minimumf %gather3A_924, %gather3A_915 : vector<16xf32>
        %max3A_926 = arith.maximumf %gather3A_924, %gather3A_915 : vector<16xf32>
        %select_n3A_927 = arith.select %lt3A_2, %min3A_925, %max3A_926 : vector<16xi1>, vector<16xf32>
        tpu.vector_store_idx %arg9[%add3A_923], %select_n3A_927 : memref<1600xf32, #tpu.memory_space<vmem>>[vector<16xi32>], vector<16xf32>,
        %mul3A_928 = arith.constant 16 : i32
        %mul3A_929 = arith.muli %squeeze3A_919, %mul3A_928 : i32
        %broadcast_in_dim3A_930 = vector.broadcast %mul3A_929 : i32 to vector<16xi32>
        %add3A_931 = arith.addi %broadcast_in_dim3A_930, %iota3A : vector<16xi32>
        %gather3A_932 = tpu.vector_load_idx %arg9[%add3A_931] : memref<1600xf32, #tpu.memory_space<vmem>>[vector<16xi32>], vector<16xf32>,
        %min3A_933 = arith.minimumf %gather3A_932, %gather3A_915 : vector<16xf32>
        %max3A_934 = arith.maximumf %gather3A_932, %gather3A_915 : vector<16xf32>
        %select_n3A_935 = arith.select %lt3A_2, %min3A_933, %max3A_934 : vector<16xi1>, vector<16xf32>
        tpu.vector_store_idx %arg9[%add3A_931], %select_n3A_935 : memref<1600xf32, #tpu.memory_space<vmem>>[vector<16xi32>], vector<16xf32>,
        %mul3A_936 = arith.constant 16 : i32
        %mul3A_937 = arith.muli %scan3A_556, %mul3A_936 : i32
        %add3A_938 = arith.constant 14 : i32
        %add3A_939 = arith.addi %mul3A_937, %add3A_938 : i32
        %broadcast_in_dim3A_940 = vector.broadcast %add3A_939 : i32 to vector<16xi32>
        %add3A_941 = arith.addi %broadcast_in_dim3A_940, %mul3A_7 : vector<16xi32>
        %gather3A_942 = tpu.vector_load_idx %arg6[%add3A_941] : memref<12800xf32, #tpu.memory_space<vmem>>[vector<16xi32>], vector<16xf32>,
        %slice3A_943 = vector.extract_strided_slice %gather3A {offsets = [14], sizes = [1], strides = [1]} : vector<16xi32> to vector<1xi32>
        %squeeze3A_944 = vector.extract %slice3A_943[0] : i32 from vector<1xi32>
        %slice3A_945 = vector.extract_strided_slice %gather3A_561 {offsets = [14], sizes = [1], strides = [1]} : vector<16xi32> to vector<1xi32>
        %squeeze3A_946 = vector.extract %slice3A_945[0] : i32 from vector<1xi32>
        %mul3A_947 = arith.constant 16 : i32
        %mul3A_948 = arith.muli %squeeze3A_944, %mul3A_947 : i32
        %broadcast_in_dim3A_949 = vector.broadcast %mul3A_948 : i32 to vector<16xi32>
        %add3A_950 = arith.addi %broadcast_in_dim3A_949, %iota3A : vector<16xi32>
        %gather3A_951 = tpu.vector_load_idx %arg9[%add3A_950] : memref<1600xf32, #tpu.memory_space<vmem>>[vector<16xi32>], vector<16xf32>,
        %min3A_952 = arith.minimumf %gather3A_951, %gather3A_942 : vector<16xf32>
        %max3A_953 = arith.maximumf %gather3A_951, %gather3A_942 : vector<16xf32>
        %select_n3A_954 = arith.select %lt3A_2, %min3A_952, %max3A_953 : vector<16xi1>, vector<16xf32>
        tpu.vector_store_idx %arg9[%add3A_950], %select_n3A_954 : memref<1600xf32, #tpu.memory_space<vmem>>[vector<16xi32>], vector<16xf32>,
        %mul3A_955 = arith.constant 16 : i32
        %mul3A_956 = arith.muli %squeeze3A_946, %mul3A_955 : i32
        %broadcast_in_dim3A_957 = vector.broadcast %mul3A_956 : i32 to vector<16xi32>
        %add3A_958 = arith.addi %broadcast_in_dim3A_957, %iota3A : vector<16xi32>
        %gather3A_959 = tpu.vector_load_idx %arg9[%add3A_958] : memref<1600xf32, #tpu.memory_space<vmem>>[vector<16xi32>], vector<16xf32>,
        %min3A_960 = arith.minimumf %gather3A_959, %gather3A_942 : vector<16xf32>
        %max3A_961 = arith.maximumf %gather3A_959, %gather3A_942 : vector<16xf32>
        %select_n3A_962 = arith.select %lt3A_2, %min3A_960, %max3A_961 : vector<16xi1>, vector<16xf32>
        tpu.vector_store_idx %arg9[%add3A_958], %select_n3A_962 : memref<1600xf32, #tpu.memory_space<vmem>>[vector<16xi32>], vector<16xf32>,
        %mul3A_963 = arith.constant 16 : i32
        %mul3A_964 = arith.muli %scan3A_556, %mul3A_963 : i32
        %add3A_965 = arith.constant 15 : i32
        %add3A_966 = arith.addi %mul3A_964, %add3A_965 : i32
        %broadcast_in_dim3A_967 = vector.broadcast %add3A_966 : i32 to vector<16xi32>
        %add3A_968 = arith.addi %broadcast_in_dim3A_967, %mul3A_7 : vector<16xi32>
        %gather3A_969 = tpu.vector_load_idx %arg6[%add3A_968] : memref<12800xf32, #tpu.memory_space<vmem>>[vector<16xi32>], vector<16xf32>,
        %slice3A_970 = vector.extract_strided_slice %gather3A {offsets = [15], sizes = [1], strides = [1]} : vector<16xi32> to vector<1xi32>
        %squeeze3A_971 = vector.extract %slice3A_970[0] : i32 from vector<1xi32>
        %slice3A_972 = vector.extract_strided_slice %gather3A_561 {offsets = [15], sizes = [1], strides = [1]} : vector<16xi32> to vector<1xi32>
        %squeeze3A_973 = vector.extract %slice3A_972[0] : i32 from vector<1xi32>
        %mul3A_974 = arith.constant 16 : i32
        %mul3A_975 = arith.muli %squeeze3A_971, %mul3A_974 : i32
        %broadcast_in_dim3A_976 = vector.broadcast %mul3A_975 : i32 to vector<16xi32>
        %add3A_977 = arith.addi %broadcast_in_dim3A_976, %iota3A : vector<16xi32>
        %gather3A_978 = tpu.vector_load_idx %arg9[%add3A_977] : memref<1600xf32, #tpu.memory_space<vmem>>[vector<16xi32>], vector<16xf32>,
        %min3A_979 = arith.minimumf %gather3A_978, %gather3A_969 : vector<16xf32>
        %max3A_980 = arith.maximumf %gather3A_978, %gather3A_969 : vector<16xf32>
        %select_n3A_981 = arith.select %lt3A_2, %min3A_979, %max3A_980 : vector<16xi1>, vector<16xf32>
        tpu.vector_store_idx %arg9[%add3A_977], %select_n3A_981 : memref<1600xf32, #tpu.memory_space<vmem>>[vector<16xi32>], vector<16xf32>,
        %mul3A_982 = arith.constant 16 : i32
        %mul3A_983 = arith.muli %squeeze3A_973, %mul3A_982 : i32
        %broadcast_in_dim3A_984 = vector.broadcast %mul3A_983 : i32 to vector<16xi32>
        %add3A_985 = arith.addi %broadcast_in_dim3A_984, %iota3A : vector<16xi32>
        %gather3A_986 = tpu.vector_load_idx %arg9[%add3A_985] : memref<1600xf32, #tpu.memory_space<vmem>>[vector<16xi32>], vector<16xf32>,
        %min3A_987 = arith.minimumf %gather3A_986, %gather3A_969 : vector<16xf32>
        %max3A_988 = arith.maximumf %gather3A_986, %gather3A_969 : vector<16xf32>
        %select_n3A_989 = arith.select %lt3A_2, %min3A_987, %max3A_988 : vector<16xi1>, vector<16xf32>
        tpu.vector_store_idx %arg9[%add3A_985], %select_n3A_989 : memref<1600xf32, #tpu.memory_space<vmem>>[vector<16xi32>], vector<16xf32>,
      }
      %scan3A_432 = arith.constant 100 : i32
      %broadcast_in_dim3A_433 = arith.constant 0.000000e+00 : f32
      %broadcast_in_dim3A_434 = vector.broadcast %broadcast_in_dim3A_433 : f32 to vector<16xf32>
      %scan3A_435 = arith.constant 0 : i32
      %scan3A_436 = arith.constant 100 : i32
      %scan3A_437 = arith.addi %scan3A_435, %scan3A_436 : i32
      %scan3A_438 = arith.constant 1 : i32
      %scan3A_439 = scf.for %scan3A_556 = %scan3A_435 to %scan3A_437 step %scan3A_438 iter_args(%scan3A_557 = %broadcast_in_dim3A_434) -> (vector<16xf32>)  : i32 {
        %mul3A_558 = arith.constant 16 : i32
        %mul3A_559 = arith.muli %scan3A_556, %mul3A_558 : i32
        %broadcast_in_dim3A_560 = vector.broadcast %mul3A_559 : i32 to vector<16xi32>
        %add3A_561 = arith.addi %broadcast_in_dim3A_560, %iota3A : vector<16xi32>
        %gather3A = tpu.vector_load_idx %arg9[%add3A_561] : memref<1600xf32, #tpu.memory_space<vmem>>[vector<16xi32>], vector<16xf32>,
        %abs3A = math.absf %gather3A : vector<16xf32>
        %lt3A_562 = arith.constant 0x7F800000 : f32
        %lt3A_563 = vector.broadcast %lt3A_562 : f32 to vector<16xf32>
        %lt3A_564 = arith.cmpf olt, %abs3A, %lt3A_563 : vector<16xf32>
        %jit3A_565 = arith.constant 1.000000e+00 : f32
        %broadcast_in_dim3A_566 = vector.broadcast %jit3A_565 : f32 to vector<16xf32>
        %select_n3A_567 = arith.select %lt3A_564, %gather3A, %broadcast_in_dim3A_566 : vector<16xi1>, vector<16xf32>
        tpu.vector_store_idx %arg9[%add3A_561], %select_n3A_567 : memref<1600xf32, #tpu.memory_space<vmem>>[vector<16xi32>], vector<16xf32>,
        %add3A_568 = arith.addf %scan3A_557, %select_n3A_567 : vector<16xf32>
        scf.yield %add3A_568 : vector<16xf32>
      }
      %scan3A_440 = arith.constant 100 : i32
      %div3A_441 = arith.constant 1.000000e+02 : f32
      %div3A_442 = vector.broadcast %div3A_441 : f32 to vector<16xf32>
      %div3A_443 = arith.divf %scan3A_439, %div3A_442 : vector<16xf32>
      %broadcast_in_dim3A_444 = arith.constant 0.000000e+00 : f32
      %broadcast_in_dim3A_445 = vector.broadcast %broadcast_in_dim3A_444 : f32 to vector<16xf32>
      %broadcast_in_dim3A_446 = arith.constant 0.000000e+00 : f32
      %broadcast_in_dim3A_447 = vector.broadcast %broadcast_in_dim3A_446 : f32 to vector<16xf32>
      %broadcast_in_dim3A_448 = arith.constant 0.000000e+00 : f32
      %broadcast_in_dim3A_449 = vector.broadcast %broadcast_in_dim3A_448 : f32 to vector<16xf32>
      %broadcast_in_dim3A_450 = arith.constant 0.000000e+00 : f32
      %broadcast_in_dim3A_451 = vector.broadcast %broadcast_in_dim3A_450 : f32 to vector<16xf32>
      %broadcast_in_dim3A_452 = arith.constant 0.000000e+00 : f32
      %broadcast_in_dim3A_453 = vector.broadcast %broadcast_in_dim3A_452 : f32 to vector<16xf32>
      %broadcast_in_dim3A_454 = arith.constant 0.000000e+00 : f32
      %broadcast_in_dim3A_455 = vector.broadcast %broadcast_in_dim3A_454 : f32 to vector<16xf32>
      %broadcast_in_dim3A_456 = arith.constant 0.000000e+00 : f32
      %broadcast_in_dim3A_457 = vector.broadcast %broadcast_in_dim3A_456 : f32 to vector<16xf32>
      %broadcast_in_dim3A_458 = arith.constant 0.000000e+00 : f32
      %broadcast_in_dim3A_459 = vector.broadcast %broadcast_in_dim3A_458 : f32 to vector<16xf32>
      %scan3A_460 = arith.constant 0 : i32
      %scan3A_461 = arith.constant 100 : i32
      %scan3A_462 = arith.addi %scan3A_460, %scan3A_461 : i32
      %scan3A_463 = arith.constant 1 : i32
      %scan3A_464:8 = scf.for %scan3A_556 = %scan3A_460 to %scan3A_462 step %scan3A_463 iter_args(%scan3A_557 = %broadcast_in_dim3A_445, %scan3A_558 = %broadcast_in_dim3A_447, %scan3A_559 = %broadcast_in_dim3A_449, %scan3A_560 = %broadcast_in_dim3A_451, %scan3A_561 = %broadcast_in_dim3A_453, %scan3A_562 = %broadcast_in_dim3A_455, %scan3A_563 = %broadcast_in_dim3A_457, %scan3A_564 = %broadcast_in_dim3A_459) -> (vector<16xf32>, vector<16xf32>, vector<16xf32>, vector<16xf32>, vector<16xf32>, vector<16xf32>, vector<16xf32>, vector<16xf32>)  : i32 {
        %mul3A_565 = arith.constant 16 : i32
        %mul3A_566 = arith.muli %scan3A_556, %mul3A_565 : i32
        %add3A_567 = vector.broadcast %mul3A_566 : i32 to vector<16xi32>
        %add3A_568 = arith.addi %add3A_567, %iota3A : vector<16xi32>
        %gather3A = tpu.vector_load_idx %arg7[%add3A_568] : memref<1600xi32, #tpu.memory_space<vmem>>[vector<16xi32>], vector<16xi32>,
        %gather3A_569 = tpu.vector_load_idx %arg8[%add3A_568] : memref<1600xi32, #tpu.memory_space<vmem>>[vector<16xi32>], vector<16xi32>,
        %add3A_570 = arith.constant 0 : i32
        %add3A_571 = vector.broadcast %add3A_570 : i32 to vector<16xi32>
        %add3A_572 = arith.addi %add3A_568, %add3A_571 : vector<16xi32>
        %gather3A_573 = tpu.vector_load_idx %arg6[%add3A_572] : memref<12800xf32, #tpu.memory_space<vmem>>[vector<16xi32>], vector<16xf32>,
        %mul3A_574 = arith.constant 16 : i32
        %mul3A_575 = vector.broadcast %mul3A_574 : i32 to vector<16xi32>
        %mul3A_576 = arith.muli %gather3A, %mul3A_575 : vector<16xi32>
        %add3A_577 = arith.constant 0 : i32
        %add3A_578 = vector.broadcast %add3A_577 : i32 to vector<16xi32>
        %add3A_579 = arith.addi %mul3A_576, %add3A_578 : vector<16xi32>
        %gather3A_580 = tpu.vector_load_idx %arg9[%add3A_579] : memref<1600xf32, #tpu.memory_space<vmem>>[vector<16xi32>], vector<16xf32>,
        %mul3A_581 = arith.constant 16 : i32
        %mul3A_582 = vector.broadcast %mul3A_581 : i32 to vector<16xi32>
        %mul3A_583 = arith.muli %gather3A_569, %mul3A_582 : vector<16xi32>
        %add3A_584 = arith.constant 0 : i32
        %add3A_585 = vector.broadcast %add3A_584 : i32 to vector<16xi32>
        %add3A_586 = arith.addi %mul3A_583, %add3A_585 : vector<16xi32>
        %gather3A_587 = tpu.vector_load_idx %arg9[%add3A_586] : memref<1600xf32, #tpu.memory_space<vmem>>[vector<16xi32>], vector<16xf32>,
        %gt3A = arith.cmpf ogt, %gather3A_573, %gather3A_580 : vector<16xf32>
        %gt3A_588 = arith.cmpf ogt, %gather3A_573, %gather3A_587 : vector<16xf32>
        %and3A_589 = arith.andi %gt3A, %gt3A_588 : vector<16xi1>
        %jit3A_590 = arith.constant 1.000000e+00 : f32
        %jit3A_591 = arith.constant 0.000000e+00 : f32
        %broadcast_in_dim3A_592 = vector.broadcast %jit3A_590 : f32 to vector<16xf32>
        %broadcast_in_dim3A_593 = vector.broadcast %jit3A_591 : f32 to vector<16xf32>
        %select_n3A_594 = arith.select %and3A_589, %broadcast_in_dim3A_592, %broadcast_in_dim3A_593 : vector<16xi1>, vector<16xf32>
        %max3A = arith.maximumf %scan3A_557, %select_n3A_594 : vector<16xf32>
        %add3A_595 = arith.constant 1600 : i32
        %add3A_596 = vector.broadcast %add3A_595 : i32 to vector<16xi32>
        %add3A_597 = arith.addi %add3A_568, %add3A_596 : vector<16xi32>
        %gather3A_598 = tpu.vector_load_idx %arg6[%add3A_597] : memref<12800xf32, #tpu.memory_space<vmem>>[vector<16xi32>], vector<16xf32>,
        %mul3A_599 = arith.constant 16 : i32
        %mul3A_600 = vector.broadcast %mul3A_599 : i32 to vector<16xi32>
        %mul3A_601 = arith.muli %gather3A, %mul3A_600 : vector<16xi32>
        %add3A_602 = arith.constant 1 : i32
        %add3A_603 = vector.broadcast %add3A_602 : i32 to vector<16xi32>
        %add3A_604 = arith.addi %mul3A_601, %add3A_603 : vector<16xi32>
        %gather3A_605 = tpu.vector_load_idx %arg9[%add3A_604] : memref<1600xf32, #tpu.memory_space<vmem>>[vector<16xi32>], vector<16xf32>,
        %mul3A_606 = arith.constant 16 : i32
        %mul3A_607 = vector.broadcast %mul3A_606 : i32 to vector<16xi32>
        %mul3A_608 = arith.muli %gather3A_569, %mul3A_607 : vector<16xi32>
        %add3A_609 = arith.constant 1 : i32
        %add3A_610 = vector.broadcast %add3A_609 : i32 to vector<16xi32>
        %add3A_611 = arith.addi %mul3A_608, %add3A_610 : vector<16xi32>
        %gather3A_612 = tpu.vector_load_idx %arg9[%add3A_611] : memref<1600xf32, #tpu.memory_space<vmem>>[vector<16xi32>], vector<16xf32>,
        %gt3A_613 = arith.cmpf ogt, %gather3A_598, %gather3A_605 : vector<16xf32>
        %gt3A_614 = arith.cmpf ogt, %gather3A_598, %gather3A_612 : vector<16xf32>
        %and3A_615 = arith.andi %gt3A_613, %gt3A_614 : vector<16xi1>
        %jit3A_616 = arith.constant 1.000000e+00 : f32
        %jit3A_617 = arith.constant 0.000000e+00 : f32
        %broadcast_in_dim3A_618 = vector.broadcast %jit3A_616 : f32 to vector<16xf32>
        %broadcast_in_dim3A_619 = vector.broadcast %jit3A_617 : f32 to vector<16xf32>
        %select_n3A_620 = arith.select %and3A_615, %broadcast_in_dim3A_618, %broadcast_in_dim3A_619 : vector<16xi1>, vector<16xf32>
        %max3A_621 = arith.maximumf %scan3A_558, %select_n3A_620 : vector<16xf32>
        %add3A_622 = arith.constant 3200 : i32
        %add3A_623 = vector.broadcast %add3A_622 : i32 to vector<16xi32>
        %add3A_624 = arith.addi %add3A_568, %add3A_623 : vector<16xi32>
        %gather3A_625 = tpu.vector_load_idx %arg6[%add3A_624] : memref<12800xf32, #tpu.memory_space<vmem>>[vector<16xi32>], vector<16xf32>,
        %mul3A_626 = arith.constant 16 : i32
        %mul3A_627 = vector.broadcast %mul3A_626 : i32 to vector<16xi32>
        %mul3A_628 = arith.muli %gather3A, %mul3A_627 : vector<16xi32>
        %add3A_629 = arith.constant 2 : i32
        %add3A_630 = vector.broadcast %add3A_629 : i32 to vector<16xi32>
        %add3A_631 = arith.addi %mul3A_628, %add3A_630 : vector<16xi32>
        %gather3A_632 = tpu.vector_load_idx %arg9[%add3A_631] : memref<1600xf32, #tpu.memory_space<vmem>>[vector<16xi32>], vector<16xf32>,
        %mul3A_633 = arith.constant 16 : i32
        %mul3A_634 = vector.broadcast %mul3A_633 : i32 to vector<16xi32>
        %mul3A_635 = arith.muli %gather3A_569, %mul3A_634 : vector<16xi32>
        %add3A_636 = arith.constant 2 : i32
        %add3A_637 = vector.broadcast %add3A_636 : i32 to vector<16xi32>
        %add3A_638 = arith.addi %mul3A_635, %add3A_637 : vector<16xi32>
        %gather3A_639 = tpu.vector_load_idx %arg9[%add3A_638] : memref<1600xf32, #tpu.memory_space<vmem>>[vector<16xi32>], vector<16xf32>,
        %gt3A_640 = arith.cmpf ogt, %gather3A_625, %gather3A_632 : vector<16xf32>
        %gt3A_641 = arith.cmpf ogt, %gather3A_625, %gather3A_639 : vector<16xf32>
        %and3A_642 = arith.andi %gt3A_640, %gt3A_641 : vector<16xi1>
        %jit3A_643 = arith.constant 1.000000e+00 : f32
        %jit3A_644 = arith.constant 0.000000e+00 : f32
        %broadcast_in_dim3A_645 = vector.broadcast %jit3A_643 : f32 to vector<16xf32>
        %broadcast_in_dim3A_646 = vector.broadcast %jit3A_644 : f32 to vector<16xf32>
        %select_n3A_647 = arith.select %and3A_642, %broadcast_in_dim3A_645, %broadcast_in_dim3A_646 : vector<16xi1>, vector<16xf32>
        %max3A_648 = arith.maximumf %scan3A_559, %select_n3A_647 : vector<16xf32>
        %add3A_649 = arith.constant 4800 : i32
        %add3A_650 = vector.broadcast %add3A_649 : i32 to vector<16xi32>
        %add3A_651 = arith.addi %add3A_568, %add3A_650 : vector<16xi32>
        %gather3A_652 = tpu.vector_load_idx %arg6[%add3A_651] : memref<12800xf32, #tpu.memory_space<vmem>>[vector<16xi32>], vector<16xf32>,
        %mul3A_653 = arith.constant 16 : i32
        %mul3A_654 = vector.broadcast %mul3A_653 : i32 to vector<16xi32>
        %mul3A_655 = arith.muli %gather3A, %mul3A_654 : vector<16xi32>
        %add3A_656 = arith.constant 3 : i32
        %add3A_657 = vector.broadcast %add3A_656 : i32 to vector<16xi32>
        %add3A_658 = arith.addi %mul3A_655, %add3A_657 : vector<16xi32>
        %gather3A_659 = tpu.vector_load_idx %arg9[%add3A_658] : memref<1600xf32, #tpu.memory_space<vmem>>[vector<16xi32>], vector<16xf32>,
        %mul3A_660 = arith.constant 16 : i32
        %mul3A_661 = vector.broadcast %mul3A_660 : i32 to vector<16xi32>
        %mul3A_662 = arith.muli %gather3A_569, %mul3A_661 : vector<16xi32>
        %add3A_663 = arith.constant 3 : i32
        %add3A_664 = vector.broadcast %add3A_663 : i32 to vector<16xi32>
        %add3A_665 = arith.addi %mul3A_662, %add3A_664 : vector<16xi32>
        %gather3A_666 = tpu.vector_load_idx %arg9[%add3A_665] : memref<1600xf32, #tpu.memory_space<vmem>>[vector<16xi32>], vector<16xf32>,
        %gt3A_667 = arith.cmpf ogt, %gather3A_652, %gather3A_659 : vector<16xf32>
        %gt3A_668 = arith.cmpf ogt, %gather3A_652, %gather3A_666 : vector<16xf32>
        %and3A_669 = arith.andi %gt3A_667, %gt3A_668 : vector<16xi1>
        %jit3A_670 = arith.constant 1.000000e+00 : f32
        %jit3A_671 = arith.constant 0.000000e+00 : f32
        %broadcast_in_dim3A_672 = vector.broadcast %jit3A_670 : f32 to vector<16xf32>
        %broadcast_in_dim3A_673 = vector.broadcast %jit3A_671 : f32 to vector<16xf32>
        %select_n3A_674 = arith.select %and3A_669, %broadcast_in_dim3A_672, %broadcast_in_dim3A_673 : vector<16xi1>, vector<16xf32>
        %max3A_675 = arith.maximumf %scan3A_560, %select_n3A_674 : vector<16xf32>
        %add3A_676 = arith.constant 6400 : i32
        %add3A_677 = vector.broadcast %add3A_676 : i32 to vector<16xi32>
        %add3A_678 = arith.addi %add3A_568, %add3A_677 : vector<16xi32>
        %gather3A_679 = tpu.vector_load_idx %arg6[%add3A_678] : memref<12800xf32, #tpu.memory_space<vmem>>[vector<16xi32>], vector<16xf32>,
        %mul3A_680 = arith.constant 16 : i32
        %mul3A_681 = vector.broadcast %mul3A_680 : i32 to vector<16xi32>
        %mul3A_682 = arith.muli %gather3A, %mul3A_681 : vector<16xi32>
        %add3A_683 = arith.constant 4 : i32
        %add3A_684 = vector.broadcast %add3A_683 : i32 to vector<16xi32>
        %add3A_685 = arith.addi %mul3A_682, %add3A_684 : vector<16xi32>
        %gather3A_686 = tpu.vector_load_idx %arg9[%add3A_685] : memref<1600xf32, #tpu.memory_space<vmem>>[vector<16xi32>], vector<16xf32>,
        %mul3A_687 = arith.constant 16 : i32
        %mul3A_688 = vector.broadcast %mul3A_687 : i32 to vector<16xi32>
        %mul3A_689 = arith.muli %gather3A_569, %mul3A_688 : vector<16xi32>
        %add3A_690 = arith.constant 4 : i32
        %add3A_691 = vector.broadcast %add3A_690 : i32 to vector<16xi32>
        %add3A_692 = arith.addi %mul3A_689, %add3A_691 : vector<16xi32>
        %gather3A_693 = tpu.vector_load_idx %arg9[%add3A_692] : memref<1600xf32, #tpu.memory_space<vmem>>[vector<16xi32>], vector<16xf32>,
        %gt3A_694 = arith.cmpf ogt, %gather3A_679, %gather3A_686 : vector<16xf32>
        %gt3A_695 = arith.cmpf ogt, %gather3A_679, %gather3A_693 : vector<16xf32>
        %and3A_696 = arith.andi %gt3A_694, %gt3A_695 : vector<16xi1>
        %jit3A_697 = arith.constant 1.000000e+00 : f32
        %jit3A_698 = arith.constant 0.000000e+00 : f32
        %broadcast_in_dim3A_699 = vector.broadcast %jit3A_697 : f32 to vector<16xf32>
        %broadcast_in_dim3A_700 = vector.broadcast %jit3A_698 : f32 to vector<16xf32>
        %select_n3A_701 = arith.select %and3A_696, %broadcast_in_dim3A_699, %broadcast_in_dim3A_700 : vector<16xi1>, vector<16xf32>
        %max3A_702 = arith.maximumf %scan3A_561, %select_n3A_701 : vector<16xf32>
        %add3A_703 = arith.constant 8000 : i32
        %add3A_704 = vector.broadcast %add3A_703 : i32 to vector<16xi32>
        %add3A_705 = arith.addi %add3A_568, %add3A_704 : vector<16xi32>
        %gather3A_706 = tpu.vector_load_idx %arg6[%add3A_705] : memref<12800xf32, #tpu.memory_space<vmem>>[vector<16xi32>], vector<16xf32>,
        %mul3A_707 = arith.constant 16 : i32
        %mul3A_708 = vector.broadcast %mul3A_707 : i32 to vector<16xi32>
        %mul3A_709 = arith.muli %gather3A, %mul3A_708 : vector<16xi32>
        %add3A_710 = arith.constant 5 : i32
        %add3A_711 = vector.broadcast %add3A_710 : i32 to vector<16xi32>
        %add3A_712 = arith.addi %mul3A_709, %add3A_711 : vector<16xi32>
        %gather3A_713 = tpu.vector_load_idx %arg9[%add3A_712] : memref<1600xf32, #tpu.memory_space<vmem>>[vector<16xi32>], vector<16xf32>,
        %mul3A_714 = arith.constant 16 : i32
        %mul3A_715 = vector.broadcast %mul3A_714 : i32 to vector<16xi32>
        %mul3A_716 = arith.muli %gather3A_569, %mul3A_715 : vector<16xi32>
        %add3A_717 = arith.constant 5 : i32
        %add3A_718 = vector.broadcast %add3A_717 : i32 to vector<16xi32>
        %add3A_719 = arith.addi %mul3A_716, %add3A_718 : vector<16xi32>
        %gather3A_720 = tpu.vector_load_idx %arg9[%add3A_719] : memref<1600xf32, #tpu.memory_space<vmem>>[vector<16xi32>], vector<16xf32>,
        %gt3A_721 = arith.cmpf ogt, %gather3A_706, %gather3A_713 : vector<16xf32>
        %gt3A_722 = arith.cmpf ogt, %gather3A_706, %gather3A_720 : vector<16xf32>
        %and3A_723 = arith.andi %gt3A_721, %gt3A_722 : vector<16xi1>
        %jit3A_724 = arith.constant 1.000000e+00 : f32
        %jit3A_725 = arith.constant 0.000000e+00 : f32
        %broadcast_in_dim3A_726 = vector.broadcast %jit3A_724 : f32 to vector<16xf32>
        %broadcast_in_dim3A_727 = vector.broadcast %jit3A_725 : f32 to vector<16xf32>
        %select_n3A_728 = arith.select %and3A_723, %broadcast_in_dim3A_726, %broadcast_in_dim3A_727 : vector<16xi1>, vector<16xf32>
        %max3A_729 = arith.maximumf %scan3A_562, %select_n3A_728 : vector<16xf32>
        %add3A_730 = arith.constant 9600 : i32
        %add3A_731 = vector.broadcast %add3A_730 : i32 to vector<16xi32>
        %add3A_732 = arith.addi %add3A_568, %add3A_731 : vector<16xi32>
        %gather3A_733 = tpu.vector_load_idx %arg6[%add3A_732] : memref<12800xf32, #tpu.memory_space<vmem>>[vector<16xi32>], vector<16xf32>,
        %mul3A_734 = arith.constant 16 : i32
        %mul3A_735 = vector.broadcast %mul3A_734 : i32 to vector<16xi32>
        %mul3A_736 = arith.muli %gather3A, %mul3A_735 : vector<16xi32>
        %add3A_737 = arith.constant 6 : i32
        %add3A_738 = vector.broadcast %add3A_737 : i32 to vector<16xi32>
        %add3A_739 = arith.addi %mul3A_736, %add3A_738 : vector<16xi32>
        %gather3A_740 = tpu.vector_load_idx %arg9[%add3A_739] : memref<1600xf32, #tpu.memory_space<vmem>>[vector<16xi32>], vector<16xf32>,
        %mul3A_741 = arith.constant 16 : i32
        %mul3A_742 = vector.broadcast %mul3A_741 : i32 to vector<16xi32>
        %mul3A_743 = arith.muli %gather3A_569, %mul3A_742 : vector<16xi32>
        %add3A_744 = arith.constant 6 : i32
        %add3A_745 = vector.broadcast %add3A_744 : i32 to vector<16xi32>
        %add3A_746 = arith.addi %mul3A_743, %add3A_745 : vector<16xi32>
        %gather3A_747 = tpu.vector_load_idx %arg9[%add3A_746] : memref<1600xf32, #tpu.memory_space<vmem>>[vector<16xi32>], vector<16xf32>,
        %gt3A_748 = arith.cmpf ogt, %gather3A_733, %gather3A_740 : vector<16xf32>
        %gt3A_749 = arith.cmpf ogt, %gather3A_733, %gather3A_747 : vector<16xf32>
        %and3A_750 = arith.andi %gt3A_748, %gt3A_749 : vector<16xi1>
        %jit3A_751 = arith.constant 1.000000e+00 : f32
        %jit3A_752 = arith.constant 0.000000e+00 : f32
        %broadcast_in_dim3A_753 = vector.broadcast %jit3A_751 : f32 to vector<16xf32>
        %broadcast_in_dim3A_754 = vector.broadcast %jit3A_752 : f32 to vector<16xf32>
        %select_n3A_755 = arith.select %and3A_750, %broadcast_in_dim3A_753, %broadcast_in_dim3A_754 : vector<16xi1>, vector<16xf32>
        %max3A_756 = arith.maximumf %scan3A_563, %select_n3A_755 : vector<16xf32>
        %add3A_757 = arith.constant 11200 : i32
        %add3A_758 = vector.broadcast %add3A_757 : i32 to vector<16xi32>
        %add3A_759 = arith.addi %add3A_568, %add3A_758 : vector<16xi32>
        %gather3A_760 = tpu.vector_load_idx %arg6[%add3A_759] : memref<12800xf32, #tpu.memory_space<vmem>>[vector<16xi32>], vector<16xf32>,
        %mul3A_761 = arith.constant 16 : i32
        %mul3A_762 = vector.broadcast %mul3A_761 : i32 to vector<16xi32>
        %mul3A_763 = arith.muli %gather3A, %mul3A_762 : vector<16xi32>
        %add3A_764 = arith.constant 7 : i32
        %add3A_765 = vector.broadcast %add3A_764 : i32 to vector<16xi32>
        %add3A_766 = arith.addi %mul3A_763, %add3A_765 : vector<16xi32>
        %gather3A_767 = tpu.vector_load_idx %arg9[%add3A_766] : memref<1600xf32, #tpu.memory_space<vmem>>[vector<16xi32>], vector<16xf32>,
        %mul3A_768 = arith.constant 16 : i32
        %mul3A_769 = vector.broadcast %mul3A_768 : i32 to vector<16xi32>
        %mul3A_770 = arith.muli %gather3A_569, %mul3A_769 : vector<16xi32>
        %add3A_771 = arith.constant 7 : i32
        %add3A_772 = vector.broadcast %add3A_771 : i32 to vector<16xi32>
        %add3A_773 = arith.addi %mul3A_770, %add3A_772 : vector<16xi32>
        %gather3A_774 = tpu.vector_load_idx %arg9[%add3A_773] : memref<1600xf32, #tpu.memory_space<vmem>>[vector<16xi32>], vector<16xf32>,
        %gt3A_775 = arith.cmpf ogt, %gather3A_760, %gather3A_767 : vector<16xf32>
        %gt3A_776 = arith.cmpf ogt, %gather3A_760, %gather3A_774 : vector<16xf32>
        %and3A_777 = arith.andi %gt3A_775, %gt3A_776 : vector<16xi1>
        %jit3A_778 = arith.constant 1.000000e+00 : f32
        %jit3A_779 = arith.constant 0.000000e+00 : f32
        %broadcast_in_dim3A_780 = vector.broadcast %jit3A_778 : f32 to vector<16xf32>
        %broadcast_in_dim3A_781 = vector.broadcast %jit3A_779 : f32 to vector<16xf32>
        %select_n3A_782 = arith.select %and3A_777, %broadcast_in_dim3A_780, %broadcast_in_dim3A_781 : vector<16xi1>, vector<16xf32>
        %max3A_783 = arith.maximumf %scan3A_564, %select_n3A_782 : vector<16xf32>
        scf.yield %max3A, %max3A_621, %max3A_648, %max3A_675, %max3A_702, %max3A_729, %max3A_756, %max3A_783 : vector<16xf32>, vector<16xf32>, vector<16xf32>, vector<16xf32>, vector<16xf32>, vector<16xf32>, vector<16xf32>, vector<16xf32>
      }
      %scan3A_465 = arith.constant 100 : i32
      %broadcast_in_dim3A_466 = arith.constant 0.000000e+00 : f32
      %broadcast_in_dim3A_467 = vector.broadcast %broadcast_in_dim3A_466 : f32 to vector<16xf32>
      %eq3A_468 = arith.constant 0 : i32
      %eq3A_469 = vector.broadcast %eq3A_468 : i32 to vector<16xi32>
      %eq3A_470 = arith.cmpi eq, %iota3A, %eq3A_469 : vector<16xi32>
      %reduce_max3A_471 = arith.constant true
      %reduce_max3A_472 = vector.broadcast %reduce_max3A_471 : i1 to vector<16xi1>
      %reduce_max3A_473 = tpu.scan <max>, %scan3A_464#0 masked %reduce_max3A_472 : vector<16xf32>, vector<16xi1> -> vector<16xf32>
      %reduce_max3A_474 = vector.extract %reduce_max3A_473[15] : f32 from vector<16xf32>
      %broadcast_in_dim3A_475 = vector.broadcast %reduce_max3A_474 : f32 to vector<16xf32>
      %select_n3A_476 = arith.select %eq3A_470, %broadcast_in_dim3A_475, %broadcast_in_dim3A_467 : vector<16xi1>, vector<16xf32>
      %eq3A_477 = arith.constant 1 : i32
      %eq3A_478 = vector.broadcast %eq3A_477 : i32 to vector<16xi32>
      %eq3A_479 = arith.cmpi eq, %iota3A, %eq3A_478 : vector<16xi32>
      %reduce_max3A_480 = arith.constant true
      %reduce_max3A_481 = vector.broadcast %reduce_max3A_480 : i1 to vector<16xi1>
      %reduce_max3A_482 = tpu.scan <max>, %scan3A_464#1 masked %reduce_max3A_481 : vector<16xf32>, vector<16xi1> -> vector<16xf32>
      %reduce_max3A_483 = vector.extract %reduce_max3A_482[15] : f32 from vector<16xf32>
      %broadcast_in_dim3A_484 = vector.broadcast %reduce_max3A_483 : f32 to vector<16xf32>
      %select_n3A_485 = arith.select %eq3A_479, %broadcast_in_dim3A_484, %select_n3A_476 : vector<16xi1>, vector<16xf32>
      %eq3A_486 = arith.constant 2 : i32
      %eq3A_487 = vector.broadcast %eq3A_486 : i32 to vector<16xi32>
      %eq3A_488 = arith.cmpi eq, %iota3A, %eq3A_487 : vector<16xi32>
      %reduce_max3A_489 = arith.constant true
      %reduce_max3A_490 = vector.broadcast %reduce_max3A_489 : i1 to vector<16xi1>
      %reduce_max3A_491 = tpu.scan <max>, %scan3A_464#2 masked %reduce_max3A_490 : vector<16xf32>, vector<16xi1> -> vector<16xf32>
      %reduce_max3A_492 = vector.extract %reduce_max3A_491[15] : f32 from vector<16xf32>
      %broadcast_in_dim3A_493 = vector.broadcast %reduce_max3A_492 : f32 to vector<16xf32>
      %select_n3A_494 = arith.select %eq3A_488, %broadcast_in_dim3A_493, %select_n3A_485 : vector<16xi1>, vector<16xf32>
      %eq3A_495 = arith.constant 3 : i32
      %eq3A_496 = vector.broadcast %eq3A_495 : i32 to vector<16xi32>
      %eq3A_497 = arith.cmpi eq, %iota3A, %eq3A_496 : vector<16xi32>
      %reduce_max3A_498 = arith.constant true
      %reduce_max3A_499 = vector.broadcast %reduce_max3A_498 : i1 to vector<16xi1>
      %reduce_max3A_500 = tpu.scan <max>, %scan3A_464#3 masked %reduce_max3A_499 : vector<16xf32>, vector<16xi1> -> vector<16xf32>
      %reduce_max3A_501 = vector.extract %reduce_max3A_500[15] : f32 from vector<16xf32>
      %broadcast_in_dim3A_502 = vector.broadcast %reduce_max3A_501 : f32 to vector<16xf32>
      %select_n3A_503 = arith.select %eq3A_497, %broadcast_in_dim3A_502, %select_n3A_494 : vector<16xi1>, vector<16xf32>
      %eq3A_504 = arith.constant 4 : i32
      %eq3A_505 = vector.broadcast %eq3A_504 : i32 to vector<16xi32>
      %eq3A_506 = arith.cmpi eq, %iota3A, %eq3A_505 : vector<16xi32>
      %reduce_max3A_507 = arith.constant true
      %reduce_max3A_508 = vector.broadcast %reduce_max3A_507 : i1 to vector<16xi1>
      %reduce_max3A_509 = tpu.scan <max>, %scan3A_464#4 masked %reduce_max3A_508 : vector<16xf32>, vector<16xi1> -> vector<16xf32>
      %reduce_max3A_510 = vector.extract %reduce_max3A_509[15] : f32 from vector<16xf32>
      %broadcast_in_dim3A_511 = vector.broadcast %reduce_max3A_510 : f32 to vector<16xf32>
      %select_n3A_512 = arith.select %eq3A_506, %broadcast_in_dim3A_511, %select_n3A_503 : vector<16xi1>, vector<16xf32>
      %eq3A_513 = arith.constant 5 : i32
      %eq3A_514 = vector.broadcast %eq3A_513 : i32 to vector<16xi32>
      %eq3A_515 = arith.cmpi eq, %iota3A, %eq3A_514 : vector<16xi32>
      %reduce_max3A_516 = arith.constant true
      %reduce_max3A_517 = vector.broadcast %reduce_max3A_516 : i1 to vector<16xi1>
      %reduce_max3A_518 = tpu.scan <max>, %scan3A_464#5 masked %reduce_max3A_517 : vector<16xf32>, vector<16xi1> -> vector<16xf32>
      %reduce_max3A_519 = vector.extract %reduce_max3A_518[15] : f32 from vector<16xf32>
      %broadcast_in_dim3A_520 = vector.broadcast %reduce_max3A_519 : f32 to vector<16xf32>
      %select_n3A_521 = arith.select %eq3A_515, %broadcast_in_dim3A_520, %select_n3A_512 : vector<16xi1>, vector<16xf32>
      %eq3A_522 = arith.constant 6 : i32
      %eq3A_523 = vector.broadcast %eq3A_522 : i32 to vector<16xi32>
      %eq3A_524 = arith.cmpi eq, %iota3A, %eq3A_523 : vector<16xi32>
      %reduce_max3A_525 = arith.constant true
      %reduce_max3A_526 = vector.broadcast %reduce_max3A_525 : i1 to vector<16xi1>
      %reduce_max3A_527 = tpu.scan <max>, %scan3A_464#6 masked %reduce_max3A_526 : vector<16xf32>, vector<16xi1> -> vector<16xf32>
      %reduce_max3A_528 = vector.extract %reduce_max3A_527[15] : f32 from vector<16xf32>
      %broadcast_in_dim3A_529 = vector.broadcast %reduce_max3A_528 : f32 to vector<16xf32>
      %select_n3A_530 = arith.select %eq3A_524, %broadcast_in_dim3A_529, %select_n3A_521 : vector<16xi1>, vector<16xf32>
      %eq3A_531 = arith.constant 7 : i32
      %eq3A_532 = vector.broadcast %eq3A_531 : i32 to vector<16xi32>
      %eq3A_533 = arith.cmpi eq, %iota3A, %eq3A_532 : vector<16xi32>
      %reduce_max3A_534 = arith.constant true
      %reduce_max3A_535 = vector.broadcast %reduce_max3A_534 : i1 to vector<16xi1>
      %reduce_max3A_536 = tpu.scan <max>, %scan3A_464#7 masked %reduce_max3A_535 : vector<16xf32>, vector<16xi1> -> vector<16xf32>
      %reduce_max3A_537 = vector.extract %reduce_max3A_536[15] : f32 from vector<16xf32>
      %broadcast_in_dim3A_538 = vector.broadcast %reduce_max3A_537 : f32 to vector<16xf32>
      %select_n3A_539 = arith.select %eq3A_533, %broadcast_in_dim3A_538, %select_n3A_530 : vector<16xi1>, vector<16xf32>
      %xor3A_540 = arith.constant 8 : i32
      %xor3A_541 = vector.broadcast %xor3A_540 : i32 to vector<16xi32>
      %xor3A_542 = arith.xori %iota3A, %xor3A_541 : vector<16xi32>
      tpu.vector_store_idx %arg10[%xor3A_542], %div3A_443 : memref<64xf32, #tpu.memory_space<vmem>>[vector<16xi32>], vector<16xf32>,
      %add3A_543 = arith.constant 16 : i32
      %add3A_544 = vector.broadcast %add3A_543 : i32 to vector<16xi32>
      %add3A_545 = arith.addi %iota3A, %add3A_544 : vector<16xi32>
      tpu.vector_store_idx %arg10[%add3A_545], %select_n3A_539 : memref<64xf32, #tpu.memory_space<vmem>>[vector<16xi32>], vector<16xf32>,
      %add3A_546 = arith.constant 32 : i32
      %add3A_547 = vector.broadcast %add3A_546 : i32 to vector<16xi32>
      %add3A_548 = arith.addi %iota3A, %add3A_547 : vector<16xi32>
      %broadcast_in_dim3A_549 = arith.constant 0.000000e+00 : f32
      %broadcast_in_dim3A_550 = vector.broadcast %broadcast_in_dim3A_549 : f32 to vector<16xf32>
      tpu.vector_store_idx %arg10[%add3A_548], %broadcast_in_dim3A_550 : memref<64xf32, #tpu.memory_space<vmem>>[vector<16xi32>], vector<16xf32>,
      %add3A_551 = arith.constant 48 : i32
      %add3A_552 = vector.broadcast %add3A_551 : i32 to vector<16xi32>
      %add3A_553 = arith.addi %iota3A, %add3A_552 : vector<16xi32>
      %broadcast_in_dim3A_554 = arith.constant 0.000000e+00 : f32
      %broadcast_in_dim3A_555 = vector.broadcast %broadcast_in_dim3A_554 : f32 to vector<16xf32>
      tpu.vector_store_idx %arg10[%add3A_553], %broadcast_in_dim3A_555 : memref<64xf32, #tpu.memory_space<vmem>>[vector<16xi32>], vector<16xf32>,
      "tpu.region"() ({
        %run_scoped3A = tpu.sem_alloc : memref<!tpu.dma_semaphore, #tpu.memory_space<semaphore_mem>>
        %dma_start3A = arith.constant 0 : i32
        %dma_start3A_556 = tpu.memref_slice %arg5[%add3A_417, %dma_start3A] : memref<100x64xf32, #tpu.memory_space<hbm>> -> memref<1x64xf32, #tpu.memory_space<hbm>>
        %dma_start3A_557 = tpu.memref_squeeze %dma_start3A_556 : memref<1x64xf32, #tpu.memory_space<hbm>> -> memref<64xf32, #tpu.memory_space<hbm>>
        %dma_start3A_558 = arith.constant 0 : i32
        %dma_start3A_559 = tpu.memref_slice %arg5[%add3A_417, %dma_start3A_558] : memref<100x64xf32, #tpu.memory_space<hbm>> -> memref<1x64xf32, #tpu.memory_space<hbm>>
        %dma_start3A_560 = tpu.memref_squeeze %dma_start3A_559 : memref<1x64xf32, #tpu.memory_space<hbm>> -> memref<64xf32, #tpu.memory_space<hbm>>
        tpu.enqueue_dma source(%arg10 : memref<64xf32, #tpu.memory_space<vmem>>) target(%dma_start3A_560 : memref<64xf32, #tpu.memory_space<hbm>>) target_semaphore(%run_scoped3A : memref<!tpu.dma_semaphore, #tpu.memory_space<semaphore_mem>>)
        %dma_wait3A = arith.constant 0 : i32
        %dma_wait3A_561 = tpu.memref_slice %arg5[%add3A_417, %dma_wait3A] : memref<100x64xf32, #tpu.memory_space<hbm>> -> memref<1x64xf32, #tpu.memory_space<hbm>>
        %dma_wait3A_562 = tpu.memref_squeeze %dma_wait3A_561 : memref<1x64xf32, #tpu.memory_space<hbm>> -> memref<64xf32, #tpu.memory_space<hbm>>
        %dma_wait3A_563 = arith.constant 0 : i32
        %dma_wait3A_564 = tpu.memref_slice %arg5[%add3A_417, %dma_wait3A_563] : memref<100x64xf32, #tpu.memory_space<hbm>> -> memref<1x64xf32, #tpu.memory_space<hbm>>
        %dma_wait3A_565 = tpu.memref_squeeze %dma_wait3A_564 : memref<1x64xf32, #tpu.memory_space<hbm>> -> memref<64xf32, #tpu.memory_space<hbm>>
        tpu.wait_dma2 semaphore(%run_scoped3A : memref<!tpu.dma_semaphore, #tpu.memory_space<semaphore_mem>>) src(%arg10 : memref<64xf32, #tpu.memory_space<vmem>>) dst(%dma_wait3A_565 : memref<64xf32, #tpu.memory_space<hbm>>)
        tpu.yield
      }) : () -> ()
    } else {
    }
    return
  }
}

module attributes {stable_mosaic.version = 14 : i64} {
  func.func @_graph_kernel(%arg0: i32, %arg1: memref<1x100x128xf32, #tpu.memory_space<vmem>>, %arg2: memref<1x100x4xf32, #tpu.memory_space<vmem>>, %arg3: memref<1x1x1600xi32, #tpu.memory_space<vmem>>, %arg4: memref<1x1x1600xi32, #tpu.memory_space<vmem>>, %arg5: memref<128x16xf32, #tpu.memory_space<vmem>>, %arg6: memref<1x16xf32, #tpu.memory_space<vmem>>, %arg7: memref<16x8xf32, #tpu.memory_space<vmem>>, %arg8: memref<1x8xf32, #tpu.memory_space<vmem>>, %arg9: memref<16x128xf32, #tpu.memory_space<vmem>>, %arg10: memref<16x1xf32, #tpu.memory_space<vmem>>, %arg11: memref<16x1xf32, #tpu.memory_space<vmem>>, %arg12: memref<8x16xf32, #tpu.memory_space<vmem>>, %arg13: memref<8x1xf32, #tpu.memory_space<vmem>>, %arg14: memref<1x8x1600xf32, #tpu.memory_space<vmem>>, %arg15: memref<1x1x8xf32, #tpu.memory_space<vmem>>) attributes {dimension_semantics = [#tpu.dimension_semantics<arbitrary>], iteration_bounds = array<i64: 100>, scalar_prefetch = 0 : i64, scratch_operands = 0 : i64, tpu.core_type = #tpu.core_type<tc>, window_params = [{transform_indices = @transform_0, window_bounds = array<i64: 1, 100, 128>}, {transform_indices = @transform_1, window_bounds = array<i64: 1, 100, 4>}, {transform_indices = @transform_2, window_bounds = array<i64: 1, 1, 1600>}, {transform_indices = @transform_3, window_bounds = array<i64: 1, 1, 1600>}, {pipeline_mode = #tpu.pipeline_mode<synchronous>, transform_indices = @transform_4, window_bounds = array<i64: 128, 16>}, {pipeline_mode = #tpu.pipeline_mode<synchronous>, transform_indices = @transform_5, window_bounds = array<i64: 1, 16>}, {pipeline_mode = #tpu.pipeline_mode<synchronous>, transform_indices = @transform_6, window_bounds = array<i64: 16, 8>}, {pipeline_mode = #tpu.pipeline_mode<synchronous>, transform_indices = @transform_7, window_bounds = array<i64: 1, 8>}, {pipeline_mode = #tpu.pipeline_mode<synchronous>, transform_indices = @transform_8, window_bounds = array<i64: 16, 128>}, {pipeline_mode = #tpu.pipeline_mode<synchronous>, transform_indices = @transform_9, window_bounds = array<i64: 16, 1>}, {pipeline_mode = #tpu.pipeline_mode<synchronous>, transform_indices = @transform_10, window_bounds = array<i64: 16, 1>}, {pipeline_mode = #tpu.pipeline_mode<synchronous>, transform_indices = @transform_11, window_bounds = array<i64: 8, 16>}, {pipeline_mode = #tpu.pipeline_mode<synchronous>, transform_indices = @transform_12, window_bounds = array<i64: 8, 1>}, {transform_indices = @transform_13, window_bounds = array<i64: 1, 8, 1600>}, {transform_indices = @transform_14, window_bounds = array<i64: 1, 1, 8>}]} {
    %get3A = arith.constant 0 : index
    %get3A_0 = arith.constant 0 : index
    %get3A_1 = arith.constant 0 : index
    %get3A_2 = vector.load %arg1[%get3A, %get3A_0, %get3A_1] : memref<1x100x128xf32, #tpu.memory_space<vmem>>, vector<1x100x128xf32>
    %get3A_3 = vector.shape_cast %get3A_2 : vector<1x100x128xf32> to vector<100x128xf32>
    %get3A_4 = arith.constant 0 : index
    %get3A_5 = arith.constant 0 : index
    %get3A_6 = arith.constant 0 : index
    %get3A_7 = vector.load %arg2[%get3A_4, %get3A_5, %get3A_6] : memref<1x100x4xf32, #tpu.memory_space<vmem>>, vector<1x100x4xf32>
    %get3A_8 = vector.shape_cast %get3A_7 : vector<1x100x4xf32> to vector<100x4xf32>
    %get3A_9 = arith.constant 0 : index
    %get3A_10 = arith.constant 0 : index
    %get3A_11 = arith.constant 0 : index
    %get3A_12 = vector.load %arg3[%get3A_9, %get3A_10, %get3A_11] : memref<1x1x1600xi32, #tpu.memory_space<vmem>>, vector<1x1x1600xi32>
    %get3A_13 = vector.shape_cast %get3A_12 : vector<1x1x1600xi32> to vector<1x1600xi32>
    %get3A_14 = arith.constant 0 : index
    %get3A_15 = arith.constant 0 : index
    %get3A_16 = arith.constant 0 : index
    %get3A_17 = vector.load %arg4[%get3A_14, %get3A_15, %get3A_16] : memref<1x1x1600xi32, #tpu.memory_space<vmem>>, vector<1x1x1600xi32>
    %get3A_18 = vector.shape_cast %get3A_17 : vector<1x1x1600xi32> to vector<1x1600xi32>
    %convert_element_type3A = arith.truncf %get3A_3 : vector<100x128xf32> to vector<100x128xbf16>
    %convert_element_type3A_19 = arith.extf %convert_element_type3A : vector<100x128xbf16> to vector<100x128xf32>
    %get3A_20 = arith.constant 0 : index
    %get3A_21 = arith.constant 0 : index
    %get3A_22 = vector.load %arg5[%get3A_20, %get3A_21] : memref<128x16xf32, #tpu.memory_space<vmem>>, vector<128x16xf32>
    %convert_element_type3A_23 = arith.truncf %get3A_22 : vector<128x16xf32> to vector<128x16xbf16>
    %convert_element_type3A_24 = arith.extf %convert_element_type3A_23 : vector<128x16xbf16> to vector<128x16xf32>
    %dot_general3A = arith.constant dense<0.000000e+00> : vector<100x16xf32>
    %dot_general3A_25 = tpu.matmul %convert_element_type3A_19, %convert_element_type3A_24, %dot_general3A {dimension_numbers = #tpu.dot_dimension_numbers<[1], [0], [0], [1], [0, 0, 1, 1], [], []>, precision = #tpu.contract_precision<fp32>, transpose_lhs_hint = false} : vector<100x128xf32>, vector<128x16xf32>, vector<100x16xf32> -> vector<100x16xf32>
    %get3A_26 = arith.constant 0 : index
    %get3A_27 = arith.constant 0 : index
    %get3A_28 = vector.load %arg6[%get3A_26, %get3A_27] : memref<1x16xf32, #tpu.memory_space<vmem>>, vector<1x16xf32>
    %get3A_29 = vector.shape_cast %get3A_28 : vector<1x16xf32> to vector<16xf32>
    %broadcast_in_dim3A = vector.shape_cast %get3A_29 : vector<16xf32> to vector<1x16xf32>
    %add3A = vector.broadcast %broadcast_in_dim3A : vector<1x16xf32> to vector<100x16xf32>
    %add3A_30 = arith.addf %dot_general3A_25, %add3A : vector<100x16xf32>
    %max3A = arith.constant 0.000000e+00 : f32
    %max3A_31 = vector.broadcast %max3A : f32 to vector<100x16xf32>
    %max3A_32 = arith.maximumf %add3A_30, %max3A_31 : vector<100x16xf32>
    %convert_element_type3A_33 = arith.truncf %max3A_32 : vector<100x16xf32> to vector<100x16xbf16>
    %convert_element_type3A_34 = arith.extf %convert_element_type3A_33 : vector<100x16xbf16> to vector<100x16xf32>
    %get3A_35 = arith.constant 0 : index
    %get3A_36 = arith.constant 0 : index
    %get3A_37 = vector.load %arg7[%get3A_35, %get3A_36] : memref<16x8xf32, #tpu.memory_space<vmem>>, vector<16x8xf32>
    %convert_element_type3A_38 = arith.truncf %get3A_37 : vector<16x8xf32> to vector<16x8xbf16>
    %convert_element_type3A_39 = arith.extf %convert_element_type3A_38 : vector<16x8xbf16> to vector<16x8xf32>
    %dot_general3A_40 = arith.constant dense<0.000000e+00> : vector<100x8xf32>
    %dot_general3A_41 = tpu.matmul %convert_element_type3A_34, %convert_element_type3A_39, %dot_general3A_40 {dimension_numbers = #tpu.dot_dimension_numbers<[1], [0], [0], [1], [0, 0, 1, 1], [], []>, precision = #tpu.contract_precision<fp32>, transpose_lhs_hint = false} : vector<100x16xf32>, vector<16x8xf32>, vector<100x8xf32> -> vector<100x8xf32>
    %get3A_42 = arith.constant 0 : index
    %get3A_43 = arith.constant 0 : index
    %get3A_44 = vector.load %arg8[%get3A_42, %get3A_43] : memref<1x8xf32, #tpu.memory_space<vmem>>, vector<1x8xf32>
    %get3A_45 = vector.shape_cast %get3A_44 : vector<1x8xf32> to vector<8xf32>
    %broadcast_in_dim3A_46 = vector.shape_cast %get3A_45 : vector<8xf32> to vector<1x8xf32>
    %add3A_47 = vector.broadcast %broadcast_in_dim3A_46 : vector<1x8xf32> to vector<100x8xf32>
    %add3A_48 = arith.addf %dot_general3A_41, %add3A_47 : vector<100x8xf32>
    %logistic3A = arith.negf %add3A_48 : vector<100x8xf32>
    %logistic3A_49 = math.exp %logistic3A : vector<100x8xf32>
    %logistic3A_50 = arith.constant 1.000000e+00 : f32
    %logistic3A_51 = vector.broadcast %logistic3A_50 : f32 to vector<100x8xf32>
    %logistic3A_52 = arith.addf %logistic3A_51, %logistic3A_49 : vector<100x8xf32>
    %logistic3A_53 = arith.divf %logistic3A_51, %logistic3A_52 : vector<100x8xf32>
    %iota3A = tpu.iota {dimensions = array<i32: 0>} : vector<100x1600xi32>
    %eq3A = vector.broadcast %get3A_13 : vector<1x1600xi32> to vector<100x1600xi32>
    %eq3A_54 = arith.cmpi eq, %iota3A, %eq3A : vector<100x1600xi32>
    %convert_element_type3A_55 = arith.extui %eq3A_54 : vector<100x1600xi1> to vector<100x1600xi32>
    %convert_element_type3A_56 = arith.sitofp %convert_element_type3A_55 : vector<100x1600xi32> to vector<100x1600xf32>
    %eq3A_57 = vector.broadcast %get3A_18 : vector<1x1600xi32> to vector<100x1600xi32>
    %eq3A_58 = arith.cmpi eq, %iota3A, %eq3A_57 : vector<100x1600xi32>
    %convert_element_type3A_59 = arith.extui %eq3A_58 : vector<100x1600xi1> to vector<100x1600xi32>
    %convert_element_type3A_60 = arith.sitofp %convert_element_type3A_59 : vector<100x1600xi32> to vector<100x1600xf32>
    %add3A_61 = arith.addf %convert_element_type3A_56, %convert_element_type3A_60 : vector<100x1600xf32>
    %dot_general3A_62 = arith.constant dense<0.000000e+00> : vector<128x1600xf32>
    %dot_general3A_63 = tpu.matmul %get3A_3, %add3A_61, %dot_general3A_62 {dimension_numbers = #tpu.dot_dimension_numbers<[0], [0], [1], [1], [0, 1, 1, 1], [], []>, precision = #tpu.contract_precision<fp32>, transpose_lhs_hint = true} : vector<100x128xf32>, vector<100x1600xf32>, vector<128x1600xf32> -> vector<128x1600xf32>
    %dot_general3A_64 = arith.constant dense<0.000000e+00> : vector<4x1600xf32>
    %dot_general3A_65 = tpu.matmul %get3A_8, %convert_element_type3A_56, %dot_general3A_64 {dimension_numbers = #tpu.dot_dimension_numbers<[0], [0], [1], [1], [0, 1, 1, 1], [], []>, precision = #tpu.contract_precision<fp32>, transpose_lhs_hint = true} : vector<100x4xf32>, vector<100x1600xf32>, vector<4x1600xf32> -> vector<4x1600xf32>
    %dot_general3A_66 = arith.constant dense<0.000000e+00> : vector<4x1600xf32>
    %dot_general3A_67 = tpu.matmul %get3A_8, %convert_element_type3A_60, %dot_general3A_66 {dimension_numbers = #tpu.dot_dimension_numbers<[0], [0], [1], [1], [0, 1, 1, 1], [], []>, precision = #tpu.contract_precision<fp32>, transpose_lhs_hint = true} : vector<100x4xf32>, vector<100x1600xf32>, vector<4x1600xf32> -> vector<4x1600xf32>
    %sub3A = arith.subf %dot_general3A_65, %dot_general3A_67 : vector<4x1600xf32>
    %integer_pow3A = arith.mulf %sub3A, %sub3A : vector<4x1600xf32>
    %reduce_sum3A = arith.constant dense<0.000000e+00> : vector<1600xf32>
    %reduce_sum3A_68 = vector.multi_reduction <add>, %integer_pow3A, %reduce_sum3A [0] : vector<4x1600xf32> to vector<1600xf32>
    %broadcast_in_dim3A_69 = vector.shape_cast %reduce_sum3A_68 : vector<1600xf32> to vector<1x1600xf32>
    %sqrt3A = math.sqrt %broadcast_in_dim3A_69 : vector<1x1600xf32>
    %get3A_70 = arith.constant 0 : index
    %get3A_71 = arith.constant 0 : index
    %get3A_72 = vector.load %arg9[%get3A_70, %get3A_71] : memref<16x128xf32, #tpu.memory_space<vmem>>, vector<16x128xf32>
    %convert_element_type3A_73 = arith.truncf %get3A_72 : vector<16x128xf32> to vector<16x128xbf16>
    %convert_element_type3A_74 = arith.extf %convert_element_type3A_73 : vector<16x128xbf16> to vector<16x128xf32>
    %convert_element_type3A_75 = arith.truncf %dot_general3A_63 : vector<128x1600xf32> to vector<128x1600xbf16>
    %convert_element_type3A_76 = arith.extf %convert_element_type3A_75 : vector<128x1600xbf16> to vector<128x1600xf32>
    %dot_general3A_77 = arith.constant dense<0.000000e+00> : vector<16x1600xf32>
    %dot_general3A_78 = tpu.matmul %convert_element_type3A_74, %convert_element_type3A_76, %dot_general3A_77 {dimension_numbers = #tpu.dot_dimension_numbers<[1], [0], [0], [1], [0, 0, 1, 1], [], []>, precision = #tpu.contract_precision<fp32>, transpose_lhs_hint = false} : vector<16x128xf32>, vector<128x1600xf32>, vector<16x1600xf32> -> vector<16x1600xf32>
    %get3A_79 = arith.constant 0 : index
    %get3A_80 = arith.constant 0 : index
    %get3A_81 = vector.load %arg10[%get3A_79, %get3A_80] : memref<16x1xf32, #tpu.memory_space<vmem>>, vector<16x1xf32>
    %convert_element_type3A_82 = arith.truncf %get3A_81 : vector<16x1xf32> to vector<16x1xbf16>
    %convert_element_type3A_83 = arith.extf %convert_element_type3A_82 : vector<16x1xbf16> to vector<16x1xf32>
    %convert_element_type3A_84 = arith.truncf %sqrt3A : vector<1x1600xf32> to vector<1x1600xbf16>
    %convert_element_type3A_85 = arith.extf %convert_element_type3A_84 : vector<1x1600xbf16> to vector<1x1600xf32>
    %mul3A = vector.broadcast %convert_element_type3A_83 : vector<16x1xf32> to vector<16x1600xf32>
    %mul3A_86 = vector.broadcast %convert_element_type3A_85 : vector<1x1600xf32> to vector<16x1600xf32>
    %mul3A_87 = arith.mulf %mul3A, %mul3A_86 : vector<16x1600xf32>
    %add3A_88 = arith.addf %dot_general3A_78, %mul3A_87 : vector<16x1600xf32>
    %get3A_89 = arith.constant 0 : index
    %get3A_90 = arith.constant 0 : index
    %get3A_91 = vector.load %arg11[%get3A_89, %get3A_90] : memref<16x1xf32, #tpu.memory_space<vmem>>, vector<16x1xf32>
    %add3A_92 = vector.broadcast %get3A_91 : vector<16x1xf32> to vector<16x1600xf32>
    %add3A_93 = arith.addf %add3A_88, %add3A_92 : vector<16x1600xf32>
    %max3A_94 = arith.constant 0.000000e+00 : f32
    %max3A_95 = vector.broadcast %max3A_94 : f32 to vector<16x1600xf32>
    %max3A_96 = arith.maximumf %add3A_93, %max3A_95 : vector<16x1600xf32>
    %get3A_97 = arith.constant 0 : index
    %get3A_98 = arith.constant 0 : index
    %get3A_99 = vector.load %arg12[%get3A_97, %get3A_98] : memref<8x16xf32, #tpu.memory_space<vmem>>, vector<8x16xf32>
    %convert_element_type3A_100 = arith.truncf %get3A_99 : vector<8x16xf32> to vector<8x16xbf16>
    %convert_element_type3A_101 = arith.extf %convert_element_type3A_100 : vector<8x16xbf16> to vector<8x16xf32>
    %convert_element_type3A_102 = arith.truncf %max3A_96 : vector<16x1600xf32> to vector<16x1600xbf16>
    %convert_element_type3A_103 = arith.extf %convert_element_type3A_102 : vector<16x1600xbf16> to vector<16x1600xf32>
    %dot_general3A_104 = arith.constant dense<0.000000e+00> : vector<8x1600xf32>
    %dot_general3A_105 = tpu.matmul %convert_element_type3A_101, %convert_element_type3A_103, %dot_general3A_104 {dimension_numbers = #tpu.dot_dimension_numbers<[1], [0], [0], [1], [0, 0, 1, 1], [], []>, precision = #tpu.contract_precision<fp32>, transpose_lhs_hint = false} : vector<8x16xf32>, vector<16x1600xf32>, vector<8x1600xf32> -> vector<8x1600xf32>
    %get3A_106 = arith.constant 0 : index
    %get3A_107 = arith.constant 0 : index
    %get3A_108 = vector.load %arg13[%get3A_106, %get3A_107] : memref<8x1xf32, #tpu.memory_space<vmem>>, vector<8x1xf32>
    %add3A_109 = vector.broadcast %get3A_108 : vector<8x1xf32> to vector<8x1600xf32>
    %add3A_110 = arith.addf %dot_general3A_105, %add3A_109 : vector<8x1600xf32>
    %logistic3A_111 = arith.negf %add3A_110 : vector<8x1600xf32>
    %logistic3A_112 = math.exp %logistic3A_111 : vector<8x1600xf32>
    %logistic3A_113 = arith.constant 1.000000e+00 : f32
    %logistic3A_114 = vector.broadcast %logistic3A_113 : f32 to vector<8x1600xf32>
    %logistic3A_115 = arith.addf %logistic3A_114, %logistic3A_112 : vector<8x1600xf32>
    %logistic3A_116 = arith.divf %logistic3A_114, %logistic3A_115 : vector<8x1600xf32>
    %swap3A = arith.constant 0 : index
    %swap3A_117 = arith.constant 0 : index
    %swap3A_118 = arith.constant 0 : index
    %swap3A_119 = vector.load %arg14[%swap3A, %swap3A_117, %swap3A_118] : memref<1x8x1600xf32, #tpu.memory_space<vmem>>, vector<1x8x1600xf32>
    %swap3A_120 = vector.shape_cast %swap3A_119 : vector<1x8x1600xf32> to vector<8x1600xf32>
    %swap3A_121 = vector.shape_cast %logistic3A_116 : vector<8x1600xf32> to vector<1x8x1600xf32>
    tpu.vector_store %arg14[%swap3A, %swap3A_117, %swap3A_118], %swap3A_121 {strides = array<i32>} : memref<1x8x1600xf32, #tpu.memory_space<vmem>>, vector<1x8x1600xf32>,
    %reduce_sum3A_122 = arith.constant dense<0.000000e+00> : vector<8xf32>
    %reduce_sum3A_123 = vector.multi_reduction <add>, %logistic3A_53, %reduce_sum3A_122 [0] : vector<100x8xf32> to vector<8xf32>
    %div3A = arith.constant 1.000000e+02 : f32
    %div3A_124 = vector.broadcast %div3A : f32 to vector<8xf32>
    %div3A_125 = arith.divf %reduce_sum3A_123, %div3A_124 : vector<8xf32>
    %swap3A_126 = arith.constant 0 : index
    %swap3A_127 = arith.constant 0 : index
    %swap3A_128 = arith.constant 0 : index
    %swap3A_129 = vector.load %arg15[%swap3A_126, %swap3A_127, %swap3A_128] : memref<1x1x8xf32, #tpu.memory_space<vmem>>, vector<1x1x8xf32>
    %swap3A_130 = vector.shape_cast %swap3A_129 : vector<1x1x8xf32> to vector<8xf32>
    %swap3A_131 = vector.shape_cast %div3A_125 : vector<8xf32> to vector<1x1x8xf32>
    tpu.vector_store %arg15[%swap3A_126, %swap3A_127, %swap3A_128], %swap3A_131 {strides = array<i32>} : memref<1x1x8xf32, #tpu.memory_space<vmem>>, vector<1x1x8xf32>,
    return
  }
  func.func @transform_0(%arg0: i32) -> (i32, i32, i32) {
    %c0_i32 = arith.constant 0 : i32
    %c0_i32_0 = arith.constant 0 : i32
    %c0_i32_1 = arith.constant 0 : i32
    return %arg0, %c0_i32, %c0_i32_0 : i32, i32, i32
  }
  func.func @transform_1(%arg0: i32) -> (i32, i32, i32) {
    %c0_i32 = arith.constant 0 : i32
    %c0_i32_0 = arith.constant 0 : i32
    %c0_i32_1 = arith.constant 0 : i32
    return %arg0, %c0_i32, %c0_i32_0 : i32, i32, i32
  }
  func.func @transform_2(%arg0: i32) -> (i32, i32, i32) {
    %c0_i32 = arith.constant 0 : i32
    %c0_i32_0 = arith.constant 0 : i32
    %c0_i32_1 = arith.constant 0 : i32
    return %arg0, %c0_i32, %c0_i32_0 : i32, i32, i32
  }
  func.func @transform_3(%arg0: i32) -> (i32, i32, i32) {
    %c0_i32 = arith.constant 0 : i32
    %c0_i32_0 = arith.constant 0 : i32
    %c0_i32_1 = arith.constant 0 : i32
    return %arg0, %c0_i32, %c0_i32_0 : i32, i32, i32
  }
  func.func @transform_4(%arg0: i32) -> (i32, i32) {
    %c0_i32 = arith.constant 0 : i32
    %c0_i32_0 = arith.constant 0 : i32
    %c0_i32_1 = arith.constant 0 : i32
    return %c0_i32, %c0_i32_0 : i32, i32
  }
  func.func @transform_5(%arg0: i32) -> (i32, i32) {
    %c0_i32 = arith.constant 0 : i32
    %c0_i32_0 = arith.constant 0 : i32
    %c0_i32_1 = arith.constant 0 : i32
    return %c0_i32, %c0_i32_0 : i32, i32
  }
  func.func @transform_6(%arg0: i32) -> (i32, i32) {
    %c0_i32 = arith.constant 0 : i32
    %c0_i32_0 = arith.constant 0 : i32
    %c0_i32_1 = arith.constant 0 : i32
    return %c0_i32, %c0_i32_0 : i32, i32
  }
  func.func @transform_7(%arg0: i32) -> (i32, i32) {
    %c0_i32 = arith.constant 0 : i32
    %c0_i32_0 = arith.constant 0 : i32
    %c0_i32_1 = arith.constant 0 : i32
    return %c0_i32, %c0_i32_0 : i32, i32
  }
  func.func @transform_8(%arg0: i32) -> (i32, i32) {
    %c0_i32 = arith.constant 0 : i32
    %c0_i32_0 = arith.constant 0 : i32
    %c0_i32_1 = arith.constant 0 : i32
    return %c0_i32, %c0_i32_0 : i32, i32
  }
  func.func @transform_9(%arg0: i32) -> (i32, i32) {
    %c0_i32 = arith.constant 0 : i32
    %c0_i32_0 = arith.constant 0 : i32
    %c0_i32_1 = arith.constant 0 : i32
    return %c0_i32, %c0_i32_0 : i32, i32
  }
  func.func @transform_10(%arg0: i32) -> (i32, i32) {
    %c0_i32 = arith.constant 0 : i32
    %c0_i32_0 = arith.constant 0 : i32
    %c0_i32_1 = arith.constant 0 : i32
    return %c0_i32, %c0_i32_0 : i32, i32
  }
  func.func @transform_11(%arg0: i32) -> (i32, i32) {
    %c0_i32 = arith.constant 0 : i32
    %c0_i32_0 = arith.constant 0 : i32
    %c0_i32_1 = arith.constant 0 : i32
    return %c0_i32, %c0_i32_0 : i32, i32
  }
  func.func @transform_12(%arg0: i32) -> (i32, i32) {
    %c0_i32 = arith.constant 0 : i32
    %c0_i32_0 = arith.constant 0 : i32
    %c0_i32_1 = arith.constant 0 : i32
    return %c0_i32, %c0_i32_0 : i32, i32
  }
  func.func @transform_13(%arg0: i32) -> (i32, i32, i32) {
    %c0_i32 = arith.constant 0 : i32
    %c0_i32_0 = arith.constant 0 : i32
    %c0_i32_1 = arith.constant 0 : i32
    return %arg0, %c0_i32, %c0_i32_0 : i32, i32, i32
  }
  func.func @transform_14(%arg0: i32) -> (i32, i32, i32) {
    %c0_i32 = arith.constant 0 : i32
    %c0_i32_0 = arith.constant 0 : i32
    %c0_i32_1 = arith.constant 0 : i32
    return %arg0, %c0_i32, %c0_i32_0 : i32, i32, i32
  }
}

module attributes {stable_mosaic.version = 14 : i64} {
  func.func @_final_kernel(%arg0: memref<100x32xf32, #tpu.memory_space<vmem>>, %arg1: memref<100x8xf32, #tpu.memory_space<vmem>>, %arg2: memref<32x64xf32, #tpu.memory_space<vmem>>, %arg3: memref<1x64xf32, #tpu.memory_space<vmem>>, %arg4: memref<4x64xf32, #tpu.memory_space<vmem>>, %arg5: memref<1x64xf32, #tpu.memory_space<vmem>>, %arg6: memref<64x64xf32, #tpu.memory_space<vmem>>, %arg7: memref<1x64xf32, #tpu.memory_space<vmem>>, %arg8: memref<64x64xf32, #tpu.memory_space<vmem>>, %arg9: memref<1x64xf32, #tpu.memory_space<vmem>>, %arg10: memref<1x64xf32, #tpu.memory_space<vmem>>, %arg11: memref<1x64xf32, #tpu.memory_space<vmem>>, %arg12: memref<100x64xf32, #tpu.memory_space<vmem>>) attributes {dimension_semantics = [], scalar_prefetch = 0 : i64, scratch_operands = 0 : i64, tpu.core_type = #tpu.core_type<tc>} {
    %get3A = arith.constant 0 : index
    %get3A_0 = arith.constant 0 : index
    %get3A_1 = vector.load %arg0[%get3A, %get3A_0] : memref<100x32xf32, #tpu.memory_space<vmem>>, vector<100x32xf32>
    %get3A_2 = arith.constant 0 : index
    %get3A_3 = arith.constant 0 : index
    %get3A_4 = vector.load %arg1[%get3A_2, %get3A_3] : memref<100x8xf32, #tpu.memory_space<vmem>>, vector<100x8xf32>
    %reduce_sum3A = arith.constant dense<0.000000e+00> : vector<100xf32>
    %reduce_sum3A_5 = vector.multi_reduction <add>, %get3A_4, %reduce_sum3A [1] : vector<100x8xf32> to vector<100xf32>
    %broadcast_in_dim3A = vector.shape_cast %reduce_sum3A_5 : vector<100xf32> to vector<100x1xf32>
    %div3A = arith.constant 8.000000e+00 : f32
    %div3A_6 = vector.broadcast %div3A : f32 to vector<100x1xf32>
    %div3A_7 = arith.divf %broadcast_in_dim3A, %div3A_6 : vector<100x1xf32>
    %get3A_8 = arith.constant 0 : index
    %get3A_9 = arith.constant 0 : index
    %get3A_10 = vector.load %arg4[%get3A_8, %get3A_9] : memref<4x64xf32, #tpu.memory_space<vmem>>, vector<4x64xf32>
    %convert_element_type3A = arith.truncf %get3A_10 : vector<4x64xf32> to vector<4x64xbf16>
    %convert_element_type3A_11 = arith.extf %convert_element_type3A : vector<4x64xbf16> to vector<4x64xf32>
    %reduce_sum3A_12 = arith.constant dense<0.000000e+00> : vector<64xf32>
    %reduce_sum3A_13 = vector.multi_reduction <add>, %convert_element_type3A_11, %reduce_sum3A_12 [0] : vector<4x64xf32> to vector<64xf32>
    %broadcast_in_dim3A_14 = vector.shape_cast %reduce_sum3A_13 : vector<64xf32> to vector<1x64xf32>
    %convert_element_type3A_15 = arith.truncf %get3A_1 : vector<100x32xf32> to vector<100x32xbf16>
    %convert_element_type3A_16 = arith.extf %convert_element_type3A_15 : vector<100x32xbf16> to vector<100x32xf32>
    %get3A_17 = arith.constant 0 : index
    %get3A_18 = arith.constant 0 : index
    %get3A_19 = vector.load %arg2[%get3A_17, %get3A_18] : memref<32x64xf32, #tpu.memory_space<vmem>>, vector<32x64xf32>
    %convert_element_type3A_20 = arith.truncf %get3A_19 : vector<32x64xf32> to vector<32x64xbf16>
    %convert_element_type3A_21 = arith.extf %convert_element_type3A_20 : vector<32x64xbf16> to vector<32x64xf32>
    %dot_general3A = arith.constant dense<0.000000e+00> : vector<100x64xf32>
    %dot_general3A_22 = tpu.matmul %convert_element_type3A_16, %convert_element_type3A_21, %dot_general3A {dimension_numbers = #tpu.dot_dimension_numbers<[1], [0], [0], [1], [0, 0, 1, 1], [], []>, precision = #tpu.contract_precision<fp32>, transpose_lhs_hint = false} : vector<100x32xf32>, vector<32x64xf32>, vector<100x64xf32> -> vector<100x64xf32>
    %get3A_23 = arith.constant 0 : index
    %get3A_24 = arith.constant 0 : index
    %get3A_25 = vector.load %arg3[%get3A_23, %get3A_24] : memref<1x64xf32, #tpu.memory_space<vmem>>, vector<1x64xf32>
    %get3A_26 = vector.shape_cast %get3A_25 : vector<1x64xf32> to vector<64xf32>
    %broadcast_in_dim3A_27 = vector.shape_cast %get3A_26 : vector<64xf32> to vector<1x64xf32>
    %add3A = vector.broadcast %broadcast_in_dim3A_27 : vector<1x64xf32> to vector<100x64xf32>
    %add3A_28 = arith.addf %dot_general3A_22, %add3A : vector<100x64xf32>
    %mul3A = vector.broadcast %div3A_7 : vector<100x1xf32> to vector<100x64xf32>
    %mul3A_29 = vector.broadcast %broadcast_in_dim3A_14 : vector<1x64xf32> to vector<100x64xf32>
    %mul3A_30 = arith.mulf %mul3A, %mul3A_29 : vector<100x64xf32>
    %add3A_31 = arith.addf %add3A_28, %mul3A_30 : vector<100x64xf32>
    %get3A_32 = arith.constant 0 : index
    %get3A_33 = arith.constant 0 : index
    %get3A_34 = vector.load %arg5[%get3A_32, %get3A_33] : memref<1x64xf32, #tpu.memory_space<vmem>>, vector<1x64xf32>
    %get3A_35 = vector.shape_cast %get3A_34 : vector<1x64xf32> to vector<64xf32>
    %broadcast_in_dim3A_36 = vector.shape_cast %get3A_35 : vector<64xf32> to vector<1x64xf32>
    %add3A_37 = vector.broadcast %broadcast_in_dim3A_36 : vector<1x64xf32> to vector<100x64xf32>
    %add3A_38 = arith.addf %add3A_31, %add3A_37 : vector<100x64xf32>
    %reduce_sum3A_39 = arith.constant dense<0.000000e+00> : vector<64xf32>
    %reduce_sum3A_40 = vector.multi_reduction <add>, %add3A_38, %reduce_sum3A_39 [0] : vector<100x64xf32> to vector<64xf32>
    %broadcast_in_dim3A_41 = vector.shape_cast %reduce_sum3A_40 : vector<64xf32> to vector<1x64xf32>
    %div3A_42 = arith.constant 1.000000e+02 : f32
    %div3A_43 = vector.broadcast %div3A_42 : f32 to vector<1x64xf32>
    %div3A_44 = arith.divf %broadcast_in_dim3A_41, %div3A_43 : vector<1x64xf32>
    %sub3A = vector.broadcast %div3A_44 : vector<1x64xf32> to vector<100x64xf32>
    %sub3A_45 = arith.subf %add3A_38, %sub3A : vector<100x64xf32>
    %integer_pow3A = arith.mulf %sub3A_45, %sub3A_45 : vector<100x64xf32>
    %reduce_sum3A_46 = arith.constant dense<0.000000e+00> : vector<64xf32>
    %reduce_sum3A_47 = vector.multi_reduction <add>, %integer_pow3A, %reduce_sum3A_46 [0] : vector<100x64xf32> to vector<64xf32>
    %broadcast_in_dim3A_48 = vector.shape_cast %reduce_sum3A_47 : vector<64xf32> to vector<1x64xf32>
    %div3A_49 = arith.constant 1.000000e+02 : f32
    %div3A_50 = vector.broadcast %div3A_49 : f32 to vector<1x64xf32>
    %div3A_51 = arith.divf %broadcast_in_dim3A_48, %div3A_50 : vector<1x64xf32>
    %sub3A_52 = vector.broadcast %div3A_44 : vector<1x64xf32> to vector<100x64xf32>
    %sub3A_53 = arith.subf %add3A_38, %sub3A_52 : vector<100x64xf32>
    %add3A_54 = arith.constant 9.99999974E-6 : f32
    %add3A_55 = vector.broadcast %add3A_54 : f32 to vector<1x64xf32>
    %add3A_56 = arith.addf %div3A_51, %add3A_55 : vector<1x64xf32>
    %sqrt3A = math.sqrt %add3A_56 : vector<1x64xf32>
    %div3A_57 = vector.broadcast %sqrt3A : vector<1x64xf32> to vector<100x64xf32>
    %div3A_58 = arith.divf %sub3A_53, %div3A_57 : vector<100x64xf32>
    %get3A_59 = arith.constant 0 : index
    %get3A_60 = arith.constant 0 : index
    %get3A_61 = vector.load %arg10[%get3A_59, %get3A_60] : memref<1x64xf32, #tpu.memory_space<vmem>>, vector<1x64xf32>
    %get3A_62 = vector.shape_cast %get3A_61 : vector<1x64xf32> to vector<64xf32>
    %broadcast_in_dim3A_63 = vector.shape_cast %get3A_62 : vector<64xf32> to vector<1x64xf32>
    %mul3A_64 = vector.broadcast %broadcast_in_dim3A_63 : vector<1x64xf32> to vector<100x64xf32>
    %mul3A_65 = arith.mulf %div3A_58, %mul3A_64 : vector<100x64xf32>
    %get3A_66 = arith.constant 0 : index
    %get3A_67 = arith.constant 0 : index
    %get3A_68 = vector.load %arg11[%get3A_66, %get3A_67] : memref<1x64xf32, #tpu.memory_space<vmem>>, vector<1x64xf32>
    %get3A_69 = vector.shape_cast %get3A_68 : vector<1x64xf32> to vector<64xf32>
    %broadcast_in_dim3A_70 = vector.shape_cast %get3A_69 : vector<64xf32> to vector<1x64xf32>
    %add3A_71 = vector.broadcast %broadcast_in_dim3A_70 : vector<1x64xf32> to vector<100x64xf32>
    %add3A_72 = arith.addf %mul3A_65, %add3A_71 : vector<100x64xf32>
    %convert_element_type3A_73 = arith.truncf %add3A_72 : vector<100x64xf32> to vector<100x64xbf16>
    %convert_element_type3A_74 = arith.extf %convert_element_type3A_73 : vector<100x64xbf16> to vector<100x64xf32>
    %get3A_75 = arith.constant 0 : index
    %get3A_76 = arith.constant 0 : index
    %get3A_77 = vector.load %arg6[%get3A_75, %get3A_76] : memref<64x64xf32, #tpu.memory_space<vmem>>, vector<64x64xf32>
    %convert_element_type3A_78 = arith.truncf %get3A_77 : vector<64x64xf32> to vector<64x64xbf16>
    %convert_element_type3A_79 = arith.extf %convert_element_type3A_78 : vector<64x64xbf16> to vector<64x64xf32>
    %dot_general3A_80 = arith.constant dense<0.000000e+00> : vector<100x64xf32>
    %dot_general3A_81 = tpu.matmul %convert_element_type3A_74, %convert_element_type3A_79, %dot_general3A_80 {dimension_numbers = #tpu.dot_dimension_numbers<[1], [0], [0], [1], [0, 0, 1, 1], [], []>, precision = #tpu.contract_precision<fp32>, transpose_lhs_hint = false} : vector<100x64xf32>, vector<64x64xf32>, vector<100x64xf32> -> vector<100x64xf32>
    %get3A_82 = arith.constant 0 : index
    %get3A_83 = arith.constant 0 : index
    %get3A_84 = vector.load %arg7[%get3A_82, %get3A_83] : memref<1x64xf32, #tpu.memory_space<vmem>>, vector<1x64xf32>
    %get3A_85 = vector.shape_cast %get3A_84 : vector<1x64xf32> to vector<64xf32>
    %broadcast_in_dim3A_86 = vector.shape_cast %get3A_85 : vector<64xf32> to vector<1x64xf32>
    %add3A_87 = vector.broadcast %broadcast_in_dim3A_86 : vector<1x64xf32> to vector<100x64xf32>
    %add3A_88 = arith.addf %dot_general3A_81, %add3A_87 : vector<100x64xf32>
    %max3A = arith.constant 0.000000e+00 : f32
    %max3A_89 = vector.broadcast %max3A : f32 to vector<100x64xf32>
    %max3A_90 = arith.maximumf %add3A_88, %max3A_89 : vector<100x64xf32>
    %convert_element_type3A_91 = arith.truncf %max3A_90 : vector<100x64xf32> to vector<100x64xbf16>
    %convert_element_type3A_92 = arith.extf %convert_element_type3A_91 : vector<100x64xbf16> to vector<100x64xf32>
    %get3A_93 = arith.constant 0 : index
    %get3A_94 = arith.constant 0 : index
    %get3A_95 = vector.load %arg8[%get3A_93, %get3A_94] : memref<64x64xf32, #tpu.memory_space<vmem>>, vector<64x64xf32>
    %convert_element_type3A_96 = arith.truncf %get3A_95 : vector<64x64xf32> to vector<64x64xbf16>
    %convert_element_type3A_97 = arith.extf %convert_element_type3A_96 : vector<64x64xbf16> to vector<64x64xf32>
    %dot_general3A_98 = arith.constant dense<0.000000e+00> : vector<100x64xf32>
    %dot_general3A_99 = tpu.matmul %convert_element_type3A_92, %convert_element_type3A_97, %dot_general3A_98 {dimension_numbers = #tpu.dot_dimension_numbers<[1], [0], [0], [1], [0, 0, 1, 1], [], []>, precision = #tpu.contract_precision<fp32>, transpose_lhs_hint = false} : vector<100x64xf32>, vector<64x64xf32>, vector<100x64xf32> -> vector<100x64xf32>
    %get3A_100 = arith.constant 0 : index
    %get3A_101 = arith.constant 0 : index
    %get3A_102 = vector.load %arg9[%get3A_100, %get3A_101] : memref<1x64xf32, #tpu.memory_space<vmem>>, vector<1x64xf32>
    %get3A_103 = vector.shape_cast %get3A_102 : vector<1x64xf32> to vector<64xf32>
    %broadcast_in_dim3A_104 = vector.shape_cast %get3A_103 : vector<64xf32> to vector<1x64xf32>
    %add3A_105 = vector.broadcast %broadcast_in_dim3A_104 : vector<1x64xf32> to vector<100x64xf32>
    %add3A_106 = arith.addf %dot_general3A_99, %add3A_105 : vector<100x64xf32>
    %swap3A = arith.constant 0 : index
    %swap3A_107 = arith.constant 0 : index
    %swap3A_108 = vector.load %arg12[%swap3A, %swap3A_107] : memref<100x64xf32, #tpu.memory_space<vmem>>, vector<100x64xf32>
    tpu.vector_store %arg12[%swap3A, %swap3A_107], %add3A_106 {strides = array<i32>} : memref<100x64xf32, #tpu.memory_space<vmem>>, vector<100x64xf32>,
    return
  }
}

</mosaic_0001>

<sc_bundles>
// kernel: kernel.5.cloned.1.call-start
scs
__scs_entry_jumppad:
0x0: {  	(pc) =	sbr.rel $0x88, $3  }
0x1: {  	(tag) =	ssettag $0x0;
	lr =	simm.s32 $0x1  }
0x2: {  	[smem:$0x3F8C] =	sst lr;
	_ =	strace $0xD0000000  }
0x3: {  	_ = 	snop  }
0x4: {  	_ = 	snop  }
0x5: {  	_ = 	snop  }
0x6: {  	_ = 	snop  }
0x7: {  	_ = 	snop  }
__scs_overlays_trampoline_lowered:
0x8: {  	[smem:$0x3F9B] =	sst s0  }
0x9: {  	[smem:$0x3F9C] =	sst s1  }
0xa: {  	[smem:$0x3F9D] =	sst s2  }
0xb: {  	[smem:$0x3F9E] =	sst s3  }
0xc: {  	[smem:$0x3F9F] =	sst s4  }
0xd: {  	[smem:$0x3FA0] =	sst s5  }
0xe: {  	[smem:$0x3FA1] =	sst s6  }
0xf: {  	[smem:$0x3FA2] =	sst s7  }
0x10: {  	[smem:$0x3FA3] =	sst s8  }
0x11: {  	[smem:$0x3FA4] =	sst s9;
	s0 =	simm.s32 @!p0 $0x0  }
0x12: {  	s1 =	sld [smem:$0x3F8A];
	s0 =	simm.s32 @p0 $0x1  }
0x13: {  	[smem:$0x3FA5] =	sst s0;
	s0 =	simm.s32 @!p1 $0x0  }
0x14: {  	s2 =	sld [smem:$0x3F89];
	s0 =	simm.s32 @p1 $0x1  }
0x15: {  	[smem:$0x3FA6] =	sst s0;
	s0 =	simm.s32 @!p2 $0x0  }
0x16: {  	s3 =	sld [smem:$0x3FDB];
	s0 =	simm.s32 @p2 $0x1  }
0x17: {  	s4 =	simm.s32 $0x1BF5;
	[smem:$0x3FA8] =	sst s0  }
0x18: {  	s0 =	sld [smem:$0x3F8B];
	_ =	swait.ge [sflag:s4], $0x0  }
0x19: {  	s7 =	sld [smem:$0x3F8C]  }
0x1a: {  	s8 =	sadd.s32 $0xFFFFE003, lr  }
0x1b: {  	s9 =	sadd.s32 $0xFFFFFEF7, lr;
	s5 =	simm.s32 $0xFFFFFFFF;
	p2 =	slt.u32 s8, $0xFFFFF086  }
0x1c: {  	p1 =	slt.u32 s9, $0xF7A;
	s5 =	simm.s32 @!p2 $0x0  }
0x1d: {  	s5 =	simm.s32 @p1 $0x1;
	p0 =	seq.s32 s7, s2  }
0x1e: {  	s7 =	smul.u32 @!p0 $0xF7A, s2;
	p2 =	seq.s32 @!p0 s5, $0x0  }
0x1f: {  	s9 =	smul.u32 $0xF7A, s1;
	s8 =	simm.s32 @!p0 $0x1BF5;
	p2 =	por !p2, p0  }
0x20: {  	[sflag:s8] =	ssyncset.s32 @!p0 $0xFFFFF086;
	s6 =	sadd.s32 @!p0 s3, s7;
	s7 =	simm.s32 @!p0 $0x108  }
0x21: {  	s3 =	sadd.s32 s3, s9;
	s6 =	sadd.s32 @!p0 $0x88, s6;
	s7 =	simm.s32 @p2 $0x1082  }
0x22: {  	[simem:s7], [sflag:s8] =	dma.local @!p0 [hbm:s6], $0xF7A  }
0x23: {  	s9 =	sor.u32 $0xD0000000, s2;
	s6 =	simm.s32 $0x108;
	_ =	swait.ge @!p0 [sflag:s8], $0x0  }
0x24: {  	s3 =	sadd.s32 $0x88, s3;
	s6 =	simm.s32 @!p1 $0x1082;
	[sflag:s4] =	ssyncset.s32 $0xFFFFF086  }
0x25: {  	[simem:s6], [sflag:s4] =	dma.local [hbm:s3], $0xF7A  }
0x26: {  	[smem:$0x3F8C] =	sst s1;
	(tag) =	ssettag s2;
	_ =	strace s9  }
0x27: {  	s1 =	sld [smem:$0x3F9C]  }
0x28: {  	s2 =	sld [smem:$0x3F9D]  }
0x29: {  	s4 =	sld [smem:$0x3F9F]  }
0x2a: {  	p0 =	seq.s32 s5, $0x0;
	s5 =	sld [smem:$0x3FA0]  }
0x2b: {  	s6 =	sld [smem:$0x3FA1]  }
0x2c: {  	s7 =	sld [smem:$0x3FA2]  }
0x2d: {  	s3 =	simm.s32 $0x108;
	s8 =	sld [smem:$0x3FA3]  }
0x2e: {  	s3 =	simm.s32 @!p0 $0x1082;
	s9 =	sld [smem:$0x3FA4]  }
0x2f: {  	lr =	sadd.s32 s0, s3;
	s0 =	sld [smem:$0x3F9B]  }
0x30: {  	s3 =	sld [smem:$0x3F9E]  }
0x31: {  	[smem:$0x3FA7] =	sst s10  }
0x32: {  	s10 =	sld [smem:$0x3FA5];
	_ =	sdelay $0x3  }
0x33: {  	p0 =	seq.s32 s10, $0x1;
	s10 =	sld [smem:$0x3FA7];
	_ =	sdelay $0x3  }
0x34: {  	[smem:$0x3FA7] =	sst s10  }
0x35: {  	s10 =	sld [smem:$0x3FA6];
	_ =	sdelay $0x3  }
0x36: {  	p1 =	seq.s32 s10, $0x1;
	s10 =	sld [smem:$0x3FA7];
	_ =	sdelay $0x3  }
0x37: {  	[smem:$0x3FA7] =	sst s10  }
0x38: {  	s10 =	sld [smem:$0x3FA8]  }
0x39: {  	_ = 	snop;
	(pc) =	sbr.ind lr, $3  }
0x3a: {  	_ = 	snop  }
0x3b: {  	_ = 	snop  }
0x3c: {  	p2 =	seq.s32 s10, $0x1;
	s10 =	sld [smem:$0x3FA7]  }
0x3d: {  	_ =	shalt  }
0x3e: {  	_ =	shalt  }
0x3f: {  	_ =	shalt  }
0x40: {  	_ =	shalt  }
0x41: {  	_ =	shalt  }
0x42: {  	_ =	shalt  }
0x43: {  	_ =	shalt  }
0x44: {  	_ =	shalt  }
0x45: {  	_ =	shalt  }
0x46: {  	_ =	shalt  }
0x47: {  	_ =	shalt  }
0x48: {  	_ =	shalt  }
0x49: {  	_ =	shalt  }
0x4a: {  	_ =	shalt  }
0x4b: {  	_ =	shalt  }
0x4c: {  	_ =	shalt  }
0x4d: {  	_ =	shalt  }
0x4e: {  	_ =	shalt  }
0x4f: {  	_ =	shalt  }
0x50: {  	_ =	shalt  }
0x51: {  	_ =	shalt  }
0x52: {  	_ =	shalt  }
0x53: {  	_ =	shalt  }
0x54: {  	_ =	shalt  }
0x55: {  	_ =	shalt  }
0x56: {  	_ =	shalt  }
0x57: {  	_ =	shalt  }
0x58: {  	_ =	shalt  }
0x59: {  	_ =	shalt  }
0x5a: {  	_ =	shalt  }
0x5b: {  	_ =	shalt  }
0x5c: {  	_ =	shalt  }
0x5d: {  	_ =	shalt  }
0x5e: {  	_ =	shalt  }
0x5f: {  	_ =	shalt  }
0x60: {  	_ =	shalt  }
0x61: {  	_ =	shalt  }
0x62: {  	_ =	shalt  }
0x63: {  	_ =	shalt  }
0x64: {  	_ =	shalt  }
0x65: {  	_ =	shalt  }
0x66: {  	_ =	shalt  }
0x67: {  	_ =	shalt  }
0x68: {  	_ =	shalt  }
0x69: {  	_ =	shalt  }
0x6a: {  	_ =	shalt  }
0x6b: {  	_ =	shalt  }
0x6c: {  	_ =	shalt  }
0x6d: {  	_ =	shalt  }
0x6e: {  	_ =	shalt  }
0x6f: {  	_ =	shalt  }
0x70: {  	_ =	shalt  }
0x71: {  	_ =	shalt  }
0x72: {  	_ =	shalt  }
0x73: {  	_ =	shalt  }
0x74: {  	_ =	shalt  }
0x75: {  	_ =	shalt  }
0x76: {  	_ =	shalt  }
0x77: {  	_ =	shalt  }
0x78: {  	_ =	shalt  }
0x79: {  	_ =	shalt  }
0x7a: {  	_ =	shalt  }
0x7b: {  	_ =	shalt  }
0x7c: {  	_ =	shalt  }
0x7d: {  	_ =	shalt  }
0x7e: {  	_ =	shalt  }
0x7f: {  	_ =	shalt  }
0x80: {  	_ =	shalt  }
0x81: {  	_ =	shalt  }
0x82: {  	_ =	shalt  }
0x83: {  	_ =	shalt  }
0x84: {  	_ =	shalt  }
0x85: {  	_ =	shalt  }
0x86: {  	_ =	shalt  }
0x87: {  	_ =	shalt  }
.Lfunc_end0:
.L_simem_size_0:
called_computation_lowered:
.L_overlay_start_0:
0x88: {  	s2 =	sld [smem:$0x3FD9]  }
0x89: {  	s3 =	sld [smem:$0x3FFE];
	_ =	sdelay $0x1  }
0x8a: {  	s1 =	srdreg.scid  }
0x8b: {  	s0 =	sand.u32 $0x1, s1  }
0x8c: {  	s16 =	sshll.u32 s0, $0xA;
	s2 =	sadd.s32 s3, s2  }
0x8d: {  	s2 =	sadd.s32 s2, s16  }
0x8e: {  	[smem:$0x3FB3] =	sst s2  }
0x8f: {  	_ = 	snop  }
0x90: {  	(tm) =	ssettm $0x1  }
0x91: {  	s17 =	sld [smem:$0x3FFB];
	_ =	sdelay $0x3  }
0x92: {  	_ =	strace s17  }
0x93: {  	s2 =	sld [smem:$0x3FFC];
	_ =	sdelay $0x3  }
0x94: {  	_ =	strace s2  }
0x95: {  	s2 =	sld [smem:$0x3FFD];
	_ =	sdelay $0x3  }
0x96: {  	_ =	strace s2  }
0x97: {  	_ =	strace $0x8FFFFFFF  }
0x98: {  	s18 =	sld [smem:$0x3FDB];
	_ =	sdelay $0x1  }
0x99: {  	s19 =	simm.s32 $_scs_section_size  }
0x9a: {  	s4 =	simm.s32 $_size__tile_overlayer_lowered;
	s5 =	simm.s32 $_tile_overlayer_lowered  }
0x9b: {  	s22 =	simm.s32 $0x1BFF;
	s21 =	sshll.u32 s5, $0x1;
	s2 =	sadd.s32 s19, s18  }
0x9c: {  	s6 =	simm.s32 $0x0;
	s20 =	sshll.u32 s4, $0x1;
	s4 =	sadd.s32 s21, s2  }
0x9d: {  	[timem:s6], [sflag:s22] =	dma.local [hbm:s4], s20  }
0x9e: {  	_ =	swait.ge [sflag:s22], s20  }
0x9f: {  	s3 =	ssub.s32 $0x0, s20;
	[sflag:s22] =	ssyncset.done $0x0  }
0xa0: {  	[sflag:s22] =	ssyncadd.s32 s3;
	_ =	sdelay $0x1  }
0xa1: {  	s23 =	simm.s32 $0x1B8B  }
0xa2: {  	_ =	swait.ge [sflag:s23], $0x1  }
0xa3: {  	[sflag:s23] =	ssyncset.done $0x0  }
0xa4: {  	s25 =	simm.s32 $0x1B8E;
	s24 =	sld [smem:$0x3FFE];
	[sflag:s23] =	ssyncadd.s32 $0xFFFFFFFF  }
0xa5: {  	s26 =	simm.s32 $execute0_lowered;
	[smem:$0x3FD2] =	sst s25  }
0xa6: {  	s4 =	sshll.u32 s26, $0x1;
	_ =	strace $0x80000046;
	[dreg:$0x1] =	wrdreg $0xFFFFFFFF  }
0xa7: {  	s28 =	simm.s32 $_size_execute0_lowered;
	s2 =	sadd.s32 s2, s4;
	[dreg:$0x0] =	wrdreg $0x0  }
0xa8: {  	s4 =	sshll.u32 s28, $0x1;
	[dreg:$0x2] =	wrdreg s2  }
0xa9: {  	[dreg:$0x3] =	wrdreg s4  }
0xaa: {  	[dreg:$0x4] =	wrdreg $0xC0  }
0xab: {  	_ =	task [dreg:s6], $0x5FFFF  }
0xac: {  	[dreg:$0x1] =	wrdreg $0xFFFFFFFF  }
0xad: {  	[dreg:$0x0] =	wrdreg $0x60  }
0xae: {  	[dreg:$0x2] =	wrdreg s24  }
0xaf: {  	[dreg:$0x3] =	wrdreg $0x9  }
0xb0: {  	_ =	task.clear_ibuf [dreg:s6], $0x4FFFF;
	_ =	strace $0x90000046  }
0xb1: {  	s29 =	simm.s32 $0x9;
	_ =	strace $0x80000048  }
0xb2: {  	_ =	swait.ge [sflag:s29], $0x1  }
0xb3: {  	[sflag:s29] =	ssyncadd.s32 $0xFFFFFFFF  }
0xb4: {  	_ =	strace $0x90000048  }
0xb5: {  	_ =	sfence  }
0xb6: {  	s30 =	sld [smem:$0x0];
	_ =	sdelay $0x2  }
0xb7: {  	s31 =	sshll.u32 s1, $0xD;
	s1 =	sshrl.u32 s1, $0x2  }
0xb8: {  	s3 =	sand.u32 $0x4000, s31;
	s1 =	sadd.s32 s1, s30  }
0xb9: {  	s0 =	sor.u32 s3, s0;
	s1 =	sshll.u32 s1, $0x11  }
0xba: {  	s0 =	sor.u32 s1, s0  }
0xbb: {  	s0 =	sadd.s32 $0x8F2B, s0  }
0xbc: {  	[sflag:s0] =	ssyncadd.remote.s32 $0x1  }
0xbd: {  	_ =	sfence.sel $0xFFFF  }
0xbe: {  	[dreg:$0x0] =	wrdreg $0xFFFFFFFF;
	(pc) =	sbr.abs _section_cstart, $3  }
0xbf: {  	[dreg:$0x1] =	wrdreg $0xFFFFFFFF  }
0xc0: {  	_ =	task.clear_ibuf [dreg:s6], $0x2FFFF;
	_ =	strace $0x9FFFFFFF  }
0xc1: {  	(tm) =	ssettm $0x7FFFFFFF  }
tec
execute0_lowered:
.L_overlay_start_1:
0x0: {  	(tag) =	ssettag $0x1  }
0x1: {  	s3 =	rddreg [dreg:$0x0]  }
0x2: {  	s0 =	rddreg [dreg:$0x1]  }
0x3: {  	s1 =	simm.s32 $0x0;
	s4 =	srdreg.scid;
	s2 =	stileid.u32  }
0x4: {  	s28 =	simm.s32 $0x0;
	[smem:$0x7FF] =	sst s1;
	s15 =	sadd.s32 $0x3000, s3  }
0x5: {  	s16 =	sadd.s32 $0x31000, s3;
	s4 =	sand.u32 $0x1, s4;
	s17 =	sadd.s32 $0x2BA00, s3  }
0x6: {  	s8 =	sshrl.u32 s2, $0x2;
	s7 =	sshll.u32 s2, $0x8;
	s18 =	sadd.s32 $0x36600, s3  }
0x7: {  	p0 =	sgt.u32 s2, $0x1;
	_ =	strace $0x80000047;
	s9 =	smul.u32 $0x19000, s8  }
0x8: {  	s5 =	ssub.s32 $0x2, s4;
	s10 =	smul.u32 $0x3400, s8;
	s31 =	sor.u32 $0x4, s8  }
0x9: {  	s4 =	sshll.u32 s4, $0x7;
	s7 =	sand.u32 $0x300, s7;
	s20 =	smul.u32 $0x19000, s31  }
0xa: {  	s21 =	sshll.u32 s8, $0xA;
	s12 =	sor.u32 $0x8, s8;
	s11 =	smul.u32 $0x3400, s31  }
0xb: {  	s6 =	sshrl.u32 s5, $0x1;
	s14 =	sor.u32 s4, s7;
	s24 =	smul.u32 $0x19000, s12  }
0xc: {  	s19 =	ssub.s32 s5, s6;
	s30 =	sor.u32 s9, s14;
	s4 =	sor.u32 s10, s14  }
0xd: {  	s7 =	sor.u32 s21, s14;
	s9 =	sshll.u32 s31, $0xA;
	s21 =	sshrl.u32 s14, $0x3  }
0xe: {  	s3 =	sshrl.u32 s30, $0x3;
	s13 =	sshrl.u32 s4, $0x3;
	s6 =	sor.u32 s14, s20  }
0xf: {  	s7 =	sshrl.u32 s7, $0x3;
	s23 =	sor.u32 s14, s11;
	s20 =	smul.u32 $0x3400, s12  }
0x10: {  	s11 =	sor.u32 s14, s24;
	s30 =	sshll.u32 s12, $0xA;
	s31 =	sor.u32 $0x4E00, s21  }
0x11: {  	s19 =	smax.u32 s19, $0x1;
	s24 =	simm.s32 $0x3880;
	s3 =	sadd.s32 s15, s3  }
0x12: {  	v0 =	vimm.f32 $1.000000000e+02;
	s4 =	sadd.s32 s16, s13;
	s5 =	sadd.s32 s17, s13;
	s22 =	sshrl.u32 s6, $0x3  }
0x13: {  	(erf) = vrcp.f32 v0;
	s6 =	sadd.s32 s18, s7;
	s25 =	sshrl.u32 s23, $0x3;
	s13 =	sor.u32 s14, s9  }
0x14: {  	s11 =	sshrl.u32 s11, $0x3;
	s23 =	simm.s32 $0x3200;
	s7 =	sadd.s32 s15, s22  }
0x15: {  	v1 =	vimm.f32 $-Inf;
	vm0 =	vcmask $0x1F00;
	s8 =	sadd.s32 s16, s25;
	s9 =	sadd.s32 s17, s25;
	s26 =	sshrl.u32 s13, $0x3  }
0x16: {  	v2 =	vimm.s32 $0xFEDCBA98;
	v4 =	vimm.s32 $0x76543210;
	vm1 =	vcmask $0x320;
	s29 =	sor.u32 s14, s20;
	s11 =	sadd.s32 s15, s11;
	s20 =	sor.u32 s14, s30  }
0x17: {  	vm2 =	vcmask $0x720;
	vm3 =	vcmask $0xB20;
	v5 =	vunpack.c.l.s4.s8 v2;
	s15 =	sadd.s32 s21, s15;
	s22 =	simm.s32 $0x1;
	s25 =	simm.s32 $0x3F00  }
.Ltmp0:
0x18: {  	vm4 =	vcmask $0xF20;
	vm5 =	vcmask $0x1320;
	v4 =	vunpack.c.l.s4.s8 v4;
	s10 =	sadd.s32 s18, s26;
	s13 =	sshrl.u32 s29, $0x3;
	(pc) =	sbr.rel .LBB2_1-.Ltmp0, $4  }
0x19: {  	vm6 =	vcmask $0x1720;
	vm7 =	vcmask $0x1B20;
	v5 =	vunpack.c.0.s8.s32 v5;
	s20 =	sshrl.u32 s20, $0x3;
	s15 =	sadd.s32 $0x25800, s15;
	s26 =	simm.s32 $0x4580  }
0x1a: {  	v1 =	vsel vm0, $0x7F800000, v1;
	v0 =	vlaneseq.u32;
	v6 =	vunpack.c.0.s8.s32 v4;
	s12 =	sadd.s32 s16, s13;
	s13 =	sadd.s32 s17, s13;
	s14 =	sadd.s32 s18, s20  }
0x1b: {  	vm0 =	vmmov $0xff;
	v3 =	vand.u32 $0x7, v0;
	v5 =	vand.u32 $0xF, v5;
	s16 =	sadd.s32 s16, s31;
	s18 =	sadd.s32 s21, s18;
	s17 =	sadd.s32 s17, s31  }
0x1c: {  	v2 =	vmul.u32 $0x640, v3;
	v3 =	vimm.f32 $0.0e+00;
	v5 =	vcombine.low v5, v6;
	s20 =	simm.s32 $0x80;
	s21 =	simm.s32 $0x400;
	s18 =	sadd.s32 $0x600, s18;
	v4 =	vpop (erf)  }
.LBB2_34:
0x1d: {  	_ =	sdelay $0x3  }
0x1e: {  	v11 =	vld.idx.msk [tilespmem:v38+s25+$0x0], $0xffff  }
0x1f: {  	v35 =	vld.idx.msk [tilespmem:v35+s25+$0x0], $0xffff  }
0x20: {  	v34 =	vld.idx.msk [tilespmem:v34+s25+$0x0], $0xffff  }
0x21: {  	v54 =	vld.idx.msk [tilespmem:v42+s23+$0x0], $0xffff  }
0x22: {  	v7 =	vadd.s32 s30, v7;
	v44 =	vld.idx.msk [tilespmem:v42+s24+$0x0], $0xffff  }
0x23: {  	v8 =	vadd.s32 s30, v8;
	v28 =	vld.idx.msk [tilespmem:v28+s25+$0x0], $0xffff  }
0x24: {  	v9 =	vadd.s32 s30, v9;
	v29 =	vld.idx.msk [tilespmem:v29+s25+$0x0], $0xffff  }
0x25: {  	v10 =	vadd.s32 s30, v10;
	v42 =	vld.idx.msk [tilespmem:v42+s1+$0x0], $0xffff  }
0x26: {  	v33 =	vld.idx.msk [tilespmem:v33+s1+$0x0], $0xffff;
	v12 =	vadd.s32 s30, v12  }
0x27: {  	v45 =	vsel vm10, $0x3F800000, v3;
	v6 =	vadd.s32 s30, v6;
	v7 =	vld.idx.msk [tilespmem:v7+s1+$0x0], $0xffff  }
0x28: {  	vm15 =	vgt.f32 v32, v43;
	vm12 =	vgt.f32 v31, v41;
	v32 =	vshll.u32 v54, $0x4;
	v8 =	vld.idx.msk [tilespmem:v8+s1+$0x0], $0xffff  }
0x29: {  	vm13 =	vgt.f32 v31, v39;
	vm14 =	vgt.f32 v27, v37;
	v9 =	vld.idx.msk [tilespmem:v9+s1+$0x0], $0xffff;
	v38 =	vor.u32 $0x7, v32  }
0x2a: {  	vm9 =	vmand vm9, vm15;
	v41 =	vshll.u32 v44, $0x4;
	v10 =	vld.idx.msk [tilespmem:v10+s1+$0x0], $0xffff;
	v55 =	vor.u32 $0x1, v32  }
0x2b: {  	v56 =	vsel vm9, $0x3F800000, v3;
	vm9 =	vmand vm12, vm13;
	v12 =	vld.idx.msk [tilespmem:v12+s1+$0x0], $0xffff;
	v57 =	vor.u32 $0x1, v41  }
0x2c: {  	vm11 =	vgt.f32 v27, v40;
	v60 =	vsel vm9, $0x3F800000, v3;
	v6 =	vld.idx.msk [tilespmem:v6+s1+$0x0], $0xffff;
	v58 =	vor.u32 $0x2, v32  }
0x2d: {  	vm15 =	vmand vm14, vm11;
	v26 =	vmax.f32 v26, v60;
	v59 =	vor.u32 $0x2, v41;
	v60 =	vld.idx.msk [tilespmem:v32+s25+$0x0], $0xffff  }
0x2e: {  	v19 =	vmax.f32 v19, v45;
	v62 =	vsel vm15, $0x3F800000, v3;
	v61 =	vor.u32 $0x3, v32;
	v38 =	vld.idx.msk [tilespmem:v38+s25+$0x0], $0xffff  }
0x2f: {  	vm12 =	vgt.f32 v23, v36;
	v30 =	vmax.f32 v30, v56;
	v63 =	vor.u32 $0x3, v41;
	v43 =	vld.idx.msk [tilespmem:v55+s25+$0x0], $0xffff  }
0x30: {  	vm13 =	vgt.f32 v23, v11;
	v11 =	vmax.f32 v24, v62;
	vm14 =	vgt.f32 v25, v35;
	v48 =	vld.idx.msk [tilespmem:v57+s25+$0x0], $0xffff  }
0x31: {  	vm15 =	vgt.f32 v25, v34;
	vm9 =	vmand vm12, vm13;
	v51 =	vor.u32 $0x4, v32;
	v49 =	vld.idx.msk [tilespmem:v58+s25+$0x0], $0xffff  }
0x32: {  	vm12 =	vmand vm14, vm15;
	v52 =	vor.u32 $0x7, v41;
	v54 =	vor.u32 $0x5, v32;
	v27 =	vld.idx.msk [tilespmem:v59+s25+$0x0], $0xffff  }
0x33: {  	v56 =	vor.u32 $0x5, v41;
	vm13 =	vgt.f32 v18, v28;
	vm14 =	vgt.f32 v18, v29;
	v55 =	vld.idx.msk [tilespmem:v61+s25+$0x0], $0xffff  }
0x34: {  	v53 =	vor.u32 $0x4, v41;
	v50 =	vsel vm9, $0x3F800000, v3;
	vm15 =	vmand vm13, vm14;
	v44 =	vld.idx.msk [tilespmem:v63+s25+$0x0], $0xffff  }
0x35: {  	v21 =	vmax.f32 v21, v50;
	v62 =	vsel vm15, $0x3F800000, v3;
	v59 =	vsel vm12, $0x3F800000, v3;
	v61 =	vld.idx.msk [tilespmem:v41+s25+$0x0], $0xffff  }
0x36: {  	v57 =	vor.u32 $0x6, v32;
	v58 =	vor.u32 $0x6, v41;
	v63 =	vld.idx.msk [tilespmem:v51+s25+$0x0], $0xffff;
	v18 =	vmax.f32 v22, v59  }
0x37: {  	v35 =	vld.idx.msk [tilespmem:v54+s25+$0x0], $0xffff;
	vm12 =	vgt.f32 v33, v43;
	vm13 =	vgt.f32 v33, v48;
	vm14 =	vgt.f32 v7, v49  }
0x38: {  	v39 =	vld.idx.msk [tilespmem:v56+s25+$0x0], $0xffff;
	vm15 =	vgt.f32 v7, v27;
	v7 =	vmax.f32 v20, v62;
	vm9 =	vmand vm12, vm13  }
0x39: {  	v33 =	vld.idx.msk [tilespmem:v53+s25+$0x0], $0xffff;
	vm12 =	vmand vm14, vm15;
	vm13 =	vgt.f32 v8, v55;
	vm14 =	vgt.f32 v8, v44  }
0x3a: {  	v47 =	vld.idx.msk [tilespmem:v52+s25+$0x0], $0xffff;
	vm15 =	vgt.f32 v42, v60;
	v36 =	vsel vm9, $0x3F800000, v3;
	v41 =	vsel vm12, $0x3F800000, v3  }
0x3b: {  	v43 =	vld.idx.msk [tilespmem:v57+s25+$0x0], $0xffff;
	vm9 =	vmand vm13, vm14;
	vm12 =	vgt.f32 v42, v61;
	vm13 =	vgt.f32 v9, v63  }
0x3c: {  	v46 =	vld.idx.msk [tilespmem:v58+s25+$0x0], $0xffff;
	v44 =	vsel vm9, $0x3F800000, v3;
	vm9 =	vgt.f32 v6, v38;
	vm10 =	vmand vm15, vm12  }
0x3d: {  	v49 =	vmax.f32 v19, v36;
	vm15 =	vgt.f32 v10, v35;
	v48 =	vsel vm10, $0x3F800000, v3  }
0x3e: {  	vm12 =	vgt.f32 v10, v39;
	vm14 =	vgt.f32 v9, v33;
	v7 =	vmax.f32 v7, v48  }
0x3f: {  	v51 =	vmax.f32 v26, v44;
	vm10 =	vmand vm13, vm14;
	(xrf0) =	vmax.scan.msk.f32 $0xffff, v7;
	v7 =	vmax.f32 v30, v41  }
0x40: {  	vm13 =	vgt.f32 v12, v43;
	v50 =	vsel vm10, $0x3F800000, v3;
	vm10 =	vmand vm15, vm12;
	(xrf0) =	vmax.scan.msk.f32 $0xffff, v49  }
0x41: {  	vm14 =	vgt.f32 v12, v46;
	vm15 =	vgt.f32 v6, v47;
	v52 =	vsel vm10, $0x3F800000, v3;
	(xrf0) =	vmax.scan.msk.f32 $0xffff, v7  }
0x42: {  	vm10 =	vmand vm13, vm14;
	v6 =	vmax.f32 v11, v50;
	vm9 =	vmand vm9, vm15;
	(xrf0) =	vmax.scan.msk.f32 $0xffff, v51  }
0x43: {  	v7 =	vsel vm10, $0x3F800000, v3;
	v8 =	vmax.f32 v21, v52;
	(xrf0) =	vmax.scan.msk.f32 $0xffff, v6;
	v6 =	vsel vm9, $0x3F800000, v3  }
0x44: {  	v7 =	vmax.f32 v18, v7;
	(xrf0) =	vmax.scan.msk.f32 $0xffff, v8;
	v6 =	vmax.f32 v17, v6  }
0x45: {  	v53, _, _ =	vpop (xrf0);
	(xrf0) =	vmax.scan.msk.f32 $0xffff, v7  }
0x46: {  	v7 =	vbroadcast v53, $0xF;
	v54, _, _ =	vpop (xrf0);
	(xrf0) =	vmax.scan.msk.f32 $0xffff, v6  }
0x47: {  	v6, _, _ =	vpop (xrf0);
	v8 =	vbroadcast v54, $0xF  }
0x48: {  	v55, _, _ =	vpop (xrf0);
	v7 =	vnsel vm8, $0x0, v7;
	v6 =	vbroadcast v6, $0xF  }
0x49: {  	v56, _, _ =	vpop (xrf0);
	v7 =	vsel vm1, v7, v8;
	v57 =	vbroadcast v55, $0xF  }
0x4a: {  	v58, _, _ =	vpop (xrf0);
	v6 =	vsel vm2, v7, v6;
	v7 =	vbroadcast v56, $0xF  }
0x4b: {  	v59, _, _ =	vpop (xrf0);
	v6 =	vsel vm3, v6, v57;
	v60 =	vbroadcast v58, $0xF  }
0x4c: {  	v6 =	vsel vm4, v6, v7;
	v7 =	vbroadcast v59, $0xF;
	v61, _, _ =	vpop (xrf0)  }
0x4d: {  	v62 =	vmul.f32 v16, v4;
	v6 =	vsel vm5, v6, v60;
	v63 =	vbroadcast v61, $0xF  }
0x4e: {  	v6 =	vsel vm6, v6, v7  }
0x4f: {  	[tilespmem:v5+s26+$0x0] =	vst.idx.msk $0xffff, v62;
	v6 =	vsel vm7, v6, v63  }
0x50: {  	[tilespmem:v13+s26+$0x0] =	vst.idx.msk $0xffff, v6  }
0x51: {  	[tilespmem:v14+s26+$0x0] =	vst.idx.msk $0xffff, v3  }
0x52: {  	[tilespmem:v15+s26+$0x0] =	vst.idx.msk $0xffff, v3  }
0x53: {  	[hbm4b:s18+s1] =	stream.linear.scatter [tilespmem:s26], [sflag:$0x1], $0x80, $0x38;
	[tilespmem:$0x4600] =	vst v63  }
0x54: {  	_ =	swait.ge [sflag:s22], $0x80  }
0x55: {  	[sflag:s22] =	ssyncset.done $0x0  }
0x56: {  	[sflag:s22] =	ssyncadd.s32 $0xFFFFFF80  }
.LBB2_35:
0x57: {  	s28 =	sadd.s32 $0x1, s28  }
0x58: {  	p1 =	sne.s32 s28, s19  }
.Ltmp1:
0x59: {  	_ = 	snop;
	(pc) =	sbr.rel @!p1 .LBB2_36-.Ltmp1, $1  }
0x5a: {  	_ =	sdelay $0x3  }
.LBB2_1:
0x5b: {  	[tilespmem:s1], [sflag:$0x1] =	stream.strided.gather [hbm4b:s3+s20], $0x3200, s21, s20, $0x38;
	[tilespmem:$0x4600] =	vst v63  }
0x5c: {  	_ =	swait.ge [sflag:s22], $0x3200  }
0x5d: {  	[sflag:s22] =	ssyncset.done $0x0  }
0x5e: {  	[sflag:s22] =	ssyncadd.s32 $0xFFFFCE00  }
0x5f: {  	[tilespmem:s23], [sflag:$0x1] =	stream.strided.gather [hbm4b:s4+s20], $0x680, s21, s20, $0x38;
	[tilespmem:$0x4600] =	vst v63  }
0x60: {  	_ =	swait.ge [sflag:s22], $0x680  }
0x61: {  	[sflag:s22] =	ssyncset.done $0x0  }
0x62: {  	[sflag:s22] =	ssyncadd.s32 $0xFFFFF980  }
0x63: {  	[tilespmem:s24], [sflag:$0x1] =	stream.strided.gather [hbm4b:s5+s20], $0x680, s21, s20, $0x38;
	[tilespmem:$0x4600] =	vst v63  }
0x64: {  	_ =	swait.ge [sflag:s22], $0x680  }
0x65: {  	[sflag:s22] =	ssyncset.done $0x0  }
0x66: {  	s29 =	simm.s32 $0x0;
	[sflag:s22] =	ssyncadd.s32 $0xFFFFF980  }
.LBB2_2:
0x67: {  	v6 =	vor.u32 s29, v0;
	p1 =	sne.s32 s29, $0x630  }
.Ltmp2:
0x68: {  	_ = 	snop;
	(pc) =	sbr.rel @p1 .LBB2_2-.Ltmp2, $2  }
0x69: {  	_ =	sdelay $0x2  }
0x6a: {  	s29 =	sadd.s32 $0x10, s29;
	[tilespmem:v6+s25+$0x0] =	vst.idx.msk $0xffff, v1  }
0x6b: {  	s30 =	simm.s32 $0xF  }
.LBB2_4:
0x6c: {  	s29 =	sadd.s32 $0xFFFFFFF1, s30  }
0x6d: {  	v7 =	vor.u32 s29, v0;
	_ =	sdelay $0x4  }
0x6e: {  	v6 =	vld.idx.msk [tilespmem:v7+s23+$0x0], $0xffff;
	_ =	sdelay $0x4  }
0x6f: {  	v6 =	vshll.u32 v6, $0x4  }
0x70: {  	v8 =	vbroadcast v6, $0x0  }
0x71: {  	v9 =	vadd.s32 s29, v2  }
0x72: {  	v7 =	vld.idx.msk [tilespmem:v7+s24+$0x0], $0xffff;
	v8 =	vor.u32 v0, v8;
	_ =	sdelay $0x2  }
0x73: {  	s29 =	simm.s32 $0x0  }
0x74: {  	v9 =	vld.idx.msk [tilespmem:v9+s29+$0x0], $0xffff  }
0x75: {  	v7 =	vshll.u32 v7, $0x4;
	v10 =	vld.idx.msk [tilespmem:v8+s25+$0x0], $0xffff  }
0x76: {  	v11 =	vbroadcast v7, $0x0;
	_ =	sdelay $0x1  }
0x77: {  	v11 =	vor.u32 v0, v11;
	_ =	sdelay $0x1  }
0x78: {  	v12 =	vmin.f32 v10, v9;
	v10 =	vmax.f32 v10, v9  }
0x79: {  	v10 =	vsel vm0, v12, v10  }
0x7a: {  	[tilespmem:v8+s25+$0x0] =	vst.idx.msk $0xffff, v10  }
0x7b: {  	v8 =	vld.idx.msk [tilespmem:v11+s25+$0x0], $0xffff;
	_ =	sdelay $0x1  }
0x7c: {  	s31 =	sadd.s32 $0xFFFFFFF2, s30;
	v62 =	vbroadcast v6, $0x1  }
0x7d: {  	v12 =	vadd.s32 s31, v2  }
0x7e: {  	v10 =	vor.u32 v0, v62  }
0x7f: {  	v13 =	vmin.f32 v8, v9;
	v8 =	vmax.f32 v8, v9  }
0x80: {  	v8 =	vsel vm0, v13, v8  }
0x81: {  	[tilespmem:v11+s25+$0x0] =	vst.idx.msk $0xffff, v8  }
0x82: {  	v8 =	vld.idx.msk [tilespmem:v12+s29+$0x0], $0xffff  }
0x83: {  	v63 =	vld.idx.msk [tilespmem:v10+s25+$0x0], $0xffff  }
0x84: {  	v18 =	vbroadcast v7, $0x1;
	_ =	sdelay $0x1  }
0x85: {  	v11 =	vor.u32 v0, v18;
	_ =	sdelay $0x1  }
0x86: {  	v12 =	vmin.f32 v63, v8;
	v9 =	vmax.f32 v63, v8  }
0x87: {  	v9 =	vsel vm0, v12, v9  }
0x88: {  	[tilespmem:v10+s25+$0x0] =	vst.idx.msk $0xffff, v9  }
0x89: {  	v9 =	vld.idx.msk [tilespmem:v11+s25+$0x0], $0xffff;
	_ =	sdelay $0x1  }
0x8a: {  	v19 =	vbroadcast v6, $0x2;
	s31 =	sadd.s32 $0xFFFFFFF3, s30  }
0x8b: {  	v12 =	vadd.s32 s31, v2  }
0x8c: {  	v10 =	vor.u32 v0, v19  }
0x8d: {  	v13 =	vmin.f32 v9, v8;
	v8 =	vmax.f32 v9, v8  }
0x8e: {  	v8 =	vsel vm0, v13, v8  }
0x8f: {  	[tilespmem:v11+s25+$0x0] =	vst.idx.msk $0xffff, v8  }
0x90: {  	v8 =	vld.idx.msk [tilespmem:v12+s29+$0x0], $0xffff  }
0x91: {  	v20 =	vld.idx.msk [tilespmem:v10+s25+$0x0], $0xffff  }
0x92: {  	v21 =	vbroadcast v7, $0x2;
	_ =	sdelay $0x1  }
0x93: {  	v11 =	vor.u32 v0, v21;
	_ =	sdelay $0x1  }
0x94: {  	v12 =	vmin.f32 v20, v8;
	v9 =	vmax.f32 v20, v8  }
0x95: {  	v9 =	vsel vm0, v12, v9  }
0x96: {  	[tilespmem:v10+s25+$0x0] =	vst.idx.msk $0xffff, v9  }
0x97: {  	v9 =	vld.idx.msk [tilespmem:v11+s25+$0x0], $0xffff;
	_ =	sdelay $0x1  }
0x98: {  	v22 =	vbroadcast v6, $0x3;
	s31 =	sadd.s32 $0xFFFFFFF4, s30  }
0x99: {  	v12 =	vadd.s32 s31, v2  }
0x9a: {  	v10 =	vor.u32 v0, v22  }
0x9b: {  	v13 =	vmin.f32 v9, v8;
	v8 =	vmax.f32 v9, v8  }
0x9c: {  	v8 =	vsel vm0, v13, v8  }
0x9d: {  	[tilespmem:v11+s25+$0x0] =	vst.idx.msk $0xffff, v8  }
0x9e: {  	v8 =	vld.idx.msk [tilespmem:v12+s29+$0x0], $0xffff  }
0x9f: {  	v23 =	vld.idx.msk [tilespmem:v10+s25+$0x0], $0xffff  }
0xa0: {  	v24 =	vbroadcast v7, $0x3;
	_ =	sdelay $0x1  }
0xa1: {  	v11 =	vor.u32 v0, v24;
	_ =	sdelay $0x1  }
0xa2: {  	v12 =	vmin.f32 v23, v8;
	v9 =	vmax.f32 v23, v8  }
0xa3: {  	v9 =	vsel vm0, v12, v9  }
0xa4: {  	[tilespmem:v10+s25+$0x0] =	vst.idx.msk $0xffff, v9  }
0xa5: {  	v9 =	vld.idx.msk [tilespmem:v11+s25+$0x0], $0xffff;
	_ =	sdelay $0x1  }
0xa6: {  	v25 =	vbroadcast v6, $0x4;
	s31 =	sadd.s32 $0xFFFFFFF5, s30  }
0xa7: {  	v12 =	vadd.s32 s31, v2  }
0xa8: {  	v10 =	vor.u32 v0, v25  }
0xa9: {  	v13 =	vmin.f32 v9, v8;
	v8 =	vmax.f32 v9, v8  }
0xaa: {  	v8 =	vsel vm0, v13, v8  }
0xab: {  	[tilespmem:v11+s25+$0x0] =	vst.idx.msk $0xffff, v8  }
0xac: {  	v8 =	vld.idx.msk [tilespmem:v12+s29+$0x0], $0xffff  }
0xad: {  	v26 =	vld.idx.msk [tilespmem:v10+s25+$0x0], $0xffff  }
0xae: {  	v27 =	vbroadcast v7, $0x4;
	_ =	sdelay $0x1  }
0xaf: {  	v11 =	vor.u32 v0, v27;
	_ =	sdelay $0x1  }
0xb0: {  	v12 =	vmin.f32 v26, v8;
	v9 =	vmax.f32 v26, v8  }
0xb1: {  	v9 =	vsel vm0, v12, v9  }
0xb2: {  	[tilespmem:v10+s25+$0x0] =	vst.idx.msk $0xffff, v9  }
0xb3: {  	v9 =	vld.idx.msk [tilespmem:v11+s25+$0x0], $0xffff;
	_ =	sdelay $0x1  }
0xb4: {  	v28 =	vbroadcast v6, $0x5;
	s31 =	sadd.s32 $0xFFFFFFF6, s30  }
0xb5: {  	v12 =	vadd.s32 s31, v2  }
0xb6: {  	v10 =	vor.u32 v0, v28  }
0xb7: {  	v13 =	vmin.f32 v9, v8;
	v8 =	vmax.f32 v9, v8  }
0xb8: {  	v8 =	vsel vm0, v13, v8  }
0xb9: {  	[tilespmem:v11+s25+$0x0] =	vst.idx.msk $0xffff, v8  }
0xba: {  	v8 =	vld.idx.msk [tilespmem:v12+s29+$0x0], $0xffff  }
0xbb: {  	v29 =	vld.idx.msk [tilespmem:v10+s25+$0x0], $0xffff  }
0xbc: {  	v30 =	vbroadcast v7, $0x5;
	_ =	sdelay $0x1  }
0xbd: {  	v11 =	vor.u32 v0, v30;
	_ =	sdelay $0x1  }
0xbe: {  	v12 =	vmin.f32 v29, v8;
	v9 =	vmax.f32 v29, v8  }
0xbf: {  	v9 =	vsel vm0, v12, v9  }
0xc0: {  	[tilespmem:v10+s25+$0x0] =	vst.idx.msk $0xffff, v9  }
0xc1: {  	v9 =	vld.idx.msk [tilespmem:v11+s25+$0x0], $0xffff;
	_ =	sdelay $0x1  }
0xc2: {  	v31 =	vbroadcast v6, $0x6;
	s31 =	sadd.s32 $0xFFFFFFF7, s30  }
0xc3: {  	v12 =	vadd.s32 s31, v2  }
0xc4: {  	v10 =	vor.u32 v0, v31  }
0xc5: {  	v13 =	vmin.f32 v9, v8;
	v8 =	vmax.f32 v9, v8  }
0xc6: {  	v8 =	vsel vm0, v13, v8  }
0xc7: {  	[tilespmem:v11+s25+$0x0] =	vst.idx.msk $0xffff, v8  }
0xc8: {  	v8 =	vld.idx.msk [tilespmem:v12+s29+$0x0], $0xffff  }
0xc9: {  	v32 =	vld.idx.msk [tilespmem:v10+s25+$0x0], $0xffff  }
0xca: {  	v33 =	vbroadcast v7, $0x6;
	_ =	sdelay $0x1  }
0xcb: {  	v11 =	vor.u32 v0, v33;
	_ =	sdelay $0x1  }
0xcc: {  	v12 =	vmin.f32 v32, v8;
	v9 =	vmax.f32 v32, v8  }
0xcd: {  	v9 =	vsel vm0, v12, v9  }
0xce: {  	[tilespmem:v10+s25+$0x0] =	vst.idx.msk $0xffff, v9  }
0xcf: {  	v9 =	vld.idx.msk [tilespmem:v11+s25+$0x0], $0xffff;
	_ =	sdelay $0x1  }
0xd0: {  	v34 =	vbroadcast v6, $0x7;
	s31 =	sadd.s32 $0xFFFFFFF8, s30  }
0xd1: {  	v12 =	vadd.s32 s31, v2  }
0xd2: {  	v10 =	vor.u32 v0, v34  }
0xd3: {  	v13 =	vmin.f32 v9, v8;
	v8 =	vmax.f32 v9, v8  }
0xd4: {  	v8 =	vsel vm0, v13, v8  }
0xd5: {  	[tilespmem:v11+s25+$0x0] =	vst.idx.msk $0xffff, v8  }
0xd6: {  	v8 =	vld.idx.msk [tilespmem:v12+s29+$0x0], $0xffff  }
0xd7: {  	v35 =	vld.idx.msk [tilespmem:v10+s25+$0x0], $0xffff  }
0xd8: {  	v36 =	vbroadcast v7, $0x7;
	_ =	sdelay $0x1  }
0xd9: {  	v11 =	vor.u32 v0, v36;
	_ =	sdelay $0x1  }
0xda: {  	v12 =	vmin.f32 v35, v8;
	v9 =	vmax.f32 v35, v8  }
0xdb: {  	v9 =	vsel vm0, v12, v9  }
0xdc: {  	[tilespmem:v10+s25+$0x0] =	vst.idx.msk $0xffff, v9  }
0xdd: {  	v9 =	vld.idx.msk [tilespmem:v11+s25+$0x0], $0xffff;
	_ =	sdelay $0x1  }
0xde: {  	v37 =	vbroadcast v6, $0x8;
	s31 =	sadd.s32 $0xFFFFFFF9, s30  }
0xdf: {  	v12 =	vadd.s32 s31, v2  }
0xe0: {  	v10 =	vor.u32 v0, v37  }
0xe1: {  	v13 =	vmin.f32 v9, v8;
	v8 =	vmax.f32 v9, v8  }
0xe2: {  	v8 =	vsel vm0, v13, v8  }
0xe3: {  	[tilespmem:v11+s25+$0x0] =	vst.idx.msk $0xffff, v8  }
0xe4: {  	v8 =	vld.idx.msk [tilespmem:v12+s29+$0x0], $0xffff  }
0xe5: {  	v38 =	vld.idx.msk [tilespmem:v10+s25+$0x0], $0xffff  }
0xe6: {  	v39 =	vbroadcast v7, $0x8;
	_ =	sdelay $0x1  }
0xe7: {  	v11 =	vor.u32 v0, v39;
	_ =	sdelay $0x1  }
0xe8: {  	v12 =	vmin.f32 v38, v8;
	v9 =	vmax.f32 v38, v8  }
0xe9: {  	v9 =	vsel vm0, v12, v9  }
0xea: {  	[tilespmem:v10+s25+$0x0] =	vst.idx.msk $0xffff, v9  }
0xeb: {  	v9 =	vld.idx.msk [tilespmem:v11+s25+$0x0], $0xffff;
	_ =	sdelay $0x1  }
0xec: {  	v40 =	vbroadcast v6, $0x9;
	s31 =	sadd.s32 $0xFFFFFFFA, s30  }
0xed: {  	v12 =	vadd.s32 s31, v2  }
0xee: {  	v10 =	vor.u32 v0, v40  }
0xef: {  	v13 =	vmin.f32 v9, v8;
	v8 =	vmax.f32 v9, v8  }
0xf0: {  	v8 =	vsel vm0, v13, v8  }
0xf1: {  	[tilespmem:v11+s25+$0x0] =	vst.idx.msk $0xffff, v8  }
0xf2: {  	v8 =	vld.idx.msk [tilespmem:v12+s29+$0x0], $0xffff  }
0xf3: {  	v41 =	vld.idx.msk [tilespmem:v10+s25+$0x0], $0xffff  }
0xf4: {  	v42 =	vbroadcast v7, $0x9;
	_ =	sdelay $0x1  }
0xf5: {  	v11 =	vor.u32 v0, v42;
	_ =	sdelay $0x1  }
0xf6: {  	v12 =	vmin.f32 v41, v8;
	v9 =	vmax.f32 v41, v8  }
0xf7: {  	v9 =	vsel vm0, v12, v9  }
0xf8: {  	[tilespmem:v10+s25+$0x0] =	vst.idx.msk $0xffff, v9  }
0xf9: {  	v9 =	vld.idx.msk [tilespmem:v11+s25+$0x0], $0xffff;
	_ =	sdelay $0x1  }
0xfa: {  	v43 =	vbroadcast v6, $0xA;
	s31 =	sadd.s32 $0xFFFFFFFB, s30  }
0xfb: {  	v12 =	vadd.s32 s31, v2  }
0xfc: {  	v10 =	vor.u32 v0, v43  }
0xfd: {  	v13 =	vmin.f32 v9, v8;
	v8 =	vmax.f32 v9, v8  }
0xfe: {  	v8 =	vsel vm0, v13, v8  }
0xff: {  	[tilespmem:v11+s25+$0x0] =	vst.idx.msk $0xffff, v8  }
0x100: {  	v8 =	vld.idx.msk [tilespmem:v12+s29+$0x0], $0xffff  }
0x101: {  	v44 =	vld.idx.msk [tilespmem:v10+s25+$0x0], $0xffff  }
0x102: {  	v45 =	vbroadcast v7, $0xA;
	_ =	sdelay $0x1  }
0x103: {  	v11 =	vor.u32 v0, v45;
	_ =	sdelay $0x1  }
0x104: {  	v12 =	vmin.f32 v44, v8;
	v9 =	vmax.f32 v44, v8  }
0x105: {  	v9 =	vsel vm0, v12, v9  }
0x106: {  	[tilespmem:v10+s25+$0x0] =	vst.idx.msk $0xffff, v9  }
0x107: {  	v9 =	vld.idx.msk [tilespmem:v11+s25+$0x0], $0xffff;
	_ =	sdelay $0x1  }
0x108: {  	v46 =	vbroadcast v6, $0xB;
	s31 =	sadd.s32 $0xFFFFFFFC, s30  }
0x109: {  	v12 =	vadd.s32 s31, v2  }
0x10a: {  	v10 =	vor.u32 v0, v46  }
0x10b: {  	v13 =	vmin.f32 v9, v8;
	v8 =	vmax.f32 v9, v8  }
0x10c: {  	v8 =	vsel vm0, v13, v8  }
0x10d: {  	[tilespmem:v11+s25+$0x0] =	vst.idx.msk $0xffff, v8  }
0x10e: {  	v8 =	vld.idx.msk [tilespmem:v12+s29+$0x0], $0xffff  }
0x10f: {  	v47 =	vld.idx.msk [tilespmem:v10+s25+$0x0], $0xffff  }
0x110: {  	v48 =	vbroadcast v7, $0xB;
	_ =	sdelay $0x1  }
0x111: {  	v11 =	vor.u32 v0, v48;
	_ =	sdelay $0x1  }
0x112: {  	v12 =	vmin.f32 v47, v8;
	v9 =	vmax.f32 v47, v8  }
0x113: {  	v9 =	vsel vm0, v12, v9  }
0x114: {  	[tilespmem:v10+s25+$0x0] =	vst.idx.msk $0xffff, v9  }
0x115: {  	v9 =	vld.idx.msk [tilespmem:v11+s25+$0x0], $0xffff;
	_ =	sdelay $0x1  }
0x116: {  	v49 =	vbroadcast v6, $0xC;
	s31 =	sadd.s32 $0xFFFFFFFD, s30  }
0x117: {  	v12 =	vadd.s32 s31, v2  }
0x118: {  	v10 =	vor.u32 v0, v49  }
0x119: {  	v13 =	vmin.f32 v9, v8;
	v8 =	vmax.f32 v9, v8  }
0x11a: {  	v8 =	vsel vm0, v13, v8  }
0x11b: {  	[tilespmem:v11+s25+$0x0] =	vst.idx.msk $0xffff, v8  }
0x11c: {  	v8 =	vld.idx.msk [tilespmem:v12+s29+$0x0], $0xffff  }
0x11d: {  	v50 =	vld.idx.msk [tilespmem:v10+s25+$0x0], $0xffff  }
0x11e: {  	v51 =	vbroadcast v7, $0xC;
	_ =	sdelay $0x1  }
0x11f: {  	v11 =	vor.u32 v0, v51;
	_ =	sdelay $0x1  }
0x120: {  	v12 =	vmin.f32 v50, v8;
	v9 =	vmax.f32 v50, v8  }
0x121: {  	v9 =	vsel vm0, v12, v9  }
0x122: {  	[tilespmem:v10+s25+$0x0] =	vst.idx.msk $0xffff, v9  }
0x123: {  	v9 =	vld.idx.msk [tilespmem:v11+s25+$0x0], $0xffff;
	_ =	sdelay $0x1  }
0x124: {  	v52 =	vbroadcast v6, $0xD;
	s31 =	sadd.s32 $0xFFFFFFFE, s30  }
0x125: {  	v12 =	vadd.s32 s31, v2  }
0x126: {  	v10 =	vor.u32 v0, v52  }
0x127: {  	v13 =	vmin.f32 v9, v8;
	v8 =	vmax.f32 v9, v8  }
0x128: {  	v8 =	vsel vm0, v13, v8  }
0x129: {  	[tilespmem:v11+s25+$0x0] =	vst.idx.msk $0xffff, v8  }
0x12a: {  	v8 =	vld.idx.msk [tilespmem:v12+s29+$0x0], $0xffff  }
0x12b: {  	v53 =	vld.idx.msk [tilespmem:v10+s25+$0x0], $0xffff  }
0x12c: {  	v54 =	vbroadcast v7, $0xD;
	_ =	sdelay $0x1  }
0x12d: {  	v11 =	vor.u32 v0, v54;
	_ =	sdelay $0x1  }
0x12e: {  	v12 =	vmin.f32 v53, v8;
	v9 =	vmax.f32 v53, v8  }
0x12f: {  	v9 =	vsel vm0, v12, v9  }
0x130: {  	[tilespmem:v10+s25+$0x0] =	vst.idx.msk $0xffff, v9  }
0x131: {  	v9 =	vld.idx.msk [tilespmem:v11+s25+$0x0], $0xffff;
	_ =	sdelay $0x1  }
0x132: {  	v55 =	vbroadcast v6, $0xE;
	s31 =	sadd.s32 $0xFFFFFFFF, s30  }
0x133: {  	v12 =	vadd.s32 s31, v2  }
0x134: {  	v10 =	vor.u32 v0, v55  }
0x135: {  	(v2sf) =	vpush v6, $0xF;
	v13 =	vmin.f32 v9, v8;
	v8 =	vmax.f32 v9, v8  }
0x136: {  	v6 =	vsel vm0, v13, v8  }
0x137: {  	[tilespmem:v11+s25+$0x0] =	vst.idx.msk $0xffff, v6  }
0x138: {  	v6 =	vld.idx.msk [tilespmem:v12+s29+$0x0], $0xffff  }
0x139: {  	v56 =	vld.idx.msk [tilespmem:v10+s25+$0x0], $0xffff  }
0x13a: {  	v57 =	vbroadcast v7, $0xE;
	_ =	sdelay $0x1  }
0x13b: {  	v9 =	vor.u32 v0, v57  }
0x13c: {  	(v2sf) =	vpush v7, $0xF  }
0x13d: {  	v7 =	vmin.f32 v56, v6;
	v8 =	vmax.f32 v56, v6  }
0x13e: {  	v7 =	vsel vm0, v7, v8  }
0x13f: {  	[tilespmem:v10+s25+$0x0] =	vst.idx.msk $0xffff, v7  }
0x140: {  	v7 =	vld.idx.msk [tilespmem:v9+s25+$0x0], $0xffff;
	_ =	sdelay $0x2  }
0x141: {  	v58 =	vadd.s32 s30, v2;
	s31 =	spop (v2sf)  }
0x142: {  	v59 =	vor.u32 s31, v0  }
0x143: {  	v60 =	vmin.f32 v7, v6;
	v6 =	vmax.f32 v7, v6  }
0x144: {  	v6 =	vsel vm0, v60, v6  }
0x145: {  	[tilespmem:v9+s25+$0x0] =	vst.idx.msk $0xffff, v6  }
0x146: {  	v6 =	vld.idx.msk [tilespmem:v58+s29+$0x0], $0xffff  }
0x147: {  	v7 =	vld.idx.msk [tilespmem:v59+s25+$0x0], $0xffff;
	_ =	sdelay $0x1  }
0x148: {  	s31 =	spop (v2sf)  }
0x149: {  	v61 =	vor.u32 s31, v0;
	_ =	sdelay $0x1  }
0x14a: {  	v62 =	vmin.f32 v7, v6;
	v7 =	vmax.f32 v7, v6  }
0x14b: {  	v7 =	vsel vm0, v62, v7  }
0x14c: {  	[tilespmem:v59+s25+$0x0] =	vst.idx.msk $0xffff, v7  }
0x14d: {  	v7 =	vld.idx.msk [tilespmem:v61+s25+$0x0], $0xffff;
	_ =	sdelay $0x1  }
0x14e: {  	p1 =	sne.s32 s30, $0x63F  }
.Ltmp3:
0x14f: {  	_ = 	snop;
	(pc) =	sbr.rel @p1 .LBB2_4-.Ltmp3, $4  }
0x150: {  	_ = 	snop  }
0x151: {  	v63 =	vmin.f32 v7, v6;
	v6 =	vmax.f32 v7, v6  }
0x152: {  	v6 =	vsel vm0, v63, v6  }
0x153: {  	v15 =	vimm.f32 $0.0e+00;
	s30 =	sadd.s32 $0x10, s30;
	[tilespmem:v61+s25+$0x0] =	vst.idx.msk $0xffff, v6  }
0x154: {  	v6 =	vor.u32 s29, v0;
	_ =	sdelay $0x4  }
0x155: {  	v9 =	vld.idx.msk [tilespmem:v6+s25+$0x0], $0xffff;
	_ =	sdelay $0x1  }
0x156: {  	s30 =	simm.s32 $0x10;
	v8 =	vmov v6  }
0x157: {  	s31 =	simm.s32 $0x20;
	v13 =	vimm.f32 $0.0e+00;
	v7 =	vor.u32 s30, v0  }
.LBB2_6:
0x158: {  	p1 =	sne.s32 s31, $0x630  }
0x159: {  	vm8 =	vclass.f32 v9, $0xFC  }
0x15a: {  	v9 =	vnsel vm8, $0x3F800000, v9  }
0x15b: {  	v13 =	vadd.f32 v9, v13;
	[tilespmem:v8+s25+$0x0] =	vst.idx.msk $0xffff, v9;
	v8 =	vmov v7  }
.Ltmp4:
0x15c: {  	v9 =	vld.idx.msk [tilespmem:v7+s25+$0x0], $0xffff;
	(pc) =	sbr.rel @p1 .LBB2_6-.Ltmp4, $2  }
0x15d: {  	_ =	sdelay $0x2  }
0x15e: {  	v7 =	vor.u32 s31, v0;
	s31 =	sadd.s32 $0x10, s31  }
0x15f: {  	_ =	sdelay $0x1  }
0x160: {  	vm8 =	vclass.f32 v9, $0xFC  }
0x161: {  	v14 =	vnsel vm8, $0x3F800000, v9  }
0x162: {  	[tilespmem:v8+s25+$0x0] =	vst.idx.msk $0xffff, v14  }
0x163: {  	v8 =	vld.idx.msk [tilespmem:v7+s25+$0x0], $0xffff;
	_ =	sdelay $0x4  }
0x164: {  	vm8 =	vclass.f32 v8, $0xFC  }
0x165: {  	v17 =	vnsel vm8, $0x3F800000, v8  }
0x166: {  	v11 =	vor.u32 $0x640, v0;
	[tilespmem:v7+s25+$0x0] =	vst.idx.msk $0xffff, v17  }
0x167: {  	v12 =	vadd.s32 s29, v11;
	v7 =	vor.u32 $0xC80, v0;
	v18 =	vld.idx.msk [tilespmem:v6+s23+$0x0], $0xffff  }
0x168: {  	v8 =	vor.u32 $0x12C0, v0;
	v19 =	vadd.s32 s29, v7;
	v20 =	vld.idx.msk [tilespmem:v6+s24+$0x0], $0xffff  }
0x169: {  	v9 =	vor.u32 $0x1900, v0;
	v21 =	vadd.s32 s29, v8  }
0x16a: {  	v10 =	vor.u32 $0x1F40, v0;
	v22 =	vadd.s32 s29, v9  }
0x16b: {  	v24 =	vadd.s32 s29, v10;
	v16 =	vld.idx.msk [tilespmem:v6+s1+$0x0], $0xffff;
	v6 =	vor.u32 $0x2BC0, v0  }
0x16c: {  	v28 =	vld.idx.msk [tilespmem:v12+s1+$0x0], $0xffff;
	v25 =	vshll.u32 v18, $0x4;
	v18 =	vadd.s32 s29, v6  }
0x16d: {  	v29 =	vld.idx.msk [tilespmem:v19+s1+$0x0], $0xffff;
	v26 =	vshll.u32 v20, $0x4;
	v19 =	vor.u32 $0x7, v25  }
0x16e: {  	v27 =	vld.idx.msk [tilespmem:v21+s1+$0x0], $0xffff;
	v21 =	vor.u32 $0x7, v26  }
0x16f: {  	v23 =	vld.idx.msk [tilespmem:v22+s1+$0x0], $0xffff;
	v30 =	vor.u32 $0x1, v25  }
0x170: {  	v20 =	vld.idx.msk [tilespmem:v24+s1+$0x0], $0xffff;
	v22 =	vor.u32 $0x1, v26  }
0x171: {  	v12 =	vor.u32 $0x2580, v0;
	v24 =	vor.u32 $0x2, v25;
	v18 =	vld.idx.msk [tilespmem:v18+s1+$0x0], $0xffff  }
0x172: {  	v31 =	vadd.s32 s29, v12;
	v19 =	vld.idx.msk [tilespmem:v19+s25+$0x0], $0xffff  }
0x173: {  	v13 =	vadd.f32 v14, v13;
	v14 =	vor.u32 $0x2, v26;
	v34 =	vld.idx.msk [tilespmem:v21+s25+$0x0], $0xffff  }
0x174: {  	v36 =	vor.u32 $0x3, v25;
	v37 =	vld.idx.msk [tilespmem:v30+s25+$0x0], $0xffff  }
0x175: {  	v13 =	vadd.f32 v17, v13;
	v17 =	vor.u32 $0x3, v26;
	v22 =	vld.idx.msk [tilespmem:v22+s25+$0x0], $0xffff  }
0x176: {  	v40 =	vor.u32 s30, v0;
	v38 =	vor.u32 $0x4, v25;
	v42 =	vor.u32 $0x4, v26;
	v24 =	vld.idx.msk [tilespmem:v24+s25+$0x0], $0xffff  }
0x177: {  	v43 =	vor.u32 $0x5, v25;
	v35 =	vor.u32 $0x5, v26;
	v33 =	vor.u32 $0x6, v25;
	v21 =	vld.idx.msk [tilespmem:v31+s1+$0x0], $0xffff  }
0x178: {  	v32 =	vor.u32 $0x6, v26;
	v41 =	vld.idx.msk [tilespmem:v14+s25+$0x0], $0xffff;
	v30 =	vadd.s32 s30, v11;
	v31 =	vadd.s32 s30, v7  }
0x179: {  	v39 =	vld.idx.msk [tilespmem:v36+s25+$0x0], $0xffff;
	vm8 =	vgt.f32 v18, v19;
	vm9 =	vgt.f32 v18, v34;
	vm10 =	vgt.f32 v28, v37  }
0x17a: {  	v37 =	vld.idx.msk [tilespmem:v17+s25+$0x0], $0xffff;
	v18 =	vimm.f32 $0.0e+00;
	v19 =	vimm.f32 $0.0e+00;
	v17 =	vimm.f32 $0.0e+00  }
0x17b: {  	v36 =	vld.idx.msk [tilespmem:v38+s25+$0x0], $0xffff;
	vm8 =	vmand vm8, vm9;
	vm9 =	vgt.f32 v28, v22;
	v28 =	vimm.f32 $0.0e+00  }
0x17c: {  	v38 =	vld.idx.msk [tilespmem:v42+s25+$0x0], $0xffff;
	v22 =	vimm.f32 $0.0e+00;
	v14 =	vsel vm8, $0x3F800000, v3;
	vm9 =	vmand vm10, vm9  }
0x17d: {  	s29 =	simm.s32 $0x20;
	v34 =	vld.idx.msk [tilespmem:v43+s25+$0x0], $0xffff;
	vm8 =	vgt.f32 v29, v24;
	v24 =	vimm.f32 $0.0e+00;
	v14 =	vmax.f32 v15, v14  }
.LBB2_8:
0x17e: {  	p1 =	sne.s32 s29, $0x630;
	v42 =	vadd.s32 s30, v8;
	v43 =	vsel vm9, $0x3F800000, v3;
	vm9 =	vgt.f32 v29, v41;
	v29 =	vld.idx.msk [tilespmem:v35+s25+$0x0], $0xffff  }
0x17f: {  	v15 =	vmax.f32 v15, v43;
	vm8 =	vmand vm8, vm9;
	vm9 =	vgt.f32 v27, v39;
	v33 =	vld.idx.msk [tilespmem:v33+s25+$0x0], $0xffff  }
0x180: {  	v35 =	vadd.s32 s30, v9;
	v39 =	vsel vm8, $0x3F800000, v3;
	vm8 =	vgt.f32 v27, v37;
	v27 =	vld.idx.msk [tilespmem:v32+s25+$0x0], $0xffff  }
0x181: {  	v32 =	vld.idx.msk [tilespmem:v40+s23+$0x0], $0xffff;
	v28 =	vmax.f32 v28, v39;
	vm8 =	vmand vm9, vm8;
	vm9 =	vgt.f32 v23, v36  }
0x182: {  	v37 =	vadd.s32 s30, v10;
	v36 =	vld.idx.msk [tilespmem:v40+s24+$0x0], $0xffff;
	v39 =	vsel vm8, $0x3F800000, v3;
	vm8 =	vgt.f32 v23, v38  }
0x183: {  	v38 =	vld.idx.msk [tilespmem:v25+s25+$0x0], $0xffff;
	v24 =	vmax.f32 v24, v39;
	vm8 =	vmand vm9, vm8;
	vm9 =	vgt.f32 v20, v34  }
0x184: {  	v34 =	vadd.s32 s30, v12;
	v39 =	vld.idx.msk [tilespmem:v26+s25+$0x0], $0xffff;
	v23 =	vsel vm8, $0x3F800000, v3;
	vm8 =	vgt.f32 v20, v29  }
0x185: {  	v40 =	vld.idx.msk [tilespmem:v40+s1+$0x0], $0xffff;
	v22 =	vmax.f32 v22, v23;
	vm8 =	vmand vm9, vm8;
	vm9 =	vgt.f32 v21, v33  }
0x186: {  	v43 =	vld.idx.msk [tilespmem:v30+s1+$0x0], $0xffff;
	v30 =	vsel vm8, $0x3F800000, v3;
	vm8 =	vgt.f32 v21, v27  }
0x187: {  	v25 =	vshll.u32 v32, $0x4;
	v29 =	vld.idx.msk [tilespmem:v31+s1+$0x0], $0xffff;
	v31 =	vadd.s32 s30, v6;
	vm8 =	vmand vm9, vm8;
	s30 =	smov.u32 s29  }
0x188: {  	v26 =	vshll.u32 v36, $0x4;
	v36 =	vor.u32 $0x1, v25;
	v41 =	vor.u32 $0x7, v25;
	v27 =	vld.idx.msk [tilespmem:v42+s1+$0x0], $0xffff  }
0x189: {  	v44 =	vor.u32 $0x2, v25;
	v42 =	vor.u32 $0x1, v26;
	v45 =	vor.u32 $0x7, v26;
	v23 =	vld.idx.msk [tilespmem:v35+s1+$0x0], $0xffff  }
0x18a: {  	v47 =	vor.u32 $0x3, v25;
	v46 =	vor.u32 $0x2, v26;
	v48 =	vor.u32 $0x3, v26;
	v20 =	vld.idx.msk [tilespmem:v37+s1+$0x0], $0xffff  }
0x18b: {  	v49 =	vor.u32 $0x4, v25;
	v51 =	vor.u32 $0x5, v25;
	v50 =	vor.u32 $0x4, v26;
	v21 =	vld.idx.msk [tilespmem:v34+s1+$0x0], $0xffff  }
0x18c: {  	v33 =	vor.u32 $0x6, v25;
	v32 =	vor.u32 $0x6, v26;
	v35 =	vor.u32 $0x5, v26;
	v31 =	vld.idx.msk [tilespmem:v31+s1+$0x0], $0xffff  }
0x18d: {  	vm9 =	vgt.f32 v16, v38;
	vm10 =	vgt.f32 v16, v39;
	v37 =	vsel vm8, $0x3F800000, v3;
	v16 =	vmovc v40;
	v34 =	vld.idx.msk [tilespmem:v41+s25+$0x0], $0xffff  }
0x18e: {  	v18 =	vmax.f32 v18, v30;
	vm8 =	vmand vm9, vm10;
	v19 =	vmax.f32 v19, v37;
	v38 =	vld.idx.msk [tilespmem:v45+s25+$0x0], $0xffff  }
0x18f: {  	v30 =	vsel vm8, $0x3F800000, v3;
	v36 =	vld.idx.msk [tilespmem:v36+s25+$0x0], $0xffff  }
0x190: {  	v17 =	vmax.f32 v17, v30;
	v42 =	vld.idx.msk [tilespmem:v42+s25+$0x0], $0xffff  }
0x191: {  	v44 =	vld.idx.msk [tilespmem:v44+s25+$0x0], $0xffff  }
0x192: {  	v41 =	vld.idx.msk [tilespmem:v46+s25+$0x0], $0xffff  }
.Ltmp5:
0x193: {  	v39 =	vld.idx.msk [tilespmem:v47+s25+$0x0], $0xffff;
	(pc) =	sbr.rel @p1 .LBB2_8-.Ltmp5, $4  }
0x194: {  	v30 =	vadd.s32 s29, v11;
	vm8 =	vgt.f32 v31, v34;
	vm9 =	vgt.f32 v31, v38;
	v37 =	vld.idx.msk [tilespmem:v48+s25+$0x0], $0xffff  }
0x195: {  	v31 =	vadd.s32 s29, v7;
	vm10 =	vgt.f32 v43, v36;
	vm8 =	vmand vm8, vm9;
	v36 =	vld.idx.msk [tilespmem:v49+s25+$0x0], $0xffff  }
0x196: {  	v40 =	vor.u32 s29, v0;
	vm9 =	vgt.f32 v43, v42;
	v42 =	vsel vm8, $0x3F800000, v3;
	v38 =	vld.idx.msk [tilespmem:v50+s25+$0x0], $0xffff  }
0x197: {  	s29 =	sadd.s32 $0x10, s29;
	vm9 =	vmand vm10, vm9;
	vm8 =	vgt.f32 v29, v44;
	v14 =	vmax.f32 v14, v42;
	v34 =	vld.idx.msk [tilespmem:v51+s25+$0x0], $0xffff  }
0x198: {  	_ =	sdelay $0x3  }
0x199: {  	v35 =	vld.idx.msk [tilespmem:v35+s25+$0x0], $0xffff  }
0x19a: {  	v33 =	vld.idx.msk [tilespmem:v33+s25+$0x0], $0xffff  }
0x19b: {  	v32 =	vld.idx.msk [tilespmem:v32+s25+$0x0], $0xffff  }
0x19c: {  	v42 =	vld.idx.msk [tilespmem:v40+s23+$0x0], $0xffff  }
0x19d: {  	v43 =	vld.idx.msk [tilespmem:v40+s24+$0x0], $0xffff  }
0x19e: {  	v44 =	vadd.s32 s30, v8;
	v25 =	vld.idx.msk [tilespmem:v25+s25+$0x0], $0xffff  }
0x19f: {  	v45 =	vadd.s32 s30, v9;
	v26 =	vld.idx.msk [tilespmem:v26+s25+$0x0], $0xffff  }
0x1a0: {  	v46 =	vadd.s32 s30, v10;
	v40 =	vld.idx.msk [tilespmem:v40+s1+$0x0], $0xffff;
	v47 =	vsel vm9, $0x3F800000, v3;
	vm9 =	vgt.f32 v29, v41  }
0x1a1: {  	v48 =	vadd.s32 s30, v12;
	v30 =	vld.idx.msk [tilespmem:v30+s1+$0x0], $0xffff;
	vm8 =	vmand vm8, vm9  }
0x1a2: {  	v31 =	vld.idx.msk [tilespmem:v31+s1+$0x0], $0xffff;
	v53 =	vadd.s32 s30, v6;
	vm9 =	vgt.f32 v27, v39;
	v56 =	vsel vm8, $0x3F800000, v3  }
0x1a3: {  	vm8 =	vgt.f32 v27, v37;
	v29 =	vshll.u32 v42, $0x4;
	v42 =	vld.idx.msk [tilespmem:v44+s1+$0x0], $0xffff;
	v39 =	vshll.u32 v43, $0x4  }
0x1a4: {  	v15 =	vmax.f32 v15, v47;
	vm8 =	vmand vm9, vm8;
	v45 =	vld.idx.msk [tilespmem:v45+s1+$0x0], $0xffff;
	v54 =	vor.u32 $0x7, v29  }
0x1a5: {  	vm9 =	vgt.f32 v23, v36;
	vm10 =	vgt.f32 v23, v38;
	v37 =	vld.idx.msk [tilespmem:v46+s1+$0x0], $0xffff;
	v55 =	vor.u32 $0x1, v29  }
0x1a6: {  	v60 =	vsel vm8, $0x3F800000, v3;
	vm8 =	vmand vm9, vm10;
	v47 =	vld.idx.msk [tilespmem:v48+s1+$0x0], $0xffff;
	v57 =	vor.u32 $0x1, v39  }
0x1a7: {  	v36 =	vld.idx.msk [tilespmem:v53+s1+$0x0], $0xffff;
	v62 =	vsel vm8, $0x3F800000, v3;
	vm8 =	vgt.f32 v20, v34;
	v58 =	vor.u32 $0x2, v29  }
0x1a8: {  	vm9 =	vgt.f32 v20, v35;
	v59 =	vor.u32 $0x2, v39;
	v20 =	vmax.f32 v22, v62;
	v62 =	vld.idx.msk [tilespmem:v39+s25+$0x0], $0xffff  }
0x1a9: {  	v61 =	vor.u32 $0x3, v29;
	v44 =	vld.idx.msk [tilespmem:v54+s25+$0x0], $0xffff  }
0x1aa: {  	v63 =	vor.u32 $0x3, v39;
	v43 =	vld.idx.msk [tilespmem:v55+s25+$0x0], $0xffff  }
0x1ab: {  	v28 =	vmax.f32 v28, v56;
	v24 =	vmax.f32 v24, v60;
	vm10 =	vgt.f32 v21, v32;
	v52 =	vld.idx.msk [tilespmem:v57+s25+$0x0], $0xffff  }
0x1ac: {  	vm8 =	vmand vm8, vm9;
	vm9 =	vgt.f32 v21, v33;
	v53 =	vld.idx.msk [tilespmem:v58+s25+$0x0], $0xffff;
	v55 =	vor.u32 $0x4, v29  }
0x1ad: {  	v33 =	vor.u32 $0x7, v39;
	v56 =	vor.u32 $0x4, v39;
	v60 =	vor.u32 $0x6, v29;
	v23 =	vld.idx.msk [tilespmem:v59+s25+$0x0], $0xffff  }
0x1ae: {  	v54 =	vsel vm8, $0x3F800000, v3;
	vm8 =	vmand vm9, vm10;
	v57 =	vor.u32 $0x5, v29;
	v58 =	vld.idx.msk [tilespmem:v61+s25+$0x0], $0xffff  }
0x1af: {  	v59 =	vor.u32 $0x5, v39;
	v48 =	vld.idx.msk [tilespmem:v63+s25+$0x0], $0xffff;
	vm9 =	vgt.f32 v16, v25;
	vm10 =	vgt.f32 v16, v26  }
0x1b0: {  	v49 =	vor.u32 $0x6, v39;
	v61 =	vld.idx.msk [tilespmem:v29+s25+$0x0], $0xffff;
	v16 =	vsel vm8, $0x3F800000, v3;
	vm8 =	vmand vm9, vm10  }
0x1b1: {  	v63 =	vsel vm8, $0x3F800000, v3;
	vm8 =	vgt.f32 v30, v43;
	v39 =	vld.idx.msk [tilespmem:v55+s25+$0x0], $0xffff;
	vm9 =	vgt.f32 v30, v52  }
0x1b2: {  	v43 =	vld.idx.msk [tilespmem:v56+s25+$0x0], $0xffff;
	vm10 =	vgt.f32 v31, v23;
	vm8 =	vmand vm8, vm9;
	vm9 =	vgt.f32 v31, v53  }
0x1b3: {  	v18 =	vmax.f32 v18, v54;
	v50 =	vld.idx.msk [tilespmem:v57+s25+$0x0], $0xffff;
	v51 =	vsel vm8, $0x3F800000, v3;
	vm8 =	vmand vm9, vm10  }
0x1b4: {  	v52 =	vld.idx.msk [tilespmem:v59+s25+$0x0], $0xffff;
	vm9 =	vgt.f32 v42, v58;
	v53 =	vsel vm8, $0x3F800000, v3;
	vm8 =	vgt.f32 v42, v48  }
0x1b5: {  	v54 =	vld.idx.msk [tilespmem:v60+s25+$0x0], $0xffff;
	vm10 =	vgt.f32 v40, v62;
	vm8 =	vmand vm9, vm8;
	vm9 =	vgt.f32 v40, v61  }
0x1b6: {  	v16 =	vmax.f32 v19, v16;
	v17 =	vmax.f32 v17, v63;
	v56 =	vld.idx.msk [tilespmem:v49+s25+$0x0], $0xffff;
	vm9 =	vmand vm9, vm10  }
0x1b7: {  	vm10 =	vgt.f32 v45, v39;
	v58 =	vsel vm9, $0x3F800000, v3;
	vm9 =	vgt.f32 v45, v43  }
0x1b8: {  	v57 =	vld.idx.msk [tilespmem:v33+s25+$0x0], $0xffff;
	v15 =	vmax.f32 v15, v51;
	vm9 =	vmand vm10, vm9;
	v17 =	vmax.f32 v17, v58  }
0x1b9: {  	vm10 =	vgt.f32 v37, v50;
	v59 =	vsel vm9, $0x3F800000, v3;
	vm9 =	vgt.f32 v37, v52  }
0x1ba: {  	v55 =	vsel vm8, $0x3F800000, v3;
	vm8 =	vgt.f32 v36, v44;
	(xrf0) =	vmax.scan.msk.f32 $0xffff, v17;
	vm9 =	vmand vm10, vm9  }
0x1bb: {  	(xrf0) =	vmax.scan.msk.f32 $0xffff, v15;
	vm10 =	vgt.f32 v47, v54;
	v15 =	vsel vm9, $0x3F800000, v3;
	vm9 =	vgt.f32 v47, v56  }
0x1bc: {  	v19 =	vmax.f32 v24, v55;
	v17 =	vmax.f32 v28, v53;
	vm9 =	vmand vm10, vm9  }
0x1bd: {  	(xrf0) =	vmax.scan.msk.f32 $0xffff, v17;
	vm10 =	vgt.f32 v36, v57;
	v15 =	vmax.f32 v18, v15;
	v60 =	vsel vm9, $0x3F800000, v3  }
0x1be: {  	v17 =	vmax.f32 v20, v59;
	(xrf0) =	vmax.scan.msk.f32 $0xffff, v19;
	vm8 =	vmand vm8, vm10;
	v16 =	vmax.f32 v16, v60  }
0x1bf: {  	(xrf0) =	vmax.scan.msk.f32 $0xffff, v17;
	v17 =	vsel vm8, $0x3F800000, v3  }
0x1c0: {  	(xrf0) =	vmax.scan.msk.f32 $0xffff, v15;
	v14 =	vmax.f32 v14, v17;
	v15, _, _ =	vpop (xrf0)  }
0x1c1: {  	(xrf0) =	vmax.scan.msk.f32 $0xffff, v16;
	v15 =	vbroadcast v15, $0xF;
	v16, _, _ =	vpop (xrf0)  }
0x1c2: {  	vm8 =	vmmov $0x1;
	(xrf0) =	vmax.scan.msk.f32 $0xffff, v14;
	v16 =	vbroadcast v16, $0xF  }
0x1c3: {  	v14, _, _ =	vpop (xrf0);
	v15 =	vnsel vm8, $0x0, v15  }
0x1c4: {  	v17, _, _ =	vpop (xrf0);
	v14 =	vbroadcast v14, $0xF;
	v15 =	vsel vm1, v15, v16  }
0x1c5: {  	v61, _, _ =	vpop (xrf0);
	v16 =	vbroadcast v17, $0xF  }
0x1c6: {  	v62 =	vmul.f32 v13, v4;
	v17, _, _ =	vpop (xrf0);
	v13 =	vsel vm2, v15, v14;
	v14 =	vbroadcast v61, $0xF  }
0x1c7: {  	v16 =	vsel vm3, v13, v16;
	v17 =	vbroadcast v17, $0xF;
	v13 =	vor.u32 $0x10, v0;
	v15, _, _ =	vpop (xrf0)  }
0x1c8: {  	v16 =	vsel vm4, v16, v14;
	v14 =	vor.u32 $0x20, v0;
	v63 =	vbroadcast v15, $0xF;
	v15, _, _ =	vpop (xrf0)  }
0x1c9: {  	v16 =	vsel vm5, v16, v17;
	v17 =	vbroadcast v15, $0xF;
	v15 =	vor.u32 $0x30, v0  }
0x1ca: {  	v16 =	vsel vm6, v16, v63  }
0x1cb: {  	[tilespmem:v5+s26+$0x0] =	vst.idx.msk $0xffff, v62;
	v16 =	vsel vm7, v16, v17  }
0x1cc: {  	[tilespmem:v13+s26+$0x0] =	vst.idx.msk $0xffff, v16  }
0x1cd: {  	[tilespmem:v14+s26+$0x0] =	vst.idx.msk $0xffff, v3  }
0x1ce: {  	s29 =	simm.s32 $0x0;
	[tilespmem:v15+s26+$0x0] =	vst.idx.msk $0xffff, v3  }
0x1cf: {  	[hbm4b:s6+s29] =	stream.linear.scatter [tilespmem:s26], [sflag:$0x1], $0x80, $0x38;
	[tilespmem:$0x4600] =	vst v63  }
0x1d0: {  	_ =	swait.ge [sflag:s22], $0x80  }
0x1d1: {  	[sflag:s22] =	ssyncset.done $0x0  }
0x1d2: {  	[sflag:s22] =	ssyncadd.s32 $0xFFFFFF80  }
0x1d3: {  	[tilespmem:s29], [sflag:$0x1] =	stream.strided.gather [hbm4b:s7+s20], $0x3200, s21, s20, $0x38;
	[tilespmem:$0x4600] =	vst v63  }
0x1d4: {  	_ =	swait.ge [sflag:s22], $0x3200  }
0x1d5: {  	[sflag:s22] =	ssyncset.done $0x0  }
0x1d6: {  	[sflag:s22] =	ssyncadd.s32 $0xFFFFCE00  }
0x1d7: {  	[tilespmem:s23], [sflag:$0x1] =	stream.strided.gather [hbm4b:s8+s20], $0x680, s21, s20, $0x38;
	[tilespmem:$0x4600] =	vst v63  }
0x1d8: {  	_ =	swait.ge [sflag:s22], $0x680  }
0x1d9: {  	[sflag:s22] =	ssyncset.done $0x0  }
0x1da: {  	[sflag:s22] =	ssyncadd.s32 $0xFFFFF980  }
0x1db: {  	[tilespmem:s24], [sflag:$0x1] =	stream.strided.gather [hbm4b:s9+s20], $0x680, s21, s20, $0x38;
	[tilespmem:$0x4600] =	vst v63  }
0x1dc: {  	_ =	swait.ge [sflag:s22], $0x680  }
0x1dd: {  	[sflag:s22] =	ssyncset.done $0x0  }
0x1de: {  	[sflag:s22] =	ssyncadd.s32 $0xFFFFF980  }
.LBB2_10:
0x1df: {  	v16 =	vor.u32 s29, v0;
	p1 =	sne.s32 s29, $0x630  }
.Ltmp6:
0x1e0: {  	_ = 	snop;
	(pc) =	sbr.rel @p1 .LBB2_10-.Ltmp6, $2  }
0x1e1: {  	_ =	sdelay $0x2  }
0x1e2: {  	s29 =	sadd.s32 $0x10, s29;
	[tilespmem:v16+s25+$0x0] =	vst.idx.msk $0xffff, v1  }
0x1e3: {  	s30 =	simm.s32 $0xF  }
.LBB2_12:
0x1e4: {  	s29 =	sadd.s32 $0xFFFFFFF1, s30  }
0x1e5: {  	v17 =	vor.u32 s29, v0;
	_ =	sdelay $0x4  }
0x1e6: {  	v16 =	vld.idx.msk [tilespmem:v17+s23+$0x0], $0xffff;
	_ =	sdelay $0x4  }
0x1e7: {  	v16 =	vshll.u32 v16, $0x4  }
0x1e8: {  	v18 =	vbroadcast v16, $0x0  }
0x1e9: {  	v19 =	vadd.s32 s29, v2  }
0x1ea: {  	v17 =	vld.idx.msk [tilespmem:v17+s24+$0x0], $0xffff;
	v18 =	vor.u32 v0, v18;
	_ =	sdelay $0x2  }
0x1eb: {  	s29 =	simm.s32 $0x0  }
0x1ec: {  	v19 =	vld.idx.msk [tilespmem:v19+s29+$0x0], $0xffff  }
0x1ed: {  	v17 =	vshll.u32 v17, $0x4;
	v20 =	vld.idx.msk [tilespmem:v18+s25+$0x0], $0xffff  }
0x1ee: {  	v21 =	vbroadcast v17, $0x0;
	_ =	sdelay $0x1  }
0x1ef: {  	v21 =	vor.u32 v0, v21;
	_ =	sdelay $0x1  }
0x1f0: {  	v22 =	vmin.f32 v20, v19;
	v20 =	vmax.f32 v20, v19  }
0x1f1: {  	v20 =	vsel vm0, v22, v20  }
0x1f2: {  	[tilespmem:v18+s25+$0x0] =	vst.idx.msk $0xffff, v20  }
0x1f3: {  	v18 =	vld.idx.msk [tilespmem:v21+s25+$0x0], $0xffff;
	_ =	sdelay $0x1  }
0x1f4: {  	s31 =	sadd.s32 $0xFFFFFFF2, s30;
	v20 =	vbroadcast v16, $0x1  }
0x1f5: {  	v63 =	vadd.s32 s31, v2  }
0x1f6: {  	v20 =	vor.u32 v0, v20  }
0x1f7: {  	v23 =	vmin.f32 v18, v19;
	v18 =	vmax.f32 v18, v19  }
0x1f8: {  	v18 =	vsel vm0, v23, v18  }
0x1f9: {  	[tilespmem:v21+s25+$0x0] =	vst.idx.msk $0xffff, v18  }
0x1fa: {  	v18 =	vld.idx.msk [tilespmem:v63+s29+$0x0], $0xffff  }
0x1fb: {  	v19 =	vld.idx.msk [tilespmem:v20+s25+$0x0], $0xffff  }
0x1fc: {  	v24 =	vbroadcast v17, $0x1;
	_ =	sdelay $0x1  }
0x1fd: {  	v21 =	vor.u32 v0, v24;
	_ =	sdelay $0x1  }
0x1fe: {  	v22 =	vmin.f32 v19, v18;
	v19 =	vmax.f32 v19, v18  }
0x1ff: {  	v19 =	vsel vm0, v22, v19  }
0x200: {  	[tilespmem:v20+s25+$0x0] =	vst.idx.msk $0xffff, v19  }
0x201: {  	v19 =	vld.idx.msk [tilespmem:v21+s25+$0x0], $0xffff;
	_ =	sdelay $0x1  }
0x202: {  	s31 =	sadd.s32 $0xFFFFFFF3, s30;
	v20 =	vbroadcast v16, $0x2  }
0x203: {  	v25 =	vadd.s32 s31, v2  }
0x204: {  	v20 =	vor.u32 v0, v20  }
0x205: {  	v26 =	vmin.f32 v19, v18;
	v18 =	vmax.f32 v19, v18  }
0x206: {  	v18 =	vsel vm0, v26, v18  }
0x207: {  	[tilespmem:v21+s25+$0x0] =	vst.idx.msk $0xffff, v18  }
0x208: {  	v18 =	vld.idx.msk [tilespmem:v25+s29+$0x0], $0xffff  }
0x209: {  	v19 =	vld.idx.msk [tilespmem:v20+s25+$0x0], $0xffff  }
0x20a: {  	v27 =	vbroadcast v17, $0x2;
	_ =	sdelay $0x1  }
0x20b: {  	v21 =	vor.u32 v0, v27;
	_ =	sdelay $0x1  }
0x20c: {  	v22 =	vmin.f32 v19, v18;
	v19 =	vmax.f32 v19, v18  }
0x20d: {  	v19 =	vsel vm0, v22, v19  }
0x20e: {  	[tilespmem:v20+s25+$0x0] =	vst.idx.msk $0xffff, v19  }
0x20f: {  	v19 =	vld.idx.msk [tilespmem:v21+s25+$0x0], $0xffff;
	_ =	sdelay $0x1  }
0x210: {  	s31 =	sadd.s32 $0xFFFFFFF4, s30;
	v20 =	vbroadcast v16, $0x3  }
0x211: {  	v28 =	vadd.s32 s31, v2  }
0x212: {  	v20 =	vor.u32 v0, v20  }
0x213: {  	v29 =	vmin.f32 v19, v18;
	v18 =	vmax.f32 v19, v18  }
0x214: {  	v18 =	vsel vm0, v29, v18  }
0x215: {  	[tilespmem:v21+s25+$0x0] =	vst.idx.msk $0xffff, v18  }
0x216: {  	v18 =	vld.idx.msk [tilespmem:v28+s29+$0x0], $0xffff  }
0x217: {  	v19 =	vld.idx.msk [tilespmem:v20+s25+$0x0], $0xffff  }
0x218: {  	v30 =	vbroadcast v17, $0x3;
	_ =	sdelay $0x1  }
0x219: {  	v21 =	vor.u32 v0, v30;
	_ =	sdelay $0x1  }
0x21a: {  	v22 =	vmin.f32 v19, v18;
	v19 =	vmax.f32 v19, v18  }
0x21b: {  	v19 =	vsel vm0, v22, v19  }
0x21c: {  	[tilespmem:v20+s25+$0x0] =	vst.idx.msk $0xffff, v19  }
0x21d: {  	v19 =	vld.idx.msk [tilespmem:v21+s25+$0x0], $0xffff;
	_ =	sdelay $0x1  }
0x21e: {  	s31 =	sadd.s32 $0xFFFFFFF5, s30;
	v20 =	vbroadcast v16, $0x4  }
0x21f: {  	v31 =	vadd.s32 s31, v2  }
0x220: {  	v20 =	vor.u32 v0, v20  }
0x221: {  	v32 =	vmin.f32 v19, v18;
	v18 =	vmax.f32 v19, v18  }
0x222: {  	v18 =	vsel vm0, v32, v18  }
0x223: {  	[tilespmem:v21+s25+$0x0] =	vst.idx.msk $0xffff, v18  }
0x224: {  	v18 =	vld.idx.msk [tilespmem:v31+s29+$0x0], $0xffff  }
0x225: {  	v19 =	vld.idx.msk [tilespmem:v20+s25+$0x0], $0xffff  }
0x226: {  	v33 =	vbroadcast v17, $0x4;
	_ =	sdelay $0x1  }
0x227: {  	v21 =	vor.u32 v0, v33;
	_ =	sdelay $0x1  }
0x228: {  	v22 =	vmin.f32 v19, v18;
	v19 =	vmax.f32 v19, v18  }
0x229: {  	v19 =	vsel vm0, v22, v19  }
0x22a: {  	[tilespmem:v20+s25+$0x0] =	vst.idx.msk $0xffff, v19  }
0x22b: {  	v19 =	vld.idx.msk [tilespmem:v21+s25+$0x0], $0xffff;
	_ =	sdelay $0x1  }
0x22c: {  	s31 =	sadd.s32 $0xFFFFFFF6, s30;
	v20 =	vbroadcast v16, $0x5  }
0x22d: {  	v34 =	vadd.s32 s31, v2  }
0x22e: {  	v20 =	vor.u32 v0, v20  }
0x22f: {  	v35 =	vmin.f32 v19, v18;
	v18 =	vmax.f32 v19, v18  }
0x230: {  	v18 =	vsel vm0, v35, v18  }
0x231: {  	[tilespmem:v21+s25+$0x0] =	vst.idx.msk $0xffff, v18  }
0x232: {  	v18 =	vld.idx.msk [tilespmem:v34+s29+$0x0], $0xffff  }
0x233: {  	v19 =	vld.idx.msk [tilespmem:v20+s25+$0x0], $0xffff  }
0x234: {  	v36 =	vbroadcast v17, $0x5;
	_ =	sdelay $0x1  }
0x235: {  	v21 =	vor.u32 v0, v36;
	_ =	sdelay $0x1  }
0x236: {  	v22 =	vmin.f32 v19, v18;
	v19 =	vmax.f32 v19, v18  }
0x237: {  	v19 =	vsel vm0, v22, v19  }
0x238: {  	[tilespmem:v20+s25+$0x0] =	vst.idx.msk $0xffff, v19  }
0x239: {  	v19 =	vld.idx.msk [tilespmem:v21+s25+$0x0], $0xffff;
	_ =	sdelay $0x1  }
0x23a: {  	s31 =	sadd.s32 $0xFFFFFFF7, s30;
	v20 =	vbroadcast v16, $0x6  }
0x23b: {  	v37 =	vadd.s32 s31, v2  }
0x23c: {  	v20 =	vor.u32 v0, v20  }
0x23d: {  	v38 =	vmin.f32 v19, v18;
	v18 =	vmax.f32 v19, v18  }
0x23e: {  	v18 =	vsel vm0, v38, v18  }
0x23f: {  	[tilespmem:v21+s25+$0x0] =	vst.idx.msk $0xffff, v18  }
0x240: {  	v18 =	vld.idx.msk [tilespmem:v37+s29+$0x0], $0xffff  }
0x241: {  	v19 =	vld.idx.msk [tilespmem:v20+s25+$0x0], $0xffff  }
0x242: {  	v39 =	vbroadcast v17, $0x6;
	_ =	sdelay $0x1  }
0x243: {  	v21 =	vor.u32 v0, v39;
	_ =	sdelay $0x1  }
0x244: {  	v22 =	vmin.f32 v19, v18;
	v19 =	vmax.f32 v19, v18  }
0x245: {  	v19 =	vsel vm0, v22, v19  }
0x246: {  	[tilespmem:v20+s25+$0x0] =	vst.idx.msk $0xffff, v19  }
0x247: {  	v19 =	vld.idx.msk [tilespmem:v21+s25+$0x0], $0xffff;
	_ =	sdelay $0x1  }
0x248: {  	s31 =	sadd.s32 $0xFFFFFFF8, s30;
	v20 =	vbroadcast v16, $0x7  }
0x249: {  	v40 =	vadd.s32 s31, v2  }
0x24a: {  	v20 =	vor.u32 v0, v20  }
0x24b: {  	v41 =	vmin.f32 v19, v18;
	v18 =	vmax.f32 v19, v18  }
0x24c: {  	v18 =	vsel vm0, v41, v18  }
0x24d: {  	[tilespmem:v21+s25+$0x0] =	vst.idx.msk $0xffff, v18  }
0x24e: {  	v18 =	vld.idx.msk [tilespmem:v40+s29+$0x0], $0xffff  }
0x24f: {  	v19 =	vld.idx.msk [tilespmem:v20+s25+$0x0], $0xffff  }
0x250: {  	v42 =	vbroadcast v17, $0x7;
	_ =	sdelay $0x1  }
0x251: {  	v21 =	vor.u32 v0, v42;
	_ =	sdelay $0x1  }
0x252: {  	v22 =	vmin.f32 v19, v18;
	v19 =	vmax.f32 v19, v18  }
0x253: {  	v19 =	vsel vm0, v22, v19  }
0x254: {  	[tilespmem:v20+s25+$0x0] =	vst.idx.msk $0xffff, v19  }
0x255: {  	v19 =	vld.idx.msk [tilespmem:v21+s25+$0x0], $0xffff;
	_ =	sdelay $0x1  }
0x256: {  	s31 =	sadd.s32 $0xFFFFFFF9, s30;
	v20 =	vbroadcast v16, $0x8  }
0x257: {  	v43 =	vadd.s32 s31, v2  }
0x258: {  	v20 =	vor.u32 v0, v20  }
0x259: {  	v44 =	vmin.f32 v19, v18;
	v18 =	vmax.f32 v19, v18  }
0x25a: {  	v18 =	vsel vm0, v44, v18  }
0x25b: {  	[tilespmem:v21+s25+$0x0] =	vst.idx.msk $0xffff, v18  }
0x25c: {  	v18 =	vld.idx.msk [tilespmem:v43+s29+$0x0], $0xffff  }
0x25d: {  	v19 =	vld.idx.msk [tilespmem:v20+s25+$0x0], $0xffff  }
0x25e: {  	v45 =	vbroadcast v17, $0x8;
	_ =	sdelay $0x1  }
0x25f: {  	v21 =	vor.u32 v0, v45;
	_ =	sdelay $0x1  }
0x260: {  	v22 =	vmin.f32 v19, v18;
	v19 =	vmax.f32 v19, v18  }
0x261: {  	v19 =	vsel vm0, v22, v19  }
0x262: {  	[tilespmem:v20+s25+$0x0] =	vst.idx.msk $0xffff, v19  }
0x263: {  	v19 =	vld.idx.msk [tilespmem:v21+s25+$0x0], $0xffff;
	_ =	sdelay $0x1  }
0x264: {  	s31 =	sadd.s32 $0xFFFFFFFA, s30;
	v20 =	vbroadcast v16, $0x9  }
0x265: {  	v46 =	vadd.s32 s31, v2  }
0x266: {  	v20 =	vor.u32 v0, v20  }
0x267: {  	v47 =	vmin.f32 v19, v18;
	v18 =	vmax.f32 v19, v18  }
0x268: {  	v18 =	vsel vm0, v47, v18  }
0x269: {  	[tilespmem:v21+s25+$0x0] =	vst.idx.msk $0xffff, v18  }
0x26a: {  	v18 =	vld.idx.msk [tilespmem:v46+s29+$0x0], $0xffff  }
0x26b: {  	v19 =	vld.idx.msk [tilespmem:v20+s25+$0x0], $0xffff  }
0x26c: {  	v48 =	vbroadcast v17, $0x9;
	_ =	sdelay $0x1  }
0x26d: {  	v21 =	vor.u32 v0, v48;
	_ =	sdelay $0x1  }
0x26e: {  	v22 =	vmin.f32 v19, v18;
	v19 =	vmax.f32 v19, v18  }
0x26f: {  	v19 =	vsel vm0, v22, v19  }
0x270: {  	[tilespmem:v20+s25+$0x0] =	vst.idx.msk $0xffff, v19  }
0x271: {  	v19 =	vld.idx.msk [tilespmem:v21+s25+$0x0], $0xffff;
	_ =	sdelay $0x1  }
0x272: {  	s31 =	sadd.s32 $0xFFFFFFFB, s30;
	v20 =	vbroadcast v16, $0xA  }
0x273: {  	v49 =	vadd.s32 s31, v2  }
0x274: {  	v20 =	vor.u32 v0, v20  }
0x275: {  	v50 =	vmin.f32 v19, v18;
	v18 =	vmax.f32 v19, v18  }
0x276: {  	v18 =	vsel vm0, v50, v18  }
0x277: {  	[tilespmem:v21+s25+$0x0] =	vst.idx.msk $0xffff, v18  }
0x278: {  	v18 =	vld.idx.msk [tilespmem:v49+s29+$0x0], $0xffff  }
0x279: {  	v19 =	vld.idx.msk [tilespmem:v20+s25+$0x0], $0xffff  }
0x27a: {  	v51 =	vbroadcast v17, $0xA;
	_ =	sdelay $0x1  }
0x27b: {  	v21 =	vor.u32 v0, v51;
	_ =	sdelay $0x1  }
0x27c: {  	v22 =	vmin.f32 v19, v18;
	v19 =	vmax.f32 v19, v18  }
0x27d: {  	v19 =	vsel vm0, v22, v19  }
0x27e: {  	[tilespmem:v20+s25+$0x0] =	vst.idx.msk $0xffff, v19  }
0x27f: {  	v19 =	vld.idx.msk [tilespmem:v21+s25+$0x0], $0xffff;
	_ =	sdelay $0x1  }
0x280: {  	s31 =	sadd.s32 $0xFFFFFFFC, s30;
	v20 =	vbroadcast v16, $0xB  }
0x281: {  	v52 =	vadd.s32 s31, v2  }
0x282: {  	v20 =	vor.u32 v0, v20  }
0x283: {  	v53 =	vmin.f32 v19, v18;
	v18 =	vmax.f32 v19, v18  }
0x284: {  	v18 =	vsel vm0, v53, v18  }
0x285: {  	[tilespmem:v21+s25+$0x0] =	vst.idx.msk $0xffff, v18  }
0x286: {  	v18 =	vld.idx.msk [tilespmem:v52+s29+$0x0], $0xffff  }
0x287: {  	v19 =	vld.idx.msk [tilespmem:v20+s25+$0x0], $0xffff  }
0x288: {  	v54 =	vbroadcast v17, $0xB;
	_ =	sdelay $0x1  }
0x289: {  	v21 =	vor.u32 v0, v54;
	_ =	sdelay $0x1  }
0x28a: {  	v22 =	vmin.f32 v19, v18;
	v19 =	vmax.f32 v19, v18  }
0x28b: {  	v19 =	vsel vm0, v22, v19  }
0x28c: {  	[tilespmem:v20+s25+$0x0] =	vst.idx.msk $0xffff, v19  }
0x28d: {  	v19 =	vld.idx.msk [tilespmem:v21+s25+$0x0], $0xffff;
	_ =	sdelay $0x1  }
0x28e: {  	s31 =	sadd.s32 $0xFFFFFFFD, s30;
	v20 =	vbroadcast v16, $0xC  }
0x28f: {  	v55 =	vadd.s32 s31, v2  }
0x290: {  	v20 =	vor.u32 v0, v20  }
0x291: {  	v56 =	vmin.f32 v19, v18;
	v18 =	vmax.f32 v19, v18  }
0x292: {  	v18 =	vsel vm0, v56, v18  }
0x293: {  	[tilespmem:v21+s25+$0x0] =	vst.idx.msk $0xffff, v18  }
0x294: {  	v18 =	vld.idx.msk [tilespmem:v55+s29+$0x0], $0xffff  }
0x295: {  	v19 =	vld.idx.msk [tilespmem:v20+s25+$0x0], $0xffff  }
0x296: {  	v57 =	vbroadcast v17, $0xC;
	_ =	sdelay $0x1  }
0x297: {  	v21 =	vor.u32 v0, v57;
	_ =	sdelay $0x1  }
0x298: {  	v22 =	vmin.f32 v19, v18;
	v19 =	vmax.f32 v19, v18  }
0x299: {  	v19 =	vsel vm0, v22, v19  }
0x29a: {  	[tilespmem:v20+s25+$0x0] =	vst.idx.msk $0xffff, v19  }
0x29b: {  	v19 =	vld.idx.msk [tilespmem:v21+s25+$0x0], $0xffff;
	_ =	sdelay $0x1  }
0x29c: {  	s31 =	sadd.s32 $0xFFFFFFFE, s30;
	v20 =	vbroadcast v16, $0xD  }
0x29d: {  	v58 =	vadd.s32 s31, v2  }
0x29e: {  	v20 =	vor.u32 v0, v20  }
0x29f: {  	v59 =	vmin.f32 v19, v18;
	v18 =	vmax.f32 v19, v18  }
0x2a0: {  	v18 =	vsel vm0, v59, v18  }
0x2a1: {  	[tilespmem:v21+s25+$0x0] =	vst.idx.msk $0xffff, v18  }
0x2a2: {  	v18 =	vld.idx.msk [tilespmem:v58+s29+$0x0], $0xffff  }
0x2a3: {  	v19 =	vld.idx.msk [tilespmem:v20+s25+$0x0], $0xffff  }
0x2a4: {  	v60 =	vbroadcast v17, $0xD;
	_ =	sdelay $0x1  }
0x2a5: {  	v21 =	vor.u32 v0, v60;
	_ =	sdelay $0x1  }
0x2a6: {  	v22 =	vmin.f32 v19, v18;
	v19 =	vmax.f32 v19, v18  }
0x2a7: {  	v19 =	vsel vm0, v22, v19  }
0x2a8: {  	[tilespmem:v20+s25+$0x0] =	vst.idx.msk $0xffff, v19  }
0x2a9: {  	v19 =	vld.idx.msk [tilespmem:v21+s25+$0x0], $0xffff;
	_ =	sdelay $0x1  }
0x2aa: {  	s31 =	sadd.s32 $0xFFFFFFFF, s30;
	v20 =	vbroadcast v16, $0xE  }
0x2ab: {  	v61 =	vadd.s32 s31, v2  }
0x2ac: {  	v20 =	vor.u32 v0, v20  }
0x2ad: {  	(v2sf) =	vpush v16, $0xF;
	v62 =	vmin.f32 v19, v18;
	v18 =	vmax.f32 v19, v18  }
0x2ae: {  	v16 =	vsel vm0, v62, v18  }
0x2af: {  	[tilespmem:v21+s25+$0x0] =	vst.idx.msk $0xffff, v16  }
0x2b0: {  	v16 =	vld.idx.msk [tilespmem:v61+s29+$0x0], $0xffff  }
0x2b1: {  	v18 =	vld.idx.msk [tilespmem:v20+s25+$0x0], $0xffff  }
0x2b2: {  	v19 =	vbroadcast v17, $0xE;
	_ =	sdelay $0x1  }
0x2b3: {  	v19 =	vor.u32 v0, v19  }
0x2b4: {  	(v2sf) =	vpush v17, $0xF  }
0x2b5: {  	v17 =	vmin.f32 v18, v16;
	v18 =	vmax.f32 v18, v16  }
0x2b6: {  	v17 =	vsel vm0, v17, v18  }
0x2b7: {  	[tilespmem:v20+s25+$0x0] =	vst.idx.msk $0xffff, v17  }
0x2b8: {  	v17 =	vld.idx.msk [tilespmem:v19+s25+$0x0], $0xffff;
	_ =	sdelay $0x2  }
0x2b9: {  	s31 =	spop (v2sf);
	v18 =	vadd.s32 s30, v2  }
0x2ba: {  	v20 =	vor.u32 s31, v0  }
0x2bb: {  	v63 =	vmin.f32 v17, v16;
	v16 =	vmax.f32 v17, v16  }
0x2bc: {  	v16 =	vsel vm0, v63, v16  }
0x2bd: {  	[tilespmem:v19+s25+$0x0] =	vst.idx.msk $0xffff, v16  }
0x2be: {  	v16 =	vld.idx.msk [tilespmem:v18+s29+$0x0], $0xffff  }
0x2bf: {  	v17 =	vld.idx.msk [tilespmem:v20+s25+$0x0], $0xffff;
	_ =	sdelay $0x1  }
0x2c0: {  	s31 =	spop (v2sf)  }
0x2c1: {  	v18 =	vor.u32 s31, v0;
	_ =	sdelay $0x1  }
0x2c2: {  	v19 =	vmin.f32 v17, v16;
	v17 =	vmax.f32 v17, v16  }
0x2c3: {  	v17 =	vsel vm0, v19, v17  }
0x2c4: {  	[tilespmem:v20+s25+$0x0] =	vst.idx.msk $0xffff, v17  }
0x2c5: {  	v17 =	vld.idx.msk [tilespmem:v18+s25+$0x0], $0xffff;
	_ =	sdelay $0x1  }
0x2c6: {  	p1 =	sne.s32 s30, $0x63F  }
.Ltmp7:
0x2c7: {  	_ = 	snop;
	(pc) =	sbr.rel @p1 .LBB2_12-.Ltmp7, $4  }
0x2c8: {  	_ = 	snop  }
0x2c9: {  	v19 =	vmin.f32 v17, v16;
	v16 =	vmax.f32 v17, v16  }
0x2ca: {  	v16 =	vsel vm0, v19, v16  }
0x2cb: {  	s30 =	sadd.s32 $0x10, s30;
	v19 =	vimm.f32 $0.0e+00;
	[tilespmem:v18+s25+$0x0] =	vst.idx.msk $0xffff, v16  }
0x2cc: {  	v17 =	vor.u32 s29, v0;
	_ =	sdelay $0x4  }
0x2cd: {  	v21 =	vld.idx.msk [tilespmem:v17+s25+$0x0], $0xffff;
	_ =	sdelay $0x1  }
0x2ce: {  	s30 =	simm.s32 $0x10;
	v20 =	vmov v17  }
0x2cf: {  	s31 =	simm.s32 $0x20;
	v16 =	vimm.f32 $0.0e+00;
	v18 =	vor.u32 s30, v0  }
.LBB2_14:
0x2d0: {  	p1 =	sne.s32 s31, $0x630  }
0x2d1: {  	vm9 =	vclass.f32 v21, $0xFC  }
0x2d2: {  	v21 =	vnsel vm9, $0x3F800000, v21  }
0x2d3: {  	v16 =	vadd.f32 v21, v16;
	[tilespmem:v20+s25+$0x0] =	vst.idx.msk $0xffff, v21;
	v20 =	vmov v18  }
.Ltmp8:
0x2d4: {  	v21 =	vld.idx.msk [tilespmem:v18+s25+$0x0], $0xffff;
	(pc) =	sbr.rel @p1 .LBB2_14-.Ltmp8, $2  }
0x2d5: {  	_ =	sdelay $0x2  }
0x2d6: {  	v18 =	vor.u32 s31, v0;
	s31 =	sadd.s32 $0x10, s31  }
0x2d7: {  	_ =	sdelay $0x1  }
0x2d8: {  	vm9 =	vclass.f32 v21, $0xFC  }
0x2d9: {  	v21 =	vnsel vm9, $0x3F800000, v21  }
0x2da: {  	[tilespmem:v20+s25+$0x0] =	vst.idx.msk $0xffff, v21  }
0x2db: {  	v20 =	vld.idx.msk [tilespmem:v18+s25+$0x0], $0xffff;
	_ =	sdelay $0x4  }
0x2dc: {  	vm9 =	vclass.f32 v20, $0xFC  }
0x2dd: {  	v20 =	vnsel vm9, $0x3F800000, v20  }
0x2de: {  	[tilespmem:v18+s25+$0x0] =	vst.idx.msk $0xffff, v20  }
0x2df: {  	v22 =	vadd.s32 s29, v11;
	v23 =	vld.idx.msk [tilespmem:v17+s23+$0x0], $0xffff  }
0x2e0: {  	v24 =	vadd.s32 s29, v7;
	v25 =	vld.idx.msk [tilespmem:v17+s24+$0x0], $0xffff  }
0x2e1: {  	v26 =	vadd.s32 s29, v8  }
0x2e2: {  	v27 =	vadd.s32 s29, v9  }
0x2e3: {  	v30 =	vadd.s32 s29, v10;
	v18 =	vld.idx.msk [tilespmem:v17+s1+$0x0], $0xffff  }
0x2e4: {  	v17 =	vld.idx.msk [tilespmem:v22+s1+$0x0], $0xffff;
	v22 =	vadd.s32 s29, v6;
	v28 =	vshll.u32 v23, $0x4  }
0x2e5: {  	v32 =	vld.idx.msk [tilespmem:v24+s1+$0x0], $0xffff;
	v29 =	vshll.u32 v25, $0x4;
	v24 =	vor.u32 $0x7, v28  }
0x2e6: {  	v31 =	vld.idx.msk [tilespmem:v26+s1+$0x0], $0xffff;
	v25 =	vor.u32 $0x7, v29  }
0x2e7: {  	v27 =	vld.idx.msk [tilespmem:v27+s1+$0x0], $0xffff;
	v26 =	vor.u32 $0x1, v28  }
0x2e8: {  	v23 =	vld.idx.msk [tilespmem:v30+s1+$0x0], $0xffff;
	v33 =	vor.u32 $0x1, v29  }
0x2e9: {  	v22 =	vld.idx.msk [tilespmem:v22+s1+$0x0], $0xffff;
	v30 =	vor.u32 $0x2, v28  }
0x2ea: {  	v34 =	vadd.s32 s29, v12;
	v24 =	vld.idx.msk [tilespmem:v24+s25+$0x0], $0xffff  }
0x2eb: {  	v36 =	vor.u32 $0x2, v29;
	v37 =	vld.idx.msk [tilespmem:v25+s25+$0x0], $0xffff  }
0x2ec: {  	v16 =	vadd.f32 v21, v16;
	v21 =	vor.u32 $0x3, v28;
	v26 =	vld.idx.msk [tilespmem:v26+s25+$0x0], $0xffff  }
0x2ed: {  	v39 =	vor.u32 $0x3, v29;
	v40 =	vld.idx.msk [tilespmem:v33+s25+$0x0], $0xffff  }
0x2ee: {  	v42 =	vor.u32 s30, v0;
	v16 =	vadd.f32 v20, v16;
	v45 =	vor.u32 $0x5, v28;
	v30 =	vld.idx.msk [tilespmem:v30+s25+$0x0], $0xffff  }
0x2ef: {  	v20 =	vor.u32 $0x4, v28;
	v44 =	vor.u32 $0x4, v29;
	v38 =	vor.u32 $0x5, v29;
	v25 =	vld.idx.msk [tilespmem:v34+s1+$0x0], $0xffff  }
0x2f0: {  	v35 =	vor.u32 $0x6, v28;
	v34 =	vor.u32 $0x6, v29;
	v43 =	vld.idx.msk [tilespmem:v36+s25+$0x0], $0xffff;
	v33 =	vadd.s32 s30, v11  }
0x2f1: {  	v41 =	vld.idx.msk [tilespmem:v21+s25+$0x0], $0xffff;
	v21 =	vimm.f32 $0.0e+00;
	vm9 =	vgt.f32 v22, v24;
	vm10 =	vgt.f32 v22, v37  }
0x2f2: {  	v39 =	vld.idx.msk [tilespmem:v39+s25+$0x0], $0xffff;
	vm11 =	vgt.f32 v17, v26;
	v26 =	vimm.f32 $0.0e+00;
	v24 =	vimm.f32 $0.0e+00  }
0x2f3: {  	v36 =	vld.idx.msk [tilespmem:v45+s25+$0x0], $0xffff;
	v22 =	vimm.f32 $0.0e+00;
	vm9 =	vmand vm9, vm10;
	vm10 =	vgt.f32 v17, v40  }
0x2f4: {  	v37 =	vld.idx.msk [tilespmem:v20+s25+$0x0], $0xffff;
	v20 =	vimm.f32 $0.0e+00;
	v17 =	vsel vm9, $0x3F800000, v3;
	vm10 =	vmand vm11, vm10  }
0x2f5: {  	s29 =	simm.s32 $0x20;
	v40 =	vld.idx.msk [tilespmem:v44+s25+$0x0], $0xffff;
	vm9 =	vgt.f32 v32, v30;
	v30 =	vimm.f32 $0.0e+00;
	v17 =	vmax.f32 v19, v17  }
.LBB2_16:
0x2f6: {  	p1 =	sne.s32 s29, $0x630;
	v44 =	vadd.s32 s30, v7;
	v45 =	vsel vm10, $0x3F800000, v3;
	vm10 =	vgt.f32 v32, v43;
	v32 =	vld.idx.msk [tilespmem:v38+s25+$0x0], $0xffff  }
0x2f7: {  	v19 =	vmax.f32 v19, v45;
	vm9 =	vmand vm9, vm10;
	vm10 =	vgt.f32 v31, v41;
	v35 =	vld.idx.msk [tilespmem:v35+s25+$0x0], $0xffff  }
0x2f8: {  	v38 =	vadd.s32 s30, v8;
	v41 =	vsel vm9, $0x3F800000, v3;
	vm9 =	vgt.f32 v31, v39;
	v31 =	vld.idx.msk [tilespmem:v34+s25+$0x0], $0xffff  }
0x2f9: {  	v34 =	vld.idx.msk [tilespmem:v42+s23+$0x0], $0xffff;
	v30 =	vmax.f32 v30, v41;
	vm9 =	vmand vm10, vm9;
	vm10 =	vgt.f32 v27, v37  }
0x2fa: {  	v39 =	vadd.s32 s30, v9;
	v37 =	vld.idx.msk [tilespmem:v42+s24+$0x0], $0xffff;
	v41 =	vsel vm9, $0x3F800000, v3;
	vm9 =	vgt.f32 v27, v40  }
0x2fb: {  	v40 =	vld.idx.msk [tilespmem:v28+s25+$0x0], $0xffff;
	v26 =	vmax.f32 v26, v41;
	vm9 =	vmand vm10, vm9;
	vm10 =	vgt.f32 v23, v36  }
0x2fc: {  	v36 =	vadd.s32 s30, v10;
	v41 =	vld.idx.msk [tilespmem:v29+s25+$0x0], $0xffff;
	v27 =	vsel vm9, $0x3F800000, v3;
	vm9 =	vgt.f32 v23, v32  }
0x2fd: {  	v42 =	vld.idx.msk [tilespmem:v42+s1+$0x0], $0xffff;
	v24 =	vmax.f32 v24, v27;
	vm9 =	vmand vm10, vm9;
	vm10 =	vgt.f32 v25, v35  }
0x2fe: {  	v45 =	vld.idx.msk [tilespmem:v33+s1+$0x0], $0xffff;
	v33 =	vadd.s32 s30, v12;
	v43 =	vsel vm9, $0x3F800000, v3;
	vm9 =	vgt.f32 v25, v31  }
0x2ff: {  	v28 =	vshll.u32 v34, $0x4;
	v32 =	vld.idx.msk [tilespmem:v44+s1+$0x0], $0xffff;
	v44 =	vadd.s32 s30, v6;
	vm9 =	vmand vm10, vm9;
	s30 =	smov.u32 s29  }
0x300: {  	v29 =	vshll.u32 v37, $0x4;
	v37 =	vor.u32 $0x1, v28;
	v46 =	vor.u32 $0x7, v28;
	v31 =	vld.idx.msk [tilespmem:v38+s1+$0x0], $0xffff  }
0x301: {  	v48 =	vor.u32 $0x2, v28;
	v47 =	vor.u32 $0x1, v29;
	v27 =	vld.idx.msk [tilespmem:v39+s1+$0x0], $0xffff;
	v39 =	vor.u32 $0x7, v29  }
0x302: {  	v50 =	vor.u32 $0x3, v28;
	v49 =	vor.u32 $0x2, v29;
	v51 =	vor.u32 $0x3, v29;
	v23 =	vld.idx.msk [tilespmem:v36+s1+$0x0], $0xffff  }
0x303: {  	v53 =	vor.u32 $0x5, v28;
	v52 =	vor.u32 $0x4, v29;
	v36 =	vor.u32 $0x4, v28;
	v25 =	vld.idx.msk [tilespmem:v33+s1+$0x0], $0xffff  }
0x304: {  	v35 =	vor.u32 $0x6, v28;
	v38 =	vor.u32 $0x5, v29;
	v34 =	vor.u32 $0x6, v29;
	v33 =	vld.idx.msk [tilespmem:v44+s1+$0x0], $0xffff  }
0x305: {  	vm10 =	vgt.f32 v18, v40;
	v40 =	vsel vm9, $0x3F800000, v3;
	vm11 =	vgt.f32 v18, v41;
	v18 =	vmovc v42;
	v44 =	vld.idx.msk [tilespmem:v46+s25+$0x0], $0xffff  }
0x306: {  	v21 =	vmax.f32 v21, v43;
	v22 =	vmax.f32 v22, v40;
	vm9 =	vmand vm10, vm11;
	v42 =	vld.idx.msk [tilespmem:v39+s25+$0x0], $0xffff  }
0x307: {  	v39 =	vsel vm9, $0x3F800000, v3;
	v37 =	vld.idx.msk [tilespmem:v37+s25+$0x0], $0xffff  }
0x308: {  	v20 =	vmax.f32 v20, v39;
	v40 =	vld.idx.msk [tilespmem:v47+s25+$0x0], $0xffff  }
0x309: {  	v46 =	vld.idx.msk [tilespmem:v48+s25+$0x0], $0xffff  }
0x30a: {  	v43 =	vld.idx.msk [tilespmem:v49+s25+$0x0], $0xffff  }
.Ltmp9:
0x30b: {  	v41 =	vld.idx.msk [tilespmem:v50+s25+$0x0], $0xffff;
	(pc) =	sbr.rel @p1 .LBB2_16-.Ltmp9, $4  }
0x30c: {  	vm9 =	vgt.f32 v33, v44;
	vm10 =	vgt.f32 v33, v42;
	v39 =	vld.idx.msk [tilespmem:v51+s25+$0x0], $0xffff  }
0x30d: {  	v33 =	vadd.s32 s29, v11;
	vm11 =	vgt.f32 v45, v37;
	vm9 =	vmand vm9, vm10;
	v37 =	vld.idx.msk [tilespmem:v36+s25+$0x0], $0xffff  }
0x30e: {  	v42 =	vor.u32 s29, v0;
	vm10 =	vgt.f32 v45, v40;
	v44 =	vsel vm9, $0x3F800000, v3;
	v40 =	vld.idx.msk [tilespmem:v52+s25+$0x0], $0xffff  }
0x30f: {  	s29 =	sadd.s32 $0x10, s29;
	vm10 =	vmand vm11, vm10;
	vm9 =	vgt.f32 v32, v46;
	v17 =	vmax.f32 v17, v44;
	v36 =	vld.idx.msk [tilespmem:v53+s25+$0x0], $0xffff  }
0x310: {  	_ =	sdelay $0x3  }
0x311: {  	v38 =	vld.idx.msk [tilespmem:v38+s25+$0x0], $0xffff  }
0x312: {  	v35 =	vld.idx.msk [tilespmem:v35+s25+$0x0], $0xffff  }
0x313: {  	v34 =	vld.idx.msk [tilespmem:v34+s25+$0x0], $0xffff  }
0x314: {  	v44 =	vld.idx.msk [tilespmem:v42+s23+$0x0], $0xffff  }
0x315: {  	v45 =	vadd.s32 s30, v7;
	v46 =	vld.idx.msk [tilespmem:v42+s24+$0x0], $0xffff  }
0x316: {  	v47 =	vadd.s32 s30, v8;
	v28 =	vld.idx.msk [tilespmem:v28+s25+$0x0], $0xffff  }
0x317: {  	v48 =	vadd.s32 s30, v9;
	v29 =	vld.idx.msk [tilespmem:v29+s25+$0x0], $0xffff  }
0x318: {  	v49 =	vadd.s32 s30, v10;
	v42 =	vld.idx.msk [tilespmem:v42+s1+$0x0], $0xffff;
	v50 =	vsel vm10, $0x3F800000, v3;
	vm10 =	vgt.f32 v32, v43  }
0x319: {  	v33 =	vld.idx.msk [tilespmem:v33+s1+$0x0], $0xffff;
	v51 =	vadd.s32 s30, v12;
	vm9 =	vmand vm9, vm10  }
0x31a: {  	v59 =	vadd.s32 s30, v6;
	vm10 =	vgt.f32 v31, v41;
	v62 =	vsel vm9, $0x3F800000, v3;
	v43 =	vld.idx.msk [tilespmem:v45+s1+$0x0], $0xffff  }
0x31b: {  	vm9 =	vgt.f32 v31, v39;
	v32 =	vshll.u32 v44, $0x4;
	v45 =	vld.idx.msk [tilespmem:v47+s1+$0x0], $0xffff;
	v41 =	vshll.u32 v46, $0x4  }
0x31c: {  	v19 =	vmax.f32 v19, v50;
	vm9 =	vmand vm10, vm9;
	v48 =	vld.idx.msk [tilespmem:v48+s1+$0x0], $0xffff;
	v60 =	vor.u32 $0x7, v32  }
0x31d: {  	vm10 =	vgt.f32 v27, v37;
	vm11 =	vgt.f32 v27, v40;
	v39 =	vld.idx.msk [tilespmem:v49+s1+$0x0], $0xffff;
	v61 =	vor.u32 $0x1, v32  }
0x31e: {  	v56 =	vsel vm9, $0x3F800000, v3;
	vm9 =	vmand vm10, vm11;
	v50 =	vld.idx.msk [tilespmem:v51+s1+$0x0], $0xffff;
	v63 =	vor.u32 $0x1, v41  }
0x31f: {  	v37 =	vld.idx.msk [tilespmem:v59+s1+$0x0], $0xffff;
	v58 =	vsel vm9, $0x3F800000, v3;
	vm9 =	vgt.f32 v23, v36;
	v54 =	vor.u32 $0x2, v32  }
0x320: {  	vm10 =	vgt.f32 v23, v38;
	v55 =	vor.u32 $0x2, v41;
	v23 =	vmax.f32 v24, v58;
	v58 =	vld.idx.msk [tilespmem:v41+s25+$0x0], $0xffff  }
0x321: {  	v57 =	vor.u32 $0x3, v32;
	v47 =	vld.idx.msk [tilespmem:v60+s25+$0x0], $0xffff  }
0x322: {  	v30 =	vmax.f32 v30, v62;
	v59 =	vor.u32 $0x3, v41;
	v46 =	vld.idx.msk [tilespmem:v61+s25+$0x0], $0xffff  }
0x323: {  	v26 =	vmax.f32 v26, v56;
	vm11 =	vgt.f32 v25, v34;
	vm9 =	vmand vm9, vm10;
	v24 =	vld.idx.msk [tilespmem:v63+s25+$0x0], $0xffff  }
0x324: {  	vm10 =	vgt.f32 v25, v35;
	v35 =	vor.u32 $0x7, v41;
	v25 =	vld.idx.msk [tilespmem:v54+s25+$0x0], $0xffff;
	v61 =	vor.u32 $0x4, v32  }
0x325: {  	v62 =	vor.u32 $0x4, v41;
	v44 =	vor.u32 $0x5, v41;
	v49 =	vor.u32 $0x6, v32;
	v27 =	vld.idx.msk [tilespmem:v55+s25+$0x0], $0xffff  }
0x326: {  	v52 =	vor.u32 $0x6, v41;
	v60 =	vsel vm9, $0x3F800000, v3;
	v63 =	vor.u32 $0x5, v32;
	v40 =	vld.idx.msk [tilespmem:v57+s25+$0x0], $0xffff  }
0x327: {  	vm9 =	vmand vm10, vm11;
	v51 =	vld.idx.msk [tilespmem:v59+s25+$0x0], $0xffff;
	vm10 =	vgt.f32 v18, v28;
	vm11 =	vgt.f32 v18, v29  }
0x328: {  	v57 =	vld.idx.msk [tilespmem:v32+s25+$0x0], $0xffff;
	v56 =	vsel vm9, $0x3F800000, v3;
	vm9 =	vmand vm10, vm11;
	v21 =	vmax.f32 v21, v60  }
0x329: {  	v59 =	vsel vm9, $0x3F800000, v3;
	vm9 =	vgt.f32 v33, v46;
	v60 =	vld.idx.msk [tilespmem:v61+s25+$0x0], $0xffff;
	vm10 =	vgt.f32 v33, v24  }
0x32a: {  	v61 =	vld.idx.msk [tilespmem:v62+s25+$0x0], $0xffff;
	vm11 =	vgt.f32 v43, v27;
	vm9 =	vmand vm9, vm10;
	vm10 =	vgt.f32 v43, v25  }
0x32b: {  	v18 =	vmax.f32 v22, v56;
	v62 =	vld.idx.msk [tilespmem:v63+s25+$0x0], $0xffff;
	v63 =	vsel vm9, $0x3F800000, v3;
	vm9 =	vmand vm10, vm11  }
0x32c: {  	v36 =	vld.idx.msk [tilespmem:v44+s25+$0x0], $0xffff;
	vm10 =	vgt.f32 v45, v40;
	v38 =	vsel vm9, $0x3F800000, v3;
	vm9 =	vgt.f32 v45, v51  }
0x32d: {  	v40 =	vld.idx.msk [tilespmem:v49+s25+$0x0], $0xffff;
	vm11 =	vgt.f32 v42, v58;
	vm9 =	vmand vm10, vm9;
	vm10 =	vgt.f32 v42, v57  }
0x32e: {  	v20 =	vmax.f32 v20, v59;
	v19 =	vmax.f32 v19, v63;
	v42 =	vld.idx.msk [tilespmem:v52+s25+$0x0], $0xffff;
	vm10 =	vmand vm10, vm11  }
0x32f: {  	v43 =	vld.idx.msk [tilespmem:v35+s25+$0x0], $0xffff;
	vm11 =	vgt.f32 v48, v60;
	v44 =	vsel vm10, $0x3F800000, v3;
	vm10 =	vgt.f32 v48, v61  }
0x330: {  	v46 =	vmax.f32 v30, v38;
	vm10 =	vmand vm11, vm10;
	v20 =	vmax.f32 v20, v44  }
0x331: {  	vm11 =	vgt.f32 v39, v62;
	v45 =	vsel vm10, $0x3F800000, v3;
	vm10 =	vgt.f32 v39, v36  }
0x332: {  	v41 =	vsel vm9, $0x3F800000, v3;
	vm9 =	vgt.f32 v37, v47;
	(xrf0) =	vmax.scan.msk.f32 $0xffff, v20;
	vm10 =	vmand vm11, vm10  }
0x333: {  	(xrf0) =	vmax.scan.msk.f32 $0xffff, v19;
	vm11 =	vgt.f32 v50, v40;
	v47 =	vsel vm10, $0x3F800000, v3;
	vm10 =	vgt.f32 v50, v42  }
0x334: {  	v22 =	vmax.f32 v26, v41;
	(xrf0) =	vmax.scan.msk.f32 $0xffff, v46;
	vm10 =	vmand vm11, vm10;
	vm11 =	vgt.f32 v37, v43  }
0x335: {  	v48 =	vmax.f32 v23, v45;
	(xrf0) =	vmax.scan.msk.f32 $0xffff, v22;
	vm9 =	vmand vm9, vm11  }
0x336: {  	v19 =	vmax.f32 v21, v47;
	v49 =	vsel vm10, $0x3F800000, v3;
	(xrf0) =	vmax.scan.msk.f32 $0xffff, v48;
	v50 =	vsel vm9, $0x3F800000, v3  }
0x337: {  	v18 =	vmax.f32 v18, v49;
	(xrf0) =	vmax.scan.msk.f32 $0xffff, v19;
	v17 =	vmax.f32 v17, v50  }
0x338: {  	v51, _, _ =	vpop (xrf0);
	(xrf0) =	vmax.scan.msk.f32 $0xffff, v18  }
0x339: {  	v52 =	vbroadcast v51, $0xF;
	v53, _, _ =	vpop (xrf0);
	(xrf0) =	vmax.scan.msk.f32 $0xffff, v17  }
0x33a: {  	v19 =	vbroadcast v53, $0xF;
	v17, _, _ =	vpop (xrf0)  }
0x33b: {  	v18 =	vnsel vm8, $0x0, v52;
	v54, _, _ =	vpop (xrf0);
	v17 =	vbroadcast v17, $0xF  }
0x33c: {  	v18 =	vsel vm1, v18, v19;
	v55, _, _ =	vpop (xrf0);
	v56 =	vbroadcast v54, $0xF  }
0x33d: {  	v57, _, _ =	vpop (xrf0);
	v17 =	vsel vm2, v18, v17;
	v58 =	vbroadcast v55, $0xF  }
0x33e: {  	v59, _, _ =	vpop (xrf0);
	v17 =	vsel vm3, v17, v56;
	v60 =	vbroadcast v57, $0xF  }
0x33f: {  	v17 =	vsel vm4, v17, v58;
	v61 =	vbroadcast v59, $0xF;
	v62, _, _ =	vpop (xrf0)  }
0x340: {  	v16 =	vmul.f32 v16, v4;
	v17 =	vsel vm5, v17, v60;
	v63 =	vbroadcast v62, $0xF  }
0x341: {  	v17 =	vsel vm6, v17, v61  }
0x342: {  	[tilespmem:v5+s26+$0x0] =	vst.idx.msk $0xffff, v16;
	v17 =	vsel vm7, v17, v63  }
0x343: {  	[tilespmem:v13+s26+$0x0] =	vst.idx.msk $0xffff, v17  }
0x344: {  	[tilespmem:v14+s26+$0x0] =	vst.idx.msk $0xffff, v3  }
0x345: {  	s29 =	simm.s32 $0x0;
	[tilespmem:v15+s26+$0x0] =	vst.idx.msk $0xffff, v3  }
0x346: {  	[hbm4b:s10+s29] =	stream.linear.scatter [tilespmem:s26], [sflag:$0x1], $0x80, $0x38;
	[tilespmem:$0x4600] =	vst v63  }
0x347: {  	_ =	swait.ge [sflag:s22], $0x80  }
0x348: {  	[sflag:s22] =	ssyncset.done $0x0  }
0x349: {  	[sflag:s22] =	ssyncadd.s32 $0xFFFFFF80  }
0x34a: {  	[tilespmem:s29], [sflag:$0x1] =	stream.strided.gather [hbm4b:s11+s20], $0x3200, s21, s20, $0x38;
	[tilespmem:$0x4600] =	vst v63  }
0x34b: {  	_ =	swait.ge [sflag:s22], $0x3200  }
0x34c: {  	[sflag:s22] =	ssyncset.done $0x0  }
0x34d: {  	[sflag:s22] =	ssyncadd.s32 $0xFFFFCE00  }
0x34e: {  	[tilespmem:s23], [sflag:$0x1] =	stream.strided.gather [hbm4b:s12+s20], $0x680, s21, s20, $0x38;
	[tilespmem:$0x4600] =	vst v63  }
0x34f: {  	_ =	swait.ge [sflag:s22], $0x680  }
0x350: {  	[sflag:s22] =	ssyncset.done $0x0  }
0x351: {  	[sflag:s22] =	ssyncadd.s32 $0xFFFFF980  }
0x352: {  	[tilespmem:s24], [sflag:$0x1] =	stream.strided.gather [hbm4b:s13+s20], $0x680, s21, s20, $0x38;
	[tilespmem:$0x4600] =	vst v63  }
0x353: {  	_ =	swait.ge [sflag:s22], $0x680  }
0x354: {  	[sflag:s22] =	ssyncset.done $0x0  }
0x355: {  	[sflag:s22] =	ssyncadd.s32 $0xFFFFF980  }
.LBB2_18:
0x356: {  	v16 =	vor.u32 s29, v0;
	p1 =	sne.s32 s29, $0x630  }
.Ltmp10:
0x357: {  	_ = 	snop;
	(pc) =	sbr.rel @p1 .LBB2_18-.Ltmp10, $2  }
0x358: {  	_ =	sdelay $0x2  }
0x359: {  	s29 =	sadd.s32 $0x10, s29;
	[tilespmem:v16+s25+$0x0] =	vst.idx.msk $0xffff, v1  }
0x35a: {  	s30 =	simm.s32 $0xF  }
.LBB2_20:
0x35b: {  	s29 =	sadd.s32 $0xFFFFFFF1, s30  }
0x35c: {  	v17 =	vor.u32 s29, v0;
	_ =	sdelay $0x4  }
0x35d: {  	v16 =	vld.idx.msk [tilespmem:v17+s23+$0x0], $0xffff;
	_ =	sdelay $0x4  }
0x35e: {  	v16 =	vshll.u32 v16, $0x4  }
0x35f: {  	v18 =	vbroadcast v16, $0x0  }
0x360: {  	v19 =	vadd.s32 s29, v2  }
0x361: {  	v17 =	vld.idx.msk [tilespmem:v17+s24+$0x0], $0xffff;
	v18 =	vor.u32 v0, v18;
	_ =	sdelay $0x2  }
0x362: {  	s29 =	simm.s32 $0x0  }
0x363: {  	v19 =	vld.idx.msk [tilespmem:v19+s29+$0x0], $0xffff  }
0x364: {  	v17 =	vshll.u32 v17, $0x4;
	v20 =	vld.idx.msk [tilespmem:v18+s25+$0x0], $0xffff  }
0x365: {  	v21 =	vbroadcast v17, $0x0;
	_ =	sdelay $0x1  }
0x366: {  	v21 =	vor.u32 v0, v21;
	_ =	sdelay $0x1  }
0x367: {  	v22 =	vmin.f32 v20, v19;
	v20 =	vmax.f32 v20, v19  }
0x368: {  	v20 =	vsel vm0, v22, v20  }
0x369: {  	[tilespmem:v18+s25+$0x0] =	vst.idx.msk $0xffff, v20  }
0x36a: {  	v18 =	vld.idx.msk [tilespmem:v21+s25+$0x0], $0xffff;
	_ =	sdelay $0x1  }
0x36b: {  	s31 =	sadd.s32 $0xFFFFFFF2, s30;
	v20 =	vbroadcast v16, $0x1  }
0x36c: {  	v63 =	vadd.s32 s31, v2  }
0x36d: {  	v20 =	vor.u32 v0, v20  }
0x36e: {  	v23 =	vmin.f32 v18, v19;
	v18 =	vmax.f32 v18, v19  }
0x36f: {  	v18 =	vsel vm0, v23, v18  }
0x370: {  	[tilespmem:v21+s25+$0x0] =	vst.idx.msk $0xffff, v18  }
0x371: {  	v18 =	vld.idx.msk [tilespmem:v63+s29+$0x0], $0xffff  }
0x372: {  	v19 =	vld.idx.msk [tilespmem:v20+s25+$0x0], $0xffff  }
0x373: {  	v24 =	vbroadcast v17, $0x1;
	_ =	sdelay $0x1  }
0x374: {  	v21 =	vor.u32 v0, v24;
	_ =	sdelay $0x1  }
0x375: {  	v22 =	vmin.f32 v19, v18;
	v19 =	vmax.f32 v19, v18  }
0x376: {  	v19 =	vsel vm0, v22, v19  }
0x377: {  	[tilespmem:v20+s25+$0x0] =	vst.idx.msk $0xffff, v19  }
0x378: {  	v19 =	vld.idx.msk [tilespmem:v21+s25+$0x0], $0xffff;
	_ =	sdelay $0x1  }
0x379: {  	s31 =	sadd.s32 $0xFFFFFFF3, s30;
	v20 =	vbroadcast v16, $0x2  }
0x37a: {  	v25 =	vadd.s32 s31, v2  }
0x37b: {  	v20 =	vor.u32 v0, v20  }
0x37c: {  	v26 =	vmin.f32 v19, v18;
	v18 =	vmax.f32 v19, v18  }
0x37d: {  	v18 =	vsel vm0, v26, v18  }
0x37e: {  	[tilespmem:v21+s25+$0x0] =	vst.idx.msk $0xffff, v18  }
0x37f: {  	v18 =	vld.idx.msk [tilespmem:v25+s29+$0x0], $0xffff  }
0x380: {  	v19 =	vld.idx.msk [tilespmem:v20+s25+$0x0], $0xffff  }
0x381: {  	v27 =	vbroadcast v17, $0x2;
	_ =	sdelay $0x1  }
0x382: {  	v21 =	vor.u32 v0, v27;
	_ =	sdelay $0x1  }
0x383: {  	v22 =	vmin.f32 v19, v18;
	v19 =	vmax.f32 v19, v18  }
0x384: {  	v19 =	vsel vm0, v22, v19  }
0x385: {  	[tilespmem:v20+s25+$0x0] =	vst.idx.msk $0xffff, v19  }
0x386: {  	v19 =	vld.idx.msk [tilespmem:v21+s25+$0x0], $0xffff;
	_ =	sdelay $0x1  }
0x387: {  	s31 =	sadd.s32 $0xFFFFFFF4, s30;
	v20 =	vbroadcast v16, $0x3  }
0x388: {  	v28 =	vadd.s32 s31, v2  }
0x389: {  	v20 =	vor.u32 v0, v20  }
0x38a: {  	v29 =	vmin.f32 v19, v18;
	v18 =	vmax.f32 v19, v18  }
0x38b: {  	v18 =	vsel vm0, v29, v18  }
0x38c: {  	[tilespmem:v21+s25+$0x0] =	vst.idx.msk $0xffff, v18  }
0x38d: {  	v18 =	vld.idx.msk [tilespmem:v28+s29+$0x0], $0xffff  }
0x38e: {  	v19 =	vld.idx.msk [tilespmem:v20+s25+$0x0], $0xffff  }
0x38f: {  	v30 =	vbroadcast v17, $0x3;
	_ =	sdelay $0x1  }
0x390: {  	v21 =	vor.u32 v0, v30;
	_ =	sdelay $0x1  }
0x391: {  	v22 =	vmin.f32 v19, v18;
	v19 =	vmax.f32 v19, v18  }
0x392: {  	v19 =	vsel vm0, v22, v19  }
0x393: {  	[tilespmem:v20+s25+$0x0] =	vst.idx.msk $0xffff, v19  }
0x394: {  	v19 =	vld.idx.msk [tilespmem:v21+s25+$0x0], $0xffff;
	_ =	sdelay $0x1  }
0x395: {  	s31 =	sadd.s32 $0xFFFFFFF5, s30;
	v20 =	vbroadcast v16, $0x4  }
0x396: {  	v31 =	vadd.s32 s31, v2  }
0x397: {  	v20 =	vor.u32 v0, v20  }
0x398: {  	v32 =	vmin.f32 v19, v18;
	v18 =	vmax.f32 v19, v18  }
0x399: {  	v18 =	vsel vm0, v32, v18  }
0x39a: {  	[tilespmem:v21+s25+$0x0] =	vst.idx.msk $0xffff, v18  }
0x39b: {  	v18 =	vld.idx.msk [tilespmem:v31+s29+$0x0], $0xffff  }
0x39c: {  	v19 =	vld.idx.msk [tilespmem:v20+s25+$0x0], $0xffff  }
0x39d: {  	v33 =	vbroadcast v17, $0x4;
	_ =	sdelay $0x1  }
0x39e: {  	v21 =	vor.u32 v0, v33;
	_ =	sdelay $0x1  }
0x39f: {  	v22 =	vmin.f32 v19, v18;
	v19 =	vmax.f32 v19, v18  }
0x3a0: {  	v19 =	vsel vm0, v22, v19  }
0x3a1: {  	[tilespmem:v20+s25+$0x0] =	vst.idx.msk $0xffff, v19  }
0x3a2: {  	v19 =	vld.idx.msk [tilespmem:v21+s25+$0x0], $0xffff;
	_ =	sdelay $0x1  }
0x3a3: {  	s31 =	sadd.s32 $0xFFFFFFF6, s30;
	v20 =	vbroadcast v16, $0x5  }
0x3a4: {  	v34 =	vadd.s32 s31, v2  }
0x3a5: {  	v20 =	vor.u32 v0, v20  }
0x3a6: {  	v35 =	vmin.f32 v19, v18;
	v18 =	vmax.f32 v19, v18  }
0x3a7: {  	v18 =	vsel vm0, v35, v18  }
0x3a8: {  	[tilespmem:v21+s25+$0x0] =	vst.idx.msk $0xffff, v18  }
0x3a9: {  	v18 =	vld.idx.msk [tilespmem:v34+s29+$0x0], $0xffff  }
0x3aa: {  	v19 =	vld.idx.msk [tilespmem:v20+s25+$0x0], $0xffff  }
0x3ab: {  	v36 =	vbroadcast v17, $0x5;
	_ =	sdelay $0x1  }
0x3ac: {  	v21 =	vor.u32 v0, v36;
	_ =	sdelay $0x1  }
0x3ad: {  	v22 =	vmin.f32 v19, v18;
	v19 =	vmax.f32 v19, v18  }
0x3ae: {  	v19 =	vsel vm0, v22, v19  }
0x3af: {  	[tilespmem:v20+s25+$0x0] =	vst.idx.msk $0xffff, v19  }
0x3b0: {  	v19 =	vld.idx.msk [tilespmem:v21+s25+$0x0], $0xffff;
	_ =	sdelay $0x1  }
0x3b1: {  	s31 =	sadd.s32 $0xFFFFFFF7, s30;
	v20 =	vbroadcast v16, $0x6  }
0x3b2: {  	v37 =	vadd.s32 s31, v2  }
0x3b3: {  	v20 =	vor.u32 v0, v20  }
0x3b4: {  	v38 =	vmin.f32 v19, v18;
	v18 =	vmax.f32 v19, v18  }
0x3b5: {  	v18 =	vsel vm0, v38, v18  }
0x3b6: {  	[tilespmem:v21+s25+$0x0] =	vst.idx.msk $0xffff, v18  }
0x3b7: {  	v18 =	vld.idx.msk [tilespmem:v37+s29+$0x0], $0xffff  }
0x3b8: {  	v19 =	vld.idx.msk [tilespmem:v20+s25+$0x0], $0xffff  }
0x3b9: {  	v39 =	vbroadcast v17, $0x6;
	_ =	sdelay $0x1  }
0x3ba: {  	v21 =	vor.u32 v0, v39;
	_ =	sdelay $0x1  }
0x3bb: {  	v22 =	vmin.f32 v19, v18;
	v19 =	vmax.f32 v19, v18  }
0x3bc: {  	v19 =	vsel vm0, v22, v19  }
0x3bd: {  	[tilespmem:v20+s25+$0x0] =	vst.idx.msk $0xffff, v19  }
0x3be: {  	v19 =	vld.idx.msk [tilespmem:v21+s25+$0x0], $0xffff;
	_ =	sdelay $0x1  }
0x3bf: {  	s31 =	sadd.s32 $0xFFFFFFF8, s30;
	v20 =	vbroadcast v16, $0x7  }
0x3c0: {  	v40 =	vadd.s32 s31, v2  }
0x3c1: {  	v20 =	vor.u32 v0, v20  }
0x3c2: {  	v41 =	vmin.f32 v19, v18;
	v18 =	vmax.f32 v19, v18  }
0x3c3: {  	v18 =	vsel vm0, v41, v18  }
0x3c4: {  	[tilespmem:v21+s25+$0x0] =	vst.idx.msk $0xffff, v18  }
0x3c5: {  	v18 =	vld.idx.msk [tilespmem:v40+s29+$0x0], $0xffff  }
0x3c6: {  	v19 =	vld.idx.msk [tilespmem:v20+s25+$0x0], $0xffff  }
0x3c7: {  	v42 =	vbroadcast v17, $0x7;
	_ =	sdelay $0x1  }
0x3c8: {  	v21 =	vor.u32 v0, v42;
	_ =	sdelay $0x1  }
0x3c9: {  	v22 =	vmin.f32 v19, v18;
	v19 =	vmax.f32 v19, v18  }
0x3ca: {  	v19 =	vsel vm0, v22, v19  }
0x3cb: {  	[tilespmem:v20+s25+$0x0] =	vst.idx.msk $0xffff, v19  }
0x3cc: {  	v19 =	vld.idx.msk [tilespmem:v21+s25+$0x0], $0xffff;
	_ =	sdelay $0x1  }
0x3cd: {  	s31 =	sadd.s32 $0xFFFFFFF9, s30;
	v20 =	vbroadcast v16, $0x8  }
0x3ce: {  	v43 =	vadd.s32 s31, v2  }
0x3cf: {  	v20 =	vor.u32 v0, v20  }
0x3d0: {  	v44 =	vmin.f32 v19, v18;
	v18 =	vmax.f32 v19, v18  }
0x3d1: {  	v18 =	vsel vm0, v44, v18  }
0x3d2: {  	[tilespmem:v21+s25+$0x0] =	vst.idx.msk $0xffff, v18  }
0x3d3: {  	v18 =	vld.idx.msk [tilespmem:v43+s29+$0x0], $0xffff  }
0x3d4: {  	v19 =	vld.idx.msk [tilespmem:v20+s25+$0x0], $0xffff  }
0x3d5: {  	v45 =	vbroadcast v17, $0x8;
	_ =	sdelay $0x1  }
0x3d6: {  	v21 =	vor.u32 v0, v45;
	_ =	sdelay $0x1  }
0x3d7: {  	v22 =	vmin.f32 v19, v18;
	v19 =	vmax.f32 v19, v18  }
0x3d8: {  	v19 =	vsel vm0, v22, v19  }
0x3d9: {  	[tilespmem:v20+s25+$0x0] =	vst.idx.msk $0xffff, v19  }
0x3da: {  	v19 =	vld.idx.msk [tilespmem:v21+s25+$0x0], $0xffff;
	_ =	sdelay $0x1  }
0x3db: {  	s31 =	sadd.s32 $0xFFFFFFFA, s30;
	v20 =	vbroadcast v16, $0x9  }
0x3dc: {  	v46 =	vadd.s32 s31, v2  }
0x3dd: {  	v20 =	vor.u32 v0, v20  }
0x3de: {  	v47 =	vmin.f32 v19, v18;
	v18 =	vmax.f32 v19, v18  }
0x3df: {  	v18 =	vsel vm0, v47, v18  }
0x3e0: {  	[tilespmem:v21+s25+$0x0] =	vst.idx.msk $0xffff, v18  }
0x3e1: {  	v18 =	vld.idx.msk [tilespmem:v46+s29+$0x0], $0xffff  }
0x3e2: {  	v19 =	vld.idx.msk [tilespmem:v20+s25+$0x0], $0xffff  }
0x3e3: {  	v48 =	vbroadcast v17, $0x9;
	_ =	sdelay $0x1  }
0x3e4: {  	v21 =	vor.u32 v0, v48;
	_ =	sdelay $0x1  }
0x3e5: {  	v22 =	vmin.f32 v19, v18;
	v19 =	vmax.f32 v19, v18  }
0x3e6: {  	v19 =	vsel vm0, v22, v19  }
0x3e7: {  	[tilespmem:v20+s25+$0x0] =	vst.idx.msk $0xffff, v19  }
0x3e8: {  	v19 =	vld.idx.msk [tilespmem:v21+s25+$0x0], $0xffff;
	_ =	sdelay $0x1  }
0x3e9: {  	s31 =	sadd.s32 $0xFFFFFFFB, s30;
	v20 =	vbroadcast v16, $0xA  }
0x3ea: {  	v49 =	vadd.s32 s31, v2  }
0x3eb: {  	v20 =	vor.u32 v0, v20  }
0x3ec: {  	v50 =	vmin.f32 v19, v18;
	v18 =	vmax.f32 v19, v18  }
0x3ed: {  	v18 =	vsel vm0, v50, v18  }
0x3ee: {  	[tilespmem:v21+s25+$0x0] =	vst.idx.msk $0xffff, v18  }
0x3ef: {  	v18 =	vld.idx.msk [tilespmem:v49+s29+$0x0], $0xffff  }
0x3f0: {  	v19 =	vld.idx.msk [tilespmem:v20+s25+$0x0], $0xffff  }
0x3f1: {  	v51 =	vbroadcast v17, $0xA;
	_ =	sdelay $0x1  }
0x3f2: {  	v21 =	vor.u32 v0, v51;
	_ =	sdelay $0x1  }
0x3f3: {  	v22 =	vmin.f32 v19, v18;
	v19 =	vmax.f32 v19, v18  }
0x3f4: {  	v19 =	vsel vm0, v22, v19  }
0x3f5: {  	[tilespmem:v20+s25+$0x0] =	vst.idx.msk $0xffff, v19  }
0x3f6: {  	v19 =	vld.idx.msk [tilespmem:v21+s25+$0x0], $0xffff;
	_ =	sdelay $0x1  }
0x3f7: {  	s31 =	sadd.s32 $0xFFFFFFFC, s30;
	v20 =	vbroadcast v16, $0xB  }
0x3f8: {  	v52 =	vadd.s32 s31, v2  }
0x3f9: {  	v20 =	vor.u32 v0, v20  }
0x3fa: {  	v53 =	vmin.f32 v19, v18;
	v18 =	vmax.f32 v19, v18  }
0x3fb: {  	v18 =	vsel vm0, v53, v18  }
0x3fc: {  	[tilespmem:v21+s25+$0x0] =	vst.idx.msk $0xffff, v18  }
0x3fd: {  	v18 =	vld.idx.msk [tilespmem:v52+s29+$0x0], $0xffff  }
0x3fe: {  	v19 =	vld.idx.msk [tilespmem:v20+s25+$0x0], $0xffff  }
0x3ff: {  	v54 =	vbroadcast v17, $0xB;
	_ =	sdelay $0x1  }
0x400: {  	v21 =	vor.u32 v0, v54;
	_ =	sdelay $0x1  }
0x401: {  	v22 =	vmin.f32 v19, v18;
	v19 =	vmax.f32 v19, v18  }
0x402: {  	v19 =	vsel vm0, v22, v19  }
0x403: {  	[tilespmem:v20+s25+$0x0] =	vst.idx.msk $0xffff, v19  }
0x404: {  	v19 =	vld.idx.msk [tilespmem:v21+s25+$0x0], $0xffff;
	_ =	sdelay $0x1  }
0x405: {  	s31 =	sadd.s32 $0xFFFFFFFD, s30;
	v20 =	vbroadcast v16, $0xC  }
0x406: {  	v55 =	vadd.s32 s31, v2  }
0x407: {  	v20 =	vor.u32 v0, v20  }
0x408: {  	v56 =	vmin.f32 v19, v18;
	v18 =	vmax.f32 v19, v18  }
0x409: {  	v18 =	vsel vm0, v56, v18  }
0x40a: {  	[tilespmem:v21+s25+$0x0] =	vst.idx.msk $0xffff, v18  }
0x40b: {  	v18 =	vld.idx.msk [tilespmem:v55+s29+$0x0], $0xffff  }
0x40c: {  	v19 =	vld.idx.msk [tilespmem:v20+s25+$0x0], $0xffff  }
0x40d: {  	v57 =	vbroadcast v17, $0xC;
	_ =	sdelay $0x1  }
0x40e: {  	v21 =	vor.u32 v0, v57;
	_ =	sdelay $0x1  }
0x40f: {  	v22 =	vmin.f32 v19, v18;
	v19 =	vmax.f32 v19, v18  }
0x410: {  	v19 =	vsel vm0, v22, v19  }
0x411: {  	[tilespmem:v20+s25+$0x0] =	vst.idx.msk $0xffff, v19  }
0x412: {  	v19 =	vld.idx.msk [tilespmem:v21+s25+$0x0], $0xffff;
	_ =	sdelay $0x1  }
0x413: {  	s31 =	sadd.s32 $0xFFFFFFFE, s30;
	v20 =	vbroadcast v16, $0xD  }
0x414: {  	v58 =	vadd.s32 s31, v2  }
0x415: {  	v20 =	vor.u32 v0, v20  }
0x416: {  	v59 =	vmin.f32 v19, v18;
	v18 =	vmax.f32 v19, v18  }
0x417: {  	v18 =	vsel vm0, v59, v18  }
0x418: {  	[tilespmem:v21+s25+$0x0] =	vst.idx.msk $0xffff, v18  }
0x419: {  	v18 =	vld.idx.msk [tilespmem:v58+s29+$0x0], $0xffff  }
0x41a: {  	v19 =	vld.idx.msk [tilespmem:v20+s25+$0x0], $0xffff  }
0x41b: {  	v60 =	vbroadcast v17, $0xD;
	_ =	sdelay $0x1  }
0x41c: {  	v21 =	vor.u32 v0, v60;
	_ =	sdelay $0x1  }
0x41d: {  	v22 =	vmin.f32 v19, v18;
	v19 =	vmax.f32 v19, v18  }
0x41e: {  	v19 =	vsel vm0, v22, v19  }
0x41f: {  	[tilespmem:v20+s25+$0x0] =	vst.idx.msk $0xffff, v19  }
0x420: {  	v19 =	vld.idx.msk [tilespmem:v21+s25+$0x0], $0xffff;
	_ =	sdelay $0x1  }
0x421: {  	s31 =	sadd.s32 $0xFFFFFFFF, s30;
	v20 =	vbroadcast v16, $0xE  }
0x422: {  	v61 =	vadd.s32 s31, v2  }
0x423: {  	v20 =	vor.u32 v0, v20  }
0x424: {  	(v2sf) =	vpush v16, $0xF;
	v62 =	vmin.f32 v19, v18;
	v18 =	vmax.f32 v19, v18  }
0x425: {  	v16 =	vsel vm0, v62, v18  }
0x426: {  	[tilespmem:v21+s25+$0x0] =	vst.idx.msk $0xffff, v16  }
0x427: {  	v16 =	vld.idx.msk [tilespmem:v61+s29+$0x0], $0xffff  }
0x428: {  	v18 =	vld.idx.msk [tilespmem:v20+s25+$0x0], $0xffff  }
0x429: {  	v19 =	vbroadcast v17, $0xE;
	_ =	sdelay $0x1  }
0x42a: {  	v19 =	vor.u32 v0, v19  }
0x42b: {  	(v2sf) =	vpush v17, $0xF  }
0x42c: {  	v17 =	vmin.f32 v18, v16;
	v18 =	vmax.f32 v18, v16  }
0x42d: {  	v17 =	vsel vm0, v17, v18  }
0x42e: {  	[tilespmem:v20+s25+$0x0] =	vst.idx.msk $0xffff, v17  }
0x42f: {  	v17 =	vld.idx.msk [tilespmem:v19+s25+$0x0], $0xffff;
	_ =	sdelay $0x2  }
0x430: {  	s31 =	spop (v2sf);
	v18 =	vadd.s32 s30, v2  }
0x431: {  	v20 =	vor.u32 s31, v0  }
0x432: {  	v63 =	vmin.f32 v17, v16;
	v16 =	vmax.f32 v17, v16  }
0x433: {  	v16 =	vsel vm0, v63, v16  }
0x434: {  	[tilespmem:v19+s25+$0x0] =	vst.idx.msk $0xffff, v16  }
0x435: {  	v16 =	vld.idx.msk [tilespmem:v18+s29+$0x0], $0xffff  }
0x436: {  	v17 =	vld.idx.msk [tilespmem:v20+s25+$0x0], $0xffff;
	_ =	sdelay $0x1  }
0x437: {  	s31 =	spop (v2sf)  }
0x438: {  	v18 =	vor.u32 s31, v0;
	_ =	sdelay $0x1  }
0x439: {  	v19 =	vmin.f32 v17, v16;
	v17 =	vmax.f32 v17, v16  }
0x43a: {  	v17 =	vsel vm0, v19, v17  }
0x43b: {  	[tilespmem:v20+s25+$0x0] =	vst.idx.msk $0xffff, v17  }
0x43c: {  	v17 =	vld.idx.msk [tilespmem:v18+s25+$0x0], $0xffff;
	_ =	sdelay $0x1  }
0x43d: {  	p1 =	sne.s32 s30, $0x63F  }
.Ltmp11:
0x43e: {  	_ = 	snop;
	(pc) =	sbr.rel @p1 .LBB2_20-.Ltmp11, $4  }
0x43f: {  	_ = 	snop  }
0x440: {  	v19 =	vmin.f32 v17, v16;
	v16 =	vmax.f32 v17, v16  }
0x441: {  	v16 =	vsel vm0, v19, v16  }
0x442: {  	s30 =	sadd.s32 $0x10, s30;
	v19 =	vimm.f32 $0.0e+00;
	[tilespmem:v18+s25+$0x0] =	vst.idx.msk $0xffff, v16  }
0x443: {  	v17 =	vor.u32 s29, v0;
	_ =	sdelay $0x4  }
0x444: {  	v21 =	vld.idx.msk [tilespmem:v17+s25+$0x0], $0xffff;
	_ =	sdelay $0x1  }
0x445: {  	s30 =	simm.s32 $0x10;
	v20 =	vmov v17  }
0x446: {  	s31 =	simm.s32 $0x20;
	v16 =	vimm.f32 $0.0e+00;
	v18 =	vor.u32 s30, v0  }
.LBB2_22:
0x447: {  	p1 =	sne.s32 s31, $0x630  }
0x448: {  	vm9 =	vclass.f32 v21, $0xFC  }
0x449: {  	v21 =	vnsel vm9, $0x3F800000, v21  }
0x44a: {  	v16 =	vadd.f32 v21, v16;
	[tilespmem:v20+s25+$0x0] =	vst.idx.msk $0xffff, v21;
	v20 =	vmov v18  }
.Ltmp12:
0x44b: {  	v21 =	vld.idx.msk [tilespmem:v18+s25+$0x0], $0xffff;
	(pc) =	sbr.rel @p1 .LBB2_22-.Ltmp12, $2  }
0x44c: {  	_ =	sdelay $0x2  }
0x44d: {  	v18 =	vor.u32 s31, v0;
	s31 =	sadd.s32 $0x10, s31  }
0x44e: {  	_ =	sdelay $0x1  }
0x44f: {  	vm9 =	vclass.f32 v21, $0xFC  }
0x450: {  	v21 =	vnsel vm9, $0x3F800000, v21  }
0x451: {  	[tilespmem:v20+s25+$0x0] =	vst.idx.msk $0xffff, v21  }
0x452: {  	v20 =	vld.idx.msk [tilespmem:v18+s25+$0x0], $0xffff;
	_ =	sdelay $0x4  }
0x453: {  	vm9 =	vclass.f32 v20, $0xFC  }
0x454: {  	v20 =	vnsel vm9, $0x3F800000, v20  }
0x455: {  	[tilespmem:v18+s25+$0x0] =	vst.idx.msk $0xffff, v20  }
0x456: {  	v22 =	vadd.s32 s29, v11;
	v23 =	vld.idx.msk [tilespmem:v17+s23+$0x0], $0xffff  }
0x457: {  	v24 =	vadd.s32 s29, v7;
	v25 =	vld.idx.msk [tilespmem:v17+s24+$0x0], $0xffff  }
0x458: {  	v26 =	vadd.s32 s29, v8  }
0x459: {  	v27 =	vadd.s32 s29, v9  }
0x45a: {  	v30 =	vadd.s32 s29, v10;
	v18 =	vld.idx.msk [tilespmem:v17+s1+$0x0], $0xffff  }
0x45b: {  	v17 =	vld.idx.msk [tilespmem:v22+s1+$0x0], $0xffff;
	v22 =	vadd.s32 s29, v6;
	v28 =	vshll.u32 v23, $0x4  }
0x45c: {  	v32 =	vld.idx.msk [tilespmem:v24+s1+$0x0], $0xffff;
	v29 =	vshll.u32 v25, $0x4;
	v24 =	vor.u32 $0x7, v28  }
0x45d: {  	v31 =	vld.idx.msk [tilespmem:v26+s1+$0x0], $0xffff;
	v25 =	vor.u32 $0x7, v29  }
0x45e: {  	v27 =	vld.idx.msk [tilespmem:v27+s1+$0x0], $0xffff;
	v26 =	vor.u32 $0x1, v28  }
0x45f: {  	v23 =	vld.idx.msk [tilespmem:v30+s1+$0x0], $0xffff;
	v33 =	vor.u32 $0x1, v29  }
0x460: {  	v22 =	vld.idx.msk [tilespmem:v22+s1+$0x0], $0xffff;
	v30 =	vor.u32 $0x2, v28  }
0x461: {  	v34 =	vadd.s32 s29, v12;
	v24 =	vld.idx.msk [tilespmem:v24+s25+$0x0], $0xffff  }
0x462: {  	v36 =	vor.u32 $0x2, v29;
	v37 =	vld.idx.msk [tilespmem:v25+s25+$0x0], $0xffff  }
0x463: {  	v16 =	vadd.f32 v21, v16;
	v21 =	vor.u32 $0x3, v28;
	v26 =	vld.idx.msk [tilespmem:v26+s25+$0x0], $0xffff  }
0x464: {  	v39 =	vor.u32 $0x3, v29;
	v40 =	vld.idx.msk [tilespmem:v33+s25+$0x0], $0xffff  }
0x465: {  	v42 =	vor.u32 s30, v0;
	v16 =	vadd.f32 v20, v16;
	v45 =	vor.u32 $0x5, v28;
	v30 =	vld.idx.msk [tilespmem:v30+s25+$0x0], $0xffff  }
0x466: {  	v20 =	vor.u32 $0x4, v28;
	v44 =	vor.u32 $0x4, v29;
	v38 =	vor.u32 $0x5, v29;
	v25 =	vld.idx.msk [tilespmem:v34+s1+$0x0], $0xffff  }
0x467: {  	v35 =	vor.u32 $0x6, v28;
	v34 =	vor.u32 $0x6, v29;
	v43 =	vld.idx.msk [tilespmem:v36+s25+$0x0], $0xffff;
	v33 =	vadd.s32 s30, v11  }
0x468: {  	v41 =	vld.idx.msk [tilespmem:v21+s25+$0x0], $0xffff;
	v21 =	vimm.f32 $0.0e+00;
	vm9 =	vgt.f32 v22, v24;
	vm10 =	vgt.f32 v22, v37  }
0x469: {  	v39 =	vld.idx.msk [tilespmem:v39+s25+$0x0], $0xffff;
	vm11 =	vgt.f32 v17, v26;
	v26 =	vimm.f32 $0.0e+00;
	v24 =	vimm.f32 $0.0e+00  }
0x46a: {  	v36 =	vld.idx.msk [tilespmem:v45+s25+$0x0], $0xffff;
	v22 =	vimm.f32 $0.0e+00;
	vm9 =	vmand vm9, vm10;
	vm10 =	vgt.f32 v17, v40  }
0x46b: {  	v37 =	vld.idx.msk [tilespmem:v20+s25+$0x0], $0xffff;
	v20 =	vimm.f32 $0.0e+00;
	v17 =	vsel vm9, $0x3F800000, v3;
	vm10 =	vmand vm11, vm10  }
0x46c: {  	s29 =	simm.s32 $0x20;
	v40 =	vld.idx.msk [tilespmem:v44+s25+$0x0], $0xffff;
	vm9 =	vgt.f32 v32, v30;
	v30 =	vimm.f32 $0.0e+00;
	v17 =	vmax.f32 v19, v17  }
.LBB2_24:
0x46d: {  	p1 =	sne.s32 s29, $0x630;
	v44 =	vadd.s32 s30, v7;
	v45 =	vsel vm10, $0x3F800000, v3;
	vm10 =	vgt.f32 v32, v43;
	v32 =	vld.idx.msk [tilespmem:v38+s25+$0x0], $0xffff  }
0x46e: {  	v19 =	vmax.f32 v19, v45;
	vm9 =	vmand vm9, vm10;
	vm10 =	vgt.f32 v31, v41;
	v35 =	vld.idx.msk [tilespmem:v35+s25+$0x0], $0xffff  }
0x46f: {  	v38 =	vadd.s32 s30, v8;
	v41 =	vsel vm9, $0x3F800000, v3;
	vm9 =	vgt.f32 v31, v39;
	v31 =	vld.idx.msk [tilespmem:v34+s25+$0x0], $0xffff  }
0x470: {  	v34 =	vld.idx.msk [tilespmem:v42+s23+$0x0], $0xffff;
	v30 =	vmax.f32 v30, v41;
	vm9 =	vmand vm10, vm9;
	vm10 =	vgt.f32 v27, v37  }
0x471: {  	v39 =	vadd.s32 s30, v9;
	v37 =	vld.idx.msk [tilespmem:v42+s24+$0x0], $0xffff;
	v41 =	vsel vm9, $0x3F800000, v3;
	vm9 =	vgt.f32 v27, v40  }
0x472: {  	v40 =	vld.idx.msk [tilespmem:v28+s25+$0x0], $0xffff;
	v26 =	vmax.f32 v26, v41;
	vm9 =	vmand vm10, vm9;
	vm10 =	vgt.f32 v23, v36  }
0x473: {  	v36 =	vadd.s32 s30, v10;
	v41 =	vld.idx.msk [tilespmem:v29+s25+$0x0], $0xffff;
	v27 =	vsel vm9, $0x3F800000, v3;
	vm9 =	vgt.f32 v23, v32  }
0x474: {  	v42 =	vld.idx.msk [tilespmem:v42+s1+$0x0], $0xffff;
	v24 =	vmax.f32 v24, v27;
	vm9 =	vmand vm10, vm9;
	vm10 =	vgt.f32 v25, v35  }
0x475: {  	v45 =	vld.idx.msk [tilespmem:v33+s1+$0x0], $0xffff;
	v33 =	vadd.s32 s30, v12;
	v43 =	vsel vm9, $0x3F800000, v3;
	vm9 =	vgt.f32 v25, v31  }
0x476: {  	v28 =	vshll.u32 v34, $0x4;
	v32 =	vld.idx.msk [tilespmem:v44+s1+$0x0], $0xffff;
	v44 =	vadd.s32 s30, v6;
	vm9 =	vmand vm10, vm9;
	s30 =	smov.u32 s29  }
0x477: {  	v29 =	vshll.u32 v37, $0x4;
	v37 =	vor.u32 $0x1, v28;
	v46 =	vor.u32 $0x7, v28;
	v31 =	vld.idx.msk [tilespmem:v38+s1+$0x0], $0xffff  }
0x478: {  	v48 =	vor.u32 $0x2, v28;
	v47 =	vor.u32 $0x1, v29;
	v27 =	vld.idx.msk [tilespmem:v39+s1+$0x0], $0xffff;
	v39 =	vor.u32 $0x7, v29  }
0x479: {  	v50 =	vor.u32 $0x3, v28;
	v49 =	vor.u32 $0x2, v29;
	v51 =	vor.u32 $0x3, v29;
	v23 =	vld.idx.msk [tilespmem:v36+s1+$0x0], $0xffff  }
0x47a: {  	v53 =	vor.u32 $0x5, v28;
	v52 =	vor.u32 $0x4, v29;
	v36 =	vor.u32 $0x4, v28;
	v25 =	vld.idx.msk [tilespmem:v33+s1+$0x0], $0xffff  }
0x47b: {  	v35 =	vor.u32 $0x6, v28;
	v38 =	vor.u32 $0x5, v29;
	v34 =	vor.u32 $0x6, v29;
	v33 =	vld.idx.msk [tilespmem:v44+s1+$0x0], $0xffff  }
0x47c: {  	vm10 =	vgt.f32 v18, v40;
	v40 =	vsel vm9, $0x3F800000, v3;
	vm11 =	vgt.f32 v18, v41;
	v18 =	vmovc v42;
	v44 =	vld.idx.msk [tilespmem:v46+s25+$0x0], $0xffff  }
0x47d: {  	v21 =	vmax.f32 v21, v43;
	v22 =	vmax.f32 v22, v40;
	vm9 =	vmand vm10, vm11;
	v42 =	vld.idx.msk [tilespmem:v39+s25+$0x0], $0xffff  }
0x47e: {  	v39 =	vsel vm9, $0x3F800000, v3;
	v37 =	vld.idx.msk [tilespmem:v37+s25+$0x0], $0xffff  }
0x47f: {  	v20 =	vmax.f32 v20, v39;
	v40 =	vld.idx.msk [tilespmem:v47+s25+$0x0], $0xffff  }
0x480: {  	v46 =	vld.idx.msk [tilespmem:v48+s25+$0x0], $0xffff  }
0x481: {  	v43 =	vld.idx.msk [tilespmem:v49+s25+$0x0], $0xffff  }
.Ltmp13:
0x482: {  	v41 =	vld.idx.msk [tilespmem:v50+s25+$0x0], $0xffff;
	(pc) =	sbr.rel @p1 .LBB2_24-.Ltmp13, $4  }
0x483: {  	vm9 =	vgt.f32 v33, v44;
	vm10 =	vgt.f32 v33, v42;
	v39 =	vld.idx.msk [tilespmem:v51+s25+$0x0], $0xffff  }
0x484: {  	v33 =	vadd.s32 s29, v11;
	vm11 =	vgt.f32 v45, v37;
	vm9 =	vmand vm9, vm10;
	v37 =	vld.idx.msk [tilespmem:v36+s25+$0x0], $0xffff  }
0x485: {  	v42 =	vor.u32 s29, v0;
	vm10 =	vgt.f32 v45, v40;
	v44 =	vsel vm9, $0x3F800000, v3;
	v40 =	vld.idx.msk [tilespmem:v52+s25+$0x0], $0xffff  }
0x486: {  	s29 =	sadd.s32 $0x10, s29;
	vm10 =	vmand vm11, vm10;
	vm9 =	vgt.f32 v32, v46;
	v17 =	vmax.f32 v17, v44;
	v36 =	vld.idx.msk [tilespmem:v53+s25+$0x0], $0xffff  }
0x487: {  	_ =	sdelay $0x3  }
0x488: {  	v38 =	vld.idx.msk [tilespmem:v38+s25+$0x0], $0xffff  }
0x489: {  	v35 =	vld.idx.msk [tilespmem:v35+s25+$0x0], $0xffff  }
0x48a: {  	v34 =	vld.idx.msk [tilespmem:v34+s25+$0x0], $0xffff  }
0x48b: {  	v44 =	vld.idx.msk [tilespmem:v42+s23+$0x0], $0xffff  }
0x48c: {  	v45 =	vadd.s32 s30, v7;
	v46 =	vld.idx.msk [tilespmem:v42+s24+$0x0], $0xffff  }
0x48d: {  	v47 =	vadd.s32 s30, v8;
	v28 =	vld.idx.msk [tilespmem:v28+s25+$0x0], $0xffff  }
0x48e: {  	v48 =	vadd.s32 s30, v9;
	v29 =	vld.idx.msk [tilespmem:v29+s25+$0x0], $0xffff  }
0x48f: {  	v49 =	vadd.s32 s30, v10;
	v42 =	vld.idx.msk [tilespmem:v42+s1+$0x0], $0xffff;
	v50 =	vsel vm10, $0x3F800000, v3;
	vm10 =	vgt.f32 v32, v43  }
0x490: {  	v33 =	vld.idx.msk [tilespmem:v33+s1+$0x0], $0xffff;
	v51 =	vadd.s32 s30, v12;
	vm9 =	vmand vm9, vm10  }
0x491: {  	v59 =	vadd.s32 s30, v6;
	vm10 =	vgt.f32 v31, v41;
	v62 =	vsel vm9, $0x3F800000, v3;
	v43 =	vld.idx.msk [tilespmem:v45+s1+$0x0], $0xffff  }
0x492: {  	vm9 =	vgt.f32 v31, v39;
	v32 =	vshll.u32 v44, $0x4;
	v45 =	vld.idx.msk [tilespmem:v47+s1+$0x0], $0xffff;
	v41 =	vshll.u32 v46, $0x4  }
0x493: {  	v19 =	vmax.f32 v19, v50;
	vm9 =	vmand vm10, vm9;
	v48 =	vld.idx.msk [tilespmem:v48+s1+$0x0], $0xffff;
	v60 =	vor.u32 $0x7, v32  }
0x494: {  	vm10 =	vgt.f32 v27, v37;
	vm11 =	vgt.f32 v27, v40;
	v39 =	vld.idx.msk [tilespmem:v49+s1+$0x0], $0xffff;
	v61 =	vor.u32 $0x1, v32  }
0x495: {  	v56 =	vsel vm9, $0x3F800000, v3;
	vm9 =	vmand vm10, vm11;
	v50 =	vld.idx.msk [tilespmem:v51+s1+$0x0], $0xffff;
	v63 =	vor.u32 $0x1, v41  }
0x496: {  	v37 =	vld.idx.msk [tilespmem:v59+s1+$0x0], $0xffff;
	v58 =	vsel vm9, $0x3F800000, v3;
	vm9 =	vgt.f32 v23, v36;
	v54 =	vor.u32 $0x2, v32  }
0x497: {  	vm10 =	vgt.f32 v23, v38;
	v55 =	vor.u32 $0x2, v41;
	v23 =	vmax.f32 v24, v58;
	v58 =	vld.idx.msk [tilespmem:v41+s25+$0x0], $0xffff  }
0x498: {  	v57 =	vor.u32 $0x3, v32;
	v47 =	vld.idx.msk [tilespmem:v60+s25+$0x0], $0xffff  }
0x499: {  	v30 =	vmax.f32 v30, v62;
	v59 =	vor.u32 $0x3, v41;
	v46 =	vld.idx.msk [tilespmem:v61+s25+$0x0], $0xffff  }
0x49a: {  	v26 =	vmax.f32 v26, v56;
	vm11 =	vgt.f32 v25, v34;
	vm9 =	vmand vm9, vm10;
	v24 =	vld.idx.msk [tilespmem:v63+s25+$0x0], $0xffff  }
0x49b: {  	vm10 =	vgt.f32 v25, v35;
	v35 =	vor.u32 $0x7, v41;
	v25 =	vld.idx.msk [tilespmem:v54+s25+$0x0], $0xffff;
	v61 =	vor.u32 $0x4, v32  }
0x49c: {  	v62 =	vor.u32 $0x4, v41;
	v44 =	vor.u32 $0x5, v41;
	v49 =	vor.u32 $0x6, v32;
	v27 =	vld.idx.msk [tilespmem:v55+s25+$0x0], $0xffff  }
0x49d: {  	v52 =	vor.u32 $0x6, v41;
	v60 =	vsel vm9, $0x3F800000, v3;
	v63 =	vor.u32 $0x5, v32;
	v40 =	vld.idx.msk [tilespmem:v57+s25+$0x0], $0xffff  }
0x49e: {  	vm9 =	vmand vm10, vm11;
	v51 =	vld.idx.msk [tilespmem:v59+s25+$0x0], $0xffff;
	vm10 =	vgt.f32 v18, v28;
	vm11 =	vgt.f32 v18, v29  }
0x49f: {  	v57 =	vld.idx.msk [tilespmem:v32+s25+$0x0], $0xffff;
	v56 =	vsel vm9, $0x3F800000, v3;
	vm9 =	vmand vm10, vm11;
	v21 =	vmax.f32 v21, v60  }
0x4a0: {  	v59 =	vsel vm9, $0x3F800000, v3;
	vm9 =	vgt.f32 v33, v46;
	v60 =	vld.idx.msk [tilespmem:v61+s25+$0x0], $0xffff;
	vm10 =	vgt.f32 v33, v24  }
0x4a1: {  	v61 =	vld.idx.msk [tilespmem:v62+s25+$0x0], $0xffff;
	vm11 =	vgt.f32 v43, v27;
	vm9 =	vmand vm9, vm10;
	vm10 =	vgt.f32 v43, v25  }
0x4a2: {  	v18 =	vmax.f32 v22, v56;
	v62 =	vld.idx.msk [tilespmem:v63+s25+$0x0], $0xffff;
	v63 =	vsel vm9, $0x3F800000, v3;
	vm9 =	vmand vm10, vm11  }
0x4a3: {  	v36 =	vld.idx.msk [tilespmem:v44+s25+$0x0], $0xffff;
	vm10 =	vgt.f32 v45, v40;
	v38 =	vsel vm9, $0x3F800000, v3;
	vm9 =	vgt.f32 v45, v51  }
0x4a4: {  	v40 =	vld.idx.msk [tilespmem:v49+s25+$0x0], $0xffff;
	vm11 =	vgt.f32 v42, v58;
	vm9 =	vmand vm10, vm9;
	vm10 =	vgt.f32 v42, v57  }
0x4a5: {  	v20 =	vmax.f32 v20, v59;
	v19 =	vmax.f32 v19, v63;
	v42 =	vld.idx.msk [tilespmem:v52+s25+$0x0], $0xffff;
	vm10 =	vmand vm10, vm11  }
0x4a6: {  	v43 =	vld.idx.msk [tilespmem:v35+s25+$0x0], $0xffff;
	vm11 =	vgt.f32 v48, v60;
	v44 =	vsel vm10, $0x3F800000, v3;
	vm10 =	vgt.f32 v48, v61  }
0x4a7: {  	v46 =	vmax.f32 v30, v38;
	vm10 =	vmand vm11, vm10;
	v20 =	vmax.f32 v20, v44  }
0x4a8: {  	vm11 =	vgt.f32 v39, v62;
	v45 =	vsel vm10, $0x3F800000, v3;
	vm10 =	vgt.f32 v39, v36  }
0x4a9: {  	v41 =	vsel vm9, $0x3F800000, v3;
	vm9 =	vgt.f32 v37, v47;
	(xrf0) =	vmax.scan.msk.f32 $0xffff, v20;
	vm10 =	vmand vm11, vm10  }
0x4aa: {  	(xrf0) =	vmax.scan.msk.f32 $0xffff, v19;
	vm11 =	vgt.f32 v50, v40;
	v47 =	vsel vm10, $0x3F800000, v3;
	vm10 =	vgt.f32 v50, v42  }
0x4ab: {  	v22 =	vmax.f32 v26, v41;
	(xrf0) =	vmax.scan.msk.f32 $0xffff, v46;
	vm10 =	vmand vm11, vm10;
	vm11 =	vgt.f32 v37, v43  }
0x4ac: {  	v48 =	vmax.f32 v23, v45;
	(xrf0) =	vmax.scan.msk.f32 $0xffff, v22;
	vm9 =	vmand vm9, vm11  }
0x4ad: {  	v19 =	vmax.f32 v21, v47;
	v49 =	vsel vm10, $0x3F800000, v3;
	(xrf0) =	vmax.scan.msk.f32 $0xffff, v48;
	v50 =	vsel vm9, $0x3F800000, v3  }
0x4ae: {  	v18 =	vmax.f32 v18, v49;
	(xrf0) =	vmax.scan.msk.f32 $0xffff, v19;
	v17 =	vmax.f32 v17, v50  }
0x4af: {  	v51, _, _ =	vpop (xrf0);
	(xrf0) =	vmax.scan.msk.f32 $0xffff, v18  }
0x4b0: {  	v52 =	vbroadcast v51, $0xF;
	v53, _, _ =	vpop (xrf0);
	(xrf0) =	vmax.scan.msk.f32 $0xffff, v17  }
0x4b1: {  	v19 =	vbroadcast v53, $0xF;
	v17, _, _ =	vpop (xrf0)  }
0x4b2: {  	v18 =	vnsel vm8, $0x0, v52;
	v54, _, _ =	vpop (xrf0);
	v17 =	vbroadcast v17, $0xF  }
0x4b3: {  	v18 =	vsel vm1, v18, v19;
	v55, _, _ =	vpop (xrf0);
	v56 =	vbroadcast v54, $0xF  }
0x4b4: {  	v57, _, _ =	vpop (xrf0);
	v17 =	vsel vm2, v18, v17;
	v58 =	vbroadcast v55, $0xF  }
0x4b5: {  	v59, _, _ =	vpop (xrf0);
	v17 =	vsel vm3, v17, v56;
	v60 =	vbroadcast v57, $0xF  }
0x4b6: {  	v17 =	vsel vm4, v17, v58;
	v61 =	vbroadcast v59, $0xF;
	v62, _, _ =	vpop (xrf0)  }
0x4b7: {  	v16 =	vmul.f32 v16, v4;
	v17 =	vsel vm5, v17, v60;
	v63 =	vbroadcast v62, $0xF  }
0x4b8: {  	v17 =	vsel vm6, v17, v61  }
0x4b9: {  	[tilespmem:v5+s26+$0x0] =	vst.idx.msk $0xffff, v16;
	v17 =	vsel vm7, v17, v63  }
0x4ba: {  	[tilespmem:v13+s26+$0x0] =	vst.idx.msk $0xffff, v17  }
0x4bb: {  	[tilespmem:v14+s26+$0x0] =	vst.idx.msk $0xffff, v3  }
.Ltmp14:
0x4bc: {  	[tilespmem:v15+s26+$0x0] =	vst.idx.msk $0xffff, v3;
	(pc) =	sbr.rel @p0 .LBB2_35-.Ltmp14, $4  }
0x4bd: {  	[hbm4b:s14+s1] =	stream.linear.scatter [tilespmem:s26], [sflag:$0x1], $0x80, $0x38;
	[tilespmem:$0x4600] =	vst v63  }
0x4be: {  	_ =	swait.ge [sflag:s22], $0x80  }
0x4bf: {  	[sflag:s22] =	ssyncset.done $0x0  }
0x4c0: {  	[sflag:s22] =	ssyncadd.s32 $0xFFFFFF80  }
0x4c1: {  	s29 =	simm.s32 $0x0  }
0x4c2: {  	[tilespmem:s29], [sflag:$0x1] =	stream.strided.gather [hbm4b:s15+s20], $0x3200, s21, s20, $0x38;
	[tilespmem:$0x4600] =	vst v63  }
0x4c3: {  	_ =	swait.ge [sflag:s22], $0x3200  }
0x4c4: {  	[sflag:s22] =	ssyncset.done $0x0  }
0x4c5: {  	[sflag:s22] =	ssyncadd.s32 $0xFFFFCE00  }
0x4c6: {  	[tilespmem:s23], [sflag:$0x1] =	stream.strided.gather [hbm4b:s16+s20], $0x680, s21, s20, $0x38;
	[tilespmem:$0x4600] =	vst v63  }
0x4c7: {  	_ =	swait.ge [sflag:s22], $0x680  }
0x4c8: {  	[sflag:s22] =	ssyncset.done $0x0  }
0x4c9: {  	[sflag:s22] =	ssyncadd.s32 $0xFFFFF980  }
0x4ca: {  	[tilespmem:s24], [sflag:$0x1] =	stream.strided.gather [hbm4b:s17+s20], $0x680, s21, s20, $0x38;
	[tilespmem:$0x4600] =	vst v63  }
0x4cb: {  	_ =	swait.ge [sflag:s22], $0x680  }
0x4cc: {  	[sflag:s22] =	ssyncset.done $0x0  }
0x4cd: {  	[sflag:s22] =	ssyncadd.s32 $0xFFFFF980  }
.LBB2_27:
0x4ce: {  	v16 =	vor.u32 s29, v0;
	p1 =	sne.s32 s29, $0x630  }
.Ltmp15:
0x4cf: {  	_ = 	snop;
	(pc) =	sbr.rel @p1 .LBB2_27-.Ltmp15, $2  }
0x4d0: {  	_ =	sdelay $0x2  }
0x4d1: {  	s29 =	sadd.s32 $0x10, s29;
	[tilespmem:v16+s25+$0x0] =	vst.idx.msk $0xffff, v1  }
0x4d2: {  	s30 =	simm.s32 $0xF  }
.LBB2_29:
0x4d3: {  	s29 =	sadd.s32 $0xFFFFFFF1, s30  }
0x4d4: {  	v17 =	vor.u32 s29, v0;
	_ =	sdelay $0x4  }
0x4d5: {  	v16 =	vld.idx.msk [tilespmem:v17+s23+$0x0], $0xffff;
	_ =	sdelay $0x4  }
0x4d6: {  	v16 =	vshll.u32 v16, $0x4  }
0x4d7: {  	v18 =	vbroadcast v16, $0x0  }
0x4d8: {  	v19 =	vadd.s32 s29, v2  }
0x4d9: {  	v17 =	vld.idx.msk [tilespmem:v17+s24+$0x0], $0xffff;
	v18 =	vor.u32 v0, v18;
	_ =	sdelay $0x2  }
0x4da: {  	s29 =	simm.s32 $0x0  }
0x4db: {  	v19 =	vld.idx.msk [tilespmem:v19+s29+$0x0], $0xffff  }
0x4dc: {  	v17 =	vshll.u32 v17, $0x4;
	v20 =	vld.idx.msk [tilespmem:v18+s25+$0x0], $0xffff  }
0x4dd: {  	v21 =	vbroadcast v17, $0x0;
	_ =	sdelay $0x1  }
0x4de: {  	v21 =	vor.u32 v0, v21;
	_ =	sdelay $0x1  }
0x4df: {  	v22 =	vmin.f32 v20, v19;
	v20 =	vmax.f32 v20, v19  }
0x4e0: {  	v20 =	vsel vm0, v22, v20  }
0x4e1: {  	[tilespmem:v18+s25+$0x0] =	vst.idx.msk $0xffff, v20  }
0x4e2: {  	v18 =	vld.idx.msk [tilespmem:v21+s25+$0x0], $0xffff;
	_ =	sdelay $0x1  }
0x4e3: {  	s31 =	sadd.s32 $0xFFFFFFF2, s30;
	v20 =	vbroadcast v16, $0x1  }
0x4e4: {  	v63 =	vadd.s32 s31, v2  }
0x4e5: {  	v20 =	vor.u32 v0, v20  }
0x4e6: {  	v23 =	vmin.f32 v18, v19;
	v18 =	vmax.f32 v18, v19  }
0x4e7: {  	v18 =	vsel vm0, v23, v18  }
0x4e8: {  	[tilespmem:v21+s25+$0x0] =	vst.idx.msk $0xffff, v18  }
0x4e9: {  	v18 =	vld.idx.msk [tilespmem:v63+s29+$0x0], $0xffff  }
0x4ea: {  	v19 =	vld.idx.msk [tilespmem:v20+s25+$0x0], $0xffff  }
0x4eb: {  	v24 =	vbroadcast v17, $0x1;
	_ =	sdelay $0x1  }
0x4ec: {  	v21 =	vor.u32 v0, v24;
	_ =	sdelay $0x1  }
0x4ed: {  	v22 =	vmin.f32 v19, v18;
	v19 =	vmax.f32 v19, v18  }
0x4ee: {  	v19 =	vsel vm0, v22, v19  }
0x4ef: {  	[tilespmem:v20+s25+$0x0] =	vst.idx.msk $0xffff, v19  }
0x4f0: {  	v19 =	vld.idx.msk [tilespmem:v21+s25+$0x0], $0xffff;
	_ =	sdelay $0x1  }
0x4f1: {  	s31 =	sadd.s32 $0xFFFFFFF3, s30;
	v20 =	vbroadcast v16, $0x2  }
0x4f2: {  	v25 =	vadd.s32 s31, v2  }
0x4f3: {  	v20 =	vor.u32 v0, v20  }
0x4f4: {  	v26 =	vmin.f32 v19, v18;
	v18 =	vmax.f32 v19, v18  }
0x4f5: {  	v18 =	vsel vm0, v26, v18  }
0x4f6: {  	[tilespmem:v21+s25+$0x0] =	vst.idx.msk $0xffff, v18  }
0x4f7: {  	v18 =	vld.idx.msk [tilespmem:v25+s29+$0x0], $0xffff  }
0x4f8: {  	v19 =	vld.idx.msk [tilespmem:v20+s25+$0x0], $0xffff  }
0x4f9: {  	v27 =	vbroadcast v17, $0x2;
	_ =	sdelay $0x1  }
0x4fa: {  	v21 =	vor.u32 v0, v27;
	_ =	sdelay $0x1  }
0x4fb: {  	v22 =	vmin.f32 v19, v18;
	v19 =	vmax.f32 v19, v18  }
0x4fc: {  	v19 =	vsel vm0, v22, v19  }
0x4fd: {  	[tilespmem:v20+s25+$0x0] =	vst.idx.msk $0xffff, v19  }
0x4fe: {  	v19 =	vld.idx.msk [tilespmem:v21+s25+$0x0], $0xffff;
	_ =	sdelay $0x1  }
0x4ff: {  	s31 =	sadd.s32 $0xFFFFFFF4, s30;
	v20 =	vbroadcast v16, $0x3  }
0x500: {  	v28 =	vadd.s32 s31, v2  }
0x501: {  	v20 =	vor.u32 v0, v20  }
0x502: {  	v29 =	vmin.f32 v19, v18;
	v18 =	vmax.f32 v19, v18  }
0x503: {  	v18 =	vsel vm0, v29, v18  }
0x504: {  	[tilespmem:v21+s25+$0x0] =	vst.idx.msk $0xffff, v18  }
0x505: {  	v18 =	vld.idx.msk [tilespmem:v28+s29+$0x0], $0xffff  }
0x506: {  	v19 =	vld.idx.msk [tilespmem:v20+s25+$0x0], $0xffff  }
0x507: {  	v30 =	vbroadcast v17, $0x3;
	_ =	sdelay $0x1  }
0x508: {  	v21 =	vor.u32 v0, v30;
	_ =	sdelay $0x1  }
0x509: {  	v22 =	vmin.f32 v19, v18;
	v19 =	vmax.f32 v19, v18  }
0x50a: {  	v19 =	vsel vm0, v22, v19  }
0x50b: {  	[tilespmem:v20+s25+$0x0] =	vst.idx.msk $0xffff, v19  }
0x50c: {  	v19 =	vld.idx.msk [tilespmem:v21+s25+$0x0], $0xffff;
	_ =	sdelay $0x1  }
0x50d: {  	s31 =	sadd.s32 $0xFFFFFFF5, s30;
	v20 =	vbroadcast v16, $0x4  }
0x50e: {  	v31 =	vadd.s32 s31, v2  }
0x50f: {  	v20 =	vor.u32 v0, v20  }
0x510: {  	v32 =	vmin.f32 v19, v18;
	v18 =	vmax.f32 v19, v18  }
0x511: {  	v18 =	vsel vm0, v32, v18  }
0x512: {  	[tilespmem:v21+s25+$0x0] =	vst.idx.msk $0xffff, v18  }
0x513: {  	v18 =	vld.idx.msk [tilespmem:v31+s29+$0x0], $0xffff  }
0x514: {  	v19 =	vld.idx.msk [tilespmem:v20+s25+$0x0], $0xffff  }
0x515: {  	v33 =	vbroadcast v17, $0x4;
	_ =	sdelay $0x1  }
0x516: {  	v21 =	vor.u32 v0, v33;
	_ =	sdelay $0x1  }
0x517: {  	v22 =	vmin.f32 v19, v18;
	v19 =	vmax.f32 v19, v18  }
0x518: {  	v19 =	vsel vm0, v22, v19  }
0x519: {  	[tilespmem:v20+s25+$0x0] =	vst.idx.msk $0xffff, v19  }
0x51a: {  	v19 =	vld.idx.msk [tilespmem:v21+s25+$0x0], $0xffff;
	_ =	sdelay $0x1  }
0x51b: {  	s31 =	sadd.s32 $0xFFFFFFF6, s30;
	v20 =	vbroadcast v16, $0x5  }
0x51c: {  	v34 =	vadd.s32 s31, v2  }
0x51d: {  	v20 =	vor.u32 v0, v20  }
0x51e: {  	v35 =	vmin.f32 v19, v18;
	v18 =	vmax.f32 v19, v18  }
0x51f: {  	v18 =	vsel vm0, v35, v18  }
0x520: {  	[tilespmem:v21+s25+$0x0] =	vst.idx.msk $0xffff, v18  }
0x521: {  	v18 =	vld.idx.msk [tilespmem:v34+s29+$0x0], $0xffff  }
0x522: {  	v19 =	vld.idx.msk [tilespmem:v20+s25+$0x0], $0xffff  }
0x523: {  	v36 =	vbroadcast v17, $0x5;
	_ =	sdelay $0x1  }
0x524: {  	v21 =	vor.u32 v0, v36;
	_ =	sdelay $0x1  }
0x525: {  	v22 =	vmin.f32 v19, v18;
	v19 =	vmax.f32 v19, v18  }
0x526: {  	v19 =	vsel vm0, v22, v19  }
0x527: {  	[tilespmem:v20+s25+$0x0] =	vst.idx.msk $0xffff, v19  }
0x528: {  	v19 =	vld.idx.msk [tilespmem:v21+s25+$0x0], $0xffff;
	_ =	sdelay $0x1  }
0x529: {  	s31 =	sadd.s32 $0xFFFFFFF7, s30;
	v20 =	vbroadcast v16, $0x6  }
0x52a: {  	v37 =	vadd.s32 s31, v2  }
0x52b: {  	v20 =	vor.u32 v0, v20  }
0x52c: {  	v38 =	vmin.f32 v19, v18;
	v18 =	vmax.f32 v19, v18  }
0x52d: {  	v18 =	vsel vm0, v38, v18  }
0x52e: {  	[tilespmem:v21+s25+$0x0] =	vst.idx.msk $0xffff, v18  }
0x52f: {  	v18 =	vld.idx.msk [tilespmem:v37+s29+$0x0], $0xffff  }
0x530: {  	v19 =	vld.idx.msk [tilespmem:v20+s25+$0x0], $0xffff  }
0x531: {  	v39 =	vbroadcast v17, $0x6;
	_ =	sdelay $0x1  }
0x532: {  	v21 =	vor.u32 v0, v39;
	_ =	sdelay $0x1  }
0x533: {  	v22 =	vmin.f32 v19, v18;
	v19 =	vmax.f32 v19, v18  }
0x534: {  	v19 =	vsel vm0, v22, v19  }
0x535: {  	[tilespmem:v20+s25+$0x0] =	vst.idx.msk $0xffff, v19  }
0x536: {  	v19 =	vld.idx.msk [tilespmem:v21+s25+$0x0], $0xffff;
	_ =	sdelay $0x1  }
0x537: {  	s31 =	sadd.s32 $0xFFFFFFF8, s30;
	v20 =	vbroadcast v16, $0x7  }
0x538: {  	v40 =	vadd.s32 s31, v2  }
0x539: {  	v20 =	vor.u32 v0, v20  }
0x53a: {  	v41 =	vmin.f32 v19, v18;
	v18 =	vmax.f32 v19, v18  }
0x53b: {  	v18 =	vsel vm0, v41, v18  }
0x53c: {  	[tilespmem:v21+s25+$0x0] =	vst.idx.msk $0xffff, v18  }
0x53d: {  	v18 =	vld.idx.msk [tilespmem:v40+s29+$0x0], $0xffff  }
0x53e: {  	v19 =	vld.idx.msk [tilespmem:v20+s25+$0x0], $0xffff  }
0x53f: {  	v42 =	vbroadcast v17, $0x7;
	_ =	sdelay $0x1  }
0x540: {  	v21 =	vor.u32 v0, v42;
	_ =	sdelay $0x1  }
0x541: {  	v22 =	vmin.f32 v19, v18;
	v19 =	vmax.f32 v19, v18  }
0x542: {  	v19 =	vsel vm0, v22, v19  }
0x543: {  	[tilespmem:v20+s25+$0x0] =	vst.idx.msk $0xffff, v19  }
0x544: {  	v19 =	vld.idx.msk [tilespmem:v21+s25+$0x0], $0xffff;
	_ =	sdelay $0x1  }
0x545: {  	s31 =	sadd.s32 $0xFFFFFFF9, s30;
	v20 =	vbroadcast v16, $0x8  }
0x546: {  	v43 =	vadd.s32 s31, v2  }
0x547: {  	v20 =	vor.u32 v0, v20  }
0x548: {  	v44 =	vmin.f32 v19, v18;
	v18 =	vmax.f32 v19, v18  }
0x549: {  	v18 =	vsel vm0, v44, v18  }
0x54a: {  	[tilespmem:v21+s25+$0x0] =	vst.idx.msk $0xffff, v18  }
0x54b: {  	v18 =	vld.idx.msk [tilespmem:v43+s29+$0x0], $0xffff  }
0x54c: {  	v19 =	vld.idx.msk [tilespmem:v20+s25+$0x0], $0xffff  }
0x54d: {  	v45 =	vbroadcast v17, $0x8;
	_ =	sdelay $0x1  }
0x54e: {  	v21 =	vor.u32 v0, v45;
	_ =	sdelay $0x1  }
0x54f: {  	v22 =	vmin.f32 v19, v18;
	v19 =	vmax.f32 v19, v18  }
0x550: {  	v19 =	vsel vm0, v22, v19  }
0x551: {  	[tilespmem:v20+s25+$0x0] =	vst.idx.msk $0xffff, v19  }
0x552: {  	v19 =	vld.idx.msk [tilespmem:v21+s25+$0x0], $0xffff;
	_ =	sdelay $0x1  }
0x553: {  	s31 =	sadd.s32 $0xFFFFFFFA, s30;
	v20 =	vbroadcast v16, $0x9  }
0x554: {  	v46 =	vadd.s32 s31, v2  }
0x555: {  	v20 =	vor.u32 v0, v20  }
0x556: {  	v47 =	vmin.f32 v19, v18;
	v18 =	vmax.f32 v19, v18  }
0x557: {  	v18 =	vsel vm0, v47, v18  }
0x558: {  	[tilespmem:v21+s25+$0x0] =	vst.idx.msk $0xffff, v18  }
0x559: {  	v18 =	vld.idx.msk [tilespmem:v46+s29+$0x0], $0xffff  }
0x55a: {  	v19 =	vld.idx.msk [tilespmem:v20+s25+$0x0], $0xffff  }
0x55b: {  	v48 =	vbroadcast v17, $0x9;
	_ =	sdelay $0x1  }
0x55c: {  	v21 =	vor.u32 v0, v48;
	_ =	sdelay $0x1  }
0x55d: {  	v22 =	vmin.f32 v19, v18;
	v19 =	vmax.f32 v19, v18  }
0x55e: {  	v19 =	vsel vm0, v22, v19  }
0x55f: {  	[tilespmem:v20+s25+$0x0] =	vst.idx.msk $0xffff, v19  }
0x560: {  	v19 =	vld.idx.msk [tilespmem:v21+s25+$0x0], $0xffff;
	_ =	sdelay $0x1  }
0x561: {  	s31 =	sadd.s32 $0xFFFFFFFB, s30;
	v20 =	vbroadcast v16, $0xA  }
0x562: {  	v49 =	vadd.s32 s31, v2  }
0x563: {  	v20 =	vor.u32 v0, v20  }
0x564: {  	v50 =	vmin.f32 v19, v18;
	v18 =	vmax.f32 v19, v18  }
0x565: {  	v18 =	vsel vm0, v50, v18  }
0x566: {  	[tilespmem:v21+s25+$0x0] =	vst.idx.msk $0xffff, v18  }
0x567: {  	v18 =	vld.idx.msk [tilespmem:v49+s29+$0x0], $0xffff  }
0x568: {  	v19 =	vld.idx.msk [tilespmem:v20+s25+$0x0], $0xffff  }
0x569: {  	v51 =	vbroadcast v17, $0xA;
	_ =	sdelay $0x1  }
0x56a: {  	v21 =	vor.u32 v0, v51;
	_ =	sdelay $0x1  }
0x56b: {  	v22 =	vmin.f32 v19, v18;
	v19 =	vmax.f32 v19, v18  }
0x56c: {  	v19 =	vsel vm0, v22, v19  }
0x56d: {  	[tilespmem:v20+s25+$0x0] =	vst.idx.msk $0xffff, v19  }
0x56e: {  	v19 =	vld.idx.msk [tilespmem:v21+s25+$0x0], $0xffff;
	_ =	sdelay $0x1  }
0x56f: {  	s31 =	sadd.s32 $0xFFFFFFFC, s30;
	v20 =	vbroadcast v16, $0xB  }
0x570: {  	v52 =	vadd.s32 s31, v2  }
0x571: {  	v20 =	vor.u32 v0, v20  }
0x572: {  	v53 =	vmin.f32 v19, v18;
	v18 =	vmax.f32 v19, v18  }
0x573: {  	v18 =	vsel vm0, v53, v18  }
0x574: {  	[tilespmem:v21+s25+$0x0] =	vst.idx.msk $0xffff, v18  }
0x575: {  	v18 =	vld.idx.msk [tilespmem:v52+s29+$0x0], $0xffff  }
0x576: {  	v19 =	vld.idx.msk [tilespmem:v20+s25+$0x0], $0xffff  }
0x577: {  	v54 =	vbroadcast v17, $0xB;
	_ =	sdelay $0x1  }
0x578: {  	v21 =	vor.u32 v0, v54;
	_ =	sdelay $0x1  }
0x579: {  	v22 =	vmin.f32 v19, v18;
	v19 =	vmax.f32 v19, v18  }
0x57a: {  	v19 =	vsel vm0, v22, v19  }
0x57b: {  	[tilespmem:v20+s25+$0x0] =	vst.idx.msk $0xffff, v19  }
0x57c: {  	v19 =	vld.idx.msk [tilespmem:v21+s25+$0x0], $0xffff;
	_ =	sdelay $0x1  }
0x57d: {  	s31 =	sadd.s32 $0xFFFFFFFD, s30;
	v20 =	vbroadcast v16, $0xC  }
0x57e: {  	v55 =	vadd.s32 s31, v2  }
0x57f: {  	v20 =	vor.u32 v0, v20  }
0x580: {  	v56 =	vmin.f32 v19, v18;
	v18 =	vmax.f32 v19, v18  }
0x581: {  	v18 =	vsel vm0, v56, v18  }
0x582: {  	[tilespmem:v21+s25+$0x0] =	vst.idx.msk $0xffff, v18  }
0x583: {  	v18 =	vld.idx.msk [tilespmem:v55+s29+$0x0], $0xffff  }
0x584: {  	v19 =	vld.idx.msk [tilespmem:v20+s25+$0x0], $0xffff  }
0x585: {  	v57 =	vbroadcast v17, $0xC;
	_ =	sdelay $0x1  }
0x586: {  	v21 =	vor.u32 v0, v57;
	_ =	sdelay $0x1  }
0x587: {  	v22 =	vmin.f32 v19, v18;
	v19 =	vmax.f32 v19, v18  }
0x588: {  	v19 =	vsel vm0, v22, v19  }
0x589: {  	[tilespmem:v20+s25+$0x0] =	vst.idx.msk $0xffff, v19  }
0x58a: {  	v19 =	vld.idx.msk [tilespmem:v21+s25+$0x0], $0xffff;
	_ =	sdelay $0x1  }
0x58b: {  	s31 =	sadd.s32 $0xFFFFFFFE, s30;
	v20 =	vbroadcast v16, $0xD  }
0x58c: {  	v58 =	vadd.s32 s31, v2  }
0x58d: {  	v20 =	vor.u32 v0, v20  }
0x58e: {  	v59 =	vmin.f32 v19, v18;
	v18 =	vmax.f32 v19, v18  }
0x58f: {  	v18 =	vsel vm0, v59, v18  }
0x590: {  	[tilespmem:v21+s25+$0x0] =	vst.idx.msk $0xffff, v18  }
0x591: {  	v18 =	vld.idx.msk [tilespmem:v58+s29+$0x0], $0xffff  }
0x592: {  	v19 =	vld.idx.msk [tilespmem:v20+s25+$0x0], $0xffff  }
0x593: {  	v60 =	vbroadcast v17, $0xD;
	_ =	sdelay $0x1  }
0x594: {  	v21 =	vor.u32 v0, v60;
	_ =	sdelay $0x1  }
0x595: {  	v22 =	vmin.f32 v19, v18;
	v19 =	vmax.f32 v19, v18  }
0x596: {  	v19 =	vsel vm0, v22, v19  }
0x597: {  	[tilespmem:v20+s25+$0x0] =	vst.idx.msk $0xffff, v19  }
0x598: {  	v19 =	vld.idx.msk [tilespmem:v21+s25+$0x0], $0xffff;
	_ =	sdelay $0x1  }
0x599: {  	s31 =	sadd.s32 $0xFFFFFFFF, s30;
	v20 =	vbroadcast v16, $0xE  }
0x59a: {  	v61 =	vadd.s32 s31, v2  }
0x59b: {  	v20 =	vor.u32 v0, v20  }
0x59c: {  	(v2sf) =	vpush v16, $0xF;
	v62 =	vmin.f32 v19, v18;
	v18 =	vmax.f32 v19, v18  }
0x59d: {  	v16 =	vsel vm0, v62, v18  }
0x59e: {  	[tilespmem:v21+s25+$0x0] =	vst.idx.msk $0xffff, v16  }
0x59f: {  	v16 =	vld.idx.msk [tilespmem:v61+s29+$0x0], $0xffff  }
0x5a0: {  	v18 =	vld.idx.msk [tilespmem:v20+s25+$0x0], $0xffff  }
0x5a1: {  	v19 =	vbroadcast v17, $0xE;
	_ =	sdelay $0x1  }
0x5a2: {  	v19 =	vor.u32 v0, v19  }
0x5a3: {  	(v2sf) =	vpush v17, $0xF  }
0x5a4: {  	v17 =	vmin.f32 v18, v16;
	v18 =	vmax.f32 v18, v16  }
0x5a5: {  	v17 =	vsel vm0, v17, v18  }
0x5a6: {  	[tilespmem:v20+s25+$0x0] =	vst.idx.msk $0xffff, v17  }
0x5a7: {  	v17 =	vld.idx.msk [tilespmem:v19+s25+$0x0], $0xffff;
	_ =	sdelay $0x2  }
0x5a8: {  	s31 =	spop (v2sf);
	v18 =	vadd.s32 s30, v2  }
0x5a9: {  	v20 =	vor.u32 s31, v0  }
0x5aa: {  	v63 =	vmin.f32 v17, v16;
	v16 =	vmax.f32 v17, v16  }
0x5ab: {  	v16 =	vsel vm0, v63, v16  }
0x5ac: {  	[tilespmem:v19+s25+$0x0] =	vst.idx.msk $0xffff, v16  }
0x5ad: {  	v16 =	vld.idx.msk [tilespmem:v18+s29+$0x0], $0xffff  }
0x5ae: {  	v17 =	vld.idx.msk [tilespmem:v20+s25+$0x0], $0xffff;
	_ =	sdelay $0x1  }
0x5af: {  	s31 =	spop (v2sf)  }
0x5b0: {  	v18 =	vor.u32 s31, v0;
	_ =	sdelay $0x1  }
0x5b1: {  	v19 =	vmin.f32 v17, v16;
	v17 =	vmax.f32 v17, v16  }
0x5b2: {  	v17 =	vsel vm0, v19, v17  }
0x5b3: {  	[tilespmem:v20+s25+$0x0] =	vst.idx.msk $0xffff, v17  }
0x5b4: {  	v17 =	vld.idx.msk [tilespmem:v18+s25+$0x0], $0xffff;
	_ =	sdelay $0x1  }
0x5b5: {  	p1 =	sne.s32 s30, $0x63F  }
.Ltmp16:
0x5b6: {  	_ = 	snop;
	(pc) =	sbr.rel @p1 .LBB2_29-.Ltmp16, $4  }
0x5b7: {  	_ = 	snop  }
0x5b8: {  	v19 =	vmin.f32 v17, v16;
	v16 =	vmax.f32 v17, v16  }
0x5b9: {  	v16 =	vsel vm0, v19, v16  }
0x5ba: {  	s30 =	sadd.s32 $0x10, s30;
	v19 =	vimm.f32 $0.0e+00;
	[tilespmem:v18+s25+$0x0] =	vst.idx.msk $0xffff, v16  }
0x5bb: {  	v17 =	vor.u32 s29, v0;
	_ =	sdelay $0x4  }
0x5bc: {  	v21 =	vld.idx.msk [tilespmem:v17+s25+$0x0], $0xffff;
	_ =	sdelay $0x1  }
0x5bd: {  	s30 =	simm.s32 $0x10;
	v20 =	vmov v17  }
0x5be: {  	s31 =	simm.s32 $0x20;
	v16 =	vimm.f32 $0.0e+00;
	v18 =	vor.u32 s30, v0  }
.LBB2_31:
0x5bf: {  	p1 =	sne.s32 s31, $0x630  }
0x5c0: {  	vm9 =	vclass.f32 v21, $0xFC  }
0x5c1: {  	v21 =	vnsel vm9, $0x3F800000, v21  }
0x5c2: {  	v16 =	vadd.f32 v21, v16;
	[tilespmem:v20+s25+$0x0] =	vst.idx.msk $0xffff, v21;
	v20 =	vmov v18  }
.Ltmp17:
0x5c3: {  	v21 =	vld.idx.msk [tilespmem:v18+s25+$0x0], $0xffff;
	(pc) =	sbr.rel @p1 .LBB2_31-.Ltmp17, $2  }
0x5c4: {  	_ =	sdelay $0x2  }
0x5c5: {  	v18 =	vor.u32 s31, v0;
	s31 =	sadd.s32 $0x10, s31  }
0x5c6: {  	_ =	sdelay $0x1  }
0x5c7: {  	vm9 =	vclass.f32 v21, $0xFC  }
0x5c8: {  	v21 =	vnsel vm9, $0x3F800000, v21  }
0x5c9: {  	[tilespmem:v20+s25+$0x0] =	vst.idx.msk $0xffff, v21  }
0x5ca: {  	v20 =	vld.idx.msk [tilespmem:v18+s25+$0x0], $0xffff;
	_ =	sdelay $0x4  }
0x5cb: {  	vm9 =	vclass.f32 v20, $0xFC  }
0x5cc: {  	v20 =	vnsel vm9, $0x3F800000, v20  }
0x5cd: {  	[tilespmem:v18+s25+$0x0] =	vst.idx.msk $0xffff, v20  }
0x5ce: {  	v22 =	vadd.s32 s29, v11;
	v23 =	vld.idx.msk [tilespmem:v17+s23+$0x0], $0xffff  }
0x5cf: {  	v24 =	vadd.s32 s29, v7;
	v25 =	vld.idx.msk [tilespmem:v17+s24+$0x0], $0xffff  }
0x5d0: {  	v26 =	vadd.s32 s29, v8  }
0x5d1: {  	v27 =	vadd.s32 s29, v9  }
0x5d2: {  	v30 =	vadd.s32 s29, v10;
	v18 =	vld.idx.msk [tilespmem:v17+s1+$0x0], $0xffff  }
0x5d3: {  	v17 =	vld.idx.msk [tilespmem:v22+s1+$0x0], $0xffff;
	v22 =	vadd.s32 s29, v6;
	v28 =	vshll.u32 v23, $0x4  }
0x5d4: {  	v32 =	vld.idx.msk [tilespmem:v24+s1+$0x0], $0xffff;
	v29 =	vshll.u32 v25, $0x4;
	v24 =	vor.u32 $0x7, v28  }
0x5d5: {  	v31 =	vld.idx.msk [tilespmem:v26+s1+$0x0], $0xffff;
	v25 =	vor.u32 $0x7, v29  }
0x5d6: {  	v27 =	vld.idx.msk [tilespmem:v27+s1+$0x0], $0xffff;
	v26 =	vor.u32 $0x1, v28  }
0x5d7: {  	v23 =	vld.idx.msk [tilespmem:v30+s1+$0x0], $0xffff;
	v33 =	vor.u32 $0x1, v29  }
0x5d8: {  	v22 =	vld.idx.msk [tilespmem:v22+s1+$0x0], $0xffff;
	v30 =	vor.u32 $0x2, v28  }
0x5d9: {  	v34 =	vadd.s32 s29, v12;
	v24 =	vld.idx.msk [tilespmem:v24+s25+$0x0], $0xffff  }
0x5da: {  	v36 =	vor.u32 $0x2, v29;
	v37 =	vld.idx.msk [tilespmem:v25+s25+$0x0], $0xffff  }
0x5db: {  	v16 =	vadd.f32 v21, v16;
	v21 =	vor.u32 $0x3, v28;
	v26 =	vld.idx.msk [tilespmem:v26+s25+$0x0], $0xffff  }
0x5dc: {  	v39 =	vor.u32 $0x3, v29;
	v40 =	vld.idx.msk [tilespmem:v33+s25+$0x0], $0xffff  }
0x5dd: {  	v42 =	vor.u32 s30, v0;
	v16 =	vadd.f32 v20, v16;
	v45 =	vor.u32 $0x5, v28;
	v30 =	vld.idx.msk [tilespmem:v30+s25+$0x0], $0xffff  }
0x5de: {  	v20 =	vor.u32 $0x4, v28;
	v44 =	vor.u32 $0x4, v29;
	v38 =	vor.u32 $0x5, v29;
	v25 =	vld.idx.msk [tilespmem:v34+s1+$0x0], $0xffff  }
0x5df: {  	v35 =	vor.u32 $0x6, v28;
	v34 =	vor.u32 $0x6, v29;
	v43 =	vld.idx.msk [tilespmem:v36+s25+$0x0], $0xffff;
	v33 =	vadd.s32 s30, v11  }
0x5e0: {  	v41 =	vld.idx.msk [tilespmem:v21+s25+$0x0], $0xffff;
	v21 =	vimm.f32 $0.0e+00;
	vm9 =	vgt.f32 v22, v24;
	vm10 =	vgt.f32 v22, v37  }
0x5e1: {  	v39 =	vld.idx.msk [tilespmem:v39+s25+$0x0], $0xffff;
	vm11 =	vgt.f32 v17, v26;
	v26 =	vimm.f32 $0.0e+00;
	v24 =	vimm.f32 $0.0e+00  }
0x5e2: {  	v36 =	vld.idx.msk [tilespmem:v45+s25+$0x0], $0xffff;
	v22 =	vimm.f32 $0.0e+00;
	vm9 =	vmand vm9, vm10;
	vm10 =	vgt.f32 v17, v40  }
0x5e3: {  	v37 =	vld.idx.msk [tilespmem:v20+s25+$0x0], $0xffff;
	v20 =	vimm.f32 $0.0e+00;
	v17 =	vsel vm9, $0x3F800000, v3;
	vm10 =	vmand vm11, vm10  }
0x5e4: {  	s29 =	simm.s32 $0x20;
	v40 =	vld.idx.msk [tilespmem:v44+s25+$0x0], $0xffff;
	vm9 =	vgt.f32 v32, v30;
	v30 =	vimm.f32 $0.0e+00;
	v17 =	vmax.f32 v19, v17  }
.LBB2_33:
0x5e5: {  	p1 =	sne.s32 s29, $0x630;
	v44 =	vadd.s32 s30, v7;
	v45 =	vsel vm10, $0x3F800000, v3;
	vm10 =	vgt.f32 v32, v43;
	v32 =	vld.idx.msk [tilespmem:v38+s25+$0x0], $0xffff  }
0x5e6: {  	v19 =	vmax.f32 v19, v45;
	vm9 =	vmand vm9, vm10;
	vm10 =	vgt.f32 v31, v41;
	v35 =	vld.idx.msk [tilespmem:v35+s25+$0x0], $0xffff  }
0x5e7: {  	v38 =	vadd.s32 s30, v8;
	v41 =	vsel vm9, $0x3F800000, v3;
	vm9 =	vgt.f32 v31, v39;
	v31 =	vld.idx.msk [tilespmem:v34+s25+$0x0], $0xffff  }
0x5e8: {  	v34 =	vld.idx.msk [tilespmem:v42+s23+$0x0], $0xffff;
	v30 =	vmax.f32 v30, v41;
	vm9 =	vmand vm10, vm9;
	vm10 =	vgt.f32 v27, v37  }
0x5e9: {  	v39 =	vadd.s32 s30, v9;
	v37 =	vld.idx.msk [tilespmem:v42+s24+$0x0], $0xffff;
	v41 =	vsel vm9, $0x3F800000, v3;
	vm9 =	vgt.f32 v27, v40  }
0x5ea: {  	v40 =	vld.idx.msk [tilespmem:v28+s25+$0x0], $0xffff;
	v26 =	vmax.f32 v26, v41;
	vm9 =	vmand vm10, vm9;
	vm10 =	vgt.f32 v23, v36  }
0x5eb: {  	v36 =	vadd.s32 s30, v10;
	v41 =	vld.idx.msk [tilespmem:v29+s25+$0x0], $0xffff;
	v27 =	vsel vm9, $0x3F800000, v3;
	vm9 =	vgt.f32 v23, v32  }
0x5ec: {  	v42 =	vld.idx.msk [tilespmem:v42+s1+$0x0], $0xffff;
	v24 =	vmax.f32 v24, v27;
	vm9 =	vmand vm10, vm9;
	vm10 =	vgt.f32 v25, v35  }
0x5ed: {  	v45 =	vld.idx.msk [tilespmem:v33+s1+$0x0], $0xffff;
	v33 =	vadd.s32 s30, v12;
	v43 =	vsel vm9, $0x3F800000, v3;
	vm9 =	vgt.f32 v25, v31  }
0x5ee: {  	v28 =	vshll.u32 v34, $0x4;
	v32 =	vld.idx.msk [tilespmem:v44+s1+$0x0], $0xffff;
	v44 =	vadd.s32 s30, v6;
	vm9 =	vmand vm10, vm9;
	s30 =	smov.u32 s29  }
0x5ef: {  	v29 =	vshll.u32 v37, $0x4;
	v37 =	vor.u32 $0x1, v28;
	v46 =	vor.u32 $0x7, v28;
	v31 =	vld.idx.msk [tilespmem:v38+s1+$0x0], $0xffff  }
0x5f0: {  	v48 =	vor.u32 $0x2, v28;
	v47 =	vor.u32 $0x1, v29;
	v27 =	vld.idx.msk [tilespmem:v39+s1+$0x0], $0xffff;
	v39 =	vor.u32 $0x7, v29  }
0x5f1: {  	v50 =	vor.u32 $0x3, v28;
	v49 =	vor.u32 $0x2, v29;
	v51 =	vor.u32 $0x3, v29;
	v23 =	vld.idx.msk [tilespmem:v36+s1+$0x0], $0xffff  }
0x5f2: {  	v53 =	vor.u32 $0x5, v28;
	v52 =	vor.u32 $0x4, v29;
	v36 =	vor.u32 $0x4, v28;
	v25 =	vld.idx.msk [tilespmem:v33+s1+$0x0], $0xffff  }
0x5f3: {  	v35 =	vor.u32 $0x6, v28;
	v38 =	vor.u32 $0x5, v29;
	v34 =	vor.u32 $0x6, v29;
	v33 =	vld.idx.msk [tilespmem:v44+s1+$0x0], $0xffff  }
0x5f4: {  	vm10 =	vgt.f32 v18, v40;
	v40 =	vsel vm9, $0x3F800000, v3;
	vm11 =	vgt.f32 v18, v41;
	v18 =	vmovc v42;
	v44 =	vld.idx.msk [tilespmem:v46+s25+$0x0], $0xffff  }
0x5f5: {  	v21 =	vmax.f32 v21, v43;
	v22 =	vmax.f32 v22, v40;
	vm9 =	vmand vm10, vm11;
	v42 =	vld.idx.msk [tilespmem:v39+s25+$0x0], $0xffff  }
0x5f6: {  	v39 =	vsel vm9, $0x3F800000, v3;
	v37 =	vld.idx.msk [tilespmem:v37+s25+$0x0], $0xffff  }
0x5f7: {  	v20 =	vmax.f32 v20, v39;
	v40 =	vld.idx.msk [tilespmem:v47+s25+$0x0], $0xffff  }
0x5f8: {  	v46 =	vld.idx.msk [tilespmem:v48+s25+$0x0], $0xffff  }
0x5f9: {  	v43 =	vld.idx.msk [tilespmem:v49+s25+$0x0], $0xffff  }
.Ltmp18:
0x5fa: {  	v41 =	vld.idx.msk [tilespmem:v50+s25+$0x0], $0xffff;
	(pc) =	sbr.rel @p1 .LBB2_33-.Ltmp18, $4  }
0x5fb: {  	vm9 =	vgt.f32 v33, v44;
	vm10 =	vgt.f32 v33, v42;
	v39 =	vld.idx.msk [tilespmem:v51+s25+$0x0], $0xffff  }
0x5fc: {  	v33 =	vadd.s32 s29, v11;
	vm11 =	vgt.f32 v45, v37;
	vm9 =	vmand vm9, vm10;
	v37 =	vld.idx.msk [tilespmem:v36+s25+$0x0], $0xffff  }
0x5fd: {  	v42 =	vor.u32 s29, v0;
	vm10 =	vgt.f32 v45, v40;
	v44 =	vsel vm9, $0x3F800000, v3;
	v40 =	vld.idx.msk [tilespmem:v52+s25+$0x0], $0xffff  }
0x5fe: {  	s29 =	sadd.s32 $0x10, s29;
	vm10 =	vmand vm11, vm10;
	vm9 =	vgt.f32 v32, v46;
	v17 =	vmax.f32 v17, v44;
	v36 =	vld.idx.msk [tilespmem:v53+s25+$0x0], $0xffff  }
.Ltmp19:
0x5ff: {  	_ = 	snop;
	(pc) =	sbr.rel .LBB2_34-.Ltmp19, $1  }
0x600: {  	_ =	sdelay $0x3  }
.LBB2_36:
0x601: {  	_ =	sfence.sel $0x180000  }
0x602: {  	[bflag:$0x0] =	sbarrier.arrive $0xFFFF  }
0x603: {  	p0 =	sne.s32 s2, $0x0;
	_ =	strace $0x90000047  }
0x604: {  	s0 =	sadd.s32 @!p0 $0x100000, s0;
	[bflag:$0x2] =	sbarrier.arrive $0xFFFF  }
0x605: {  	[sflag:s0] =	ssyncadd.tile.s32 @!p0 $0x1;
	_ =	shalt  }
.Lfunc_end2:
_tile_overlayer_lowered:
.L_overlay_start_2:
0x606: {  	(tag) =	ssettag $0x2  }
0x607: {  	s0 =	rddreg [dreg:$0x0];
	s2 =	stileid.u32  }
0x608: {  	s1 =	rddreg [dreg:$0x1];
	p0 =	sne.s32 s2, $0x0  }
0x609: {  	s3 =	rddreg [dreg:$0x2];
	[bflag:$0x3] =	sbarrier.arrive $0xFFFF;
	s2 =	simm.s32 @!p0 $0x1C01  }
0x60a: {  	[timem:s3], [sflag:s2] =	dma.local @!p0 [hbm:s0], s1  }
0x60b: {  	s0 =	simm.s32 @!p0 $0x1  }
0x60c: {  	_ =	swait.ge @!p0 [sflag:s0], s1  }
0x60d: {  	s1 =	ssub.s32 @!p0 $0x0, s1;
	[sflag:s0] =	ssyncset.done @!p0 $0x0  }
0x60e: {  	[sflag:s0] =	ssyncadd.s32 @!p0 s1  }
0x60f: {  	[bflag:$0x3] =	sbarrier.arrive $0xFFFF  }
0x610: {  	_ =	shalt  }

</sc_bundles>
